<compile_context>
chip_gen: v7x
topology: tpu7x:2x2x1
jax: 0.10.2.dev20260603
libtpu: 0.0.44.dev20260713+nightly
codegen_flags: <defaults>
</compile_context>

<pallas_src>
import functools

import jax
import jax.numpy as jnp
from jax import lax
from jax.experimental import pallas as pl
from jax.experimental.pallas import tpu as pltpu
from jax.experimental.pallas import tpu_sc as plsc

VOCAB = 100000
B = 32
T = 2048
D = 128
C = 128
NB = 16
NBUF = 6
LOOKAHEAD = 5
LANES = 16


def _emb_body(idx_hbm, wtr_hbm, wpe_hbm, out_hbm,
              idx_v, wpe_v, bufs, sems, sem_i, sem_p):
    h = lax.axis_index("c")
    tc = lax.axis_index("s")

    t0 = tc * C
    b0 = h * NB

    sem_g = sems[:NBUF]
    sem_w = sems[NBUF:]

    idx_cp = pltpu.async_copy(
        idx_hbm.at[pl.ds(b0, NB), pl.ds(t0, C)], idx_v, sem_i)
    wpe_cp = pltpu.async_copy(wpe_hbm.at[pl.ds(t0, C)], wpe_v, sem_p)
    idx_cp.wait()

    def start_gather(j):
        s = j % NBUF
        return pltpu.async_copy(wtr_hbm.at[idx_v.at[j]], bufs.at[s], sem_g[s])

    gd = [None] * NB
    wd = [None] * NB

    for j in range(LOOKAHEAD):
        gd[j] = start_gather(j)
    wpe_cp.wait()

    for j in range(NB):
        s = j % NBUF
        gd[j].wait()

        @pl.loop(0, C)
        def _per_row(r, s=s):
            for k in range(D // LANES):
                sl = pl.ds(k * LANES, LANES)
                plsc.addupdate(bufs.at[s, r, sl], wpe_v[r, sl])

        wd[j] = pltpu.async_copy(
            bufs.at[s], out_hbm.at[b0 + j, pl.ds(t0, C)], sem_w[s])

        nj = j + LOOKAHEAD
        if nj < NB:
            pj = nj - NBUF
            if pj >= 0:
                wd[pj].wait()
            gd[nj] = start_gather(nj)

    for j in range(NB - NBUF, NB):
        if wd[j] is not None and j >= 0:
            wd[j].wait()


@functools.partial(
    pl.kernel,
    out_type=jax.ShapeDtypeStruct((B, T, D), jnp.float32),
    mesh=plsc.VectorSubcoreMesh(core_axis_name="c", subcore_axis_name="s"),
    scratch_types=[
        pltpu.VMEM((NB, C), jnp.int32),
        pltpu.VMEM((C, D), jnp.float32),
        pltpu.VMEM((NBUF, C, D), jnp.float32),
        [pltpu.SemaphoreType.DMA] * (2 * NBUF),
        pltpu.SemaphoreType.DMA,
        pltpu.SemaphoreType.DMA,
    ],
)
def _emb_kernel(idx_hbm, wtr_hbm, wpe_hbm, out_hbm, idx_v, wpe_v, bufs, sems,
                sem_i, sem_p):
    _emb_body(idx_hbm, wtr_hbm, wpe_hbm, out_hbm, idx_v, wpe_v, bufs, sems,
              sem_i, sem_p)


def kernel(idx, wtr, wpe):
    idx = idx.astype(jnp.int32)
    return _emb_kernel(idx, wtr, wpe)

# --- scband reference (transcript-rebuilt; emitter-appended) ---
"""Pipeline reference for scband-gpt-51479478010485 (READ-ONLY COPY).

The authoritative reference and input builder live on the scoring server;
editing this copy changes nothing except your own understanding.
"""

import jax, jax.numpy as jnp
import numpy as np

VOCAB_SIZE = 100000
BLOCK_SIZE = 2048
N_EMB = 128
B = 32
T = 2048

def setup_inputs(seed: int = 0) -> dict:
    key = jax.random.key(seed)
    k1, k2, k3 = jax.random.split(key, 3)
    idx = jax.random.randint(k1, (B, T), 0, VOCAB_SIZE, dtype=jnp.int64 if jax.config.jax_enable_x64 else jnp.int32)
    wtr = jax.random.normal(k2, (VOCAB_SIZE, N_EMB), dtype=jnp.float32) * 0.02
    wpe = jax.random.normal(k3, (BLOCK_SIZE, N_EMB), dtype=jnp.float32) * 0.02
    return {"idx": idx, "wtr": wtr, "wpe": wpe}

def reference(idx, wtr, wpe):
    # GPT input embedding: token embedding lookup + positional embedding lookup
    b, t = idx.shape
    pos = jnp.arange(t, dtype=idx.dtype)
    tok_emb = jnp.take(wtr, idx, axis=0)        # [B, T, n_emb] gather
    pos_emb = jnp.take(wpe, pos, axis=0)        # [T, n_emb] gather
    return tok_emb + pos_emb[None, :, :]

if __name__ == "__main__":
    import jax
    _d = setup_inputs()
    print(jax.jit(kernel)(*tuple(_d.values())))

</pallas_src>

<mosaic_0001>
#map = affine_map<(d0, d1) -> (0, 0)>
#map1 = affine_map<(d0, d1) -> (0, 0, 0)>
module attributes {stable_mosaic.version = 14 : i64} {
  func.func @_emb_kernel(%arg0: i32, %arg1: i32, %arg2: memref<32x2048xi32, #tpu.memory_space<hbm>>, %arg3: memref<100000x128xf32, #tpu.memory_space<hbm>>, %arg4: memref<2048x128xf32, #tpu.memory_space<hbm>>, %arg5: memref<32x2048x128xf32, #tpu.memory_space<hbm>>, %arg6: memref<16x128xi32, #tpu.memory_space<vmem>>, %arg7: memref<128x128xf32, #tpu.memory_space<vmem>>, %arg8: memref<6x128x128xf32, #tpu.memory_space<vmem>>, %arg9: memref<!tpu.dma_semaphore, #tpu.memory_space<semaphore_mem>>, %arg10: memref<!tpu.dma_semaphore, #tpu.memory_space<semaphore_mem>>, %arg11: memref<!tpu.dma_semaphore, #tpu.memory_space<semaphore_mem>>, %arg12: memref<!tpu.dma_semaphore, #tpu.memory_space<semaphore_mem>>, %arg13: memref<!tpu.dma_semaphore, #tpu.memory_space<semaphore_mem>>, %arg14: memref<!tpu.dma_semaphore, #tpu.memory_space<semaphore_mem>>, %arg15: memref<!tpu.dma_semaphore, #tpu.memory_space<semaphore_mem>>, %arg16: memref<!tpu.dma_semaphore, #tpu.memory_space<semaphore_mem>>, %arg17: memref<!tpu.dma_semaphore, #tpu.memory_space<semaphore_mem>>, %arg18: memref<!tpu.dma_semaphore, #tpu.memory_space<semaphore_mem>>, %arg19: memref<!tpu.dma_semaphore, #tpu.memory_space<semaphore_mem>>, %arg20: memref<!tpu.dma_semaphore, #tpu.memory_space<semaphore_mem>>, %arg21: memref<!tpu.dma_semaphore, #tpu.memory_space<semaphore_mem>>, %arg22: memref<!tpu.dma_semaphore, #tpu.memory_space<semaphore_mem>>) attributes {dimension_semantics = [#tpu.dimension_semantics<core_parallel>, #tpu.dimension_semantics<subcore_parallel>], iteration_bounds = array<i64: 2, 16>, scalar_prefetch = 0 : i64, scratch_operands = 17 : i64, tpu.core_type = #tpu.core_type<sc_vector_subcore>, window_params = [{transform_indices = #map}, {transform_indices = #map}, {transform_indices = #map}, {transform_indices = #map1}]} {
    %mul3A = arith.constant 128 : i32
    %mul3A_0 = arith.muli %arg1, %mul3A : i32
    %mul3A_1 = arith.constant 16 : i32
    %mul3A_2 = arith.muli %arg0, %mul3A_1 : i32
    %dma_start3A = tpu.memref_slice %arg2[%mul3A_2, %mul3A_0] : memref<32x2048xi32, #tpu.memory_space<hbm>> -> memref<16x128xi32, #tpu.memory_space<hbm>>
    %dma_start3A_3 = tpu.memref_slice %arg2[%mul3A_2, %mul3A_0] : memref<32x2048xi32, #tpu.memory_space<hbm>> -> memref<16x128xi32, #tpu.memory_space<hbm>>
    tpu.enqueue_dma source(%dma_start3A_3 : memref<16x128xi32, #tpu.memory_space<hbm>>) target(%arg6 : memref<16x128xi32, #tpu.memory_space<vmem>>) target_semaphore(%arg21 : memref<!tpu.dma_semaphore, #tpu.memory_space<semaphore_mem>>)
    %dma_start3A_4 = arith.constant 0 : i32
    %dma_start3A_5 = tpu.memref_slice %arg4[%mul3A_0, %dma_start3A_4] : memref<2048x128xf32, #tpu.memory_space<hbm>> -> memref<128x128xf32, #tpu.memory_space<hbm>>
    %dma_start3A_6 = arith.constant 0 : i32
    %dma_start3A_7 = tpu.memref_slice %arg4[%mul3A_0, %dma_start3A_6] : memref<2048x128xf32, #tpu.memory_space<hbm>> -> memref<128x128xf32, #tpu.memory_space<hbm>>
    tpu.enqueue_dma source(%dma_start3A_7 : memref<128x128xf32, #tpu.memory_space<hbm>>) target(%arg7 : memref<128x128xf32, #tpu.memory_space<vmem>>) target_semaphore(%arg22 : memref<!tpu.dma_semaphore, #tpu.memory_space<semaphore_mem>>)
    %dma_wait3A = tpu.memref_slice %arg2[%mul3A_2, %mul3A_0] : memref<32x2048xi32, #tpu.memory_space<hbm>> -> memref<16x128xi32, #tpu.memory_space<hbm>>
    %dma_wait3A_8 = tpu.memref_slice %arg2[%mul3A_2, %mul3A_0] : memref<32x2048xi32, #tpu.memory_space<hbm>> -> memref<16x128xi32, #tpu.memory_space<hbm>>
    tpu.wait_dma2 semaphore(%arg21 : memref<!tpu.dma_semaphore, #tpu.memory_space<semaphore_mem>>) src(%dma_wait3A_8 : memref<16x128xi32, #tpu.memory_space<hbm>>) dst(%arg6 : memref<16x128xi32, #tpu.memory_space<vmem>>)
    %dma_start3A_9 = arith.constant 0 : i32
    %dma_start3A_10 = arith.constant 0 : i32
    %dma_start3A_11 = arith.constant 0 : i32
    %dma_start3A_12 = arith.constant 0 : i32
    %dma_start3A_13 = tpu.memref_slice %arg8[%dma_start3A_10, %dma_start3A_11, %dma_start3A_12] : memref<6x128x128xf32, #tpu.memory_space<vmem>> -> memref<1x128x128xf32, #tpu.memory_space<vmem>>
    %dma_start3A_14 = tpu.memref_squeeze %dma_start3A_13 : memref<1x128x128xf32, #tpu.memory_space<vmem>> -> memref<128x128xf32, #tpu.memory_space<vmem>>
    %dma_start3A_15 = arith.constant 0 : i32
    %dma_start3A_16 = tpu.memref_slice %arg6[%dma_start3A_9, %dma_start3A_15] : memref<16x128xi32, #tpu.memory_space<vmem>> -> memref<1x128xi32, #tpu.memory_space<vmem>>
    %dma_start3A_17 = tpu.memref_squeeze %dma_start3A_16 : memref<1x128xi32, #tpu.memory_space<vmem>> -> memref<128xi32, #tpu.memory_space<vmem>>
    %dma_start3A_18 = arith.constant 0 : i32
    %dma_start3A_19 = arith.constant 0 : i32
    %dma_start3A_20 = tpu.memref_slice %arg3[%dma_start3A_18, %dma_start3A_19] : memref<100000x128xf32, #tpu.memory_space<hbm>> -> memref<100000x128xf32, #tpu.memory_space<hbm>>
    tpu.enqueue_indirect_dma source(%dma_start3A_20 : memref<100000x128xf32, #tpu.memory_space<hbm>>) target(%dma_start3A_14 : memref<128x128xf32, #tpu.memory_space<vmem>>) offsets(%dma_start3A_17 : memref<128xi32, #tpu.memory_space<vmem>>) semaphore(%arg9 : memref<!tpu.dma_semaphore, #tpu.memory_space<semaphore_mem>>)
    %dma_start3A_21 = arith.constant 1 : i32
    %dma_start3A_22 = arith.constant 1 : i32
    %dma_start3A_23 = arith.constant 0 : i32
    %dma_start3A_24 = arith.constant 0 : i32
    %dma_start3A_25 = tpu.memref_slice %arg8[%dma_start3A_22, %dma_start3A_23, %dma_start3A_24] : memref<6x128x128xf32, #tpu.memory_space<vmem>> -> memref<1x128x128xf32, #tpu.memory_space<vmem>>
    %dma_start3A_26 = tpu.memref_squeeze %dma_start3A_25 : memref<1x128x128xf32, #tpu.memory_space<vmem>> -> memref<128x128xf32, #tpu.memory_space<vmem>>
    %dma_start3A_27 = arith.constant 0 : i32
    %dma_start3A_28 = tpu.memref_slice %arg6[%dma_start3A_21, %dma_start3A_27] : memref<16x128xi32, #tpu.memory_space<vmem>> -> memref<1x128xi32, #tpu.memory_space<vmem>>
    %dma_start3A_29 = tpu.memref_squeeze %dma_start3A_28 : memref<1x128xi32, #tpu.memory_space<vmem>> -> memref<128xi32, #tpu.memory_space<vmem>>
    %dma_start3A_30 = arith.constant 0 : i32
    %dma_start3A_31 = arith.constant 0 : i32
    %dma_start3A_32 = tpu.memref_slice %arg3[%dma_start3A_30, %dma_start3A_31] : memref<100000x128xf32, #tpu.memory_space<hbm>> -> memref<100000x128xf32, #tpu.memory_space<hbm>>
    tpu.enqueue_indirect_dma source(%dma_start3A_32 : memref<100000x128xf32, #tpu.memory_space<hbm>>) target(%dma_start3A_26 : memref<128x128xf32, #tpu.memory_space<vmem>>) offsets(%dma_start3A_29 : memref<128xi32, #tpu.memory_space<vmem>>) semaphore(%arg10 : memref<!tpu.dma_semaphore, #tpu.memory_space<semaphore_mem>>)
    %dma_start3A_33 = arith.constant 2 : i32
    %dma_start3A_34 = arith.constant 2 : i32
    %dma_start3A_35 = arith.constant 0 : i32
    %dma_start3A_36 = arith.constant 0 : i32
    %dma_start3A_37 = tpu.memref_slice %arg8[%dma_start3A_34, %dma_start3A_35, %dma_start3A_36] : memref<6x128x128xf32, #tpu.memory_space<vmem>> -> memref<1x128x128xf32, #tpu.memory_space<vmem>>
    %dma_start3A_38 = tpu.memref_squeeze %dma_start3A_37 : memref<1x128x128xf32, #tpu.memory_space<vmem>> -> memref<128x128xf32, #tpu.memory_space<vmem>>
    %dma_start3A_39 = arith.constant 0 : i32
    %dma_start3A_40 = tpu.memref_slice %arg6[%dma_start3A_33, %dma_start3A_39] : memref<16x128xi32, #tpu.memory_space<vmem>> -> memref<1x128xi32, #tpu.memory_space<vmem>>
    %dma_start3A_41 = tpu.memref_squeeze %dma_start3A_40 : memref<1x128xi32, #tpu.memory_space<vmem>> -> memref<128xi32, #tpu.memory_space<vmem>>
    %dma_start3A_42 = arith.constant 0 : i32
    %dma_start3A_43 = arith.constant 0 : i32
    %dma_start3A_44 = tpu.memref_slice %arg3[%dma_start3A_42, %dma_start3A_43] : memref<100000x128xf32, #tpu.memory_space<hbm>> -> memref<100000x128xf32, #tpu.memory_space<hbm>>
    tpu.enqueue_indirect_dma source(%dma_start3A_44 : memref<100000x128xf32, #tpu.memory_space<hbm>>) target(%dma_start3A_38 : memref<128x128xf32, #tpu.memory_space<vmem>>) offsets(%dma_start3A_41 : memref<128xi32, #tpu.memory_space<vmem>>) semaphore(%arg11 : memref<!tpu.dma_semaphore, #tpu.memory_space<semaphore_mem>>)
    %dma_start3A_45 = arith.constant 3 : i32
    %dma_start3A_46 = arith.constant 3 : i32
    %dma_start3A_47 = arith.constant 0 : i32
    %dma_start3A_48 = arith.constant 0 : i32
    %dma_start3A_49 = tpu.memref_slice %arg8[%dma_start3A_46, %dma_start3A_47, %dma_start3A_48] : memref<6x128x128xf32, #tpu.memory_space<vmem>> -> memref<1x128x128xf32, #tpu.memory_space<vmem>>
    %dma_start3A_50 = tpu.memref_squeeze %dma_start3A_49 : memref<1x128x128xf32, #tpu.memory_space<vmem>> -> memref<128x128xf32, #tpu.memory_space<vmem>>
    %dma_start3A_51 = arith.constant 0 : i32
    %dma_start3A_52 = tpu.memref_slice %arg6[%dma_start3A_45, %dma_start3A_51] : memref<16x128xi32, #tpu.memory_space<vmem>> -> memref<1x128xi32, #tpu.memory_space<vmem>>
    %dma_start3A_53 = tpu.memref_squeeze %dma_start3A_52 : memref<1x128xi32, #tpu.memory_space<vmem>> -> memref<128xi32, #tpu.memory_space<vmem>>
    %dma_start3A_54 = arith.constant 0 : i32
    %dma_start3A_55 = arith.constant 0 : i32
    %dma_start3A_56 = tpu.memref_slice %arg3[%dma_start3A_54, %dma_start3A_55] : memref<100000x128xf32, #tpu.memory_space<hbm>> -> memref<100000x128xf32, #tpu.memory_space<hbm>>
    tpu.enqueue_indirect_dma source(%dma_start3A_56 : memref<100000x128xf32, #tpu.memory_space<hbm>>) target(%dma_start3A_50 : memref<128x128xf32, #tpu.memory_space<vmem>>) offsets(%dma_start3A_53 : memref<128xi32, #tpu.memory_space<vmem>>) semaphore(%arg12 : memref<!tpu.dma_semaphore, #tpu.memory_space<semaphore_mem>>)
    %dma_start3A_57 = arith.constant 4 : i32
    %dma_start3A_58 = arith.constant 4 : i32
    %dma_start3A_59 = arith.constant 0 : i32
    %dma_start3A_60 = arith.constant 0 : i32
    %dma_start3A_61 = tpu.memref_slice %arg8[%dma_start3A_58, %dma_start3A_59, %dma_start3A_60] : memref<6x128x128xf32, #tpu.memory_space<vmem>> -> memref<1x128x128xf32, #tpu.memory_space<vmem>>
    %dma_start3A_62 = tpu.memref_squeeze %dma_start3A_61 : memref<1x128x128xf32, #tpu.memory_space<vmem>> -> memref<128x128xf32, #tpu.memory_space<vmem>>
    %dma_start3A_63 = arith.constant 0 : i32
    %dma_start3A_64 = tpu.memref_slice %arg6[%dma_start3A_57, %dma_start3A_63] : memref<16x128xi32, #tpu.memory_space<vmem>> -> memref<1x128xi32, #tpu.memory_space<vmem>>
    %dma_start3A_65 = tpu.memref_squeeze %dma_start3A_64 : memref<1x128xi32, #tpu.memory_space<vmem>> -> memref<128xi32, #tpu.memory_space<vmem>>
    %dma_start3A_66 = arith.constant 0 : i32
    %dma_start3A_67 = arith.constant 0 : i32
    %dma_start3A_68 = tpu.memref_slice %arg3[%dma_start3A_66, %dma_start3A_67] : memref<100000x128xf32, #tpu.memory_space<hbm>> -> memref<100000x128xf32, #tpu.memory_space<hbm>>
    tpu.enqueue_indirect_dma source(%dma_start3A_68 : memref<100000x128xf32, #tpu.memory_space<hbm>>) target(%dma_start3A_62 : memref<128x128xf32, #tpu.memory_space<vmem>>) offsets(%dma_start3A_65 : memref<128xi32, #tpu.memory_space<vmem>>) semaphore(%arg13 : memref<!tpu.dma_semaphore, #tpu.memory_space<semaphore_mem>>)
    %dma_wait3A_69 = arith.constant 0 : i32
    %dma_wait3A_70 = tpu.memref_slice %arg4[%mul3A_0, %dma_wait3A_69] : memref<2048x128xf32, #tpu.memory_space<hbm>> -> memref<128x128xf32, #tpu.memory_space<hbm>>
    %dma_wait3A_71 = arith.constant 0 : i32
    %dma_wait3A_72 = tpu.memref_slice %arg4[%mul3A_0, %dma_wait3A_71] : memref<2048x128xf32, #tpu.memory_space<hbm>> -> memref<128x128xf32, #tpu.memory_space<hbm>>
    tpu.wait_dma2 semaphore(%arg22 : memref<!tpu.dma_semaphore, #tpu.memory_space<semaphore_mem>>) src(%dma_wait3A_72 : memref<128x128xf32, #tpu.memory_space<hbm>>) dst(%arg7 : memref<128x128xf32, #tpu.memory_space<vmem>>)
    %dma_wait3A_73 = arith.constant 0 : i32
    %dma_wait3A_74 = arith.constant 0 : i32
    %dma_wait3A_75 = arith.constant 0 : i32
    %dma_wait3A_76 = arith.constant 0 : i32
    %dma_wait3A_77 = tpu.memref_slice %arg8[%dma_wait3A_74, %dma_wait3A_75, %dma_wait3A_76] : memref<6x128x128xf32, #tpu.memory_space<vmem>> -> memref<1x128x128xf32, #tpu.memory_space<vmem>>
    %dma_wait3A_78 = tpu.memref_squeeze %dma_wait3A_77 : memref<1x128x128xf32, #tpu.memory_space<vmem>> -> memref<128x128xf32, #tpu.memory_space<vmem>>
    %dma_wait3A_79 = arith.constant 0 : i32
    %dma_wait3A_80 = tpu.memref_slice %arg6[%dma_wait3A_73, %dma_wait3A_79] : memref<16x128xi32, #tpu.memory_space<vmem>> -> memref<1x128xi32, #tpu.memory_space<vmem>>
    %dma_wait3A_81 = tpu.memref_squeeze %dma_wait3A_80 : memref<1x128xi32, #tpu.memory_space<vmem>> -> memref<128xi32, #tpu.memory_space<vmem>>
    %dma_wait3A_82 = arith.constant 0 : i32
    %dma_wait3A_83 = arith.constant 0 : i32
    %dma_wait3A_84 = tpu.memref_slice %arg3[%dma_wait3A_82, %dma_wait3A_83] : memref<100000x128xf32, #tpu.memory_space<hbm>> -> memref<100000x128xf32, #tpu.memory_space<hbm>>
    tpu.wait_indirect_dma semaphore(%arg9 : memref<!tpu.dma_semaphore, #tpu.memory_space<semaphore_mem>>) src(%dma_wait3A_84 : memref<100000x128xf32, #tpu.memory_space<hbm>>) dst(%dma_wait3A_78 : memref<128x128xf32, #tpu.memory_space<vmem>>)
    %scan3A = arith.constant 0 : i32
    %scan3A_85 = arith.constant 128 : i32
    %scan3A_86 = arith.addi %scan3A, %scan3A_85 : i32
    %scan3A_87 = arith.constant 1 : i32
    scf.for %scan3A_987 = %scan3A to %scan3A_86 step %scan3A_87  : i32 {
      %mul3A_988 = arith.constant 1 : i32
      %mul3A_989 = arith.muli %scan3A_987, %mul3A_988 : i32
      %add3A_990 = arith.constant 0 : i32
      %add3A_991 = arith.addi %add3A_990, %mul3A_989 : i32
      %get3A = arith.index_cast %add3A_991 : i32 to index
      %get3A_992 = arith.constant 0 : index
      %get3A_993 = tpu.vector_load %arg7[%get3A, %get3A_992] {strides = array<i32>} : memref<128x128xf32, #tpu.memory_space<vmem>>, vector<1x16xf32>,
      %get3A_994 = vector.shape_cast %get3A_993 : vector<1x16xf32> to vector<16xf32>
      %swap3A = arith.constant 0 : i32
      %swap3A_995 = arith.index_cast %swap3A : i32 to index
      %swap3A_996 = arith.index_cast %add3A_991 : i32 to index
      %swap3A_997 = arith.constant 0 : index
      %swap3A_998 = tpu.vector_load %arg8[%swap3A_995, %swap3A_996, %swap3A_997] {strides = array<i32>} : memref<6x128x128xf32, #tpu.memory_space<vmem>>, vector<1x1x16xf32>,
      %swap3A_999 = vector.shape_cast %swap3A_998 : vector<1x1x16xf32> to vector<16xf32>
      %swap3A_1000 = vector.shape_cast %get3A_994 : vector<16xf32> to vector<1x1x16xf32>
      tpu.vector_store %arg8[%swap3A_995, %swap3A_996, %swap3A_997], %swap3A_1000 {add = true, strides = array<i32>} : memref<6x128x128xf32, #tpu.memory_space<vmem>>, vector<1x1x16xf32>,
      %get3A_1001 = arith.index_cast %add3A_991 : i32 to index
      %get3A_1002 = arith.constant 16 : index
      %get3A_1003 = tpu.vector_load %arg7[%get3A_1001, %get3A_1002] {strides = array<i32>} : memref<128x128xf32, #tpu.memory_space<vmem>>, vector<1x16xf32>,
      %get3A_1004 = vector.shape_cast %get3A_1003 : vector<1x16xf32> to vector<16xf32>
      %swap3A_1005 = arith.constant 0 : i32
      %swap3A_1006 = arith.index_cast %swap3A_1005 : i32 to index
      %swap3A_1007 = arith.index_cast %add3A_991 : i32 to index
      %swap3A_1008 = arith.constant 16 : index
      %swap3A_1009 = tpu.vector_load %arg8[%swap3A_1006, %swap3A_1007, %swap3A_1008] {strides = array<i32>} : memref<6x128x128xf32, #tpu.memory_space<vmem>>, vector<1x1x16xf32>,
      %swap3A_1010 = vector.shape_cast %swap3A_1009 : vector<1x1x16xf32> to vector<16xf32>
      %swap3A_1011 = vector.shape_cast %get3A_1004 : vector<16xf32> to vector<1x1x16xf32>
      tpu.vector_store %arg8[%swap3A_1006, %swap3A_1007, %swap3A_1008], %swap3A_1011 {add = true, strides = array<i32>} : memref<6x128x128xf32, #tpu.memory_space<vmem>>, vector<1x1x16xf32>,
      %get3A_1012 = arith.index_cast %add3A_991 : i32 to index
      %get3A_1013 = arith.constant 32 : index
      %get3A_1014 = tpu.vector_load %arg7[%get3A_1012, %get3A_1013] {strides = array<i32>} : memref<128x128xf32, #tpu.memory_space<vmem>>, vector<1x16xf32>,
      %get3A_1015 = vector.shape_cast %get3A_1014 : vector<1x16xf32> to vector<16xf32>
      %swap3A_1016 = arith.constant 0 : i32
      %swap3A_1017 = arith.index_cast %swap3A_1016 : i32 to index
      %swap3A_1018 = arith.index_cast %add3A_991 : i32 to index
      %swap3A_1019 = arith.constant 32 : index
      %swap3A_1020 = tpu.vector_load %arg8[%swap3A_1017, %swap3A_1018, %swap3A_1019] {strides = array<i32>} : memref<6x128x128xf32, #tpu.memory_space<vmem>>, vector<1x1x16xf32>,
      %swap3A_1021 = vector.shape_cast %swap3A_1020 : vector<1x1x16xf32> to vector<16xf32>
      %swap3A_1022 = vector.shape_cast %get3A_1015 : vector<16xf32> to vector<1x1x16xf32>
      tpu.vector_store %arg8[%swap3A_1017, %swap3A_1018, %swap3A_1019], %swap3A_1022 {add = true, strides = array<i32>} : memref<6x128x128xf32, #tpu.memory_space<vmem>>, vector<1x1x16xf32>,
      %get3A_1023 = arith.index_cast %add3A_991 : i32 to index
      %get3A_1024 = arith.constant 48 : index
      %get3A_1025 = tpu.vector_load %arg7[%get3A_1023, %get3A_1024] {strides = array<i32>} : memref<128x128xf32, #tpu.memory_space<vmem>>, vector<1x16xf32>,
      %get3A_1026 = vector.shape_cast %get3A_1025 : vector<1x16xf32> to vector<16xf32>
      %swap3A_1027 = arith.constant 0 : i32
      %swap3A_1028 = arith.index_cast %swap3A_1027 : i32 to index
      %swap3A_1029 = arith.index_cast %add3A_991 : i32 to index
      %swap3A_1030 = arith.constant 48 : index
      %swap3A_1031 = tpu.vector_load %arg8[%swap3A_1028, %swap3A_1029, %swap3A_1030] {strides = array<i32>} : memref<6x128x128xf32, #tpu.memory_space<vmem>>, vector<1x1x16xf32>,
      %swap3A_1032 = vector.shape_cast %swap3A_1031 : vector<1x1x16xf32> to vector<16xf32>
      %swap3A_1033 = vector.shape_cast %get3A_1026 : vector<16xf32> to vector<1x1x16xf32>
      tpu.vector_store %arg8[%swap3A_1028, %swap3A_1029, %swap3A_1030], %swap3A_1033 {add = true, strides = array<i32>} : memref<6x128x128xf32, #tpu.memory_space<vmem>>, vector<1x1x16xf32>,
      %get3A_1034 = arith.index_cast %add3A_991 : i32 to index
      %get3A_1035 = arith.constant 64 : index
      %get3A_1036 = tpu.vector_load %arg7[%get3A_1034, %get3A_1035] {strides = array<i32>} : memref<128x128xf32, #tpu.memory_space<vmem>>, vector<1x16xf32>,
      %get3A_1037 = vector.shape_cast %get3A_1036 : vector<1x16xf32> to vector<16xf32>
      %swap3A_1038 = arith.constant 0 : i32
      %swap3A_1039 = arith.index_cast %swap3A_1038 : i32 to index
      %swap3A_1040 = arith.index_cast %add3A_991 : i32 to index
      %swap3A_1041 = arith.constant 64 : index
      %swap3A_1042 = tpu.vector_load %arg8[%swap3A_1039, %swap3A_1040, %swap3A_1041] {strides = array<i32>} : memref<6x128x128xf32, #tpu.memory_space<vmem>>, vector<1x1x16xf32>,
      %swap3A_1043 = vector.shape_cast %swap3A_1042 : vector<1x1x16xf32> to vector<16xf32>
      %swap3A_1044 = vector.shape_cast %get3A_1037 : vector<16xf32> to vector<1x1x16xf32>
      tpu.vector_store %arg8[%swap3A_1039, %swap3A_1040, %swap3A_1041], %swap3A_1044 {add = true, strides = array<i32>} : memref<6x128x128xf32, #tpu.memory_space<vmem>>, vector<1x1x16xf32>,
      %get3A_1045 = arith.index_cast %add3A_991 : i32 to index
      %get3A_1046 = arith.constant 80 : index
      %get3A_1047 = tpu.vector_load %arg7[%get3A_1045, %get3A_1046] {strides = array<i32>} : memref<128x128xf32, #tpu.memory_space<vmem>>, vector<1x16xf32>,
      %get3A_1048 = vector.shape_cast %get3A_1047 : vector<1x16xf32> to vector<16xf32>
      %swap3A_1049 = arith.constant 0 : i32
      %swap3A_1050 = arith.index_cast %swap3A_1049 : i32 to index
      %swap3A_1051 = arith.index_cast %add3A_991 : i32 to index
      %swap3A_1052 = arith.constant 80 : index
      %swap3A_1053 = tpu.vector_load %arg8[%swap3A_1050, %swap3A_1051, %swap3A_1052] {strides = array<i32>} : memref<6x128x128xf32, #tpu.memory_space<vmem>>, vector<1x1x16xf32>,
      %swap3A_1054 = vector.shape_cast %swap3A_1053 : vector<1x1x16xf32> to vector<16xf32>
      %swap3A_1055 = vector.shape_cast %get3A_1048 : vector<16xf32> to vector<1x1x16xf32>
      tpu.vector_store %arg8[%swap3A_1050, %swap3A_1051, %swap3A_1052], %swap3A_1055 {add = true, strides = array<i32>} : memref<6x128x128xf32, #tpu.memory_space<vmem>>, vector<1x1x16xf32>,
      %get3A_1056 = arith.index_cast %add3A_991 : i32 to index
      %get3A_1057 = arith.constant 96 : index
      %get3A_1058 = tpu.vector_load %arg7[%get3A_1056, %get3A_1057] {strides = array<i32>} : memref<128x128xf32, #tpu.memory_space<vmem>>, vector<1x16xf32>,
      %get3A_1059 = vector.shape_cast %get3A_1058 : vector<1x16xf32> to vector<16xf32>
      %swap3A_1060 = arith.constant 0 : i32
      %swap3A_1061 = arith.index_cast %swap3A_1060 : i32 to index
      %swap3A_1062 = arith.index_cast %add3A_991 : i32 to index
      %swap3A_1063 = arith.constant 96 : index
      %swap3A_1064 = tpu.vector_load %arg8[%swap3A_1061, %swap3A_1062, %swap3A_1063] {strides = array<i32>} : memref<6x128x128xf32, #tpu.memory_space<vmem>>, vector<1x1x16xf32>,
      %swap3A_1065 = vector.shape_cast %swap3A_1064 : vector<1x1x16xf32> to vector<16xf32>
      %swap3A_1066 = vector.shape_cast %get3A_1059 : vector<16xf32> to vector<1x1x16xf32>
      tpu.vector_store %arg8[%swap3A_1061, %swap3A_1062, %swap3A_1063], %swap3A_1066 {add = true, strides = array<i32>} : memref<6x128x128xf32, #tpu.memory_space<vmem>>, vector<1x1x16xf32>,
      %get3A_1067 = arith.index_cast %add3A_991 : i32 to index
      %get3A_1068 = arith.constant 112 : index
      %get3A_1069 = tpu.vector_load %arg7[%get3A_1067, %get3A_1068] {strides = array<i32>} : memref<128x128xf32, #tpu.memory_space<vmem>>, vector<1x16xf32>,
      %get3A_1070 = vector.shape_cast %get3A_1069 : vector<1x16xf32> to vector<16xf32>
      %swap3A_1071 = arith.constant 0 : i32
      %swap3A_1072 = arith.index_cast %swap3A_1071 : i32 to index
      %swap3A_1073 = arith.index_cast %add3A_991 : i32 to index
      %swap3A_1074 = arith.constant 112 : index
      %swap3A_1075 = tpu.vector_load %arg8[%swap3A_1072, %swap3A_1073, %swap3A_1074] {strides = array<i32>} : memref<6x128x128xf32, #tpu.memory_space<vmem>>, vector<1x1x16xf32>,
      %swap3A_1076 = vector.shape_cast %swap3A_1075 : vector<1x1x16xf32> to vector<16xf32>
      %swap3A_1077 = vector.shape_cast %get3A_1070 : vector<16xf32> to vector<1x1x16xf32>
      tpu.vector_store %arg8[%swap3A_1072, %swap3A_1073, %swap3A_1074], %swap3A_1077 {add = true, strides = array<i32>} : memref<6x128x128xf32, #tpu.memory_space<vmem>>, vector<1x1x16xf32>,
    }
    %scan3A_88 = arith.constant 128 : i32
    %add3A = arith.constant 0 : i32
    %add3A_89 = arith.addi %mul3A_2, %add3A : i32
    %dma_start3A_90 = arith.constant 0 : i32
    %dma_start3A_91 = arith.constant 0 : i32
    %dma_start3A_92 = arith.constant 0 : i32
    %dma_start3A_93 = tpu.memref_slice %arg8[%dma_start3A_90, %dma_start3A_91, %dma_start3A_92] : memref<6x128x128xf32, #tpu.memory_space<vmem>> -> memref<1x128x128xf32, #tpu.memory_space<vmem>>
    %dma_start3A_94 = tpu.memref_squeeze %dma_start3A_93 : memref<1x128x128xf32, #tpu.memory_space<vmem>> -> memref<128x128xf32, #tpu.memory_space<vmem>>
    %dma_start3A_95 = arith.constant 0 : i32
    %dma_start3A_96 = tpu.memref_slice %arg5[%add3A_89, %mul3A_0, %dma_start3A_95] : memref<32x2048x128xf32, #tpu.memory_space<hbm>> -> memref<1x128x128xf32, #tpu.memory_space<hbm>>
    %dma_start3A_97 = tpu.memref_squeeze %dma_start3A_96 : memref<1x128x128xf32, #tpu.memory_space<hbm>> -> memref<128x128xf32, #tpu.memory_space<hbm>>
    %dma_start3A_98 = arith.constant 0 : i32
    %dma_start3A_99 = tpu.memref_slice %arg5[%add3A_89, %mul3A_0, %dma_start3A_98] : memref<32x2048x128xf32, #tpu.memory_space<hbm>> -> memref<1x128x128xf32, #tpu.memory_space<hbm>>
    %dma_start3A_100 = tpu.memref_squeeze %dma_start3A_99 : memref<1x128x128xf32, #tpu.memory_space<hbm>> -> memref<128x128xf32, #tpu.memory_space<hbm>>
    %dma_start3A_101 = arith.constant 0 : i32
    %dma_start3A_102 = arith.constant 0 : i32
    %dma_start3A_103 = tpu.memref_slice %arg8[%dma_start3A_90, %dma_start3A_101, %dma_start3A_102] : memref<6x128x128xf32, #tpu.memory_space<vmem>> -> memref<1x128x128xf32, #tpu.memory_space<vmem>>
    %dma_start3A_104 = tpu.memref_squeeze %dma_start3A_103 : memref<1x128x128xf32, #tpu.memory_space<vmem>> -> memref<128x128xf32, #tpu.memory_space<vmem>>
    tpu.enqueue_dma source(%dma_start3A_104 : memref<128x128xf32, #tpu.memory_space<vmem>>) target(%dma_start3A_100 : memref<128x128xf32, #tpu.memory_space<hbm>>) target_semaphore(%arg15 : memref<!tpu.dma_semaphore, #tpu.memory_space<semaphore_mem>>)
    %dma_start3A_105 = arith.constant 5 : i32
    %dma_start3A_106 = arith.constant 5 : i32
    %dma_start3A_107 = arith.constant 0 : i32
    %dma_start3A_108 = arith.constant 0 : i32
    %dma_start3A_109 = tpu.memref_slice %arg8[%dma_start3A_106, %dma_start3A_107, %dma_start3A_108] : memref<6x128x128xf32, #tpu.memory_space<vmem>> -> memref<1x128x128xf32, #tpu.memory_space<vmem>>
    %dma_start3A_110 = tpu.memref_squeeze %dma_start3A_109 : memref<1x128x128xf32, #tpu.memory_space<vmem>> -> memref<128x128xf32, #tpu.memory_space<vmem>>
    %dma_start3A_111 = arith.constant 0 : i32
    %dma_start3A_112 = tpu.memref_slice %arg6[%dma_start3A_105, %dma_start3A_111] : memref<16x128xi32, #tpu.memory_space<vmem>> -> memref<1x128xi32, #tpu.memory_space<vmem>>
    %dma_start3A_113 = tpu.memref_squeeze %dma_start3A_112 : memref<1x128xi32, #tpu.memory_space<vmem>> -> memref<128xi32, #tpu.memory_space<vmem>>
    %dma_start3A_114 = arith.constant 0 : i32
    %dma_start3A_115 = arith.constant 0 : i32
    %dma_start3A_116 = tpu.memref_slice %arg3[%dma_start3A_114, %dma_start3A_115] : memref<100000x128xf32, #tpu.memory_space<hbm>> -> memref<100000x128xf32, #tpu.memory_space<hbm>>
    tpu.enqueue_indirect_dma source(%dma_start3A_116 : memref<100000x128xf32, #tpu.memory_space<hbm>>) target(%dma_start3A_110 : memref<128x128xf32, #tpu.memory_space<vmem>>) offsets(%dma_start3A_113 : memref<128xi32, #tpu.memory_space<vmem>>) semaphore(%arg14 : memref<!tpu.dma_semaphore, #tpu.memory_space<semaphore_mem>>)
    %dma_wait3A_117 = arith.constant 1 : i32
    %dma_wait3A_118 = arith.constant 1 : i32
    %dma_wait3A_119 = arith.constant 0 : i32
    %dma_wait3A_120 = arith.constant 0 : i32
    %dma_wait3A_121 = tpu.memref_slice %arg8[%dma_wait3A_118, %dma_wait3A_119, %dma_wait3A_120] : memref<6x128x128xf32, #tpu.memory_space<vmem>> -> memref<1x128x128xf32, #tpu.memory_space<vmem>>
    %dma_wait3A_122 = tpu.memref_squeeze %dma_wait3A_121 : memref<1x128x128xf32, #tpu.memory_space<vmem>> -> memref<128x128xf32, #tpu.memory_space<vmem>>
    %dma_wait3A_123 = arith.constant 0 : i32
    %dma_wait3A_124 = tpu.memref_slice %arg6[%dma_wait3A_117, %dma_wait3A_123] : memref<16x128xi32, #tpu.memory_space<vmem>> -> memref<1x128xi32, #tpu.memory_space<vmem>>
    %dma_wait3A_125 = tpu.memref_squeeze %dma_wait3A_124 : memref<1x128xi32, #tpu.memory_space<vmem>> -> memref<128xi32, #tpu.memory_space<vmem>>
    %dma_wait3A_126 = arith.constant 0 : i32
    %dma_wait3A_127 = arith.constant 0 : i32
    %dma_wait3A_128 = tpu.memref_slice %arg3[%dma_wait3A_126, %dma_wait3A_127] : memref<100000x128xf32, #tpu.memory_space<hbm>> -> memref<100000x128xf32, #tpu.memory_space<hbm>>
    tpu.wait_indirect_dma semaphore(%arg10 : memref<!tpu.dma_semaphore, #tpu.memory_space<semaphore_mem>>) src(%dma_wait3A_128 : memref<100000x128xf32, #tpu.memory_space<hbm>>) dst(%dma_wait3A_122 : memref<128x128xf32, #tpu.memory_space<vmem>>)
    %scan3A_129 = arith.constant 0 : i32
    %scan3A_130 = arith.constant 128 : i32
    %scan3A_131 = arith.addi %scan3A_129, %scan3A_130 : i32
    %scan3A_132 = arith.constant 1 : i32
    scf.for %scan3A_987 = %scan3A_129 to %scan3A_131 step %scan3A_132  : i32 {
      %mul3A_988 = arith.constant 1 : i32
      %mul3A_989 = arith.muli %scan3A_987, %mul3A_988 : i32
      %add3A_990 = arith.constant 0 : i32
      %add3A_991 = arith.addi %add3A_990, %mul3A_989 : i32
      %get3A = arith.index_cast %add3A_991 : i32 to index
      %get3A_992 = arith.constant 0 : index
      %get3A_993 = tpu.vector_load %arg7[%get3A, %get3A_992] {strides = array<i32>} : memref<128x128xf32, #tpu.memory_space<vmem>>, vector<1x16xf32>,
      %get3A_994 = vector.shape_cast %get3A_993 : vector<1x16xf32> to vector<16xf32>
      %swap3A = arith.constant 1 : i32
      %swap3A_995 = arith.index_cast %swap3A : i32 to index
      %swap3A_996 = arith.index_cast %add3A_991 : i32 to index
      %swap3A_997 = arith.constant 0 : index
      %swap3A_998 = tpu.vector_load %arg8[%swap3A_995, %swap3A_996, %swap3A_997] {strides = array<i32>} : memref<6x128x128xf32, #tpu.memory_space<vmem>>, vector<1x1x16xf32>,
      %swap3A_999 = vector.shape_cast %swap3A_998 : vector<1x1x16xf32> to vector<16xf32>
      %swap3A_1000 = vector.shape_cast %get3A_994 : vector<16xf32> to vector<1x1x16xf32>
      tpu.vector_store %arg8[%swap3A_995, %swap3A_996, %swap3A_997], %swap3A_1000 {add = true, strides = array<i32>} : memref<6x128x128xf32, #tpu.memory_space<vmem>>, vector<1x1x16xf32>,
      %get3A_1001 = arith.index_cast %add3A_991 : i32 to index
      %get3A_1002 = arith.constant 16 : index
      %get3A_1003 = tpu.vector_load %arg7[%get3A_1001, %get3A_1002] {strides = array<i32>} : memref<128x128xf32, #tpu.memory_space<vmem>>, vector<1x16xf32>,
      %get3A_1004 = vector.shape_cast %get3A_1003 : vector<1x16xf32> to vector<16xf32>
      %swap3A_1005 = arith.constant 1 : i32
      %swap3A_1006 = arith.index_cast %swap3A_1005 : i32 to index
      %swap3A_1007 = arith.index_cast %add3A_991 : i32 to index
      %swap3A_1008 = arith.constant 16 : index
      %swap3A_1009 = tpu.vector_load %arg8[%swap3A_1006, %swap3A_1007, %swap3A_1008] {strides = array<i32>} : memref<6x128x128xf32, #tpu.memory_space<vmem>>, vector<1x1x16xf32>,
      %swap3A_1010 = vector.shape_cast %swap3A_1009 : vector<1x1x16xf32> to vector<16xf32>
      %swap3A_1011 = vector.shape_cast %get3A_1004 : vector<16xf32> to vector<1x1x16xf32>
      tpu.vector_store %arg8[%swap3A_1006, %swap3A_1007, %swap3A_1008], %swap3A_1011 {add = true, strides = array<i32>} : memref<6x128x128xf32, #tpu.memory_space<vmem>>, vector<1x1x16xf32>,
      %get3A_1012 = arith.index_cast %add3A_991 : i32 to index
      %get3A_1013 = arith.constant 32 : index
      %get3A_1014 = tpu.vector_load %arg7[%get3A_1012, %get3A_1013] {strides = array<i32>} : memref<128x128xf32, #tpu.memory_space<vmem>>, vector<1x16xf32>,
      %get3A_1015 = vector.shape_cast %get3A_1014 : vector<1x16xf32> to vector<16xf32>
      %swap3A_1016 = arith.constant 1 : i32
      %swap3A_1017 = arith.index_cast %swap3A_1016 : i32 to index
      %swap3A_1018 = arith.index_cast %add3A_991 : i32 to index
      %swap3A_1019 = arith.constant 32 : index
      %swap3A_1020 = tpu.vector_load %arg8[%swap3A_1017, %swap3A_1018, %swap3A_1019] {strides = array<i32>} : memref<6x128x128xf32, #tpu.memory_space<vmem>>, vector<1x1x16xf32>,
      %swap3A_1021 = vector.shape_cast %swap3A_1020 : vector<1x1x16xf32> to vector<16xf32>
      %swap3A_1022 = vector.shape_cast %get3A_1015 : vector<16xf32> to vector<1x1x16xf32>
      tpu.vector_store %arg8[%swap3A_1017, %swap3A_1018, %swap3A_1019], %swap3A_1022 {add = true, strides = array<i32>} : memref<6x128x128xf32, #tpu.memory_space<vmem>>, vector<1x1x16xf32>,
      %get3A_1023 = arith.index_cast %add3A_991 : i32 to index
      %get3A_1024 = arith.constant 48 : index
      %get3A_1025 = tpu.vector_load %arg7[%get3A_1023, %get3A_1024] {strides = array<i32>} : memref<128x128xf32, #tpu.memory_space<vmem>>, vector<1x16xf32>,
      %get3A_1026 = vector.shape_cast %get3A_1025 : vector<1x16xf32> to vector<16xf32>
      %swap3A_1027 = arith.constant 1 : i32
      %swap3A_1028 = arith.index_cast %swap3A_1027 : i32 to index
      %swap3A_1029 = arith.index_cast %add3A_991 : i32 to index
      %swap3A_1030 = arith.constant 48 : index
      %swap3A_1031 = tpu.vector_load %arg8[%swap3A_1028, %swap3A_1029, %swap3A_1030] {strides = array<i32>} : memref<6x128x128xf32, #tpu.memory_space<vmem>>, vector<1x1x16xf32>,
      %swap3A_1032 = vector.shape_cast %swap3A_1031 : vector<1x1x16xf32> to vector<16xf32>
      %swap3A_1033 = vector.shape_cast %get3A_1026 : vector<16xf32> to vector<1x1x16xf32>
      tpu.vector_store %arg8[%swap3A_1028, %swap3A_1029, %swap3A_1030], %swap3A_1033 {add = true, strides = array<i32>} : memref<6x128x128xf32, #tpu.memory_space<vmem>>, vector<1x1x16xf32>,
      %get3A_1034 = arith.index_cast %add3A_991 : i32 to index
      %get3A_1035 = arith.constant 64 : index
      %get3A_1036 = tpu.vector_load %arg7[%get3A_1034, %get3A_1035] {strides = array<i32>} : memref<128x128xf32, #tpu.memory_space<vmem>>, vector<1x16xf32>,
      %get3A_1037 = vector.shape_cast %get3A_1036 : vector<1x16xf32> to vector<16xf32>
      %swap3A_1038 = arith.constant 1 : i32
      %swap3A_1039 = arith.index_cast %swap3A_1038 : i32 to index
      %swap3A_1040 = arith.index_cast %add3A_991 : i32 to index
      %swap3A_1041 = arith.constant 64 : index
      %swap3A_1042 = tpu.vector_load %arg8[%swap3A_1039, %swap3A_1040, %swap3A_1041] {strides = array<i32>} : memref<6x128x128xf32, #tpu.memory_space<vmem>>, vector<1x1x16xf32>,
      %swap3A_1043 = vector.shape_cast %swap3A_1042 : vector<1x1x16xf32> to vector<16xf32>
      %swap3A_1044 = vector.shape_cast %get3A_1037 : vector<16xf32> to vector<1x1x16xf32>
      tpu.vector_store %arg8[%swap3A_1039, %swap3A_1040, %swap3A_1041], %swap3A_1044 {add = true, strides = array<i32>} : memref<6x128x128xf32, #tpu.memory_space<vmem>>, vector<1x1x16xf32>,
      %get3A_1045 = arith.index_cast %add3A_991 : i32 to index
      %get3A_1046 = arith.constant 80 : index
      %get3A_1047 = tpu.vector_load %arg7[%get3A_1045, %get3A_1046] {strides = array<i32>} : memref<128x128xf32, #tpu.memory_space<vmem>>, vector<1x16xf32>,
      %get3A_1048 = vector.shape_cast %get3A_1047 : vector<1x16xf32> to vector<16xf32>
      %swap3A_1049 = arith.constant 1 : i32
      %swap3A_1050 = arith.index_cast %swap3A_1049 : i32 to index
      %swap3A_1051 = arith.index_cast %add3A_991 : i32 to index
      %swap3A_1052 = arith.constant 80 : index
      %swap3A_1053 = tpu.vector_load %arg8[%swap3A_1050, %swap3A_1051, %swap3A_1052] {strides = array<i32>} : memref<6x128x128xf32, #tpu.memory_space<vmem>>, vector<1x1x16xf32>,
      %swap3A_1054 = vector.shape_cast %swap3A_1053 : vector<1x1x16xf32> to vector<16xf32>
      %swap3A_1055 = vector.shape_cast %get3A_1048 : vector<16xf32> to vector<1x1x16xf32>
      tpu.vector_store %arg8[%swap3A_1050, %swap3A_1051, %swap3A_1052], %swap3A_1055 {add = true, strides = array<i32>} : memref<6x128x128xf32, #tpu.memory_space<vmem>>, vector<1x1x16xf32>,
      %get3A_1056 = arith.index_cast %add3A_991 : i32 to index
      %get3A_1057 = arith.constant 96 : index
      %get3A_1058 = tpu.vector_load %arg7[%get3A_1056, %get3A_1057] {strides = array<i32>} : memref<128x128xf32, #tpu.memory_space<vmem>>, vector<1x16xf32>,
      %get3A_1059 = vector.shape_cast %get3A_1058 : vector<1x16xf32> to vector<16xf32>
      %swap3A_1060 = arith.constant 1 : i32
      %swap3A_1061 = arith.index_cast %swap3A_1060 : i32 to index
      %swap3A_1062 = arith.index_cast %add3A_991 : i32 to index
      %swap3A_1063 = arith.constant 96 : index
      %swap3A_1064 = tpu.vector_load %arg8[%swap3A_1061, %swap3A_1062, %swap3A_1063] {strides = array<i32>} : memref<6x128x128xf32, #tpu.memory_space<vmem>>, vector<1x1x16xf32>,
      %swap3A_1065 = vector.shape_cast %swap3A_1064 : vector<1x1x16xf32> to vector<16xf32>
      %swap3A_1066 = vector.shape_cast %get3A_1059 : vector<16xf32> to vector<1x1x16xf32>
      tpu.vector_store %arg8[%swap3A_1061, %swap3A_1062, %swap3A_1063], %swap3A_1066 {add = true, strides = array<i32>} : memref<6x128x128xf32, #tpu.memory_space<vmem>>, vector<1x1x16xf32>,
      %get3A_1067 = arith.index_cast %add3A_991 : i32 to index
      %get3A_1068 = arith.constant 112 : index
      %get3A_1069 = tpu.vector_load %arg7[%get3A_1067, %get3A_1068] {strides = array<i32>} : memref<128x128xf32, #tpu.memory_space<vmem>>, vector<1x16xf32>,
      %get3A_1070 = vector.shape_cast %get3A_1069 : vector<1x16xf32> to vector<16xf32>
      %swap3A_1071 = arith.constant 1 : i32
      %swap3A_1072 = arith.index_cast %swap3A_1071 : i32 to index
      %swap3A_1073 = arith.index_cast %add3A_991 : i32 to index
      %swap3A_1074 = arith.constant 112 : index
      %swap3A_1075 = tpu.vector_load %arg8[%swap3A_1072, %swap3A_1073, %swap3A_1074] {strides = array<i32>} : memref<6x128x128xf32, #tpu.memory_space<vmem>>, vector<1x1x16xf32>,
      %swap3A_1076 = vector.shape_cast %swap3A_1075 : vector<1x1x16xf32> to vector<16xf32>
      %swap3A_1077 = vector.shape_cast %get3A_1070 : vector<16xf32> to vector<1x1x16xf32>
      tpu.vector_store %arg8[%swap3A_1072, %swap3A_1073, %swap3A_1074], %swap3A_1077 {add = true, strides = array<i32>} : memref<6x128x128xf32, #tpu.memory_space<vmem>>, vector<1x1x16xf32>,
    }
    %scan3A_133 = arith.constant 128 : i32
    %add3A_134 = arith.constant 1 : i32
    %add3A_135 = arith.addi %mul3A_2, %add3A_134 : i32
    %dma_start3A_136 = arith.constant 1 : i32
    %dma_start3A_137 = arith.constant 0 : i32
    %dma_start3A_138 = arith.constant 0 : i32
    %dma_start3A_139 = tpu.memref_slice %arg8[%dma_start3A_136, %dma_start3A_137, %dma_start3A_138] : memref<6x128x128xf32, #tpu.memory_space<vmem>> -> memref<1x128x128xf32, #tpu.memory_space<vmem>>
    %dma_start3A_140 = tpu.memref_squeeze %dma_start3A_139 : memref<1x128x128xf32, #tpu.memory_space<vmem>> -> memref<128x128xf32, #tpu.memory_space<vmem>>
    %dma_start3A_141 = arith.constant 0 : i32
    %dma_start3A_142 = tpu.memref_slice %arg5[%add3A_135, %mul3A_0, %dma_start3A_141] : memref<32x2048x128xf32, #tpu.memory_space<hbm>> -> memref<1x128x128xf32, #tpu.memory_space<hbm>>
    %dma_start3A_143 = tpu.memref_squeeze %dma_start3A_142 : memref<1x128x128xf32, #tpu.memory_space<hbm>> -> memref<128x128xf32, #tpu.memory_space<hbm>>
    %dma_start3A_144 = arith.constant 0 : i32
    %dma_start3A_145 = tpu.memref_slice %arg5[%add3A_135, %mul3A_0, %dma_start3A_144] : memref<32x2048x128xf32, #tpu.memory_space<hbm>> -> memref<1x128x128xf32, #tpu.memory_space<hbm>>
    %dma_start3A_146 = tpu.memref_squeeze %dma_start3A_145 : memref<1x128x128xf32, #tpu.memory_space<hbm>> -> memref<128x128xf32, #tpu.memory_space<hbm>>
    %dma_start3A_147 = arith.constant 0 : i32
    %dma_start3A_148 = arith.constant 0 : i32
    %dma_start3A_149 = tpu.memref_slice %arg8[%dma_start3A_136, %dma_start3A_147, %dma_start3A_148] : memref<6x128x128xf32, #tpu.memory_space<vmem>> -> memref<1x128x128xf32, #tpu.memory_space<vmem>>
    %dma_start3A_150 = tpu.memref_squeeze %dma_start3A_149 : memref<1x128x128xf32, #tpu.memory_space<vmem>> -> memref<128x128xf32, #tpu.memory_space<vmem>>
    tpu.enqueue_dma source(%dma_start3A_150 : memref<128x128xf32, #tpu.memory_space<vmem>>) target(%dma_start3A_146 : memref<128x128xf32, #tpu.memory_space<hbm>>) target_semaphore(%arg16 : memref<!tpu.dma_semaphore, #tpu.memory_space<semaphore_mem>>)
    %dma_wait3A_151 = arith.constant 0 : i32
    %dma_wait3A_152 = arith.constant 0 : i32
    %dma_wait3A_153 = arith.constant 0 : i32
    %dma_wait3A_154 = tpu.memref_slice %arg8[%dma_wait3A_151, %dma_wait3A_152, %dma_wait3A_153] : memref<6x128x128xf32, #tpu.memory_space<vmem>> -> memref<1x128x128xf32, #tpu.memory_space<vmem>>
    %dma_wait3A_155 = tpu.memref_squeeze %dma_wait3A_154 : memref<1x128x128xf32, #tpu.memory_space<vmem>> -> memref<128x128xf32, #tpu.memory_space<vmem>>
    %dma_wait3A_156 = arith.constant 0 : i32
    %dma_wait3A_157 = tpu.memref_slice %arg5[%add3A_89, %mul3A_0, %dma_wait3A_156] : memref<32x2048x128xf32, #tpu.memory_space<hbm>> -> memref<1x128x128xf32, #tpu.memory_space<hbm>>
    %dma_wait3A_158 = tpu.memref_squeeze %dma_wait3A_157 : memref<1x128x128xf32, #tpu.memory_space<hbm>> -> memref<128x128xf32, #tpu.memory_space<hbm>>
    %dma_wait3A_159 = arith.constant 0 : i32
    %dma_wait3A_160 = tpu.memref_slice %arg5[%add3A_89, %mul3A_0, %dma_wait3A_159] : memref<32x2048x128xf32, #tpu.memory_space<hbm>> -> memref<1x128x128xf32, #tpu.memory_space<hbm>>
    %dma_wait3A_161 = tpu.memref_squeeze %dma_wait3A_160 : memref<1x128x128xf32, #tpu.memory_space<hbm>> -> memref<128x128xf32, #tpu.memory_space<hbm>>
    %dma_wait3A_162 = arith.constant 0 : i32
    %dma_wait3A_163 = arith.constant 0 : i32
    %dma_wait3A_164 = tpu.memref_slice %arg8[%dma_wait3A_151, %dma_wait3A_162, %dma_wait3A_163] : memref<6x128x128xf32, #tpu.memory_space<vmem>> -> memref<1x128x128xf32, #tpu.memory_space<vmem>>
    %dma_wait3A_165 = tpu.memref_squeeze %dma_wait3A_164 : memref<1x128x128xf32, #tpu.memory_space<vmem>> -> memref<128x128xf32, #tpu.memory_space<vmem>>
    tpu.wait_dma2 semaphore(%arg15 : memref<!tpu.dma_semaphore, #tpu.memory_space<semaphore_mem>>) src(%dma_wait3A_165 : memref<128x128xf32, #tpu.memory_space<vmem>>) dst(%dma_wait3A_161 : memref<128x128xf32, #tpu.memory_space<hbm>>)
    %dma_start3A_166 = arith.constant 6 : i32
    %dma_start3A_167 = arith.constant 0 : i32
    %dma_start3A_168 = arith.constant 0 : i32
    %dma_start3A_169 = arith.constant 0 : i32
    %dma_start3A_170 = tpu.memref_slice %arg8[%dma_start3A_167, %dma_start3A_168, %dma_start3A_169] : memref<6x128x128xf32, #tpu.memory_space<vmem>> -> memref<1x128x128xf32, #tpu.memory_space<vmem>>
    %dma_start3A_171 = tpu.memref_squeeze %dma_start3A_170 : memref<1x128x128xf32, #tpu.memory_space<vmem>> -> memref<128x128xf32, #tpu.memory_space<vmem>>
    %dma_start3A_172 = arith.constant 0 : i32
    %dma_start3A_173 = tpu.memref_slice %arg6[%dma_start3A_166, %dma_start3A_172] : memref<16x128xi32, #tpu.memory_space<vmem>> -> memref<1x128xi32, #tpu.memory_space<vmem>>
    %dma_start3A_174 = tpu.memref_squeeze %dma_start3A_173 : memref<1x128xi32, #tpu.memory_space<vmem>> -> memref<128xi32, #tpu.memory_space<vmem>>
    %dma_start3A_175 = arith.constant 0 : i32
    %dma_start3A_176 = arith.constant 0 : i32
    %dma_start3A_177 = tpu.memref_slice %arg3[%dma_start3A_175, %dma_start3A_176] : memref<100000x128xf32, #tpu.memory_space<hbm>> -> memref<100000x128xf32, #tpu.memory_space<hbm>>
    tpu.enqueue_indirect_dma source(%dma_start3A_177 : memref<100000x128xf32, #tpu.memory_space<hbm>>) target(%dma_start3A_171 : memref<128x128xf32, #tpu.memory_space<vmem>>) offsets(%dma_start3A_174 : memref<128xi32, #tpu.memory_space<vmem>>) semaphore(%arg9 : memref<!tpu.dma_semaphore, #tpu.memory_space<semaphore_mem>>)
    %dma_wait3A_178 = arith.constant 2 : i32
    %dma_wait3A_179 = arith.constant 2 : i32
    %dma_wait3A_180 = arith.constant 0 : i32
    %dma_wait3A_181 = arith.constant 0 : i32
    %dma_wait3A_182 = tpu.memref_slice %arg8[%dma_wait3A_179, %dma_wait3A_180, %dma_wait3A_181] : memref<6x128x128xf32, #tpu.memory_space<vmem>> -> memref<1x128x128xf32, #tpu.memory_space<vmem>>
    %dma_wait3A_183 = tpu.memref_squeeze %dma_wait3A_182 : memref<1x128x128xf32, #tpu.memory_space<vmem>> -> memref<128x128xf32, #tpu.memory_space<vmem>>
    %dma_wait3A_184 = arith.constant 0 : i32
    %dma_wait3A_185 = tpu.memref_slice %arg6[%dma_wait3A_178, %dma_wait3A_184] : memref<16x128xi32, #tpu.memory_space<vmem>> -> memref<1x128xi32, #tpu.memory_space<vmem>>
    %dma_wait3A_186 = tpu.memref_squeeze %dma_wait3A_185 : memref<1x128xi32, #tpu.memory_space<vmem>> -> memref<128xi32, #tpu.memory_space<vmem>>
    %dma_wait3A_187 = arith.constant 0 : i32
    %dma_wait3A_188 = arith.constant 0 : i32
    %dma_wait3A_189 = tpu.memref_slice %arg3[%dma_wait3A_187, %dma_wait3A_188] : memref<100000x128xf32, #tpu.memory_space<hbm>> -> memref<100000x128xf32, #tpu.memory_space<hbm>>
    tpu.wait_indirect_dma semaphore(%arg11 : memref<!tpu.dma_semaphore, #tpu.memory_space<semaphore_mem>>) src(%dma_wait3A_189 : memref<100000x128xf32, #tpu.memory_space<hbm>>) dst(%dma_wait3A_183 : memref<128x128xf32, #tpu.memory_space<vmem>>)
    %scan3A_190 = arith.constant 0 : i32
    %scan3A_191 = arith.constant 128 : i32
    %scan3A_192 = arith.addi %scan3A_190, %scan3A_191 : i32
    %scan3A_193 = arith.constant 1 : i32
    scf.for %scan3A_987 = %scan3A_190 to %scan3A_192 step %scan3A_193  : i32 {
      %mul3A_988 = arith.constant 1 : i32
      %mul3A_989 = arith.muli %scan3A_987, %mul3A_988 : i32
      %add3A_990 = arith.constant 0 : i32
      %add3A_991 = arith.addi %add3A_990, %mul3A_989 : i32
      %get3A = arith.index_cast %add3A_991 : i32 to index
      %get3A_992 = arith.constant 0 : index
      %get3A_993 = tpu.vector_load %arg7[%get3A, %get3A_992] {strides = array<i32>} : memref<128x128xf32, #tpu.memory_space<vmem>>, vector<1x16xf32>,
      %get3A_994 = vector.shape_cast %get3A_993 : vector<1x16xf32> to vector<16xf32>
      %swap3A = arith.constant 2 : i32
      %swap3A_995 = arith.index_cast %swap3A : i32 to index
      %swap3A_996 = arith.index_cast %add3A_991 : i32 to index
      %swap3A_997 = arith.constant 0 : index
      %swap3A_998 = tpu.vector_load %arg8[%swap3A_995, %swap3A_996, %swap3A_997] {strides = array<i32>} : memref<6x128x128xf32, #tpu.memory_space<vmem>>, vector<1x1x16xf32>,
      %swap3A_999 = vector.shape_cast %swap3A_998 : vector<1x1x16xf32> to vector<16xf32>
      %swap3A_1000 = vector.shape_cast %get3A_994 : vector<16xf32> to vector<1x1x16xf32>
      tpu.vector_store %arg8[%swap3A_995, %swap3A_996, %swap3A_997], %swap3A_1000 {add = true, strides = array<i32>} : memref<6x128x128xf32, #tpu.memory_space<vmem>>, vector<1x1x16xf32>,
      %get3A_1001 = arith.index_cast %add3A_991 : i32 to index
      %get3A_1002 = arith.constant 16 : index
      %get3A_1003 = tpu.vector_load %arg7[%get3A_1001, %get3A_1002] {strides = array<i32>} : memref<128x128xf32, #tpu.memory_space<vmem>>, vector<1x16xf32>,
      %get3A_1004 = vector.shape_cast %get3A_1003 : vector<1x16xf32> to vector<16xf32>
      %swap3A_1005 = arith.constant 2 : i32
      %swap3A_1006 = arith.index_cast %swap3A_1005 : i32 to index
      %swap3A_1007 = arith.index_cast %add3A_991 : i32 to index
      %swap3A_1008 = arith.constant 16 : index
      %swap3A_1009 = tpu.vector_load %arg8[%swap3A_1006, %swap3A_1007, %swap3A_1008] {strides = array<i32>} : memref<6x128x128xf32, #tpu.memory_space<vmem>>, vector<1x1x16xf32>,
      %swap3A_1010 = vector.shape_cast %swap3A_1009 : vector<1x1x16xf32> to vector<16xf32>
      %swap3A_1011 = vector.shape_cast %get3A_1004 : vector<16xf32> to vector<1x1x16xf32>
      tpu.vector_store %arg8[%swap3A_1006, %swap3A_1007, %swap3A_1008], %swap3A_1011 {add = true, strides = array<i32>} : memref<6x128x128xf32, #tpu.memory_space<vmem>>, vector<1x1x16xf32>,
      %get3A_1012 = arith.index_cast %add3A_991 : i32 to index
      %get3A_1013 = arith.constant 32 : index
      %get3A_1014 = tpu.vector_load %arg7[%get3A_1012, %get3A_1013] {strides = array<i32>} : memref<128x128xf32, #tpu.memory_space<vmem>>, vector<1x16xf32>,
      %get3A_1015 = vector.shape_cast %get3A_1014 : vector<1x16xf32> to vector<16xf32>
      %swap3A_1016 = arith.constant 2 : i32
      %swap3A_1017 = arith.index_cast %swap3A_1016 : i32 to index
      %swap3A_1018 = arith.index_cast %add3A_991 : i32 to index
      %swap3A_1019 = arith.constant 32 : index
      %swap3A_1020 = tpu.vector_load %arg8[%swap3A_1017, %swap3A_1018, %swap3A_1019] {strides = array<i32>} : memref<6x128x128xf32, #tpu.memory_space<vmem>>, vector<1x1x16xf32>,
      %swap3A_1021 = vector.shape_cast %swap3A_1020 : vector<1x1x16xf32> to vector<16xf32>
      %swap3A_1022 = vector.shape_cast %get3A_1015 : vector<16xf32> to vector<1x1x16xf32>
      tpu.vector_store %arg8[%swap3A_1017, %swap3A_1018, %swap3A_1019], %swap3A_1022 {add = true, strides = array<i32>} : memref<6x128x128xf32, #tpu.memory_space<vmem>>, vector<1x1x16xf32>,
      %get3A_1023 = arith.index_cast %add3A_991 : i32 to index
      %get3A_1024 = arith.constant 48 : index
      %get3A_1025 = tpu.vector_load %arg7[%get3A_1023, %get3A_1024] {strides = array<i32>} : memref<128x128xf32, #tpu.memory_space<vmem>>, vector<1x16xf32>,
      %get3A_1026 = vector.shape_cast %get3A_1025 : vector<1x16xf32> to vector<16xf32>
      %swap3A_1027 = arith.constant 2 : i32
      %swap3A_1028 = arith.index_cast %swap3A_1027 : i32 to index
      %swap3A_1029 = arith.index_cast %add3A_991 : i32 to index
      %swap3A_1030 = arith.constant 48 : index
      %swap3A_1031 = tpu.vector_load %arg8[%swap3A_1028, %swap3A_1029, %swap3A_1030] {strides = array<i32>} : memref<6x128x128xf32, #tpu.memory_space<vmem>>, vector<1x1x16xf32>,
      %swap3A_1032 = vector.shape_cast %swap3A_1031 : vector<1x1x16xf32> to vector<16xf32>
      %swap3A_1033 = vector.shape_cast %get3A_1026 : vector<16xf32> to vector<1x1x16xf32>
      tpu.vector_store %arg8[%swap3A_1028, %swap3A_1029, %swap3A_1030], %swap3A_1033 {add = true, strides = array<i32>} : memref<6x128x128xf32, #tpu.memory_space<vmem>>, vector<1x1x16xf32>,
      %get3A_1034 = arith.index_cast %add3A_991 : i32 to index
      %get3A_1035 = arith.constant 64 : index
      %get3A_1036 = tpu.vector_load %arg7[%get3A_1034, %get3A_1035] {strides = array<i32>} : memref<128x128xf32, #tpu.memory_space<vmem>>, vector<1x16xf32>,
      %get3A_1037 = vector.shape_cast %get3A_1036 : vector<1x16xf32> to vector<16xf32>
      %swap3A_1038 = arith.constant 2 : i32
      %swap3A_1039 = arith.index_cast %swap3A_1038 : i32 to index
      %swap3A_1040 = arith.index_cast %add3A_991 : i32 to index
      %swap3A_1041 = arith.constant 64 : index
      %swap3A_1042 = tpu.vector_load %arg8[%swap3A_1039, %swap3A_1040, %swap3A_1041] {strides = array<i32>} : memref<6x128x128xf32, #tpu.memory_space<vmem>>, vector<1x1x16xf32>,
      %swap3A_1043 = vector.shape_cast %swap3A_1042 : vector<1x1x16xf32> to vector<16xf32>
      %swap3A_1044 = vector.shape_cast %get3A_1037 : vector<16xf32> to vector<1x1x16xf32>
      tpu.vector_store %arg8[%swap3A_1039, %swap3A_1040, %swap3A_1041], %swap3A_1044 {add = true, strides = array<i32>} : memref<6x128x128xf32, #tpu.memory_space<vmem>>, vector<1x1x16xf32>,
      %get3A_1045 = arith.index_cast %add3A_991 : i32 to index
      %get3A_1046 = arith.constant 80 : index
      %get3A_1047 = tpu.vector_load %arg7[%get3A_1045, %get3A_1046] {strides = array<i32>} : memref<128x128xf32, #tpu.memory_space<vmem>>, vector<1x16xf32>,
      %get3A_1048 = vector.shape_cast %get3A_1047 : vector<1x16xf32> to vector<16xf32>
      %swap3A_1049 = arith.constant 2 : i32
      %swap3A_1050 = arith.index_cast %swap3A_1049 : i32 to index
      %swap3A_1051 = arith.index_cast %add3A_991 : i32 to index
      %swap3A_1052 = arith.constant 80 : index
      %swap3A_1053 = tpu.vector_load %arg8[%swap3A_1050, %swap3A_1051, %swap3A_1052] {strides = array<i32>} : memref<6x128x128xf32, #tpu.memory_space<vmem>>, vector<1x1x16xf32>,
      %swap3A_1054 = vector.shape_cast %swap3A_1053 : vector<1x1x16xf32> to vector<16xf32>
      %swap3A_1055 = vector.shape_cast %get3A_1048 : vector<16xf32> to vector<1x1x16xf32>
      tpu.vector_store %arg8[%swap3A_1050, %swap3A_1051, %swap3A_1052], %swap3A_1055 {add = true, strides = array<i32>} : memref<6x128x128xf32, #tpu.memory_space<vmem>>, vector<1x1x16xf32>,
      %get3A_1056 = arith.index_cast %add3A_991 : i32 to index
      %get3A_1057 = arith.constant 96 : index
      %get3A_1058 = tpu.vector_load %arg7[%get3A_1056, %get3A_1057] {strides = array<i32>} : memref<128x128xf32, #tpu.memory_space<vmem>>, vector<1x16xf32>,
      %get3A_1059 = vector.shape_cast %get3A_1058 : vector<1x16xf32> to vector<16xf32>
      %swap3A_1060 = arith.constant 2 : i32
      %swap3A_1061 = arith.index_cast %swap3A_1060 : i32 to index
      %swap3A_1062 = arith.index_cast %add3A_991 : i32 to index
      %swap3A_1063 = arith.constant 96 : index
      %swap3A_1064 = tpu.vector_load %arg8[%swap3A_1061, %swap3A_1062, %swap3A_1063] {strides = array<i32>} : memref<6x128x128xf32, #tpu.memory_space<vmem>>, vector<1x1x16xf32>,
      %swap3A_1065 = vector.shape_cast %swap3A_1064 : vector<1x1x16xf32> to vector<16xf32>
      %swap3A_1066 = vector.shape_cast %get3A_1059 : vector<16xf32> to vector<1x1x16xf32>
      tpu.vector_store %arg8[%swap3A_1061, %swap3A_1062, %swap3A_1063], %swap3A_1066 {add = true, strides = array<i32>} : memref<6x128x128xf32, #tpu.memory_space<vmem>>, vector<1x1x16xf32>,
      %get3A_1067 = arith.index_cast %add3A_991 : i32 to index
      %get3A_1068 = arith.constant 112 : index
      %get3A_1069 = tpu.vector_load %arg7[%get3A_1067, %get3A_1068] {strides = array<i32>} : memref<128x128xf32, #tpu.memory_space<vmem>>, vector<1x16xf32>,
      %get3A_1070 = vector.shape_cast %get3A_1069 : vector<1x16xf32> to vector<16xf32>
      %swap3A_1071 = arith.constant 2 : i32
      %swap3A_1072 = arith.index_cast %swap3A_1071 : i32 to index
      %swap3A_1073 = arith.index_cast %add3A_991 : i32 to index
      %swap3A_1074 = arith.constant 112 : index
      %swap3A_1075 = tpu.vector_load %arg8[%swap3A_1072, %swap3A_1073, %swap3A_1074] {strides = array<i32>} : memref<6x128x128xf32, #tpu.memory_space<vmem>>, vector<1x1x16xf32>,
      %swap3A_1076 = vector.shape_cast %swap3A_1075 : vector<1x1x16xf32> to vector<16xf32>
      %swap3A_1077 = vector.shape_cast %get3A_1070 : vector<16xf32> to vector<1x1x16xf32>
      tpu.vector_store %arg8[%swap3A_1072, %swap3A_1073, %swap3A_1074], %swap3A_1077 {add = true, strides = array<i32>} : memref<6x128x128xf32, #tpu.memory_space<vmem>>, vector<1x1x16xf32>,
    }
    %scan3A_194 = arith.constant 128 : i32
    %add3A_195 = arith.constant 2 : i32
    %add3A_196 = arith.addi %mul3A_2, %add3A_195 : i32
    %dma_start3A_197 = arith.constant 2 : i32
    %dma_start3A_198 = arith.constant 0 : i32
    %dma_start3A_199 = arith.constant 0 : i32
    %dma_start3A_200 = tpu.memref_slice %arg8[%dma_start3A_197, %dma_start3A_198, %dma_start3A_199] : memref<6x128x128xf32, #tpu.memory_space<vmem>> -> memref<1x128x128xf32, #tpu.memory_space<vmem>>
    %dma_start3A_201 = tpu.memref_squeeze %dma_start3A_200 : memref<1x128x128xf32, #tpu.memory_space<vmem>> -> memref<128x128xf32, #tpu.memory_space<vmem>>
    %dma_start3A_202 = arith.constant 0 : i32
    %dma_start3A_203 = tpu.memref_slice %arg5[%add3A_196, %mul3A_0, %dma_start3A_202] : memref<32x2048x128xf32, #tpu.memory_space<hbm>> -> memref<1x128x128xf32, #tpu.memory_space<hbm>>
    %dma_start3A_204 = tpu.memref_squeeze %dma_start3A_203 : memref<1x128x128xf32, #tpu.memory_space<hbm>> -> memref<128x128xf32, #tpu.memory_space<hbm>>
    %dma_start3A_205 = arith.constant 0 : i32
    %dma_start3A_206 = tpu.memref_slice %arg5[%add3A_196, %mul3A_0, %dma_start3A_205] : memref<32x2048x128xf32, #tpu.memory_space<hbm>> -> memref<1x128x128xf32, #tpu.memory_space<hbm>>
    %dma_start3A_207 = tpu.memref_squeeze %dma_start3A_206 : memref<1x128x128xf32, #tpu.memory_space<hbm>> -> memref<128x128xf32, #tpu.memory_space<hbm>>
    %dma_start3A_208 = arith.constant 0 : i32
    %dma_start3A_209 = arith.constant 0 : i32
    %dma_start3A_210 = tpu.memref_slice %arg8[%dma_start3A_197, %dma_start3A_208, %dma_start3A_209] : memref<6x128x128xf32, #tpu.memory_space<vmem>> -> memref<1x128x128xf32, #tpu.memory_space<vmem>>
    %dma_start3A_211 = tpu.memref_squeeze %dma_start3A_210 : memref<1x128x128xf32, #tpu.memory_space<vmem>> -> memref<128x128xf32, #tpu.memory_space<vmem>>
    tpu.enqueue_dma source(%dma_start3A_211 : memref<128x128xf32, #tpu.memory_space<vmem>>) target(%dma_start3A_207 : memref<128x128xf32, #tpu.memory_space<hbm>>) target_semaphore(%arg17 : memref<!tpu.dma_semaphore, #tpu.memory_space<semaphore_mem>>)
    %dma_wait3A_212 = arith.constant 1 : i32
    %dma_wait3A_213 = arith.constant 0 : i32
    %dma_wait3A_214 = arith.constant 0 : i32
    %dma_wait3A_215 = tpu.memref_slice %arg8[%dma_wait3A_212, %dma_wait3A_213, %dma_wait3A_214] : memref<6x128x128xf32, #tpu.memory_space<vmem>> -> memref<1x128x128xf32, #tpu.memory_space<vmem>>
    %dma_wait3A_216 = tpu.memref_squeeze %dma_wait3A_215 : memref<1x128x128xf32, #tpu.memory_space<vmem>> -> memref<128x128xf32, #tpu.memory_space<vmem>>
    %dma_wait3A_217 = arith.constant 0 : i32
    %dma_wait3A_218 = tpu.memref_slice %arg5[%add3A_135, %mul3A_0, %dma_wait3A_217] : memref<32x2048x128xf32, #tpu.memory_space<hbm>> -> memref<1x128x128xf32, #tpu.memory_space<hbm>>
    %dma_wait3A_219 = tpu.memref_squeeze %dma_wait3A_218 : memref<1x128x128xf32, #tpu.memory_space<hbm>> -> memref<128x128xf32, #tpu.memory_space<hbm>>
    %dma_wait3A_220 = arith.constant 0 : i32
    %dma_wait3A_221 = tpu.memref_slice %arg5[%add3A_135, %mul3A_0, %dma_wait3A_220] : memref<32x2048x128xf32, #tpu.memory_space<hbm>> -> memref<1x128x128xf32, #tpu.memory_space<hbm>>
    %dma_wait3A_222 = tpu.memref_squeeze %dma_wait3A_221 : memref<1x128x128xf32, #tpu.memory_space<hbm>> -> memref<128x128xf32, #tpu.memory_space<hbm>>
    %dma_wait3A_223 = arith.constant 0 : i32
    %dma_wait3A_224 = arith.constant 0 : i32
    %dma_wait3A_225 = tpu.memref_slice %arg8[%dma_wait3A_212, %dma_wait3A_223, %dma_wait3A_224] : memref<6x128x128xf32, #tpu.memory_space<vmem>> -> memref<1x128x128xf32, #tpu.memory_space<vmem>>
    %dma_wait3A_226 = tpu.memref_squeeze %dma_wait3A_225 : memref<1x128x128xf32, #tpu.memory_space<vmem>> -> memref<128x128xf32, #tpu.memory_space<vmem>>
    tpu.wait_dma2 semaphore(%arg16 : memref<!tpu.dma_semaphore, #tpu.memory_space<semaphore_mem>>) src(%dma_wait3A_226 : memref<128x128xf32, #tpu.memory_space<vmem>>) dst(%dma_wait3A_222 : memref<128x128xf32, #tpu.memory_space<hbm>>)
    %dma_start3A_227 = arith.constant 7 : i32
    %dma_start3A_228 = arith.constant 1 : i32
    %dma_start3A_229 = arith.constant 0 : i32
    %dma_start3A_230 = arith.constant 0 : i32
    %dma_start3A_231 = tpu.memref_slice %arg8[%dma_start3A_228, %dma_start3A_229, %dma_start3A_230] : memref<6x128x128xf32, #tpu.memory_space<vmem>> -> memref<1x128x128xf32, #tpu.memory_space<vmem>>
    %dma_start3A_232 = tpu.memref_squeeze %dma_start3A_231 : memref<1x128x128xf32, #tpu.memory_space<vmem>> -> memref<128x128xf32, #tpu.memory_space<vmem>>
    %dma_start3A_233 = arith.constant 0 : i32
    %dma_start3A_234 = tpu.memref_slice %arg6[%dma_start3A_227, %dma_start3A_233] : memref<16x128xi32, #tpu.memory_space<vmem>> -> memref<1x128xi32, #tpu.memory_space<vmem>>
    %dma_start3A_235 = tpu.memref_squeeze %dma_start3A_234 : memref<1x128xi32, #tpu.memory_space<vmem>> -> memref<128xi32, #tpu.memory_space<vmem>>
    %dma_start3A_236 = arith.constant 0 : i32
    %dma_start3A_237 = arith.constant 0 : i32
    %dma_start3A_238 = tpu.memref_slice %arg3[%dma_start3A_236, %dma_start3A_237] : memref<100000x128xf32, #tpu.memory_space<hbm>> -> memref<100000x128xf32, #tpu.memory_space<hbm>>
    tpu.enqueue_indirect_dma source(%dma_start3A_238 : memref<100000x128xf32, #tpu.memory_space<hbm>>) target(%dma_start3A_232 : memref<128x128xf32, #tpu.memory_space<vmem>>) offsets(%dma_start3A_235 : memref<128xi32, #tpu.memory_space<vmem>>) semaphore(%arg10 : memref<!tpu.dma_semaphore, #tpu.memory_space<semaphore_mem>>)
    %dma_wait3A_239 = arith.constant 3 : i32
    %dma_wait3A_240 = arith.constant 3 : i32
    %dma_wait3A_241 = arith.constant 0 : i32
    %dma_wait3A_242 = arith.constant 0 : i32
    %dma_wait3A_243 = tpu.memref_slice %arg8[%dma_wait3A_240, %dma_wait3A_241, %dma_wait3A_242] : memref<6x128x128xf32, #tpu.memory_space<vmem>> -> memref<1x128x128xf32, #tpu.memory_space<vmem>>
    %dma_wait3A_244 = tpu.memref_squeeze %dma_wait3A_243 : memref<1x128x128xf32, #tpu.memory_space<vmem>> -> memref<128x128xf32, #tpu.memory_space<vmem>>
    %dma_wait3A_245 = arith.constant 0 : i32
    %dma_wait3A_246 = tpu.memref_slice %arg6[%dma_wait3A_239, %dma_wait3A_245] : memref<16x128xi32, #tpu.memory_space<vmem>> -> memref<1x128xi32, #tpu.memory_space<vmem>>
    %dma_wait3A_247 = tpu.memref_squeeze %dma_wait3A_246 : memref<1x128xi32, #tpu.memory_space<vmem>> -> memref<128xi32, #tpu.memory_space<vmem>>
    %dma_wait3A_248 = arith.constant 0 : i32
    %dma_wait3A_249 = arith.constant 0 : i32
    %dma_wait3A_250 = tpu.memref_slice %arg3[%dma_wait3A_248, %dma_wait3A_249] : memref<100000x128xf32, #tpu.memory_space<hbm>> -> memref<100000x128xf32, #tpu.memory_space<hbm>>
    tpu.wait_indirect_dma semaphore(%arg12 : memref<!tpu.dma_semaphore, #tpu.memory_space<semaphore_mem>>) src(%dma_wait3A_250 : memref<100000x128xf32, #tpu.memory_space<hbm>>) dst(%dma_wait3A_244 : memref<128x128xf32, #tpu.memory_space<vmem>>)
    %scan3A_251 = arith.constant 0 : i32
    %scan3A_252 = arith.constant 128 : i32
    %scan3A_253 = arith.addi %scan3A_251, %scan3A_252 : i32
    %scan3A_254 = arith.constant 1 : i32
    scf.for %scan3A_987 = %scan3A_251 to %scan3A_253 step %scan3A_254  : i32 {
      %mul3A_988 = arith.constant 1 : i32
      %mul3A_989 = arith.muli %scan3A_987, %mul3A_988 : i32
      %add3A_990 = arith.constant 0 : i32
      %add3A_991 = arith.addi %add3A_990, %mul3A_989 : i32
      %get3A = arith.index_cast %add3A_991 : i32 to index
      %get3A_992 = arith.constant 0 : index
      %get3A_993 = tpu.vector_load %arg7[%get3A, %get3A_992] {strides = array<i32>} : memref<128x128xf32, #tpu.memory_space<vmem>>, vector<1x16xf32>,
      %get3A_994 = vector.shape_cast %get3A_993 : vector<1x16xf32> to vector<16xf32>
      %swap3A = arith.constant 3 : i32
      %swap3A_995 = arith.index_cast %swap3A : i32 to index
      %swap3A_996 = arith.index_cast %add3A_991 : i32 to index
      %swap3A_997 = arith.constant 0 : index
      %swap3A_998 = tpu.vector_load %arg8[%swap3A_995, %swap3A_996, %swap3A_997] {strides = array<i32>} : memref<6x128x128xf32, #tpu.memory_space<vmem>>, vector<1x1x16xf32>,
      %swap3A_999 = vector.shape_cast %swap3A_998 : vector<1x1x16xf32> to vector<16xf32>
      %swap3A_1000 = vector.shape_cast %get3A_994 : vector<16xf32> to vector<1x1x16xf32>
      tpu.vector_store %arg8[%swap3A_995, %swap3A_996, %swap3A_997], %swap3A_1000 {add = true, strides = array<i32>} : memref<6x128x128xf32, #tpu.memory_space<vmem>>, vector<1x1x16xf32>,
      %get3A_1001 = arith.index_cast %add3A_991 : i32 to index
      %get3A_1002 = arith.constant 16 : index
      %get3A_1003 = tpu.vector_load %arg7[%get3A_1001, %get3A_1002] {strides = array<i32>} : memref<128x128xf32, #tpu.memory_space<vmem>>, vector<1x16xf32>,
      %get3A_1004 = vector.shape_cast %get3A_1003 : vector<1x16xf32> to vector<16xf32>
      %swap3A_1005 = arith.constant 3 : i32
      %swap3A_1006 = arith.index_cast %swap3A_1005 : i32 to index
      %swap3A_1007 = arith.index_cast %add3A_991 : i32 to index
      %swap3A_1008 = arith.constant 16 : index
      %swap3A_1009 = tpu.vector_load %arg8[%swap3A_1006, %swap3A_1007, %swap3A_1008] {strides = array<i32>} : memref<6x128x128xf32, #tpu.memory_space<vmem>>, vector<1x1x16xf32>,
      %swap3A_1010 = vector.shape_cast %swap3A_1009 : vector<1x1x16xf32> to vector<16xf32>
      %swap3A_1011 = vector.shape_cast %get3A_1004 : vector<16xf32> to vector<1x1x16xf32>
      tpu.vector_store %arg8[%swap3A_1006, %swap3A_1007, %swap3A_1008], %swap3A_1011 {add = true, strides = array<i32>} : memref<6x128x128xf32, #tpu.memory_space<vmem>>, vector<1x1x16xf32>,
      %get3A_1012 = arith.index_cast %add3A_991 : i32 to index
      %get3A_1013 = arith.constant 32 : index
      %get3A_1014 = tpu.vector_load %arg7[%get3A_1012, %get3A_1013] {strides = array<i32>} : memref<128x128xf32, #tpu.memory_space<vmem>>, vector<1x16xf32>,
      %get3A_1015 = vector.shape_cast %get3A_1014 : vector<1x16xf32> to vector<16xf32>
      %swap3A_1016 = arith.constant 3 : i32
      %swap3A_1017 = arith.index_cast %swap3A_1016 : i32 to index
      %swap3A_1018 = arith.index_cast %add3A_991 : i32 to index
      %swap3A_1019 = arith.constant 32 : index
      %swap3A_1020 = tpu.vector_load %arg8[%swap3A_1017, %swap3A_1018, %swap3A_1019] {strides = array<i32>} : memref<6x128x128xf32, #tpu.memory_space<vmem>>, vector<1x1x16xf32>,
      %swap3A_1021 = vector.shape_cast %swap3A_1020 : vector<1x1x16xf32> to vector<16xf32>
      %swap3A_1022 = vector.shape_cast %get3A_1015 : vector<16xf32> to vector<1x1x16xf32>
      tpu.vector_store %arg8[%swap3A_1017, %swap3A_1018, %swap3A_1019], %swap3A_1022 {add = true, strides = array<i32>} : memref<6x128x128xf32, #tpu.memory_space<vmem>>, vector<1x1x16xf32>,
      %get3A_1023 = arith.index_cast %add3A_991 : i32 to index
      %get3A_1024 = arith.constant 48 : index
      %get3A_1025 = tpu.vector_load %arg7[%get3A_1023, %get3A_1024] {strides = array<i32>} : memref<128x128xf32, #tpu.memory_space<vmem>>, vector<1x16xf32>,
      %get3A_1026 = vector.shape_cast %get3A_1025 : vector<1x16xf32> to vector<16xf32>
      %swap3A_1027 = arith.constant 3 : i32
      %swap3A_1028 = arith.index_cast %swap3A_1027 : i32 to index
      %swap3A_1029 = arith.index_cast %add3A_991 : i32 to index
      %swap3A_1030 = arith.constant 48 : index
      %swap3A_1031 = tpu.vector_load %arg8[%swap3A_1028, %swap3A_1029, %swap3A_1030] {strides = array<i32>} : memref<6x128x128xf32, #tpu.memory_space<vmem>>, vector<1x1x16xf32>,
      %swap3A_1032 = vector.shape_cast %swap3A_1031 : vector<1x1x16xf32> to vector<16xf32>
      %swap3A_1033 = vector.shape_cast %get3A_1026 : vector<16xf32> to vector<1x1x16xf32>
      tpu.vector_store %arg8[%swap3A_1028, %swap3A_1029, %swap3A_1030], %swap3A_1033 {add = true, strides = array<i32>} : memref<6x128x128xf32, #tpu.memory_space<vmem>>, vector<1x1x16xf32>,
      %get3A_1034 = arith.index_cast %add3A_991 : i32 to index
      %get3A_1035 = arith.constant 64 : index
      %get3A_1036 = tpu.vector_load %arg7[%get3A_1034, %get3A_1035] {strides = array<i32>} : memref<128x128xf32, #tpu.memory_space<vmem>>, vector<1x16xf32>,
      %get3A_1037 = vector.shape_cast %get3A_1036 : vector<1x16xf32> to vector<16xf32>
      %swap3A_1038 = arith.constant 3 : i32
      %swap3A_1039 = arith.index_cast %swap3A_1038 : i32 to index
      %swap3A_1040 = arith.index_cast %add3A_991 : i32 to index
      %swap3A_1041 = arith.constant 64 : index
      %swap3A_1042 = tpu.vector_load %arg8[%swap3A_1039, %swap3A_1040, %swap3A_1041] {strides = array<i32>} : memref<6x128x128xf32, #tpu.memory_space<vmem>>, vector<1x1x16xf32>,
      %swap3A_1043 = vector.shape_cast %swap3A_1042 : vector<1x1x16xf32> to vector<16xf32>
      %swap3A_1044 = vector.shape_cast %get3A_1037 : vector<16xf32> to vector<1x1x16xf32>
      tpu.vector_store %arg8[%swap3A_1039, %swap3A_1040, %swap3A_1041], %swap3A_1044 {add = true, strides = array<i32>} : memref<6x128x128xf32, #tpu.memory_space<vmem>>, vector<1x1x16xf32>,
      %get3A_1045 = arith.index_cast %add3A_991 : i32 to index
      %get3A_1046 = arith.constant 80 : index
      %get3A_1047 = tpu.vector_load %arg7[%get3A_1045, %get3A_1046] {strides = array<i32>} : memref<128x128xf32, #tpu.memory_space<vmem>>, vector<1x16xf32>,
      %get3A_1048 = vector.shape_cast %get3A_1047 : vector<1x16xf32> to vector<16xf32>
      %swap3A_1049 = arith.constant 3 : i32
      %swap3A_1050 = arith.index_cast %swap3A_1049 : i32 to index
      %swap3A_1051 = arith.index_cast %add3A_991 : i32 to index
      %swap3A_1052 = arith.constant 80 : index
      %swap3A_1053 = tpu.vector_load %arg8[%swap3A_1050, %swap3A_1051, %swap3A_1052] {strides = array<i32>} : memref<6x128x128xf32, #tpu.memory_space<vmem>>, vector<1x1x16xf32>,
      %swap3A_1054 = vector.shape_cast %swap3A_1053 : vector<1x1x16xf32> to vector<16xf32>
      %swap3A_1055 = vector.shape_cast %get3A_1048 : vector<16xf32> to vector<1x1x16xf32>
      tpu.vector_store %arg8[%swap3A_1050, %swap3A_1051, %swap3A_1052], %swap3A_1055 {add = true, strides = array<i32>} : memref<6x128x128xf32, #tpu.memory_space<vmem>>, vector<1x1x16xf32>,
      %get3A_1056 = arith.index_cast %add3A_991 : i32 to index
      %get3A_1057 = arith.constant 96 : index
      %get3A_1058 = tpu.vector_load %arg7[%get3A_1056, %get3A_1057] {strides = array<i32>} : memref<128x128xf32, #tpu.memory_space<vmem>>, vector<1x16xf32>,
      %get3A_1059 = vector.shape_cast %get3A_1058 : vector<1x16xf32> to vector<16xf32>
      %swap3A_1060 = arith.constant 3 : i32
      %swap3A_1061 = arith.index_cast %swap3A_1060 : i32 to index
      %swap3A_1062 = arith.index_cast %add3A_991 : i32 to index
      %swap3A_1063 = arith.constant 96 : index
      %swap3A_1064 = tpu.vector_load %arg8[%swap3A_1061, %swap3A_1062, %swap3A_1063] {strides = array<i32>} : memref<6x128x128xf32, #tpu.memory_space<vmem>>, vector<1x1x16xf32>,
      %swap3A_1065 = vector.shape_cast %swap3A_1064 : vector<1x1x16xf32> to vector<16xf32>
      %swap3A_1066 = vector.shape_cast %get3A_1059 : vector<16xf32> to vector<1x1x16xf32>
      tpu.vector_store %arg8[%swap3A_1061, %swap3A_1062, %swap3A_1063], %swap3A_1066 {add = true, strides = array<i32>} : memref<6x128x128xf32, #tpu.memory_space<vmem>>, vector<1x1x16xf32>,
      %get3A_1067 = arith.index_cast %add3A_991 : i32 to index
      %get3A_1068 = arith.constant 112 : index
      %get3A_1069 = tpu.vector_load %arg7[%get3A_1067, %get3A_1068] {strides = array<i32>} : memref<128x128xf32, #tpu.memory_space<vmem>>, vector<1x16xf32>,
      %get3A_1070 = vector.shape_cast %get3A_1069 : vector<1x16xf32> to vector<16xf32>
      %swap3A_1071 = arith.constant 3 : i32
      %swap3A_1072 = arith.index_cast %swap3A_1071 : i32 to index
      %swap3A_1073 = arith.index_cast %add3A_991 : i32 to index
      %swap3A_1074 = arith.constant 112 : index
      %swap3A_1075 = tpu.vector_load %arg8[%swap3A_1072, %swap3A_1073, %swap3A_1074] {strides = array<i32>} : memref<6x128x128xf32, #tpu.memory_space<vmem>>, vector<1x1x16xf32>,
      %swap3A_1076 = vector.shape_cast %swap3A_1075 : vector<1x1x16xf32> to vector<16xf32>
      %swap3A_1077 = vector.shape_cast %get3A_1070 : vector<16xf32> to vector<1x1x16xf32>
      tpu.vector_store %arg8[%swap3A_1072, %swap3A_1073, %swap3A_1074], %swap3A_1077 {add = true, strides = array<i32>} : memref<6x128x128xf32, #tpu.memory_space<vmem>>, vector<1x1x16xf32>,
    }
    %scan3A_255 = arith.constant 128 : i32
    %add3A_256 = arith.constant 3 : i32
    %add3A_257 = arith.addi %mul3A_2, %add3A_256 : i32
    %dma_start3A_258 = arith.constant 3 : i32
    %dma_start3A_259 = arith.constant 0 : i32
    %dma_start3A_260 = arith.constant 0 : i32
    %dma_start3A_261 = tpu.memref_slice %arg8[%dma_start3A_258, %dma_start3A_259, %dma_start3A_260] : memref<6x128x128xf32, #tpu.memory_space<vmem>> -> memref<1x128x128xf32, #tpu.memory_space<vmem>>
    %dma_start3A_262 = tpu.memref_squeeze %dma_start3A_261 : memref<1x128x128xf32, #tpu.memory_space<vmem>> -> memref<128x128xf32, #tpu.memory_space<vmem>>
    %dma_start3A_263 = arith.constant 0 : i32
    %dma_start3A_264 = tpu.memref_slice %arg5[%add3A_257, %mul3A_0, %dma_start3A_263] : memref<32x2048x128xf32, #tpu.memory_space<hbm>> -> memref<1x128x128xf32, #tpu.memory_space<hbm>>
    %dma_start3A_265 = tpu.memref_squeeze %dma_start3A_264 : memref<1x128x128xf32, #tpu.memory_space<hbm>> -> memref<128x128xf32, #tpu.memory_space<hbm>>
    %dma_start3A_266 = arith.constant 0 : i32
    %dma_start3A_267 = tpu.memref_slice %arg5[%add3A_257, %mul3A_0, %dma_start3A_266] : memref<32x2048x128xf32, #tpu.memory_space<hbm>> -> memref<1x128x128xf32, #tpu.memory_space<hbm>>
    %dma_start3A_268 = tpu.memref_squeeze %dma_start3A_267 : memref<1x128x128xf32, #tpu.memory_space<hbm>> -> memref<128x128xf32, #tpu.memory_space<hbm>>
    %dma_start3A_269 = arith.constant 0 : i32
    %dma_start3A_270 = arith.constant 0 : i32
    %dma_start3A_271 = tpu.memref_slice %arg8[%dma_start3A_258, %dma_start3A_269, %dma_start3A_270] : memref<6x128x128xf32, #tpu.memory_space<vmem>> -> memref<1x128x128xf32, #tpu.memory_space<vmem>>
    %dma_start3A_272 = tpu.memref_squeeze %dma_start3A_271 : memref<1x128x128xf32, #tpu.memory_space<vmem>> -> memref<128x128xf32, #tpu.memory_space<vmem>>
    tpu.enqueue_dma source(%dma_start3A_272 : memref<128x128xf32, #tpu.memory_space<vmem>>) target(%dma_start3A_268 : memref<128x128xf32, #tpu.memory_space<hbm>>) target_semaphore(%arg18 : memref<!tpu.dma_semaphore, #tpu.memory_space<semaphore_mem>>)
    %dma_wait3A_273 = arith.constant 2 : i32
    %dma_wait3A_274 = arith.constant 0 : i32
    %dma_wait3A_275 = arith.constant 0 : i32
    %dma_wait3A_276 = tpu.memref_slice %arg8[%dma_wait3A_273, %dma_wait3A_274, %dma_wait3A_275] : memref<6x128x128xf32, #tpu.memory_space<vmem>> -> memref<1x128x128xf32, #tpu.memory_space<vmem>>
    %dma_wait3A_277 = tpu.memref_squeeze %dma_wait3A_276 : memref<1x128x128xf32, #tpu.memory_space<vmem>> -> memref<128x128xf32, #tpu.memory_space<vmem>>
    %dma_wait3A_278 = arith.constant 0 : i32
    %dma_wait3A_279 = tpu.memref_slice %arg5[%add3A_196, %mul3A_0, %dma_wait3A_278] : memref<32x2048x128xf32, #tpu.memory_space<hbm>> -> memref<1x128x128xf32, #tpu.memory_space<hbm>>
    %dma_wait3A_280 = tpu.memref_squeeze %dma_wait3A_279 : memref<1x128x128xf32, #tpu.memory_space<hbm>> -> memref<128x128xf32, #tpu.memory_space<hbm>>
    %dma_wait3A_281 = arith.constant 0 : i32
    %dma_wait3A_282 = tpu.memref_slice %arg5[%add3A_196, %mul3A_0, %dma_wait3A_281] : memref<32x2048x128xf32, #tpu.memory_space<hbm>> -> memref<1x128x128xf32, #tpu.memory_space<hbm>>
    %dma_wait3A_283 = tpu.memref_squeeze %dma_wait3A_282 : memref<1x128x128xf32, #tpu.memory_space<hbm>> -> memref<128x128xf32, #tpu.memory_space<hbm>>
    %dma_wait3A_284 = arith.constant 0 : i32
    %dma_wait3A_285 = arith.constant 0 : i32
    %dma_wait3A_286 = tpu.memref_slice %arg8[%dma_wait3A_273, %dma_wait3A_284, %dma_wait3A_285] : memref<6x128x128xf32, #tpu.memory_space<vmem>> -> memref<1x128x128xf32, #tpu.memory_space<vmem>>
    %dma_wait3A_287 = tpu.memref_squeeze %dma_wait3A_286 : memref<1x128x128xf32, #tpu.memory_space<vmem>> -> memref<128x128xf32, #tpu.memory_space<vmem>>
    tpu.wait_dma2 semaphore(%arg17 : memref<!tpu.dma_semaphore, #tpu.memory_space<semaphore_mem>>) src(%dma_wait3A_287 : memref<128x128xf32, #tpu.memory_space<vmem>>) dst(%dma_wait3A_283 : memref<128x128xf32, #tpu.memory_space<hbm>>)
    %dma_start3A_288 = arith.constant 8 : i32
    %dma_start3A_289 = arith.constant 2 : i32
    %dma_start3A_290 = arith.constant 0 : i32
    %dma_start3A_291 = arith.constant 0 : i32
    %dma_start3A_292 = tpu.memref_slice %arg8[%dma_start3A_289, %dma_start3A_290, %dma_start3A_291] : memref<6x128x128xf32, #tpu.memory_space<vmem>> -> memref<1x128x128xf32, #tpu.memory_space<vmem>>
    %dma_start3A_293 = tpu.memref_squeeze %dma_start3A_292 : memref<1x128x128xf32, #tpu.memory_space<vmem>> -> memref<128x128xf32, #tpu.memory_space<vmem>>
    %dma_start3A_294 = arith.constant 0 : i32
    %dma_start3A_295 = tpu.memref_slice %arg6[%dma_start3A_288, %dma_start3A_294] : memref<16x128xi32, #tpu.memory_space<vmem>> -> memref<1x128xi32, #tpu.memory_space<vmem>>
    %dma_start3A_296 = tpu.memref_squeeze %dma_start3A_295 : memref<1x128xi32, #tpu.memory_space<vmem>> -> memref<128xi32, #tpu.memory_space<vmem>>
    %dma_start3A_297 = arith.constant 0 : i32
    %dma_start3A_298 = arith.constant 0 : i32
    %dma_start3A_299 = tpu.memref_slice %arg3[%dma_start3A_297, %dma_start3A_298] : memref<100000x128xf32, #tpu.memory_space<hbm>> -> memref<100000x128xf32, #tpu.memory_space<hbm>>
    tpu.enqueue_indirect_dma source(%dma_start3A_299 : memref<100000x128xf32, #tpu.memory_space<hbm>>) target(%dma_start3A_293 : memref<128x128xf32, #tpu.memory_space<vmem>>) offsets(%dma_start3A_296 : memref<128xi32, #tpu.memory_space<vmem>>) semaphore(%arg11 : memref<!tpu.dma_semaphore, #tpu.memory_space<semaphore_mem>>)
    %dma_wait3A_300 = arith.constant 4 : i32
    %dma_wait3A_301 = arith.constant 4 : i32
    %dma_wait3A_302 = arith.constant 0 : i32
    %dma_wait3A_303 = arith.constant 0 : i32
    %dma_wait3A_304 = tpu.memref_slice %arg8[%dma_wait3A_301, %dma_wait3A_302, %dma_wait3A_303] : memref<6x128x128xf32, #tpu.memory_space<vmem>> -> memref<1x128x128xf32, #tpu.memory_space<vmem>>
    %dma_wait3A_305 = tpu.memref_squeeze %dma_wait3A_304 : memref<1x128x128xf32, #tpu.memory_space<vmem>> -> memref<128x128xf32, #tpu.memory_space<vmem>>
    %dma_wait3A_306 = arith.constant 0 : i32
    %dma_wait3A_307 = tpu.memref_slice %arg6[%dma_wait3A_300, %dma_wait3A_306] : memref<16x128xi32, #tpu.memory_space<vmem>> -> memref<1x128xi32, #tpu.memory_space<vmem>>
    %dma_wait3A_308 = tpu.memref_squeeze %dma_wait3A_307 : memref<1x128xi32, #tpu.memory_space<vmem>> -> memref<128xi32, #tpu.memory_space<vmem>>
    %dma_wait3A_309 = arith.constant 0 : i32
    %dma_wait3A_310 = arith.constant 0 : i32
    %dma_wait3A_311 = tpu.memref_slice %arg3[%dma_wait3A_309, %dma_wait3A_310] : memref<100000x128xf32, #tpu.memory_space<hbm>> -> memref<100000x128xf32, #tpu.memory_space<hbm>>
    tpu.wait_indirect_dma semaphore(%arg13 : memref<!tpu.dma_semaphore, #tpu.memory_space<semaphore_mem>>) src(%dma_wait3A_311 : memref<100000x128xf32, #tpu.memory_space<hbm>>) dst(%dma_wait3A_305 : memref<128x128xf32, #tpu.memory_space<vmem>>)
    %scan3A_312 = arith.constant 0 : i32
    %scan3A_313 = arith.constant 128 : i32
    %scan3A_314 = arith.addi %scan3A_312, %scan3A_313 : i32
    %scan3A_315 = arith.constant 1 : i32
    scf.for %scan3A_987 = %scan3A_312 to %scan3A_314 step %scan3A_315  : i32 {
      %mul3A_988 = arith.constant 1 : i32
      %mul3A_989 = arith.muli %scan3A_987, %mul3A_988 : i32
      %add3A_990 = arith.constant 0 : i32
      %add3A_991 = arith.addi %add3A_990, %mul3A_989 : i32
      %get3A = arith.index_cast %add3A_991 : i32 to index
      %get3A_992 = arith.constant 0 : index
      %get3A_993 = tpu.vector_load %arg7[%get3A, %get3A_992] {strides = array<i32>} : memref<128x128xf32, #tpu.memory_space<vmem>>, vector<1x16xf32>,
      %get3A_994 = vector.shape_cast %get3A_993 : vector<1x16xf32> to vector<16xf32>
      %swap3A = arith.constant 4 : i32
      %swap3A_995 = arith.index_cast %swap3A : i32 to index
      %swap3A_996 = arith.index_cast %add3A_991 : i32 to index
      %swap3A_997 = arith.constant 0 : index
      %swap3A_998 = tpu.vector_load %arg8[%swap3A_995, %swap3A_996, %swap3A_997] {strides = array<i32>} : memref<6x128x128xf32, #tpu.memory_space<vmem>>, vector<1x1x16xf32>,
      %swap3A_999 = vector.shape_cast %swap3A_998 : vector<1x1x16xf32> to vector<16xf32>
      %swap3A_1000 = vector.shape_cast %get3A_994 : vector<16xf32> to vector<1x1x16xf32>
      tpu.vector_store %arg8[%swap3A_995, %swap3A_996, %swap3A_997], %swap3A_1000 {add = true, strides = array<i32>} : memref<6x128x128xf32, #tpu.memory_space<vmem>>, vector<1x1x16xf32>,
      %get3A_1001 = arith.index_cast %add3A_991 : i32 to index
      %get3A_1002 = arith.constant 16 : index
      %get3A_1003 = tpu.vector_load %arg7[%get3A_1001, %get3A_1002] {strides = array<i32>} : memref<128x128xf32, #tpu.memory_space<vmem>>, vector<1x16xf32>,
      %get3A_1004 = vector.shape_cast %get3A_1003 : vector<1x16xf32> to vector<16xf32>
      %swap3A_1005 = arith.constant 4 : i32
      %swap3A_1006 = arith.index_cast %swap3A_1005 : i32 to index
      %swap3A_1007 = arith.index_cast %add3A_991 : i32 to index
      %swap3A_1008 = arith.constant 16 : index
      %swap3A_1009 = tpu.vector_load %arg8[%swap3A_1006, %swap3A_1007, %swap3A_1008] {strides = array<i32>} : memref<6x128x128xf32, #tpu.memory_space<vmem>>, vector<1x1x16xf32>,
      %swap3A_1010 = vector.shape_cast %swap3A_1009 : vector<1x1x16xf32> to vector<16xf32>
      %swap3A_1011 = vector.shape_cast %get3A_1004 : vector<16xf32> to vector<1x1x16xf32>
      tpu.vector_store %arg8[%swap3A_1006, %swap3A_1007, %swap3A_1008], %swap3A_1011 {add = true, strides = array<i32>} : memref<6x128x128xf32, #tpu.memory_space<vmem>>, vector<1x1x16xf32>,
      %get3A_1012 = arith.index_cast %add3A_991 : i32 to index
      %get3A_1013 = arith.constant 32 : index
      %get3A_1014 = tpu.vector_load %arg7[%get3A_1012, %get3A_1013] {strides = array<i32>} : memref<128x128xf32, #tpu.memory_space<vmem>>, vector<1x16xf32>,
      %get3A_1015 = vector.shape_cast %get3A_1014 : vector<1x16xf32> to vector<16xf32>
      %swap3A_1016 = arith.constant 4 : i32
      %swap3A_1017 = arith.index_cast %swap3A_1016 : i32 to index
      %swap3A_1018 = arith.index_cast %add3A_991 : i32 to index
      %swap3A_1019 = arith.constant 32 : index
      %swap3A_1020 = tpu.vector_load %arg8[%swap3A_1017, %swap3A_1018, %swap3A_1019] {strides = array<i32>} : memref<6x128x128xf32, #tpu.memory_space<vmem>>, vector<1x1x16xf32>,
      %swap3A_1021 = vector.shape_cast %swap3A_1020 : vector<1x1x16xf32> to vector<16xf32>
      %swap3A_1022 = vector.shape_cast %get3A_1015 : vector<16xf32> to vector<1x1x16xf32>
      tpu.vector_store %arg8[%swap3A_1017, %swap3A_1018, %swap3A_1019], %swap3A_1022 {add = true, strides = array<i32>} : memref<6x128x128xf32, #tpu.memory_space<vmem>>, vector<1x1x16xf32>,
      %get3A_1023 = arith.index_cast %add3A_991 : i32 to index
      %get3A_1024 = arith.constant 48 : index
      %get3A_1025 = tpu.vector_load %arg7[%get3A_1023, %get3A_1024] {strides = array<i32>} : memref<128x128xf32, #tpu.memory_space<vmem>>, vector<1x16xf32>,
      %get3A_1026 = vector.shape_cast %get3A_1025 : vector<1x16xf32> to vector<16xf32>
      %swap3A_1027 = arith.constant 4 : i32
      %swap3A_1028 = arith.index_cast %swap3A_1027 : i32 to index
      %swap3A_1029 = arith.index_cast %add3A_991 : i32 to index
      %swap3A_1030 = arith.constant 48 : index
      %swap3A_1031 = tpu.vector_load %arg8[%swap3A_1028, %swap3A_1029, %swap3A_1030] {strides = array<i32>} : memref<6x128x128xf32, #tpu.memory_space<vmem>>, vector<1x1x16xf32>,
      %swap3A_1032 = vector.shape_cast %swap3A_1031 : vector<1x1x16xf32> to vector<16xf32>
      %swap3A_1033 = vector.shape_cast %get3A_1026 : vector<16xf32> to vector<1x1x16xf32>
      tpu.vector_store %arg8[%swap3A_1028, %swap3A_1029, %swap3A_1030], %swap3A_1033 {add = true, strides = array<i32>} : memref<6x128x128xf32, #tpu.memory_space<vmem>>, vector<1x1x16xf32>,
      %get3A_1034 = arith.index_cast %add3A_991 : i32 to index
      %get3A_1035 = arith.constant 64 : index
      %get3A_1036 = tpu.vector_load %arg7[%get3A_1034, %get3A_1035] {strides = array<i32>} : memref<128x128xf32, #tpu.memory_space<vmem>>, vector<1x16xf32>,
      %get3A_1037 = vector.shape_cast %get3A_1036 : vector<1x16xf32> to vector<16xf32>
      %swap3A_1038 = arith.constant 4 : i32
      %swap3A_1039 = arith.index_cast %swap3A_1038 : i32 to index
      %swap3A_1040 = arith.index_cast %add3A_991 : i32 to index
      %swap3A_1041 = arith.constant 64 : index
      %swap3A_1042 = tpu.vector_load %arg8[%swap3A_1039, %swap3A_1040, %swap3A_1041] {strides = array<i32>} : memref<6x128x128xf32, #tpu.memory_space<vmem>>, vector<1x1x16xf32>,
      %swap3A_1043 = vector.shape_cast %swap3A_1042 : vector<1x1x16xf32> to vector<16xf32>
      %swap3A_1044 = vector.shape_cast %get3A_1037 : vector<16xf32> to vector<1x1x16xf32>
      tpu.vector_store %arg8[%swap3A_1039, %swap3A_1040, %swap3A_1041], %swap3A_1044 {add = true, strides = array<i32>} : memref<6x128x128xf32, #tpu.memory_space<vmem>>, vector<1x1x16xf32>,
      %get3A_1045 = arith.index_cast %add3A_991 : i32 to index
      %get3A_1046 = arith.constant 80 : index
      %get3A_1047 = tpu.vector_load %arg7[%get3A_1045, %get3A_1046] {strides = array<i32>} : memref<128x128xf32, #tpu.memory_space<vmem>>, vector<1x16xf32>,
      %get3A_1048 = vector.shape_cast %get3A_1047 : vector<1x16xf32> to vector<16xf32>
      %swap3A_1049 = arith.constant 4 : i32
      %swap3A_1050 = arith.index_cast %swap3A_1049 : i32 to index
      %swap3A_1051 = arith.index_cast %add3A_991 : i32 to index
      %swap3A_1052 = arith.constant 80 : index
      %swap3A_1053 = tpu.vector_load %arg8[%swap3A_1050, %swap3A_1051, %swap3A_1052] {strides = array<i32>} : memref<6x128x128xf32, #tpu.memory_space<vmem>>, vector<1x1x16xf32>,
      %swap3A_1054 = vector.shape_cast %swap3A_1053 : vector<1x1x16xf32> to vector<16xf32>
      %swap3A_1055 = vector.shape_cast %get3A_1048 : vector<16xf32> to vector<1x1x16xf32>
      tpu.vector_store %arg8[%swap3A_1050, %swap3A_1051, %swap3A_1052], %swap3A_1055 {add = true, strides = array<i32>} : memref<6x128x128xf32, #tpu.memory_space<vmem>>, vector<1x1x16xf32>,
      %get3A_1056 = arith.index_cast %add3A_991 : i32 to index
      %get3A_1057 = arith.constant 96 : index
      %get3A_1058 = tpu.vector_load %arg7[%get3A_1056, %get3A_1057] {strides = array<i32>} : memref<128x128xf32, #tpu.memory_space<vmem>>, vector<1x16xf32>,
      %get3A_1059 = vector.shape_cast %get3A_1058 : vector<1x16xf32> to vector<16xf32>
      %swap3A_1060 = arith.constant 4 : i32
      %swap3A_1061 = arith.index_cast %swap3A_1060 : i32 to index
      %swap3A_1062 = arith.index_cast %add3A_991 : i32 to index
      %swap3A_1063 = arith.constant 96 : index
      %swap3A_1064 = tpu.vector_load %arg8[%swap3A_1061, %swap3A_1062, %swap3A_1063] {strides = array<i32>} : memref<6x128x128xf32, #tpu.memory_space<vmem>>, vector<1x1x16xf32>,
      %swap3A_1065 = vector.shape_cast %swap3A_1064 : vector<1x1x16xf32> to vector<16xf32>
      %swap3A_1066 = vector.shape_cast %get3A_1059 : vector<16xf32> to vector<1x1x16xf32>
      tpu.vector_store %arg8[%swap3A_1061, %swap3A_1062, %swap3A_1063], %swap3A_1066 {add = true, strides = array<i32>} : memref<6x128x128xf32, #tpu.memory_space<vmem>>, vector<1x1x16xf32>,
      %get3A_1067 = arith.index_cast %add3A_991 : i32 to index
      %get3A_1068 = arith.constant 112 : index
      %get3A_1069 = tpu.vector_load %arg7[%get3A_1067, %get3A_1068] {strides = array<i32>} : memref<128x128xf32, #tpu.memory_space<vmem>>, vector<1x16xf32>,
      %get3A_1070 = vector.shape_cast %get3A_1069 : vector<1x16xf32> to vector<16xf32>
      %swap3A_1071 = arith.constant 4 : i32
      %swap3A_1072 = arith.index_cast %swap3A_1071 : i32 to index
      %swap3A_1073 = arith.index_cast %add3A_991 : i32 to index
      %swap3A_1074 = arith.constant 112 : index
      %swap3A_1075 = tpu.vector_load %arg8[%swap3A_1072, %swap3A_1073, %swap3A_1074] {strides = array<i32>} : memref<6x128x128xf32, #tpu.memory_space<vmem>>, vector<1x1x16xf32>,
      %swap3A_1076 = vector.shape_cast %swap3A_1075 : vector<1x1x16xf32> to vector<16xf32>
      %swap3A_1077 = vector.shape_cast %get3A_1070 : vector<16xf32> to vector<1x1x16xf32>
      tpu.vector_store %arg8[%swap3A_1072, %swap3A_1073, %swap3A_1074], %swap3A_1077 {add = true, strides = array<i32>} : memref<6x128x128xf32, #tpu.memory_space<vmem>>, vector<1x1x16xf32>,
    }
    %scan3A_316 = arith.constant 128 : i32
    %add3A_317 = arith.constant 4 : i32
    %add3A_318 = arith.addi %mul3A_2, %add3A_317 : i32
    %dma_start3A_319 = arith.constant 4 : i32
    %dma_start3A_320 = arith.constant 0 : i32
    %dma_start3A_321 = arith.constant 0 : i32
    %dma_start3A_322 = tpu.memref_slice %arg8[%dma_start3A_319, %dma_start3A_320, %dma_start3A_321] : memref<6x128x128xf32, #tpu.memory_space<vmem>> -> memref<1x128x128xf32, #tpu.memory_space<vmem>>
    %dma_start3A_323 = tpu.memref_squeeze %dma_start3A_322 : memref<1x128x128xf32, #tpu.memory_space<vmem>> -> memref<128x128xf32, #tpu.memory_space<vmem>>
    %dma_start3A_324 = arith.constant 0 : i32
    %dma_start3A_325 = tpu.memref_slice %arg5[%add3A_318, %mul3A_0, %dma_start3A_324] : memref<32x2048x128xf32, #tpu.memory_space<hbm>> -> memref<1x128x128xf32, #tpu.memory_space<hbm>>
    %dma_start3A_326 = tpu.memref_squeeze %dma_start3A_325 : memref<1x128x128xf32, #tpu.memory_space<hbm>> -> memref<128x128xf32, #tpu.memory_space<hbm>>
    %dma_start3A_327 = arith.constant 0 : i32
    %dma_start3A_328 = tpu.memref_slice %arg5[%add3A_318, %mul3A_0, %dma_start3A_327] : memref<32x2048x128xf32, #tpu.memory_space<hbm>> -> memref<1x128x128xf32, #tpu.memory_space<hbm>>
    %dma_start3A_329 = tpu.memref_squeeze %dma_start3A_328 : memref<1x128x128xf32, #tpu.memory_space<hbm>> -> memref<128x128xf32, #tpu.memory_space<hbm>>
    %dma_start3A_330 = arith.constant 0 : i32
    %dma_start3A_331 = arith.constant 0 : i32
    %dma_start3A_332 = tpu.memref_slice %arg8[%dma_start3A_319, %dma_start3A_330, %dma_start3A_331] : memref<6x128x128xf32, #tpu.memory_space<vmem>> -> memref<1x128x128xf32, #tpu.memory_space<vmem>>
    %dma_start3A_333 = tpu.memref_squeeze %dma_start3A_332 : memref<1x128x128xf32, #tpu.memory_space<vmem>> -> memref<128x128xf32, #tpu.memory_space<vmem>>
    tpu.enqueue_dma source(%dma_start3A_333 : memref<128x128xf32, #tpu.memory_space<vmem>>) target(%dma_start3A_329 : memref<128x128xf32, #tpu.memory_space<hbm>>) target_semaphore(%arg19 : memref<!tpu.dma_semaphore, #tpu.memory_space<semaphore_mem>>)
    %dma_wait3A_334 = arith.constant 3 : i32
    %dma_wait3A_335 = arith.constant 0 : i32
    %dma_wait3A_336 = arith.constant 0 : i32
    %dma_wait3A_337 = tpu.memref_slice %arg8[%dma_wait3A_334, %dma_wait3A_335, %dma_wait3A_336] : memref<6x128x128xf32, #tpu.memory_space<vmem>> -> memref<1x128x128xf32, #tpu.memory_space<vmem>>
    %dma_wait3A_338 = tpu.memref_squeeze %dma_wait3A_337 : memref<1x128x128xf32, #tpu.memory_space<vmem>> -> memref<128x128xf32, #tpu.memory_space<vmem>>
    %dma_wait3A_339 = arith.constant 0 : i32
    %dma_wait3A_340 = tpu.memref_slice %arg5[%add3A_257, %mul3A_0, %dma_wait3A_339] : memref<32x2048x128xf32, #tpu.memory_space<hbm>> -> memref<1x128x128xf32, #tpu.memory_space<hbm>>
    %dma_wait3A_341 = tpu.memref_squeeze %dma_wait3A_340 : memref<1x128x128xf32, #tpu.memory_space<hbm>> -> memref<128x128xf32, #tpu.memory_space<hbm>>
    %dma_wait3A_342 = arith.constant 0 : i32
    %dma_wait3A_343 = tpu.memref_slice %arg5[%add3A_257, %mul3A_0, %dma_wait3A_342] : memref<32x2048x128xf32, #tpu.memory_space<hbm>> -> memref<1x128x128xf32, #tpu.memory_space<hbm>>
    %dma_wait3A_344 = tpu.memref_squeeze %dma_wait3A_343 : memref<1x128x128xf32, #tpu.memory_space<hbm>> -> memref<128x128xf32, #tpu.memory_space<hbm>>
    %dma_wait3A_345 = arith.constant 0 : i32
    %dma_wait3A_346 = arith.constant 0 : i32
    %dma_wait3A_347 = tpu.memref_slice %arg8[%dma_wait3A_334, %dma_wait3A_345, %dma_wait3A_346] : memref<6x128x128xf32, #tpu.memory_space<vmem>> -> memref<1x128x128xf32, #tpu.memory_space<vmem>>
    %dma_wait3A_348 = tpu.memref_squeeze %dma_wait3A_347 : memref<1x128x128xf32, #tpu.memory_space<vmem>> -> memref<128x128xf32, #tpu.memory_space<vmem>>
    tpu.wait_dma2 semaphore(%arg18 : memref<!tpu.dma_semaphore, #tpu.memory_space<semaphore_mem>>) src(%dma_wait3A_348 : memref<128x128xf32, #tpu.memory_space<vmem>>) dst(%dma_wait3A_344 : memref<128x128xf32, #tpu.memory_space<hbm>>)
    %dma_start3A_349 = arith.constant 9 : i32
    %dma_start3A_350 = arith.constant 3 : i32
    %dma_start3A_351 = arith.constant 0 : i32
    %dma_start3A_352 = arith.constant 0 : i32
    %dma_start3A_353 = tpu.memref_slice %arg8[%dma_start3A_350, %dma_start3A_351, %dma_start3A_352] : memref<6x128x128xf32, #tpu.memory_space<vmem>> -> memref<1x128x128xf32, #tpu.memory_space<vmem>>
    %dma_start3A_354 = tpu.memref_squeeze %dma_start3A_353 : memref<1x128x128xf32, #tpu.memory_space<vmem>> -> memref<128x128xf32, #tpu.memory_space<vmem>>
    %dma_start3A_355 = arith.constant 0 : i32
    %dma_start3A_356 = tpu.memref_slice %arg6[%dma_start3A_349, %dma_start3A_355] : memref<16x128xi32, #tpu.memory_space<vmem>> -> memref<1x128xi32, #tpu.memory_space<vmem>>
    %dma_start3A_357 = tpu.memref_squeeze %dma_start3A_356 : memref<1x128xi32, #tpu.memory_space<vmem>> -> memref<128xi32, #tpu.memory_space<vmem>>
    %dma_start3A_358 = arith.constant 0 : i32
    %dma_start3A_359 = arith.constant 0 : i32
    %dma_start3A_360 = tpu.memref_slice %arg3[%dma_start3A_358, %dma_start3A_359] : memref<100000x128xf32, #tpu.memory_space<hbm>> -> memref<100000x128xf32, #tpu.memory_space<hbm>>
    tpu.enqueue_indirect_dma source(%dma_start3A_360 : memref<100000x128xf32, #tpu.memory_space<hbm>>) target(%dma_start3A_354 : memref<128x128xf32, #tpu.memory_space<vmem>>) offsets(%dma_start3A_357 : memref<128xi32, #tpu.memory_space<vmem>>) semaphore(%arg12 : memref<!tpu.dma_semaphore, #tpu.memory_space<semaphore_mem>>)
    %dma_wait3A_361 = arith.constant 5 : i32
    %dma_wait3A_362 = arith.constant 5 : i32
    %dma_wait3A_363 = arith.constant 0 : i32
    %dma_wait3A_364 = arith.constant 0 : i32
    %dma_wait3A_365 = tpu.memref_slice %arg8[%dma_wait3A_362, %dma_wait3A_363, %dma_wait3A_364] : memref<6x128x128xf32, #tpu.memory_space<vmem>> -> memref<1x128x128xf32, #tpu.memory_space<vmem>>
    %dma_wait3A_366 = tpu.memref_squeeze %dma_wait3A_365 : memref<1x128x128xf32, #tpu.memory_space<vmem>> -> memref<128x128xf32, #tpu.memory_space<vmem>>
    %dma_wait3A_367 = arith.constant 0 : i32
    %dma_wait3A_368 = tpu.memref_slice %arg6[%dma_wait3A_361, %dma_wait3A_367] : memref<16x128xi32, #tpu.memory_space<vmem>> -> memref<1x128xi32, #tpu.memory_space<vmem>>
    %dma_wait3A_369 = tpu.memref_squeeze %dma_wait3A_368 : memref<1x128xi32, #tpu.memory_space<vmem>> -> memref<128xi32, #tpu.memory_space<vmem>>
    %dma_wait3A_370 = arith.constant 0 : i32
    %dma_wait3A_371 = arith.constant 0 : i32
    %dma_wait3A_372 = tpu.memref_slice %arg3[%dma_wait3A_370, %dma_wait3A_371] : memref<100000x128xf32, #tpu.memory_space<hbm>> -> memref<100000x128xf32, #tpu.memory_space<hbm>>
    tpu.wait_indirect_dma semaphore(%arg14 : memref<!tpu.dma_semaphore, #tpu.memory_space<semaphore_mem>>) src(%dma_wait3A_372 : memref<100000x128xf32, #tpu.memory_space<hbm>>) dst(%dma_wait3A_366 : memref<128x128xf32, #tpu.memory_space<vmem>>)
    %scan3A_373 = arith.constant 0 : i32
    %scan3A_374 = arith.constant 128 : i32
    %scan3A_375 = arith.addi %scan3A_373, %scan3A_374 : i32
    %scan3A_376 = arith.constant 1 : i32
    scf.for %scan3A_987 = %scan3A_373 to %scan3A_375 step %scan3A_376  : i32 {
      %mul3A_988 = arith.constant 1 : i32
      %mul3A_989 = arith.muli %scan3A_987, %mul3A_988 : i32
      %add3A_990 = arith.constant 0 : i32
      %add3A_991 = arith.addi %add3A_990, %mul3A_989 : i32
      %get3A = arith.index_cast %add3A_991 : i32 to index
      %get3A_992 = arith.constant 0 : index
      %get3A_993 = tpu.vector_load %arg7[%get3A, %get3A_992] {strides = array<i32>} : memref<128x128xf32, #tpu.memory_space<vmem>>, vector<1x16xf32>,
      %get3A_994 = vector.shape_cast %get3A_993 : vector<1x16xf32> to vector<16xf32>
      %swap3A = arith.constant 5 : i32
      %swap3A_995 = arith.index_cast %swap3A : i32 to index
      %swap3A_996 = arith.index_cast %add3A_991 : i32 to index
      %swap3A_997 = arith.constant 0 : index
      %swap3A_998 = tpu.vector_load %arg8[%swap3A_995, %swap3A_996, %swap3A_997] {strides = array<i32>} : memref<6x128x128xf32, #tpu.memory_space<vmem>>, vector<1x1x16xf32>,
      %swap3A_999 = vector.shape_cast %swap3A_998 : vector<1x1x16xf32> to vector<16xf32>
      %swap3A_1000 = vector.shape_cast %get3A_994 : vector<16xf32> to vector<1x1x16xf32>
      tpu.vector_store %arg8[%swap3A_995, %swap3A_996, %swap3A_997], %swap3A_1000 {add = true, strides = array<i32>} : memref<6x128x128xf32, #tpu.memory_space<vmem>>, vector<1x1x16xf32>,
      %get3A_1001 = arith.index_cast %add3A_991 : i32 to index
      %get3A_1002 = arith.constant 16 : index
      %get3A_1003 = tpu.vector_load %arg7[%get3A_1001, %get3A_1002] {strides = array<i32>} : memref<128x128xf32, #tpu.memory_space<vmem>>, vector<1x16xf32>,
      %get3A_1004 = vector.shape_cast %get3A_1003 : vector<1x16xf32> to vector<16xf32>
      %swap3A_1005 = arith.constant 5 : i32
      %swap3A_1006 = arith.index_cast %swap3A_1005 : i32 to index
      %swap3A_1007 = arith.index_cast %add3A_991 : i32 to index
      %swap3A_1008 = arith.constant 16 : index
      %swap3A_1009 = tpu.vector_load %arg8[%swap3A_1006, %swap3A_1007, %swap3A_1008] {strides = array<i32>} : memref<6x128x128xf32, #tpu.memory_space<vmem>>, vector<1x1x16xf32>,
      %swap3A_1010 = vector.shape_cast %swap3A_1009 : vector<1x1x16xf32> to vector<16xf32>
      %swap3A_1011 = vector.shape_cast %get3A_1004 : vector<16xf32> to vector<1x1x16xf32>
      tpu.vector_store %arg8[%swap3A_1006, %swap3A_1007, %swap3A_1008], %swap3A_1011 {add = true, strides = array<i32>} : memref<6x128x128xf32, #tpu.memory_space<vmem>>, vector<1x1x16xf32>,
      %get3A_1012 = arith.index_cast %add3A_991 : i32 to index
      %get3A_1013 = arith.constant 32 : index
      %get3A_1014 = tpu.vector_load %arg7[%get3A_1012, %get3A_1013] {strides = array<i32>} : memref<128x128xf32, #tpu.memory_space<vmem>>, vector<1x16xf32>,
      %get3A_1015 = vector.shape_cast %get3A_1014 : vector<1x16xf32> to vector<16xf32>
      %swap3A_1016 = arith.constant 5 : i32
      %swap3A_1017 = arith.index_cast %swap3A_1016 : i32 to index
      %swap3A_1018 = arith.index_cast %add3A_991 : i32 to index
      %swap3A_1019 = arith.constant 32 : index
      %swap3A_1020 = tpu.vector_load %arg8[%swap3A_1017, %swap3A_1018, %swap3A_1019] {strides = array<i32>} : memref<6x128x128xf32, #tpu.memory_space<vmem>>, vector<1x1x16xf32>,
      %swap3A_1021 = vector.shape_cast %swap3A_1020 : vector<1x1x16xf32> to vector<16xf32>
      %swap3A_1022 = vector.shape_cast %get3A_1015 : vector<16xf32> to vector<1x1x16xf32>
      tpu.vector_store %arg8[%swap3A_1017, %swap3A_1018, %swap3A_1019], %swap3A_1022 {add = true, strides = array<i32>} : memref<6x128x128xf32, #tpu.memory_space<vmem>>, vector<1x1x16xf32>,
      %get3A_1023 = arith.index_cast %add3A_991 : i32 to index
      %get3A_1024 = arith.constant 48 : index
      %get3A_1025 = tpu.vector_load %arg7[%get3A_1023, %get3A_1024] {strides = array<i32>} : memref<128x128xf32, #tpu.memory_space<vmem>>, vector<1x16xf32>,
      %get3A_1026 = vector.shape_cast %get3A_1025 : vector<1x16xf32> to vector<16xf32>
      %swap3A_1027 = arith.constant 5 : i32
      %swap3A_1028 = arith.index_cast %swap3A_1027 : i32 to index
      %swap3A_1029 = arith.index_cast %add3A_991 : i32 to index
      %swap3A_1030 = arith.constant 48 : index
      %swap3A_1031 = tpu.vector_load %arg8[%swap3A_1028, %swap3A_1029, %swap3A_1030] {strides = array<i32>} : memref<6x128x128xf32, #tpu.memory_space<vmem>>, vector<1x1x16xf32>,
      %swap3A_1032 = vector.shape_cast %swap3A_1031 : vector<1x1x16xf32> to vector<16xf32>
      %swap3A_1033 = vector.shape_cast %get3A_1026 : vector<16xf32> to vector<1x1x16xf32>
      tpu.vector_store %arg8[%swap3A_1028, %swap3A_1029, %swap3A_1030], %swap3A_1033 {add = true, strides = array<i32>} : memref<6x128x128xf32, #tpu.memory_space<vmem>>, vector<1x1x16xf32>,
      %get3A_1034 = arith.index_cast %add3A_991 : i32 to index
      %get3A_1035 = arith.constant 64 : index
      %get3A_1036 = tpu.vector_load %arg7[%get3A_1034, %get3A_1035] {strides = array<i32>} : memref<128x128xf32, #tpu.memory_space<vmem>>, vector<1x16xf32>,
      %get3A_1037 = vector.shape_cast %get3A_1036 : vector<1x16xf32> to vector<16xf32>
      %swap3A_1038 = arith.constant 5 : i32
      %swap3A_1039 = arith.index_cast %swap3A_1038 : i32 to index
      %swap3A_1040 = arith.index_cast %add3A_991 : i32 to index
      %swap3A_1041 = arith.constant 64 : index
      %swap3A_1042 = tpu.vector_load %arg8[%swap3A_1039, %swap3A_1040, %swap3A_1041] {strides = array<i32>} : memref<6x128x128xf32, #tpu.memory_space<vmem>>, vector<1x1x16xf32>,
      %swap3A_1043 = vector.shape_cast %swap3A_1042 : vector<1x1x16xf32> to vector<16xf32>
      %swap3A_1044 = vector.shape_cast %get3A_1037 : vector<16xf32> to vector<1x1x16xf32>
      tpu.vector_store %arg8[%swap3A_1039, %swap3A_1040, %swap3A_1041], %swap3A_1044 {add = true, strides = array<i32>} : memref<6x128x128xf32, #tpu.memory_space<vmem>>, vector<1x1x16xf32>,
      %get3A_1045 = arith.index_cast %add3A_991 : i32 to index
      %get3A_1046 = arith.constant 80 : index
      %get3A_1047 = tpu.vector_load %arg7[%get3A_1045, %get3A_1046] {strides = array<i32>} : memref<128x128xf32, #tpu.memory_space<vmem>>, vector<1x16xf32>,
      %get3A_1048 = vector.shape_cast %get3A_1047 : vector<1x16xf32> to vector<16xf32>
      %swap3A_1049 = arith.constant 5 : i32
      %swap3A_1050 = arith.index_cast %swap3A_1049 : i32 to index
      %swap3A_1051 = arith.index_cast %add3A_991 : i32 to index
      %swap3A_1052 = arith.constant 80 : index
      %swap3A_1053 = tpu.vector_load %arg8[%swap3A_1050, %swap3A_1051, %swap3A_1052] {strides = array<i32>} : memref<6x128x128xf32, #tpu.memory_space<vmem>>, vector<1x1x16xf32>,
      %swap3A_1054 = vector.shape_cast %swap3A_1053 : vector<1x1x16xf32> to vector<16xf32>
      %swap3A_1055 = vector.shape_cast %get3A_1048 : vector<16xf32> to vector<1x1x16xf32>
      tpu.vector_store %arg8[%swap3A_1050, %swap3A_1051, %swap3A_1052], %swap3A_1055 {add = true, strides = array<i32>} : memref<6x128x128xf32, #tpu.memory_space<vmem>>, vector<1x1x16xf32>,
      %get3A_1056 = arith.index_cast %add3A_991 : i32 to index
      %get3A_1057 = arith.constant 96 : index
      %get3A_1058 = tpu.vector_load %arg7[%get3A_1056, %get3A_1057] {strides = array<i32>} : memref<128x128xf32, #tpu.memory_space<vmem>>, vector<1x16xf32>,
      %get3A_1059 = vector.shape_cast %get3A_1058 : vector<1x16xf32> to vector<16xf32>
      %swap3A_1060 = arith.constant 5 : i32
      %swap3A_1061 = arith.index_cast %swap3A_1060 : i32 to index
      %swap3A_1062 = arith.index_cast %add3A_991 : i32 to index
      %swap3A_1063 = arith.constant 96 : index
      %swap3A_1064 = tpu.vector_load %arg8[%swap3A_1061, %swap3A_1062, %swap3A_1063] {strides = array<i32>} : memref<6x128x128xf32, #tpu.memory_space<vmem>>, vector<1x1x16xf32>,
      %swap3A_1065 = vector.shape_cast %swap3A_1064 : vector<1x1x16xf32> to vector<16xf32>
      %swap3A_1066 = vector.shape_cast %get3A_1059 : vector<16xf32> to vector<1x1x16xf32>
      tpu.vector_store %arg8[%swap3A_1061, %swap3A_1062, %swap3A_1063], %swap3A_1066 {add = true, strides = array<i32>} : memref<6x128x128xf32, #tpu.memory_space<vmem>>, vector<1x1x16xf32>,
      %get3A_1067 = arith.index_cast %add3A_991 : i32 to index
      %get3A_1068 = arith.constant 112 : index
      %get3A_1069 = tpu.vector_load %arg7[%get3A_1067, %get3A_1068] {strides = array<i32>} : memref<128x128xf32, #tpu.memory_space<vmem>>, vector<1x16xf32>,
      %get3A_1070 = vector.shape_cast %get3A_1069 : vector<1x16xf32> to vector<16xf32>
      %swap3A_1071 = arith.constant 5 : i32
      %swap3A_1072 = arith.index_cast %swap3A_1071 : i32 to index
      %swap3A_1073 = arith.index_cast %add3A_991 : i32 to index
      %swap3A_1074 = arith.constant 112 : index
      %swap3A_1075 = tpu.vector_load %arg8[%swap3A_1072, %swap3A_1073, %swap3A_1074] {strides = array<i32>} : memref<6x128x128xf32, #tpu.memory_space<vmem>>, vector<1x1x16xf32>,
      %swap3A_1076 = vector.shape_cast %swap3A_1075 : vector<1x1x16xf32> to vector<16xf32>
      %swap3A_1077 = vector.shape_cast %get3A_1070 : vector<16xf32> to vector<1x1x16xf32>
      tpu.vector_store %arg8[%swap3A_1072, %swap3A_1073, %swap3A_1074], %swap3A_1077 {add = true, strides = array<i32>} : memref<6x128x128xf32, #tpu.memory_space<vmem>>, vector<1x1x16xf32>,
    }
    %scan3A_377 = arith.constant 128 : i32
    %add3A_378 = arith.constant 5 : i32
    %add3A_379 = arith.addi %mul3A_2, %add3A_378 : i32
    %dma_start3A_380 = arith.constant 5 : i32
    %dma_start3A_381 = arith.constant 0 : i32
    %dma_start3A_382 = arith.constant 0 : i32
    %dma_start3A_383 = tpu.memref_slice %arg8[%dma_start3A_380, %dma_start3A_381, %dma_start3A_382] : memref<6x128x128xf32, #tpu.memory_space<vmem>> -> memref<1x128x128xf32, #tpu.memory_space<vmem>>
    %dma_start3A_384 = tpu.memref_squeeze %dma_start3A_383 : memref<1x128x128xf32, #tpu.memory_space<vmem>> -> memref<128x128xf32, #tpu.memory_space<vmem>>
    %dma_start3A_385 = arith.constant 0 : i32
    %dma_start3A_386 = tpu.memref_slice %arg5[%add3A_379, %mul3A_0, %dma_start3A_385] : memref<32x2048x128xf32, #tpu.memory_space<hbm>> -> memref<1x128x128xf32, #tpu.memory_space<hbm>>
    %dma_start3A_387 = tpu.memref_squeeze %dma_start3A_386 : memref<1x128x128xf32, #tpu.memory_space<hbm>> -> memref<128x128xf32, #tpu.memory_space<hbm>>
    %dma_start3A_388 = arith.constant 0 : i32
    %dma_start3A_389 = tpu.memref_slice %arg5[%add3A_379, %mul3A_0, %dma_start3A_388] : memref<32x2048x128xf32, #tpu.memory_space<hbm>> -> memref<1x128x128xf32, #tpu.memory_space<hbm>>
    %dma_start3A_390 = tpu.memref_squeeze %dma_start3A_389 : memref<1x128x128xf32, #tpu.memory_space<hbm>> -> memref<128x128xf32, #tpu.memory_space<hbm>>
    %dma_start3A_391 = arith.constant 0 : i32
    %dma_start3A_392 = arith.constant 0 : i32
    %dma_start3A_393 = tpu.memref_slice %arg8[%dma_start3A_380, %dma_start3A_391, %dma_start3A_392] : memref<6x128x128xf32, #tpu.memory_space<vmem>> -> memref<1x128x128xf32, #tpu.memory_space<vmem>>
    %dma_start3A_394 = tpu.memref_squeeze %dma_start3A_393 : memref<1x128x128xf32, #tpu.memory_space<vmem>> -> memref<128x128xf32, #tpu.memory_space<vmem>>
    tpu.enqueue_dma source(%dma_start3A_394 : memref<128x128xf32, #tpu.memory_space<vmem>>) target(%dma_start3A_390 : memref<128x128xf32, #tpu.memory_space<hbm>>) target_semaphore(%arg20 : memref<!tpu.dma_semaphore, #tpu.memory_space<semaphore_mem>>)
    %dma_wait3A_395 = arith.constant 4 : i32
    %dma_wait3A_396 = arith.constant 0 : i32
    %dma_wait3A_397 = arith.constant 0 : i32
    %dma_wait3A_398 = tpu.memref_slice %arg8[%dma_wait3A_395, %dma_wait3A_396, %dma_wait3A_397] : memref<6x128x128xf32, #tpu.memory_space<vmem>> -> memref<1x128x128xf32, #tpu.memory_space<vmem>>
    %dma_wait3A_399 = tpu.memref_squeeze %dma_wait3A_398 : memref<1x128x128xf32, #tpu.memory_space<vmem>> -> memref<128x128xf32, #tpu.memory_space<vmem>>
    %dma_wait3A_400 = arith.constant 0 : i32
    %dma_wait3A_401 = tpu.memref_slice %arg5[%add3A_318, %mul3A_0, %dma_wait3A_400] : memref<32x2048x128xf32, #tpu.memory_space<hbm>> -> memref<1x128x128xf32, #tpu.memory_space<hbm>>
    %dma_wait3A_402 = tpu.memref_squeeze %dma_wait3A_401 : memref<1x128x128xf32, #tpu.memory_space<hbm>> -> memref<128x128xf32, #tpu.memory_space<hbm>>
    %dma_wait3A_403 = arith.constant 0 : i32
    %dma_wait3A_404 = tpu.memref_slice %arg5[%add3A_318, %mul3A_0, %dma_wait3A_403] : memref<32x2048x128xf32, #tpu.memory_space<hbm>> -> memref<1x128x128xf32, #tpu.memory_space<hbm>>
    %dma_wait3A_405 = tpu.memref_squeeze %dma_wait3A_404 : memref<1x128x128xf32, #tpu.memory_space<hbm>> -> memref<128x128xf32, #tpu.memory_space<hbm>>
    %dma_wait3A_406 = arith.constant 0 : i32
    %dma_wait3A_407 = arith.constant 0 : i32
    %dma_wait3A_408 = tpu.memref_slice %arg8[%dma_wait3A_395, %dma_wait3A_406, %dma_wait3A_407] : memref<6x128x128xf32, #tpu.memory_space<vmem>> -> memref<1x128x128xf32, #tpu.memory_space<vmem>>
    %dma_wait3A_409 = tpu.memref_squeeze %dma_wait3A_408 : memref<1x128x128xf32, #tpu.memory_space<vmem>> -> memref<128x128xf32, #tpu.memory_space<vmem>>
    tpu.wait_dma2 semaphore(%arg19 : memref<!tpu.dma_semaphore, #tpu.memory_space<semaphore_mem>>) src(%dma_wait3A_409 : memref<128x128xf32, #tpu.memory_space<vmem>>) dst(%dma_wait3A_405 : memref<128x128xf32, #tpu.memory_space<hbm>>)
    %dma_start3A_410 = arith.constant 10 : i32
    %dma_start3A_411 = arith.constant 4 : i32
    %dma_start3A_412 = arith.constant 0 : i32
    %dma_start3A_413 = arith.constant 0 : i32
    %dma_start3A_414 = tpu.memref_slice %arg8[%dma_start3A_411, %dma_start3A_412, %dma_start3A_413] : memref<6x128x128xf32, #tpu.memory_space<vmem>> -> memref<1x128x128xf32, #tpu.memory_space<vmem>>
    %dma_start3A_415 = tpu.memref_squeeze %dma_start3A_414 : memref<1x128x128xf32, #tpu.memory_space<vmem>> -> memref<128x128xf32, #tpu.memory_space<vmem>>
    %dma_start3A_416 = arith.constant 0 : i32
    %dma_start3A_417 = tpu.memref_slice %arg6[%dma_start3A_410, %dma_start3A_416] : memref<16x128xi32, #tpu.memory_space<vmem>> -> memref<1x128xi32, #tpu.memory_space<vmem>>
    %dma_start3A_418 = tpu.memref_squeeze %dma_start3A_417 : memref<1x128xi32, #tpu.memory_space<vmem>> -> memref<128xi32, #tpu.memory_space<vmem>>
    %dma_start3A_419 = arith.constant 0 : i32
    %dma_start3A_420 = arith.constant 0 : i32
    %dma_start3A_421 = tpu.memref_slice %arg3[%dma_start3A_419, %dma_start3A_420] : memref<100000x128xf32, #tpu.memory_space<hbm>> -> memref<100000x128xf32, #tpu.memory_space<hbm>>
    tpu.enqueue_indirect_dma source(%dma_start3A_421 : memref<100000x128xf32, #tpu.memory_space<hbm>>) target(%dma_start3A_415 : memref<128x128xf32, #tpu.memory_space<vmem>>) offsets(%dma_start3A_418 : memref<128xi32, #tpu.memory_space<vmem>>) semaphore(%arg13 : memref<!tpu.dma_semaphore, #tpu.memory_space<semaphore_mem>>)
    %dma_wait3A_422 = arith.constant 6 : i32
    %dma_wait3A_423 = arith.constant 0 : i32
    %dma_wait3A_424 = arith.constant 0 : i32
    %dma_wait3A_425 = arith.constant 0 : i32
    %dma_wait3A_426 = tpu.memref_slice %arg8[%dma_wait3A_423, %dma_wait3A_424, %dma_wait3A_425] : memref<6x128x128xf32, #tpu.memory_space<vmem>> -> memref<1x128x128xf32, #tpu.memory_space<vmem>>
    %dma_wait3A_427 = tpu.memref_squeeze %dma_wait3A_426 : memref<1x128x128xf32, #tpu.memory_space<vmem>> -> memref<128x128xf32, #tpu.memory_space<vmem>>
    %dma_wait3A_428 = arith.constant 0 : i32
    %dma_wait3A_429 = tpu.memref_slice %arg6[%dma_wait3A_422, %dma_wait3A_428] : memref<16x128xi32, #tpu.memory_space<vmem>> -> memref<1x128xi32, #tpu.memory_space<vmem>>
    %dma_wait3A_430 = tpu.memref_squeeze %dma_wait3A_429 : memref<1x128xi32, #tpu.memory_space<vmem>> -> memref<128xi32, #tpu.memory_space<vmem>>
    %dma_wait3A_431 = arith.constant 0 : i32
    %dma_wait3A_432 = arith.constant 0 : i32
    %dma_wait3A_433 = tpu.memref_slice %arg3[%dma_wait3A_431, %dma_wait3A_432] : memref<100000x128xf32, #tpu.memory_space<hbm>> -> memref<100000x128xf32, #tpu.memory_space<hbm>>
    tpu.wait_indirect_dma semaphore(%arg9 : memref<!tpu.dma_semaphore, #tpu.memory_space<semaphore_mem>>) src(%dma_wait3A_433 : memref<100000x128xf32, #tpu.memory_space<hbm>>) dst(%dma_wait3A_427 : memref<128x128xf32, #tpu.memory_space<vmem>>)
    %scan3A_434 = arith.constant 0 : i32
    %scan3A_435 = arith.constant 128 : i32
    %scan3A_436 = arith.addi %scan3A_434, %scan3A_435 : i32
    %scan3A_437 = arith.constant 1 : i32
    scf.for %scan3A_987 = %scan3A_434 to %scan3A_436 step %scan3A_437  : i32 {
      %mul3A_988 = arith.constant 1 : i32
      %mul3A_989 = arith.muli %scan3A_987, %mul3A_988 : i32
      %add3A_990 = arith.constant 0 : i32
      %add3A_991 = arith.addi %add3A_990, %mul3A_989 : i32
      %get3A = arith.index_cast %add3A_991 : i32 to index
      %get3A_992 = arith.constant 0 : index
      %get3A_993 = tpu.vector_load %arg7[%get3A, %get3A_992] {strides = array<i32>} : memref<128x128xf32, #tpu.memory_space<vmem>>, vector<1x16xf32>,
      %get3A_994 = vector.shape_cast %get3A_993 : vector<1x16xf32> to vector<16xf32>
      %swap3A = arith.constant 0 : i32
      %swap3A_995 = arith.index_cast %swap3A : i32 to index
      %swap3A_996 = arith.index_cast %add3A_991 : i32 to index
      %swap3A_997 = arith.constant 0 : index
      %swap3A_998 = tpu.vector_load %arg8[%swap3A_995, %swap3A_996, %swap3A_997] {strides = array<i32>} : memref<6x128x128xf32, #tpu.memory_space<vmem>>, vector<1x1x16xf32>,
      %swap3A_999 = vector.shape_cast %swap3A_998 : vector<1x1x16xf32> to vector<16xf32>
      %swap3A_1000 = vector.shape_cast %get3A_994 : vector<16xf32> to vector<1x1x16xf32>
      tpu.vector_store %arg8[%swap3A_995, %swap3A_996, %swap3A_997], %swap3A_1000 {add = true, strides = array<i32>} : memref<6x128x128xf32, #tpu.memory_space<vmem>>, vector<1x1x16xf32>,
      %get3A_1001 = arith.index_cast %add3A_991 : i32 to index
      %get3A_1002 = arith.constant 16 : index
      %get3A_1003 = tpu.vector_load %arg7[%get3A_1001, %get3A_1002] {strides = array<i32>} : memref<128x128xf32, #tpu.memory_space<vmem>>, vector<1x16xf32>,
      %get3A_1004 = vector.shape_cast %get3A_1003 : vector<1x16xf32> to vector<16xf32>
      %swap3A_1005 = arith.constant 0 : i32
      %swap3A_1006 = arith.index_cast %swap3A_1005 : i32 to index
      %swap3A_1007 = arith.index_cast %add3A_991 : i32 to index
      %swap3A_1008 = arith.constant 16 : index
      %swap3A_1009 = tpu.vector_load %arg8[%swap3A_1006, %swap3A_1007, %swap3A_1008] {strides = array<i32>} : memref<6x128x128xf32, #tpu.memory_space<vmem>>, vector<1x1x16xf32>,
      %swap3A_1010 = vector.shape_cast %swap3A_1009 : vector<1x1x16xf32> to vector<16xf32>
      %swap3A_1011 = vector.shape_cast %get3A_1004 : vector<16xf32> to vector<1x1x16xf32>
      tpu.vector_store %arg8[%swap3A_1006, %swap3A_1007, %swap3A_1008], %swap3A_1011 {add = true, strides = array<i32>} : memref<6x128x128xf32, #tpu.memory_space<vmem>>, vector<1x1x16xf32>,
      %get3A_1012 = arith.index_cast %add3A_991 : i32 to index
      %get3A_1013 = arith.constant 32 : index
      %get3A_1014 = tpu.vector_load %arg7[%get3A_1012, %get3A_1013] {strides = array<i32>} : memref<128x128xf32, #tpu.memory_space<vmem>>, vector<1x16xf32>,
      %get3A_1015 = vector.shape_cast %get3A_1014 : vector<1x16xf32> to vector<16xf32>
      %swap3A_1016 = arith.constant 0 : i32
      %swap3A_1017 = arith.index_cast %swap3A_1016 : i32 to index
      %swap3A_1018 = arith.index_cast %add3A_991 : i32 to index
      %swap3A_1019 = arith.constant 32 : index
      %swap3A_1020 = tpu.vector_load %arg8[%swap3A_1017, %swap3A_1018, %swap3A_1019] {strides = array<i32>} : memref<6x128x128xf32, #tpu.memory_space<vmem>>, vector<1x1x16xf32>,
      %swap3A_1021 = vector.shape_cast %swap3A_1020 : vector<1x1x16xf32> to vector<16xf32>
      %swap3A_1022 = vector.shape_cast %get3A_1015 : vector<16xf32> to vector<1x1x16xf32>
      tpu.vector_store %arg8[%swap3A_1017, %swap3A_1018, %swap3A_1019], %swap3A_1022 {add = true, strides = array<i32>} : memref<6x128x128xf32, #tpu.memory_space<vmem>>, vector<1x1x16xf32>,
      %get3A_1023 = arith.index_cast %add3A_991 : i32 to index
      %get3A_1024 = arith.constant 48 : index
      %get3A_1025 = tpu.vector_load %arg7[%get3A_1023, %get3A_1024] {strides = array<i32>} : memref<128x128xf32, #tpu.memory_space<vmem>>, vector<1x16xf32>,
      %get3A_1026 = vector.shape_cast %get3A_1025 : vector<1x16xf32> to vector<16xf32>
      %swap3A_1027 = arith.constant 0 : i32
      %swap3A_1028 = arith.index_cast %swap3A_1027 : i32 to index
      %swap3A_1029 = arith.index_cast %add3A_991 : i32 to index
      %swap3A_1030 = arith.constant 48 : index
      %swap3A_1031 = tpu.vector_load %arg8[%swap3A_1028, %swap3A_1029, %swap3A_1030] {strides = array<i32>} : memref<6x128x128xf32, #tpu.memory_space<vmem>>, vector<1x1x16xf32>,
      %swap3A_1032 = vector.shape_cast %swap3A_1031 : vector<1x1x16xf32> to vector<16xf32>
      %swap3A_1033 = vector.shape_cast %get3A_1026 : vector<16xf32> to vector<1x1x16xf32>
      tpu.vector_store %arg8[%swap3A_1028, %swap3A_1029, %swap3A_1030], %swap3A_1033 {add = true, strides = array<i32>} : memref<6x128x128xf32, #tpu.memory_space<vmem>>, vector<1x1x16xf32>,
      %get3A_1034 = arith.index_cast %add3A_991 : i32 to index
      %get3A_1035 = arith.constant 64 : index
      %get3A_1036 = tpu.vector_load %arg7[%get3A_1034, %get3A_1035] {strides = array<i32>} : memref<128x128xf32, #tpu.memory_space<vmem>>, vector<1x16xf32>,
      %get3A_1037 = vector.shape_cast %get3A_1036 : vector<1x16xf32> to vector<16xf32>
      %swap3A_1038 = arith.constant 0 : i32
      %swap3A_1039 = arith.index_cast %swap3A_1038 : i32 to index
      %swap3A_1040 = arith.index_cast %add3A_991 : i32 to index
      %swap3A_1041 = arith.constant 64 : index
      %swap3A_1042 = tpu.vector_load %arg8[%swap3A_1039, %swap3A_1040, %swap3A_1041] {strides = array<i32>} : memref<6x128x128xf32, #tpu.memory_space<vmem>>, vector<1x1x16xf32>,
      %swap3A_1043 = vector.shape_cast %swap3A_1042 : vector<1x1x16xf32> to vector<16xf32>
      %swap3A_1044 = vector.shape_cast %get3A_1037 : vector<16xf32> to vector<1x1x16xf32>
      tpu.vector_store %arg8[%swap3A_1039, %swap3A_1040, %swap3A_1041], %swap3A_1044 {add = true, strides = array<i32>} : memref<6x128x128xf32, #tpu.memory_space<vmem>>, vector<1x1x16xf32>,
      %get3A_1045 = arith.index_cast %add3A_991 : i32 to index
      %get3A_1046 = arith.constant 80 : index
      %get3A_1047 = tpu.vector_load %arg7[%get3A_1045, %get3A_1046] {strides = array<i32>} : memref<128x128xf32, #tpu.memory_space<vmem>>, vector<1x16xf32>,
      %get3A_1048 = vector.shape_cast %get3A_1047 : vector<1x16xf32> to vector<16xf32>
      %swap3A_1049 = arith.constant 0 : i32
      %swap3A_1050 = arith.index_cast %swap3A_1049 : i32 to index
      %swap3A_1051 = arith.index_cast %add3A_991 : i32 to index
      %swap3A_1052 = arith.constant 80 : index
      %swap3A_1053 = tpu.vector_load %arg8[%swap3A_1050, %swap3A_1051, %swap3A_1052] {strides = array<i32>} : memref<6x128x128xf32, #tpu.memory_space<vmem>>, vector<1x1x16xf32>,
      %swap3A_1054 = vector.shape_cast %swap3A_1053 : vector<1x1x16xf32> to vector<16xf32>
      %swap3A_1055 = vector.shape_cast %get3A_1048 : vector<16xf32> to vector<1x1x16xf32>
      tpu.vector_store %arg8[%swap3A_1050, %swap3A_1051, %swap3A_1052], %swap3A_1055 {add = true, strides = array<i32>} : memref<6x128x128xf32, #tpu.memory_space<vmem>>, vector<1x1x16xf32>,
      %get3A_1056 = arith.index_cast %add3A_991 : i32 to index
      %get3A_1057 = arith.constant 96 : index
      %get3A_1058 = tpu.vector_load %arg7[%get3A_1056, %get3A_1057] {strides = array<i32>} : memref<128x128xf32, #tpu.memory_space<vmem>>, vector<1x16xf32>,
      %get3A_1059 = vector.shape_cast %get3A_1058 : vector<1x16xf32> to vector<16xf32>
      %swap3A_1060 = arith.constant 0 : i32
      %swap3A_1061 = arith.index_cast %swap3A_1060 : i32 to index
      %swap3A_1062 = arith.index_cast %add3A_991 : i32 to index
      %swap3A_1063 = arith.constant 96 : index
      %swap3A_1064 = tpu.vector_load %arg8[%swap3A_1061, %swap3A_1062, %swap3A_1063] {strides = array<i32>} : memref<6x128x128xf32, #tpu.memory_space<vmem>>, vector<1x1x16xf32>,
      %swap3A_1065 = vector.shape_cast %swap3A_1064 : vector<1x1x16xf32> to vector<16xf32>
      %swap3A_1066 = vector.shape_cast %get3A_1059 : vector<16xf32> to vector<1x1x16xf32>
      tpu.vector_store %arg8[%swap3A_1061, %swap3A_1062, %swap3A_1063], %swap3A_1066 {add = true, strides = array<i32>} : memref<6x128x128xf32, #tpu.memory_space<vmem>>, vector<1x1x16xf32>,
      %get3A_1067 = arith.index_cast %add3A_991 : i32 to index
      %get3A_1068 = arith.constant 112 : index
      %get3A_1069 = tpu.vector_load %arg7[%get3A_1067, %get3A_1068] {strides = array<i32>} : memref<128x128xf32, #tpu.memory_space<vmem>>, vector<1x16xf32>,
      %get3A_1070 = vector.shape_cast %get3A_1069 : vector<1x16xf32> to vector<16xf32>
      %swap3A_1071 = arith.constant 0 : i32
      %swap3A_1072 = arith.index_cast %swap3A_1071 : i32 to index
      %swap3A_1073 = arith.index_cast %add3A_991 : i32 to index
      %swap3A_1074 = arith.constant 112 : index
      %swap3A_1075 = tpu.vector_load %arg8[%swap3A_1072, %swap3A_1073, %swap3A_1074] {strides = array<i32>} : memref<6x128x128xf32, #tpu.memory_space<vmem>>, vector<1x1x16xf32>,
      %swap3A_1076 = vector.shape_cast %swap3A_1075 : vector<1x1x16xf32> to vector<16xf32>
      %swap3A_1077 = vector.shape_cast %get3A_1070 : vector<16xf32> to vector<1x1x16xf32>
      tpu.vector_store %arg8[%swap3A_1072, %swap3A_1073, %swap3A_1074], %swap3A_1077 {add = true, strides = array<i32>} : memref<6x128x128xf32, #tpu.memory_space<vmem>>, vector<1x1x16xf32>,
    }
    %scan3A_438 = arith.constant 128 : i32
    %add3A_439 = arith.constant 6 : i32
    %add3A_440 = arith.addi %mul3A_2, %add3A_439 : i32
    %dma_start3A_441 = arith.constant 0 : i32
    %dma_start3A_442 = arith.constant 0 : i32
    %dma_start3A_443 = arith.constant 0 : i32
    %dma_start3A_444 = tpu.memref_slice %arg8[%dma_start3A_441, %dma_start3A_442, %dma_start3A_443] : memref<6x128x128xf32, #tpu.memory_space<vmem>> -> memref<1x128x128xf32, #tpu.memory_space<vmem>>
    %dma_start3A_445 = tpu.memref_squeeze %dma_start3A_444 : memref<1x128x128xf32, #tpu.memory_space<vmem>> -> memref<128x128xf32, #tpu.memory_space<vmem>>
    %dma_start3A_446 = arith.constant 0 : i32
    %dma_start3A_447 = tpu.memref_slice %arg5[%add3A_440, %mul3A_0, %dma_start3A_446] : memref<32x2048x128xf32, #tpu.memory_space<hbm>> -> memref<1x128x128xf32, #tpu.memory_space<hbm>>
    %dma_start3A_448 = tpu.memref_squeeze %dma_start3A_447 : memref<1x128x128xf32, #tpu.memory_space<hbm>> -> memref<128x128xf32, #tpu.memory_space<hbm>>
    %dma_start3A_449 = arith.constant 0 : i32
    %dma_start3A_450 = tpu.memref_slice %arg5[%add3A_440, %mul3A_0, %dma_start3A_449] : memref<32x2048x128xf32, #tpu.memory_space<hbm>> -> memref<1x128x128xf32, #tpu.memory_space<hbm>>
    %dma_start3A_451 = tpu.memref_squeeze %dma_start3A_450 : memref<1x128x128xf32, #tpu.memory_space<hbm>> -> memref<128x128xf32, #tpu.memory_space<hbm>>
    %dma_start3A_452 = arith.constant 0 : i32
    %dma_start3A_453 = arith.constant 0 : i32
    %dma_start3A_454 = tpu.memref_slice %arg8[%dma_start3A_441, %dma_start3A_452, %dma_start3A_453] : memref<6x128x128xf32, #tpu.memory_space<vmem>> -> memref<1x128x128xf32, #tpu.memory_space<vmem>>
    %dma_start3A_455 = tpu.memref_squeeze %dma_start3A_454 : memref<1x128x128xf32, #tpu.memory_space<vmem>> -> memref<128x128xf32, #tpu.memory_space<vmem>>
    tpu.enqueue_dma source(%dma_start3A_455 : memref<128x128xf32, #tpu.memory_space<vmem>>) target(%dma_start3A_451 : memref<128x128xf32, #tpu.memory_space<hbm>>) target_semaphore(%arg15 : memref<!tpu.dma_semaphore, #tpu.memory_space<semaphore_mem>>)
    %dma_wait3A_456 = arith.constant 5 : i32
    %dma_wait3A_457 = arith.constant 0 : i32
    %dma_wait3A_458 = arith.constant 0 : i32
    %dma_wait3A_459 = tpu.memref_slice %arg8[%dma_wait3A_456, %dma_wait3A_457, %dma_wait3A_458] : memref<6x128x128xf32, #tpu.memory_space<vmem>> -> memref<1x128x128xf32, #tpu.memory_space<vmem>>
    %dma_wait3A_460 = tpu.memref_squeeze %dma_wait3A_459 : memref<1x128x128xf32, #tpu.memory_space<vmem>> -> memref<128x128xf32, #tpu.memory_space<vmem>>
    %dma_wait3A_461 = arith.constant 0 : i32
    %dma_wait3A_462 = tpu.memref_slice %arg5[%add3A_379, %mul3A_0, %dma_wait3A_461] : memref<32x2048x128xf32, #tpu.memory_space<hbm>> -> memref<1x128x128xf32, #tpu.memory_space<hbm>>
    %dma_wait3A_463 = tpu.memref_squeeze %dma_wait3A_462 : memref<1x128x128xf32, #tpu.memory_space<hbm>> -> memref<128x128xf32, #tpu.memory_space<hbm>>
    %dma_wait3A_464 = arith.constant 0 : i32
    %dma_wait3A_465 = tpu.memref_slice %arg5[%add3A_379, %mul3A_0, %dma_wait3A_464] : memref<32x2048x128xf32, #tpu.memory_space<hbm>> -> memref<1x128x128xf32, #tpu.memory_space<hbm>>
    %dma_wait3A_466 = tpu.memref_squeeze %dma_wait3A_465 : memref<1x128x128xf32, #tpu.memory_space<hbm>> -> memref<128x128xf32, #tpu.memory_space<hbm>>
    %dma_wait3A_467 = arith.constant 0 : i32
    %dma_wait3A_468 = arith.constant 0 : i32
    %dma_wait3A_469 = tpu.memref_slice %arg8[%dma_wait3A_456, %dma_wait3A_467, %dma_wait3A_468] : memref<6x128x128xf32, #tpu.memory_space<vmem>> -> memref<1x128x128xf32, #tpu.memory_space<vmem>>
    %dma_wait3A_470 = tpu.memref_squeeze %dma_wait3A_469 : memref<1x128x128xf32, #tpu.memory_space<vmem>> -> memref<128x128xf32, #tpu.memory_space<vmem>>
    tpu.wait_dma2 semaphore(%arg20 : memref<!tpu.dma_semaphore, #tpu.memory_space<semaphore_mem>>) src(%dma_wait3A_470 : memref<128x128xf32, #tpu.memory_space<vmem>>) dst(%dma_wait3A_466 : memref<128x128xf32, #tpu.memory_space<hbm>>)
    %dma_start3A_471 = arith.constant 11 : i32
    %dma_start3A_472 = arith.constant 5 : i32
    %dma_start3A_473 = arith.constant 0 : i32
    %dma_start3A_474 = arith.constant 0 : i32
    %dma_start3A_475 = tpu.memref_slice %arg8[%dma_start3A_472, %dma_start3A_473, %dma_start3A_474] : memref<6x128x128xf32, #tpu.memory_space<vmem>> -> memref<1x128x128xf32, #tpu.memory_space<vmem>>
    %dma_start3A_476 = tpu.memref_squeeze %dma_start3A_475 : memref<1x128x128xf32, #tpu.memory_space<vmem>> -> memref<128x128xf32, #tpu.memory_space<vmem>>
    %dma_start3A_477 = arith.constant 0 : i32
    %dma_start3A_478 = tpu.memref_slice %arg6[%dma_start3A_471, %dma_start3A_477] : memref<16x128xi32, #tpu.memory_space<vmem>> -> memref<1x128xi32, #tpu.memory_space<vmem>>
    %dma_start3A_479 = tpu.memref_squeeze %dma_start3A_478 : memref<1x128xi32, #tpu.memory_space<vmem>> -> memref<128xi32, #tpu.memory_space<vmem>>
    %dma_start3A_480 = arith.constant 0 : i32
    %dma_start3A_481 = arith.constant 0 : i32
    %dma_start3A_482 = tpu.memref_slice %arg3[%dma_start3A_480, %dma_start3A_481] : memref<100000x128xf32, #tpu.memory_space<hbm>> -> memref<100000x128xf32, #tpu.memory_space<hbm>>
    tpu.enqueue_indirect_dma source(%dma_start3A_482 : memref<100000x128xf32, #tpu.memory_space<hbm>>) target(%dma_start3A_476 : memref<128x128xf32, #tpu.memory_space<vmem>>) offsets(%dma_start3A_479 : memref<128xi32, #tpu.memory_space<vmem>>) semaphore(%arg14 : memref<!tpu.dma_semaphore, #tpu.memory_space<semaphore_mem>>)
    %dma_wait3A_483 = arith.constant 7 : i32
    %dma_wait3A_484 = arith.constant 1 : i32
    %dma_wait3A_485 = arith.constant 0 : i32
    %dma_wait3A_486 = arith.constant 0 : i32
    %dma_wait3A_487 = tpu.memref_slice %arg8[%dma_wait3A_484, %dma_wait3A_485, %dma_wait3A_486] : memref<6x128x128xf32, #tpu.memory_space<vmem>> -> memref<1x128x128xf32, #tpu.memory_space<vmem>>
    %dma_wait3A_488 = tpu.memref_squeeze %dma_wait3A_487 : memref<1x128x128xf32, #tpu.memory_space<vmem>> -> memref<128x128xf32, #tpu.memory_space<vmem>>
    %dma_wait3A_489 = arith.constant 0 : i32
    %dma_wait3A_490 = tpu.memref_slice %arg6[%dma_wait3A_483, %dma_wait3A_489] : memref<16x128xi32, #tpu.memory_space<vmem>> -> memref<1x128xi32, #tpu.memory_space<vmem>>
    %dma_wait3A_491 = tpu.memref_squeeze %dma_wait3A_490 : memref<1x128xi32, #tpu.memory_space<vmem>> -> memref<128xi32, #tpu.memory_space<vmem>>
    %dma_wait3A_492 = arith.constant 0 : i32
    %dma_wait3A_493 = arith.constant 0 : i32
    %dma_wait3A_494 = tpu.memref_slice %arg3[%dma_wait3A_492, %dma_wait3A_493] : memref<100000x128xf32, #tpu.memory_space<hbm>> -> memref<100000x128xf32, #tpu.memory_space<hbm>>
    tpu.wait_indirect_dma semaphore(%arg10 : memref<!tpu.dma_semaphore, #tpu.memory_space<semaphore_mem>>) src(%dma_wait3A_494 : memref<100000x128xf32, #tpu.memory_space<hbm>>) dst(%dma_wait3A_488 : memref<128x128xf32, #tpu.memory_space<vmem>>)
    %scan3A_495 = arith.constant 0 : i32
    %scan3A_496 = arith.constant 128 : i32
    %scan3A_497 = arith.addi %scan3A_495, %scan3A_496 : i32
    %scan3A_498 = arith.constant 1 : i32
    scf.for %scan3A_987 = %scan3A_495 to %scan3A_497 step %scan3A_498  : i32 {
      %mul3A_988 = arith.constant 1 : i32
      %mul3A_989 = arith.muli %scan3A_987, %mul3A_988 : i32
      %add3A_990 = arith.constant 0 : i32
      %add3A_991 = arith.addi %add3A_990, %mul3A_989 : i32
      %get3A = arith.index_cast %add3A_991 : i32 to index
      %get3A_992 = arith.constant 0 : index
      %get3A_993 = tpu.vector_load %arg7[%get3A, %get3A_992] {strides = array<i32>} : memref<128x128xf32, #tpu.memory_space<vmem>>, vector<1x16xf32>,
      %get3A_994 = vector.shape_cast %get3A_993 : vector<1x16xf32> to vector<16xf32>
      %swap3A = arith.constant 1 : i32
      %swap3A_995 = arith.index_cast %swap3A : i32 to index
      %swap3A_996 = arith.index_cast %add3A_991 : i32 to index
      %swap3A_997 = arith.constant 0 : index
      %swap3A_998 = tpu.vector_load %arg8[%swap3A_995, %swap3A_996, %swap3A_997] {strides = array<i32>} : memref<6x128x128xf32, #tpu.memory_space<vmem>>, vector<1x1x16xf32>,
      %swap3A_999 = vector.shape_cast %swap3A_998 : vector<1x1x16xf32> to vector<16xf32>
      %swap3A_1000 = vector.shape_cast %get3A_994 : vector<16xf32> to vector<1x1x16xf32>
      tpu.vector_store %arg8[%swap3A_995, %swap3A_996, %swap3A_997], %swap3A_1000 {add = true, strides = array<i32>} : memref<6x128x128xf32, #tpu.memory_space<vmem>>, vector<1x1x16xf32>,
      %get3A_1001 = arith.index_cast %add3A_991 : i32 to index
      %get3A_1002 = arith.constant 16 : index
      %get3A_1003 = tpu.vector_load %arg7[%get3A_1001, %get3A_1002] {strides = array<i32>} : memref<128x128xf32, #tpu.memory_space<vmem>>, vector<1x16xf32>,
      %get3A_1004 = vector.shape_cast %get3A_1003 : vector<1x16xf32> to vector<16xf32>
      %swap3A_1005 = arith.constant 1 : i32
      %swap3A_1006 = arith.index_cast %swap3A_1005 : i32 to index
      %swap3A_1007 = arith.index_cast %add3A_991 : i32 to index
      %swap3A_1008 = arith.constant 16 : index
      %swap3A_1009 = tpu.vector_load %arg8[%swap3A_1006, %swap3A_1007, %swap3A_1008] {strides = array<i32>} : memref<6x128x128xf32, #tpu.memory_space<vmem>>, vector<1x1x16xf32>,
      %swap3A_1010 = vector.shape_cast %swap3A_1009 : vector<1x1x16xf32> to vector<16xf32>
      %swap3A_1011 = vector.shape_cast %get3A_1004 : vector<16xf32> to vector<1x1x16xf32>
      tpu.vector_store %arg8[%swap3A_1006, %swap3A_1007, %swap3A_1008], %swap3A_1011 {add = true, strides = array<i32>} : memref<6x128x128xf32, #tpu.memory_space<vmem>>, vector<1x1x16xf32>,
      %get3A_1012 = arith.index_cast %add3A_991 : i32 to index
      %get3A_1013 = arith.constant 32 : index
      %get3A_1014 = tpu.vector_load %arg7[%get3A_1012, %get3A_1013] {strides = array<i32>} : memref<128x128xf32, #tpu.memory_space<vmem>>, vector<1x16xf32>,
      %get3A_1015 = vector.shape_cast %get3A_1014 : vector<1x16xf32> to vector<16xf32>
      %swap3A_1016 = arith.constant 1 : i32
      %swap3A_1017 = arith.index_cast %swap3A_1016 : i32 to index
      %swap3A_1018 = arith.index_cast %add3A_991 : i32 to index
      %swap3A_1019 = arith.constant 32 : index
      %swap3A_1020 = tpu.vector_load %arg8[%swap3A_1017, %swap3A_1018, %swap3A_1019] {strides = array<i32>} : memref<6x128x128xf32, #tpu.memory_space<vmem>>, vector<1x1x16xf32>,
      %swap3A_1021 = vector.shape_cast %swap3A_1020 : vector<1x1x16xf32> to vector<16xf32>
      %swap3A_1022 = vector.shape_cast %get3A_1015 : vector<16xf32> to vector<1x1x16xf32>
      tpu.vector_store %arg8[%swap3A_1017, %swap3A_1018, %swap3A_1019], %swap3A_1022 {add = true, strides = array<i32>} : memref<6x128x128xf32, #tpu.memory_space<vmem>>, vector<1x1x16xf32>,
      %get3A_1023 = arith.index_cast %add3A_991 : i32 to index
      %get3A_1024 = arith.constant 48 : index
      %get3A_1025 = tpu.vector_load %arg7[%get3A_1023, %get3A_1024] {strides = array<i32>} : memref<128x128xf32, #tpu.memory_space<vmem>>, vector<1x16xf32>,
      %get3A_1026 = vector.shape_cast %get3A_1025 : vector<1x16xf32> to vector<16xf32>
      %swap3A_1027 = arith.constant 1 : i32
      %swap3A_1028 = arith.index_cast %swap3A_1027 : i32 to index
      %swap3A_1029 = arith.index_cast %add3A_991 : i32 to index
      %swap3A_1030 = arith.constant 48 : index
      %swap3A_1031 = tpu.vector_load %arg8[%swap3A_1028, %swap3A_1029, %swap3A_1030] {strides = array<i32>} : memref<6x128x128xf32, #tpu.memory_space<vmem>>, vector<1x1x16xf32>,
      %swap3A_1032 = vector.shape_cast %swap3A_1031 : vector<1x1x16xf32> to vector<16xf32>
      %swap3A_1033 = vector.shape_cast %get3A_1026 : vector<16xf32> to vector<1x1x16xf32>
      tpu.vector_store %arg8[%swap3A_1028, %swap3A_1029, %swap3A_1030], %swap3A_1033 {add = true, strides = array<i32>} : memref<6x128x128xf32, #tpu.memory_space<vmem>>, vector<1x1x16xf32>,
      %get3A_1034 = arith.index_cast %add3A_991 : i32 to index
      %get3A_1035 = arith.constant 64 : index
      %get3A_1036 = tpu.vector_load %arg7[%get3A_1034, %get3A_1035] {strides = array<i32>} : memref<128x128xf32, #tpu.memory_space<vmem>>, vector<1x16xf32>,
      %get3A_1037 = vector.shape_cast %get3A_1036 : vector<1x16xf32> to vector<16xf32>
      %swap3A_1038 = arith.constant 1 : i32
      %swap3A_1039 = arith.index_cast %swap3A_1038 : i32 to index
      %swap3A_1040 = arith.index_cast %add3A_991 : i32 to index
      %swap3A_1041 = arith.constant 64 : index
      %swap3A_1042 = tpu.vector_load %arg8[%swap3A_1039, %swap3A_1040, %swap3A_1041] {strides = array<i32>} : memref<6x128x128xf32, #tpu.memory_space<vmem>>, vector<1x1x16xf32>,
      %swap3A_1043 = vector.shape_cast %swap3A_1042 : vector<1x1x16xf32> to vector<16xf32>
      %swap3A_1044 = vector.shape_cast %get3A_1037 : vector<16xf32> to vector<1x1x16xf32>
      tpu.vector_store %arg8[%swap3A_1039, %swap3A_1040, %swap3A_1041], %swap3A_1044 {add = true, strides = array<i32>} : memref<6x128x128xf32, #tpu.memory_space<vmem>>, vector<1x1x16xf32>,
      %get3A_1045 = arith.index_cast %add3A_991 : i32 to index
      %get3A_1046 = arith.constant 80 : index
      %get3A_1047 = tpu.vector_load %arg7[%get3A_1045, %get3A_1046] {strides = array<i32>} : memref<128x128xf32, #tpu.memory_space<vmem>>, vector<1x16xf32>,
      %get3A_1048 = vector.shape_cast %get3A_1047 : vector<1x16xf32> to vector<16xf32>
      %swap3A_1049 = arith.constant 1 : i32
      %swap3A_1050 = arith.index_cast %swap3A_1049 : i32 to index
      %swap3A_1051 = arith.index_cast %add3A_991 : i32 to index
      %swap3A_1052 = arith.constant 80 : index
      %swap3A_1053 = tpu.vector_load %arg8[%swap3A_1050, %swap3A_1051, %swap3A_1052] {strides = array<i32>} : memref<6x128x128xf32, #tpu.memory_space<vmem>>, vector<1x1x16xf32>,
      %swap3A_1054 = vector.shape_cast %swap3A_1053 : vector<1x1x16xf32> to vector<16xf32>
      %swap3A_1055 = vector.shape_cast %get3A_1048 : vector<16xf32> to vector<1x1x16xf32>
      tpu.vector_store %arg8[%swap3A_1050, %swap3A_1051, %swap3A_1052], %swap3A_1055 {add = true, strides = array<i32>} : memref<6x128x128xf32, #tpu.memory_space<vmem>>, vector<1x1x16xf32>,
      %get3A_1056 = arith.index_cast %add3A_991 : i32 to index
      %get3A_1057 = arith.constant 96 : index
      %get3A_1058 = tpu.vector_load %arg7[%get3A_1056, %get3A_1057] {strides = array<i32>} : memref<128x128xf32, #tpu.memory_space<vmem>>, vector<1x16xf32>,
      %get3A_1059 = vector.shape_cast %get3A_1058 : vector<1x16xf32> to vector<16xf32>
      %swap3A_1060 = arith.constant 1 : i32
      %swap3A_1061 = arith.index_cast %swap3A_1060 : i32 to index
      %swap3A_1062 = arith.index_cast %add3A_991 : i32 to index
      %swap3A_1063 = arith.constant 96 : index
      %swap3A_1064 = tpu.vector_load %arg8[%swap3A_1061, %swap3A_1062, %swap3A_1063] {strides = array<i32>} : memref<6x128x128xf32, #tpu.memory_space<vmem>>, vector<1x1x16xf32>,
      %swap3A_1065 = vector.shape_cast %swap3A_1064 : vector<1x1x16xf32> to vector<16xf32>
      %swap3A_1066 = vector.shape_cast %get3A_1059 : vector<16xf32> to vector<1x1x16xf32>
      tpu.vector_store %arg8[%swap3A_1061, %swap3A_1062, %swap3A_1063], %swap3A_1066 {add = true, strides = array<i32>} : memref<6x128x128xf32, #tpu.memory_space<vmem>>, vector<1x1x16xf32>,
      %get3A_1067 = arith.index_cast %add3A_991 : i32 to index
      %get3A_1068 = arith.constant 112 : index
      %get3A_1069 = tpu.vector_load %arg7[%get3A_1067, %get3A_1068] {strides = array<i32>} : memref<128x128xf32, #tpu.memory_space<vmem>>, vector<1x16xf32>,
      %get3A_1070 = vector.shape_cast %get3A_1069 : vector<1x16xf32> to vector<16xf32>
      %swap3A_1071 = arith.constant 1 : i32
      %swap3A_1072 = arith.index_cast %swap3A_1071 : i32 to index
      %swap3A_1073 = arith.index_cast %add3A_991 : i32 to index
      %swap3A_1074 = arith.constant 112 : index
      %swap3A_1075 = tpu.vector_load %arg8[%swap3A_1072, %swap3A_1073, %swap3A_1074] {strides = array<i32>} : memref<6x128x128xf32, #tpu.memory_space<vmem>>, vector<1x1x16xf32>,
      %swap3A_1076 = vector.shape_cast %swap3A_1075 : vector<1x1x16xf32> to vector<16xf32>
      %swap3A_1077 = vector.shape_cast %get3A_1070 : vector<16xf32> to vector<1x1x16xf32>
      tpu.vector_store %arg8[%swap3A_1072, %swap3A_1073, %swap3A_1074], %swap3A_1077 {add = true, strides = array<i32>} : memref<6x128x128xf32, #tpu.memory_space<vmem>>, vector<1x1x16xf32>,
    }
    %scan3A_499 = arith.constant 128 : i32
    %add3A_500 = arith.constant 7 : i32
    %add3A_501 = arith.addi %mul3A_2, %add3A_500 : i32
    %dma_start3A_502 = arith.constant 1 : i32
    %dma_start3A_503 = arith.constant 0 : i32
    %dma_start3A_504 = arith.constant 0 : i32
    %dma_start3A_505 = tpu.memref_slice %arg8[%dma_start3A_502, %dma_start3A_503, %dma_start3A_504] : memref<6x128x128xf32, #tpu.memory_space<vmem>> -> memref<1x128x128xf32, #tpu.memory_space<vmem>>
    %dma_start3A_506 = tpu.memref_squeeze %dma_start3A_505 : memref<1x128x128xf32, #tpu.memory_space<vmem>> -> memref<128x128xf32, #tpu.memory_space<vmem>>
    %dma_start3A_507 = arith.constant 0 : i32
    %dma_start3A_508 = tpu.memref_slice %arg5[%add3A_501, %mul3A_0, %dma_start3A_507] : memref<32x2048x128xf32, #tpu.memory_space<hbm>> -> memref<1x128x128xf32, #tpu.memory_space<hbm>>
    %dma_start3A_509 = tpu.memref_squeeze %dma_start3A_508 : memref<1x128x128xf32, #tpu.memory_space<hbm>> -> memref<128x128xf32, #tpu.memory_space<hbm>>
    %dma_start3A_510 = arith.constant 0 : i32
    %dma_start3A_511 = tpu.memref_slice %arg5[%add3A_501, %mul3A_0, %dma_start3A_510] : memref<32x2048x128xf32, #tpu.memory_space<hbm>> -> memref<1x128x128xf32, #tpu.memory_space<hbm>>
    %dma_start3A_512 = tpu.memref_squeeze %dma_start3A_511 : memref<1x128x128xf32, #tpu.memory_space<hbm>> -> memref<128x128xf32, #tpu.memory_space<hbm>>
    %dma_start3A_513 = arith.constant 0 : i32
    %dma_start3A_514 = arith.constant 0 : i32
    %dma_start3A_515 = tpu.memref_slice %arg8[%dma_start3A_502, %dma_start3A_513, %dma_start3A_514] : memref<6x128x128xf32, #tpu.memory_space<vmem>> -> memref<1x128x128xf32, #tpu.memory_space<vmem>>
    %dma_start3A_516 = tpu.memref_squeeze %dma_start3A_515 : memref<1x128x128xf32, #tpu.memory_space<vmem>> -> memref<128x128xf32, #tpu.memory_space<vmem>>
    tpu.enqueue_dma source(%dma_start3A_516 : memref<128x128xf32, #tpu.memory_space<vmem>>) target(%dma_start3A_512 : memref<128x128xf32, #tpu.memory_space<hbm>>) target_semaphore(%arg16 : memref<!tpu.dma_semaphore, #tpu.memory_space<semaphore_mem>>)
    %dma_wait3A_517 = arith.constant 0 : i32
    %dma_wait3A_518 = arith.constant 0 : i32
    %dma_wait3A_519 = arith.constant 0 : i32
    %dma_wait3A_520 = tpu.memref_slice %arg8[%dma_wait3A_517, %dma_wait3A_518, %dma_wait3A_519] : memref<6x128x128xf32, #tpu.memory_space<vmem>> -> memref<1x128x128xf32, #tpu.memory_space<vmem>>
    %dma_wait3A_521 = tpu.memref_squeeze %dma_wait3A_520 : memref<1x128x128xf32, #tpu.memory_space<vmem>> -> memref<128x128xf32, #tpu.memory_space<vmem>>
    %dma_wait3A_522 = arith.constant 0 : i32
    %dma_wait3A_523 = tpu.memref_slice %arg5[%add3A_440, %mul3A_0, %dma_wait3A_522] : memref<32x2048x128xf32, #tpu.memory_space<hbm>> -> memref<1x128x128xf32, #tpu.memory_space<hbm>>
    %dma_wait3A_524 = tpu.memref_squeeze %dma_wait3A_523 : memref<1x128x128xf32, #tpu.memory_space<hbm>> -> memref<128x128xf32, #tpu.memory_space<hbm>>
    %dma_wait3A_525 = arith.constant 0 : i32
    %dma_wait3A_526 = tpu.memref_slice %arg5[%add3A_440, %mul3A_0, %dma_wait3A_525] : memref<32x2048x128xf32, #tpu.memory_space<hbm>> -> memref<1x128x128xf32, #tpu.memory_space<hbm>>
    %dma_wait3A_527 = tpu.memref_squeeze %dma_wait3A_526 : memref<1x128x128xf32, #tpu.memory_space<hbm>> -> memref<128x128xf32, #tpu.memory_space<hbm>>
    %dma_wait3A_528 = arith.constant 0 : i32
    %dma_wait3A_529 = arith.constant 0 : i32
    %dma_wait3A_530 = tpu.memref_slice %arg8[%dma_wait3A_517, %dma_wait3A_528, %dma_wait3A_529] : memref<6x128x128xf32, #tpu.memory_space<vmem>> -> memref<1x128x128xf32, #tpu.memory_space<vmem>>
    %dma_wait3A_531 = tpu.memref_squeeze %dma_wait3A_530 : memref<1x128x128xf32, #tpu.memory_space<vmem>> -> memref<128x128xf32, #tpu.memory_space<vmem>>
    tpu.wait_dma2 semaphore(%arg15 : memref<!tpu.dma_semaphore, #tpu.memory_space<semaphore_mem>>) src(%dma_wait3A_531 : memref<128x128xf32, #tpu.memory_space<vmem>>) dst(%dma_wait3A_527 : memref<128x128xf32, #tpu.memory_space<hbm>>)
    %dma_start3A_532 = arith.constant 12 : i32
    %dma_start3A_533 = arith.constant 0 : i32
    %dma_start3A_534 = arith.constant 0 : i32
    %dma_start3A_535 = arith.constant 0 : i32
    %dma_start3A_536 = tpu.memref_slice %arg8[%dma_start3A_533, %dma_start3A_534, %dma_start3A_535] : memref<6x128x128xf32, #tpu.memory_space<vmem>> -> memref<1x128x128xf32, #tpu.memory_space<vmem>>
    %dma_start3A_537 = tpu.memref_squeeze %dma_start3A_536 : memref<1x128x128xf32, #tpu.memory_space<vmem>> -> memref<128x128xf32, #tpu.memory_space<vmem>>
    %dma_start3A_538 = arith.constant 0 : i32
    %dma_start3A_539 = tpu.memref_slice %arg6[%dma_start3A_532, %dma_start3A_538] : memref<16x128xi32, #tpu.memory_space<vmem>> -> memref<1x128xi32, #tpu.memory_space<vmem>>
    %dma_start3A_540 = tpu.memref_squeeze %dma_start3A_539 : memref<1x128xi32, #tpu.memory_space<vmem>> -> memref<128xi32, #tpu.memory_space<vmem>>
    %dma_start3A_541 = arith.constant 0 : i32
    %dma_start3A_542 = arith.constant 0 : i32
    %dma_start3A_543 = tpu.memref_slice %arg3[%dma_start3A_541, %dma_start3A_542] : memref<100000x128xf32, #tpu.memory_space<hbm>> -> memref<100000x128xf32, #tpu.memory_space<hbm>>
    tpu.enqueue_indirect_dma source(%dma_start3A_543 : memref<100000x128xf32, #tpu.memory_space<hbm>>) target(%dma_start3A_537 : memref<128x128xf32, #tpu.memory_space<vmem>>) offsets(%dma_start3A_540 : memref<128xi32, #tpu.memory_space<vmem>>) semaphore(%arg9 : memref<!tpu.dma_semaphore, #tpu.memory_space<semaphore_mem>>)
    %dma_wait3A_544 = arith.constant 8 : i32
    %dma_wait3A_545 = arith.constant 2 : i32
    %dma_wait3A_546 = arith.constant 0 : i32
    %dma_wait3A_547 = arith.constant 0 : i32
    %dma_wait3A_548 = tpu.memref_slice %arg8[%dma_wait3A_545, %dma_wait3A_546, %dma_wait3A_547] : memref<6x128x128xf32, #tpu.memory_space<vmem>> -> memref<1x128x128xf32, #tpu.memory_space<vmem>>
    %dma_wait3A_549 = tpu.memref_squeeze %dma_wait3A_548 : memref<1x128x128xf32, #tpu.memory_space<vmem>> -> memref<128x128xf32, #tpu.memory_space<vmem>>
    %dma_wait3A_550 = arith.constant 0 : i32
    %dma_wait3A_551 = tpu.memref_slice %arg6[%dma_wait3A_544, %dma_wait3A_550] : memref<16x128xi32, #tpu.memory_space<vmem>> -> memref<1x128xi32, #tpu.memory_space<vmem>>
    %dma_wait3A_552 = tpu.memref_squeeze %dma_wait3A_551 : memref<1x128xi32, #tpu.memory_space<vmem>> -> memref<128xi32, #tpu.memory_space<vmem>>
    %dma_wait3A_553 = arith.constant 0 : i32
    %dma_wait3A_554 = arith.constant 0 : i32
    %dma_wait3A_555 = tpu.memref_slice %arg3[%dma_wait3A_553, %dma_wait3A_554] : memref<100000x128xf32, #tpu.memory_space<hbm>> -> memref<100000x128xf32, #tpu.memory_space<hbm>>
    tpu.wait_indirect_dma semaphore(%arg11 : memref<!tpu.dma_semaphore, #tpu.memory_space<semaphore_mem>>) src(%dma_wait3A_555 : memref<100000x128xf32, #tpu.memory_space<hbm>>) dst(%dma_wait3A_549 : memref<128x128xf32, #tpu.memory_space<vmem>>)
    %scan3A_556 = arith.constant 0 : i32
    %scan3A_557 = arith.constant 128 : i32
    %scan3A_558 = arith.addi %scan3A_556, %scan3A_557 : i32
    %scan3A_559 = arith.constant 1 : i32
    scf.for %scan3A_987 = %scan3A_556 to %scan3A_558 step %scan3A_559  : i32 {
      %mul3A_988 = arith.constant 1 : i32
      %mul3A_989 = arith.muli %scan3A_987, %mul3A_988 : i32
      %add3A_990 = arith.constant 0 : i32
      %add3A_991 = arith.addi %add3A_990, %mul3A_989 : i32
      %get3A = arith.index_cast %add3A_991 : i32 to index
      %get3A_992 = arith.constant 0 : index
      %get3A_993 = tpu.vector_load %arg7[%get3A, %get3A_992] {strides = array<i32>} : memref<128x128xf32, #tpu.memory_space<vmem>>, vector<1x16xf32>,
      %get3A_994 = vector.shape_cast %get3A_993 : vector<1x16xf32> to vector<16xf32>
      %swap3A = arith.constant 2 : i32
      %swap3A_995 = arith.index_cast %swap3A : i32 to index
      %swap3A_996 = arith.index_cast %add3A_991 : i32 to index
      %swap3A_997 = arith.constant 0 : index
      %swap3A_998 = tpu.vector_load %arg8[%swap3A_995, %swap3A_996, %swap3A_997] {strides = array<i32>} : memref<6x128x128xf32, #tpu.memory_space<vmem>>, vector<1x1x16xf32>,
      %swap3A_999 = vector.shape_cast %swap3A_998 : vector<1x1x16xf32> to vector<16xf32>
      %swap3A_1000 = vector.shape_cast %get3A_994 : vector<16xf32> to vector<1x1x16xf32>
      tpu.vector_store %arg8[%swap3A_995, %swap3A_996, %swap3A_997], %swap3A_1000 {add = true, strides = array<i32>} : memref<6x128x128xf32, #tpu.memory_space<vmem>>, vector<1x1x16xf32>,
      %get3A_1001 = arith.index_cast %add3A_991 : i32 to index
      %get3A_1002 = arith.constant 16 : index
      %get3A_1003 = tpu.vector_load %arg7[%get3A_1001, %get3A_1002] {strides = array<i32>} : memref<128x128xf32, #tpu.memory_space<vmem>>, vector<1x16xf32>,
      %get3A_1004 = vector.shape_cast %get3A_1003 : vector<1x16xf32> to vector<16xf32>
      %swap3A_1005 = arith.constant 2 : i32
      %swap3A_1006 = arith.index_cast %swap3A_1005 : i32 to index
      %swap3A_1007 = arith.index_cast %add3A_991 : i32 to index
      %swap3A_1008 = arith.constant 16 : index
      %swap3A_1009 = tpu.vector_load %arg8[%swap3A_1006, %swap3A_1007, %swap3A_1008] {strides = array<i32>} : memref<6x128x128xf32, #tpu.memory_space<vmem>>, vector<1x1x16xf32>,
      %swap3A_1010 = vector.shape_cast %swap3A_1009 : vector<1x1x16xf32> to vector<16xf32>
      %swap3A_1011 = vector.shape_cast %get3A_1004 : vector<16xf32> to vector<1x1x16xf32>
      tpu.vector_store %arg8[%swap3A_1006, %swap3A_1007, %swap3A_1008], %swap3A_1011 {add = true, strides = array<i32>} : memref<6x128x128xf32, #tpu.memory_space<vmem>>, vector<1x1x16xf32>,
      %get3A_1012 = arith.index_cast %add3A_991 : i32 to index
      %get3A_1013 = arith.constant 32 : index
      %get3A_1014 = tpu.vector_load %arg7[%get3A_1012, %get3A_1013] {strides = array<i32>} : memref<128x128xf32, #tpu.memory_space<vmem>>, vector<1x16xf32>,
      %get3A_1015 = vector.shape_cast %get3A_1014 : vector<1x16xf32> to vector<16xf32>
      %swap3A_1016 = arith.constant 2 : i32
      %swap3A_1017 = arith.index_cast %swap3A_1016 : i32 to index
      %swap3A_1018 = arith.index_cast %add3A_991 : i32 to index
      %swap3A_1019 = arith.constant 32 : index
      %swap3A_1020 = tpu.vector_load %arg8[%swap3A_1017, %swap3A_1018, %swap3A_1019] {strides = array<i32>} : memref<6x128x128xf32, #tpu.memory_space<vmem>>, vector<1x1x16xf32>,
      %swap3A_1021 = vector.shape_cast %swap3A_1020 : vector<1x1x16xf32> to vector<16xf32>
      %swap3A_1022 = vector.shape_cast %get3A_1015 : vector<16xf32> to vector<1x1x16xf32>
      tpu.vector_store %arg8[%swap3A_1017, %swap3A_1018, %swap3A_1019], %swap3A_1022 {add = true, strides = array<i32>} : memref<6x128x128xf32, #tpu.memory_space<vmem>>, vector<1x1x16xf32>,
      %get3A_1023 = arith.index_cast %add3A_991 : i32 to index
      %get3A_1024 = arith.constant 48 : index
      %get3A_1025 = tpu.vector_load %arg7[%get3A_1023, %get3A_1024] {strides = array<i32>} : memref<128x128xf32, #tpu.memory_space<vmem>>, vector<1x16xf32>,
      %get3A_1026 = vector.shape_cast %get3A_1025 : vector<1x16xf32> to vector<16xf32>
      %swap3A_1027 = arith.constant 2 : i32
      %swap3A_1028 = arith.index_cast %swap3A_1027 : i32 to index
      %swap3A_1029 = arith.index_cast %add3A_991 : i32 to index
      %swap3A_1030 = arith.constant 48 : index
      %swap3A_1031 = tpu.vector_load %arg8[%swap3A_1028, %swap3A_1029, %swap3A_1030] {strides = array<i32>} : memref<6x128x128xf32, #tpu.memory_space<vmem>>, vector<1x1x16xf32>,
      %swap3A_1032 = vector.shape_cast %swap3A_1031 : vector<1x1x16xf32> to vector<16xf32>
      %swap3A_1033 = vector.shape_cast %get3A_1026 : vector<16xf32> to vector<1x1x16xf32>
      tpu.vector_store %arg8[%swap3A_1028, %swap3A_1029, %swap3A_1030], %swap3A_1033 {add = true, strides = array<i32>} : memref<6x128x128xf32, #tpu.memory_space<vmem>>, vector<1x1x16xf32>,
      %get3A_1034 = arith.index_cast %add3A_991 : i32 to index
      %get3A_1035 = arith.constant 64 : index
      %get3A_1036 = tpu.vector_load %arg7[%get3A_1034, %get3A_1035] {strides = array<i32>} : memref<128x128xf32, #tpu.memory_space<vmem>>, vector<1x16xf32>,
      %get3A_1037 = vector.shape_cast %get3A_1036 : vector<1x16xf32> to vector<16xf32>
      %swap3A_1038 = arith.constant 2 : i32
      %swap3A_1039 = arith.index_cast %swap3A_1038 : i32 to index
      %swap3A_1040 = arith.index_cast %add3A_991 : i32 to index
      %swap3A_1041 = arith.constant 64 : index
      %swap3A_1042 = tpu.vector_load %arg8[%swap3A_1039, %swap3A_1040, %swap3A_1041] {strides = array<i32>} : memref<6x128x128xf32, #tpu.memory_space<vmem>>, vector<1x1x16xf32>,
      %swap3A_1043 = vector.shape_cast %swap3A_1042 : vector<1x1x16xf32> to vector<16xf32>
      %swap3A_1044 = vector.shape_cast %get3A_1037 : vector<16xf32> to vector<1x1x16xf32>
      tpu.vector_store %arg8[%swap3A_1039, %swap3A_1040, %swap3A_1041], %swap3A_1044 {add = true, strides = array<i32>} : memref<6x128x128xf32, #tpu.memory_space<vmem>>, vector<1x1x16xf32>,
      %get3A_1045 = arith.index_cast %add3A_991 : i32 to index
      %get3A_1046 = arith.constant 80 : index
      %get3A_1047 = tpu.vector_load %arg7[%get3A_1045, %get3A_1046] {strides = array<i32>} : memref<128x128xf32, #tpu.memory_space<vmem>>, vector<1x16xf32>,
      %get3A_1048 = vector.shape_cast %get3A_1047 : vector<1x16xf32> to vector<16xf32>
      %swap3A_1049 = arith.constant 2 : i32
      %swap3A_1050 = arith.index_cast %swap3A_1049 : i32 to index
      %swap3A_1051 = arith.index_cast %add3A_991 : i32 to index
      %swap3A_1052 = arith.constant 80 : index
      %swap3A_1053 = tpu.vector_load %arg8[%swap3A_1050, %swap3A_1051, %swap3A_1052] {strides = array<i32>} : memref<6x128x128xf32, #tpu.memory_space<vmem>>, vector<1x1x16xf32>,
      %swap3A_1054 = vector.shape_cast %swap3A_1053 : vector<1x1x16xf32> to vector<16xf32>
      %swap3A_1055 = vector.shape_cast %get3A_1048 : vector<16xf32> to vector<1x1x16xf32>
      tpu.vector_store %arg8[%swap3A_1050, %swap3A_1051, %swap3A_1052], %swap3A_1055 {add = true, strides = array<i32>} : memref<6x128x128xf32, #tpu.memory_space<vmem>>, vector<1x1x16xf32>,
      %get3A_1056 = arith.index_cast %add3A_991 : i32 to index
      %get3A_1057 = arith.constant 96 : index
      %get3A_1058 = tpu.vector_load %arg7[%get3A_1056, %get3A_1057] {strides = array<i32>} : memref<128x128xf32, #tpu.memory_space<vmem>>, vector<1x16xf32>,
      %get3A_1059 = vector.shape_cast %get3A_1058 : vector<1x16xf32> to vector<16xf32>
      %swap3A_1060 = arith.constant 2 : i32
      %swap3A_1061 = arith.index_cast %swap3A_1060 : i32 to index
      %swap3A_1062 = arith.index_cast %add3A_991 : i32 to index
      %swap3A_1063 = arith.constant 96 : index
      %swap3A_1064 = tpu.vector_load %arg8[%swap3A_1061, %swap3A_1062, %swap3A_1063] {strides = array<i32>} : memref<6x128x128xf32, #tpu.memory_space<vmem>>, vector<1x1x16xf32>,
      %swap3A_1065 = vector.shape_cast %swap3A_1064 : vector<1x1x16xf32> to vector<16xf32>
      %swap3A_1066 = vector.shape_cast %get3A_1059 : vector<16xf32> to vector<1x1x16xf32>
      tpu.vector_store %arg8[%swap3A_1061, %swap3A_1062, %swap3A_1063], %swap3A_1066 {add = true, strides = array<i32>} : memref<6x128x128xf32, #tpu.memory_space<vmem>>, vector<1x1x16xf32>,
      %get3A_1067 = arith.index_cast %add3A_991 : i32 to index
      %get3A_1068 = arith.constant 112 : index
      %get3A_1069 = tpu.vector_load %arg7[%get3A_1067, %get3A_1068] {strides = array<i32>} : memref<128x128xf32, #tpu.memory_space<vmem>>, vector<1x16xf32>,
      %get3A_1070 = vector.shape_cast %get3A_1069 : vector<1x16xf32> to vector<16xf32>
      %swap3A_1071 = arith.constant 2 : i32
      %swap3A_1072 = arith.index_cast %swap3A_1071 : i32 to index
      %swap3A_1073 = arith.index_cast %add3A_991 : i32 to index
      %swap3A_1074 = arith.constant 112 : index
      %swap3A_1075 = tpu.vector_load %arg8[%swap3A_1072, %swap3A_1073, %swap3A_1074] {strides = array<i32>} : memref<6x128x128xf32, #tpu.memory_space<vmem>>, vector<1x1x16xf32>,
      %swap3A_1076 = vector.shape_cast %swap3A_1075 : vector<1x1x16xf32> to vector<16xf32>
      %swap3A_1077 = vector.shape_cast %get3A_1070 : vector<16xf32> to vector<1x1x16xf32>
      tpu.vector_store %arg8[%swap3A_1072, %swap3A_1073, %swap3A_1074], %swap3A_1077 {add = true, strides = array<i32>} : memref<6x128x128xf32, #tpu.memory_space<vmem>>, vector<1x1x16xf32>,
    }
    %scan3A_560 = arith.constant 128 : i32
    %add3A_561 = arith.constant 8 : i32
    %add3A_562 = arith.addi %mul3A_2, %add3A_561 : i32
    %dma_start3A_563 = arith.constant 2 : i32
    %dma_start3A_564 = arith.constant 0 : i32
    %dma_start3A_565 = arith.constant 0 : i32
    %dma_start3A_566 = tpu.memref_slice %arg8[%dma_start3A_563, %dma_start3A_564, %dma_start3A_565] : memref<6x128x128xf32, #tpu.memory_space<vmem>> -> memref<1x128x128xf32, #tpu.memory_space<vmem>>
    %dma_start3A_567 = tpu.memref_squeeze %dma_start3A_566 : memref<1x128x128xf32, #tpu.memory_space<vmem>> -> memref<128x128xf32, #tpu.memory_space<vmem>>
    %dma_start3A_568 = arith.constant 0 : i32
    %dma_start3A_569 = tpu.memref_slice %arg5[%add3A_562, %mul3A_0, %dma_start3A_568] : memref<32x2048x128xf32, #tpu.memory_space<hbm>> -> memref<1x128x128xf32, #tpu.memory_space<hbm>>
    %dma_start3A_570 = tpu.memref_squeeze %dma_start3A_569 : memref<1x128x128xf32, #tpu.memory_space<hbm>> -> memref<128x128xf32, #tpu.memory_space<hbm>>
    %dma_start3A_571 = arith.constant 0 : i32
    %dma_start3A_572 = tpu.memref_slice %arg5[%add3A_562, %mul3A_0, %dma_start3A_571] : memref<32x2048x128xf32, #tpu.memory_space<hbm>> -> memref<1x128x128xf32, #tpu.memory_space<hbm>>
    %dma_start3A_573 = tpu.memref_squeeze %dma_start3A_572 : memref<1x128x128xf32, #tpu.memory_space<hbm>> -> memref<128x128xf32, #tpu.memory_space<hbm>>
    %dma_start3A_574 = arith.constant 0 : i32
    %dma_start3A_575 = arith.constant 0 : i32
    %dma_start3A_576 = tpu.memref_slice %arg8[%dma_start3A_563, %dma_start3A_574, %dma_start3A_575] : memref<6x128x128xf32, #tpu.memory_space<vmem>> -> memref<1x128x128xf32, #tpu.memory_space<vmem>>
    %dma_start3A_577 = tpu.memref_squeeze %dma_start3A_576 : memref<1x128x128xf32, #tpu.memory_space<vmem>> -> memref<128x128xf32, #tpu.memory_space<vmem>>
    tpu.enqueue_dma source(%dma_start3A_577 : memref<128x128xf32, #tpu.memory_space<vmem>>) target(%dma_start3A_573 : memref<128x128xf32, #tpu.memory_space<hbm>>) target_semaphore(%arg17 : memref<!tpu.dma_semaphore, #tpu.memory_space<semaphore_mem>>)
    %dma_wait3A_578 = arith.constant 1 : i32
    %dma_wait3A_579 = arith.constant 0 : i32
    %dma_wait3A_580 = arith.constant 0 : i32
    %dma_wait3A_581 = tpu.memref_slice %arg8[%dma_wait3A_578, %dma_wait3A_579, %dma_wait3A_580] : memref<6x128x128xf32, #tpu.memory_space<vmem>> -> memref<1x128x128xf32, #tpu.memory_space<vmem>>
    %dma_wait3A_582 = tpu.memref_squeeze %dma_wait3A_581 : memref<1x128x128xf32, #tpu.memory_space<vmem>> -> memref<128x128xf32, #tpu.memory_space<vmem>>
    %dma_wait3A_583 = arith.constant 0 : i32
    %dma_wait3A_584 = tpu.memref_slice %arg5[%add3A_501, %mul3A_0, %dma_wait3A_583] : memref<32x2048x128xf32, #tpu.memory_space<hbm>> -> memref<1x128x128xf32, #tpu.memory_space<hbm>>
    %dma_wait3A_585 = tpu.memref_squeeze %dma_wait3A_584 : memref<1x128x128xf32, #tpu.memory_space<hbm>> -> memref<128x128xf32, #tpu.memory_space<hbm>>
    %dma_wait3A_586 = arith.constant 0 : i32
    %dma_wait3A_587 = tpu.memref_slice %arg5[%add3A_501, %mul3A_0, %dma_wait3A_586] : memref<32x2048x128xf32, #tpu.memory_space<hbm>> -> memref<1x128x128xf32, #tpu.memory_space<hbm>>
    %dma_wait3A_588 = tpu.memref_squeeze %dma_wait3A_587 : memref<1x128x128xf32, #tpu.memory_space<hbm>> -> memref<128x128xf32, #tpu.memory_space<hbm>>
    %dma_wait3A_589 = arith.constant 0 : i32
    %dma_wait3A_590 = arith.constant 0 : i32
    %dma_wait3A_591 = tpu.memref_slice %arg8[%dma_wait3A_578, %dma_wait3A_589, %dma_wait3A_590] : memref<6x128x128xf32, #tpu.memory_space<vmem>> -> memref<1x128x128xf32, #tpu.memory_space<vmem>>
    %dma_wait3A_592 = tpu.memref_squeeze %dma_wait3A_591 : memref<1x128x128xf32, #tpu.memory_space<vmem>> -> memref<128x128xf32, #tpu.memory_space<vmem>>
    tpu.wait_dma2 semaphore(%arg16 : memref<!tpu.dma_semaphore, #tpu.memory_space<semaphore_mem>>) src(%dma_wait3A_592 : memref<128x128xf32, #tpu.memory_space<vmem>>) dst(%dma_wait3A_588 : memref<128x128xf32, #tpu.memory_space<hbm>>)
    %dma_start3A_593 = arith.constant 13 : i32
    %dma_start3A_594 = arith.constant 1 : i32
    %dma_start3A_595 = arith.constant 0 : i32
    %dma_start3A_596 = arith.constant 0 : i32
    %dma_start3A_597 = tpu.memref_slice %arg8[%dma_start3A_594, %dma_start3A_595, %dma_start3A_596] : memref<6x128x128xf32, #tpu.memory_space<vmem>> -> memref<1x128x128xf32, #tpu.memory_space<vmem>>
    %dma_start3A_598 = tpu.memref_squeeze %dma_start3A_597 : memref<1x128x128xf32, #tpu.memory_space<vmem>> -> memref<128x128xf32, #tpu.memory_space<vmem>>
    %dma_start3A_599 = arith.constant 0 : i32
    %dma_start3A_600 = tpu.memref_slice %arg6[%dma_start3A_593, %dma_start3A_599] : memref<16x128xi32, #tpu.memory_space<vmem>> -> memref<1x128xi32, #tpu.memory_space<vmem>>
    %dma_start3A_601 = tpu.memref_squeeze %dma_start3A_600 : memref<1x128xi32, #tpu.memory_space<vmem>> -> memref<128xi32, #tpu.memory_space<vmem>>
    %dma_start3A_602 = arith.constant 0 : i32
    %dma_start3A_603 = arith.constant 0 : i32
    %dma_start3A_604 = tpu.memref_slice %arg3[%dma_start3A_602, %dma_start3A_603] : memref<100000x128xf32, #tpu.memory_space<hbm>> -> memref<100000x128xf32, #tpu.memory_space<hbm>>
    tpu.enqueue_indirect_dma source(%dma_start3A_604 : memref<100000x128xf32, #tpu.memory_space<hbm>>) target(%dma_start3A_598 : memref<128x128xf32, #tpu.memory_space<vmem>>) offsets(%dma_start3A_601 : memref<128xi32, #tpu.memory_space<vmem>>) semaphore(%arg10 : memref<!tpu.dma_semaphore, #tpu.memory_space<semaphore_mem>>)
    %dma_wait3A_605 = arith.constant 9 : i32
    %dma_wait3A_606 = arith.constant 3 : i32
    %dma_wait3A_607 = arith.constant 0 : i32
    %dma_wait3A_608 = arith.constant 0 : i32
    %dma_wait3A_609 = tpu.memref_slice %arg8[%dma_wait3A_606, %dma_wait3A_607, %dma_wait3A_608] : memref<6x128x128xf32, #tpu.memory_space<vmem>> -> memref<1x128x128xf32, #tpu.memory_space<vmem>>
    %dma_wait3A_610 = tpu.memref_squeeze %dma_wait3A_609 : memref<1x128x128xf32, #tpu.memory_space<vmem>> -> memref<128x128xf32, #tpu.memory_space<vmem>>
    %dma_wait3A_611 = arith.constant 0 : i32
    %dma_wait3A_612 = tpu.memref_slice %arg6[%dma_wait3A_605, %dma_wait3A_611] : memref<16x128xi32, #tpu.memory_space<vmem>> -> memref<1x128xi32, #tpu.memory_space<vmem>>
    %dma_wait3A_613 = tpu.memref_squeeze %dma_wait3A_612 : memref<1x128xi32, #tpu.memory_space<vmem>> -> memref<128xi32, #tpu.memory_space<vmem>>
    %dma_wait3A_614 = arith.constant 0 : i32
    %dma_wait3A_615 = arith.constant 0 : i32
    %dma_wait3A_616 = tpu.memref_slice %arg3[%dma_wait3A_614, %dma_wait3A_615] : memref<100000x128xf32, #tpu.memory_space<hbm>> -> memref<100000x128xf32, #tpu.memory_space<hbm>>
    tpu.wait_indirect_dma semaphore(%arg12 : memref<!tpu.dma_semaphore, #tpu.memory_space<semaphore_mem>>) src(%dma_wait3A_616 : memref<100000x128xf32, #tpu.memory_space<hbm>>) dst(%dma_wait3A_610 : memref<128x128xf32, #tpu.memory_space<vmem>>)
    %scan3A_617 = arith.constant 0 : i32
    %scan3A_618 = arith.constant 128 : i32
    %scan3A_619 = arith.addi %scan3A_617, %scan3A_618 : i32
    %scan3A_620 = arith.constant 1 : i32
    scf.for %scan3A_987 = %scan3A_617 to %scan3A_619 step %scan3A_620  : i32 {
      %mul3A_988 = arith.constant 1 : i32
      %mul3A_989 = arith.muli %scan3A_987, %mul3A_988 : i32
      %add3A_990 = arith.constant 0 : i32
      %add3A_991 = arith.addi %add3A_990, %mul3A_989 : i32
      %get3A = arith.index_cast %add3A_991 : i32 to index
      %get3A_992 = arith.constant 0 : index
      %get3A_993 = tpu.vector_load %arg7[%get3A, %get3A_992] {strides = array<i32>} : memref<128x128xf32, #tpu.memory_space<vmem>>, vector<1x16xf32>,
      %get3A_994 = vector.shape_cast %get3A_993 : vector<1x16xf32> to vector<16xf32>
      %swap3A = arith.constant 3 : i32
      %swap3A_995 = arith.index_cast %swap3A : i32 to index
      %swap3A_996 = arith.index_cast %add3A_991 : i32 to index
      %swap3A_997 = arith.constant 0 : index
      %swap3A_998 = tpu.vector_load %arg8[%swap3A_995, %swap3A_996, %swap3A_997] {strides = array<i32>} : memref<6x128x128xf32, #tpu.memory_space<vmem>>, vector<1x1x16xf32>,
      %swap3A_999 = vector.shape_cast %swap3A_998 : vector<1x1x16xf32> to vector<16xf32>
      %swap3A_1000 = vector.shape_cast %get3A_994 : vector<16xf32> to vector<1x1x16xf32>
      tpu.vector_store %arg8[%swap3A_995, %swap3A_996, %swap3A_997], %swap3A_1000 {add = true, strides = array<i32>} : memref<6x128x128xf32, #tpu.memory_space<vmem>>, vector<1x1x16xf32>,
      %get3A_1001 = arith.index_cast %add3A_991 : i32 to index
      %get3A_1002 = arith.constant 16 : index
      %get3A_1003 = tpu.vector_load %arg7[%get3A_1001, %get3A_1002] {strides = array<i32>} : memref<128x128xf32, #tpu.memory_space<vmem>>, vector<1x16xf32>,
      %get3A_1004 = vector.shape_cast %get3A_1003 : vector<1x16xf32> to vector<16xf32>
      %swap3A_1005 = arith.constant 3 : i32
      %swap3A_1006 = arith.index_cast %swap3A_1005 : i32 to index
      %swap3A_1007 = arith.index_cast %add3A_991 : i32 to index
      %swap3A_1008 = arith.constant 16 : index
      %swap3A_1009 = tpu.vector_load %arg8[%swap3A_1006, %swap3A_1007, %swap3A_1008] {strides = array<i32>} : memref<6x128x128xf32, #tpu.memory_space<vmem>>, vector<1x1x16xf32>,
      %swap3A_1010 = vector.shape_cast %swap3A_1009 : vector<1x1x16xf32> to vector<16xf32>
      %swap3A_1011 = vector.shape_cast %get3A_1004 : vector<16xf32> to vector<1x1x16xf32>
      tpu.vector_store %arg8[%swap3A_1006, %swap3A_1007, %swap3A_1008], %swap3A_1011 {add = true, strides = array<i32>} : memref<6x128x128xf32, #tpu.memory_space<vmem>>, vector<1x1x16xf32>,
      %get3A_1012 = arith.index_cast %add3A_991 : i32 to index
      %get3A_1013 = arith.constant 32 : index
      %get3A_1014 = tpu.vector_load %arg7[%get3A_1012, %get3A_1013] {strides = array<i32>} : memref<128x128xf32, #tpu.memory_space<vmem>>, vector<1x16xf32>,
      %get3A_1015 = vector.shape_cast %get3A_1014 : vector<1x16xf32> to vector<16xf32>
      %swap3A_1016 = arith.constant 3 : i32
      %swap3A_1017 = arith.index_cast %swap3A_1016 : i32 to index
      %swap3A_1018 = arith.index_cast %add3A_991 : i32 to index
      %swap3A_1019 = arith.constant 32 : index
      %swap3A_1020 = tpu.vector_load %arg8[%swap3A_1017, %swap3A_1018, %swap3A_1019] {strides = array<i32>} : memref<6x128x128xf32, #tpu.memory_space<vmem>>, vector<1x1x16xf32>,
      %swap3A_1021 = vector.shape_cast %swap3A_1020 : vector<1x1x16xf32> to vector<16xf32>
      %swap3A_1022 = vector.shape_cast %get3A_1015 : vector<16xf32> to vector<1x1x16xf32>
      tpu.vector_store %arg8[%swap3A_1017, %swap3A_1018, %swap3A_1019], %swap3A_1022 {add = true, strides = array<i32>} : memref<6x128x128xf32, #tpu.memory_space<vmem>>, vector<1x1x16xf32>,
      %get3A_1023 = arith.index_cast %add3A_991 : i32 to index
      %get3A_1024 = arith.constant 48 : index
      %get3A_1025 = tpu.vector_load %arg7[%get3A_1023, %get3A_1024] {strides = array<i32>} : memref<128x128xf32, #tpu.memory_space<vmem>>, vector<1x16xf32>,
      %get3A_1026 = vector.shape_cast %get3A_1025 : vector<1x16xf32> to vector<16xf32>
      %swap3A_1027 = arith.constant 3 : i32
      %swap3A_1028 = arith.index_cast %swap3A_1027 : i32 to index
      %swap3A_1029 = arith.index_cast %add3A_991 : i32 to index
      %swap3A_1030 = arith.constant 48 : index
      %swap3A_1031 = tpu.vector_load %arg8[%swap3A_1028, %swap3A_1029, %swap3A_1030] {strides = array<i32>} : memref<6x128x128xf32, #tpu.memory_space<vmem>>, vector<1x1x16xf32>,
      %swap3A_1032 = vector.shape_cast %swap3A_1031 : vector<1x1x16xf32> to vector<16xf32>
      %swap3A_1033 = vector.shape_cast %get3A_1026 : vector<16xf32> to vector<1x1x16xf32>
      tpu.vector_store %arg8[%swap3A_1028, %swap3A_1029, %swap3A_1030], %swap3A_1033 {add = true, strides = array<i32>} : memref<6x128x128xf32, #tpu.memory_space<vmem>>, vector<1x1x16xf32>,
      %get3A_1034 = arith.index_cast %add3A_991 : i32 to index
      %get3A_1035 = arith.constant 64 : index
      %get3A_1036 = tpu.vector_load %arg7[%get3A_1034, %get3A_1035] {strides = array<i32>} : memref<128x128xf32, #tpu.memory_space<vmem>>, vector<1x16xf32>,
      %get3A_1037 = vector.shape_cast %get3A_1036 : vector<1x16xf32> to vector<16xf32>
      %swap3A_1038 = arith.constant 3 : i32
      %swap3A_1039 = arith.index_cast %swap3A_1038 : i32 to index
      %swap3A_1040 = arith.index_cast %add3A_991 : i32 to index
      %swap3A_1041 = arith.constant 64 : index
      %swap3A_1042 = tpu.vector_load %arg8[%swap3A_1039, %swap3A_1040, %swap3A_1041] {strides = array<i32>} : memref<6x128x128xf32, #tpu.memory_space<vmem>>, vector<1x1x16xf32>,
      %swap3A_1043 = vector.shape_cast %swap3A_1042 : vector<1x1x16xf32> to vector<16xf32>
      %swap3A_1044 = vector.shape_cast %get3A_1037 : vector<16xf32> to vector<1x1x16xf32>
      tpu.vector_store %arg8[%swap3A_1039, %swap3A_1040, %swap3A_1041], %swap3A_1044 {add = true, strides = array<i32>} : memref<6x128x128xf32, #tpu.memory_space<vmem>>, vector<1x1x16xf32>,
      %get3A_1045 = arith.index_cast %add3A_991 : i32 to index
      %get3A_1046 = arith.constant 80 : index
      %get3A_1047 = tpu.vector_load %arg7[%get3A_1045, %get3A_1046] {strides = array<i32>} : memref<128x128xf32, #tpu.memory_space<vmem>>, vector<1x16xf32>,
      %get3A_1048 = vector.shape_cast %get3A_1047 : vector<1x16xf32> to vector<16xf32>
      %swap3A_1049 = arith.constant 3 : i32
      %swap3A_1050 = arith.index_cast %swap3A_1049 : i32 to index
      %swap3A_1051 = arith.index_cast %add3A_991 : i32 to index
      %swap3A_1052 = arith.constant 80 : index
      %swap3A_1053 = tpu.vector_load %arg8[%swap3A_1050, %swap3A_1051, %swap3A_1052] {strides = array<i32>} : memref<6x128x128xf32, #tpu.memory_space<vmem>>, vector<1x1x16xf32>,
      %swap3A_1054 = vector.shape_cast %swap3A_1053 : vector<1x1x16xf32> to vector<16xf32>
      %swap3A_1055 = vector.shape_cast %get3A_1048 : vector<16xf32> to vector<1x1x16xf32>
      tpu.vector_store %arg8[%swap3A_1050, %swap3A_1051, %swap3A_1052], %swap3A_1055 {add = true, strides = array<i32>} : memref<6x128x128xf32, #tpu.memory_space<vmem>>, vector<1x1x16xf32>,
      %get3A_1056 = arith.index_cast %add3A_991 : i32 to index
      %get3A_1057 = arith.constant 96 : index
      %get3A_1058 = tpu.vector_load %arg7[%get3A_1056, %get3A_1057] {strides = array<i32>} : memref<128x128xf32, #tpu.memory_space<vmem>>, vector<1x16xf32>,
      %get3A_1059 = vector.shape_cast %get3A_1058 : vector<1x16xf32> to vector<16xf32>
      %swap3A_1060 = arith.constant 3 : i32
      %swap3A_1061 = arith.index_cast %swap3A_1060 : i32 to index
      %swap3A_1062 = arith.index_cast %add3A_991 : i32 to index
      %swap3A_1063 = arith.constant 96 : index
      %swap3A_1064 = tpu.vector_load %arg8[%swap3A_1061, %swap3A_1062, %swap3A_1063] {strides = array<i32>} : memref<6x128x128xf32, #tpu.memory_space<vmem>>, vector<1x1x16xf32>,
      %swap3A_1065 = vector.shape_cast %swap3A_1064 : vector<1x1x16xf32> to vector<16xf32>
      %swap3A_1066 = vector.shape_cast %get3A_1059 : vector<16xf32> to vector<1x1x16xf32>
      tpu.vector_store %arg8[%swap3A_1061, %swap3A_1062, %swap3A_1063], %swap3A_1066 {add = true, strides = array<i32>} : memref<6x128x128xf32, #tpu.memory_space<vmem>>, vector<1x1x16xf32>,
      %get3A_1067 = arith.index_cast %add3A_991 : i32 to index
      %get3A_1068 = arith.constant 112 : index
      %get3A_1069 = tpu.vector_load %arg7[%get3A_1067, %get3A_1068] {strides = array<i32>} : memref<128x128xf32, #tpu.memory_space<vmem>>, vector<1x16xf32>,
      %get3A_1070 = vector.shape_cast %get3A_1069 : vector<1x16xf32> to vector<16xf32>
      %swap3A_1071 = arith.constant 3 : i32
      %swap3A_1072 = arith.index_cast %swap3A_1071 : i32 to index
      %swap3A_1073 = arith.index_cast %add3A_991 : i32 to index
      %swap3A_1074 = arith.constant 112 : index
      %swap3A_1075 = tpu.vector_load %arg8[%swap3A_1072, %swap3A_1073, %swap3A_1074] {strides = array<i32>} : memref<6x128x128xf32, #tpu.memory_space<vmem>>, vector<1x1x16xf32>,
      %swap3A_1076 = vector.shape_cast %swap3A_1075 : vector<1x1x16xf32> to vector<16xf32>
      %swap3A_1077 = vector.shape_cast %get3A_1070 : vector<16xf32> to vector<1x1x16xf32>
      tpu.vector_store %arg8[%swap3A_1072, %swap3A_1073, %swap3A_1074], %swap3A_1077 {add = true, strides = array<i32>} : memref<6x128x128xf32, #tpu.memory_space<vmem>>, vector<1x1x16xf32>,
    }
    %scan3A_621 = arith.constant 128 : i32
    %add3A_622 = arith.constant 9 : i32
    %add3A_623 = arith.addi %mul3A_2, %add3A_622 : i32
    %dma_start3A_624 = arith.constant 3 : i32
    %dma_start3A_625 = arith.constant 0 : i32
    %dma_start3A_626 = arith.constant 0 : i32
    %dma_start3A_627 = tpu.memref_slice %arg8[%dma_start3A_624, %dma_start3A_625, %dma_start3A_626] : memref<6x128x128xf32, #tpu.memory_space<vmem>> -> memref<1x128x128xf32, #tpu.memory_space<vmem>>
    %dma_start3A_628 = tpu.memref_squeeze %dma_start3A_627 : memref<1x128x128xf32, #tpu.memory_space<vmem>> -> memref<128x128xf32, #tpu.memory_space<vmem>>
    %dma_start3A_629 = arith.constant 0 : i32
    %dma_start3A_630 = tpu.memref_slice %arg5[%add3A_623, %mul3A_0, %dma_start3A_629] : memref<32x2048x128xf32, #tpu.memory_space<hbm>> -> memref<1x128x128xf32, #tpu.memory_space<hbm>>
    %dma_start3A_631 = tpu.memref_squeeze %dma_start3A_630 : memref<1x128x128xf32, #tpu.memory_space<hbm>> -> memref<128x128xf32, #tpu.memory_space<hbm>>
    %dma_start3A_632 = arith.constant 0 : i32
    %dma_start3A_633 = tpu.memref_slice %arg5[%add3A_623, %mul3A_0, %dma_start3A_632] : memref<32x2048x128xf32, #tpu.memory_space<hbm>> -> memref<1x128x128xf32, #tpu.memory_space<hbm>>
    %dma_start3A_634 = tpu.memref_squeeze %dma_start3A_633 : memref<1x128x128xf32, #tpu.memory_space<hbm>> -> memref<128x128xf32, #tpu.memory_space<hbm>>
    %dma_start3A_635 = arith.constant 0 : i32
    %dma_start3A_636 = arith.constant 0 : i32
    %dma_start3A_637 = tpu.memref_slice %arg8[%dma_start3A_624, %dma_start3A_635, %dma_start3A_636] : memref<6x128x128xf32, #tpu.memory_space<vmem>> -> memref<1x128x128xf32, #tpu.memory_space<vmem>>
    %dma_start3A_638 = tpu.memref_squeeze %dma_start3A_637 : memref<1x128x128xf32, #tpu.memory_space<vmem>> -> memref<128x128xf32, #tpu.memory_space<vmem>>
    tpu.enqueue_dma source(%dma_start3A_638 : memref<128x128xf32, #tpu.memory_space<vmem>>) target(%dma_start3A_634 : memref<128x128xf32, #tpu.memory_space<hbm>>) target_semaphore(%arg18 : memref<!tpu.dma_semaphore, #tpu.memory_space<semaphore_mem>>)
    %dma_wait3A_639 = arith.constant 2 : i32
    %dma_wait3A_640 = arith.constant 0 : i32
    %dma_wait3A_641 = arith.constant 0 : i32
    %dma_wait3A_642 = tpu.memref_slice %arg8[%dma_wait3A_639, %dma_wait3A_640, %dma_wait3A_641] : memref<6x128x128xf32, #tpu.memory_space<vmem>> -> memref<1x128x128xf32, #tpu.memory_space<vmem>>
    %dma_wait3A_643 = tpu.memref_squeeze %dma_wait3A_642 : memref<1x128x128xf32, #tpu.memory_space<vmem>> -> memref<128x128xf32, #tpu.memory_space<vmem>>
    %dma_wait3A_644 = arith.constant 0 : i32
    %dma_wait3A_645 = tpu.memref_slice %arg5[%add3A_562, %mul3A_0, %dma_wait3A_644] : memref<32x2048x128xf32, #tpu.memory_space<hbm>> -> memref<1x128x128xf32, #tpu.memory_space<hbm>>
    %dma_wait3A_646 = tpu.memref_squeeze %dma_wait3A_645 : memref<1x128x128xf32, #tpu.memory_space<hbm>> -> memref<128x128xf32, #tpu.memory_space<hbm>>
    %dma_wait3A_647 = arith.constant 0 : i32
    %dma_wait3A_648 = tpu.memref_slice %arg5[%add3A_562, %mul3A_0, %dma_wait3A_647] : memref<32x2048x128xf32, #tpu.memory_space<hbm>> -> memref<1x128x128xf32, #tpu.memory_space<hbm>>
    %dma_wait3A_649 = tpu.memref_squeeze %dma_wait3A_648 : memref<1x128x128xf32, #tpu.memory_space<hbm>> -> memref<128x128xf32, #tpu.memory_space<hbm>>
    %dma_wait3A_650 = arith.constant 0 : i32
    %dma_wait3A_651 = arith.constant 0 : i32
    %dma_wait3A_652 = tpu.memref_slice %arg8[%dma_wait3A_639, %dma_wait3A_650, %dma_wait3A_651] : memref<6x128x128xf32, #tpu.memory_space<vmem>> -> memref<1x128x128xf32, #tpu.memory_space<vmem>>
    %dma_wait3A_653 = tpu.memref_squeeze %dma_wait3A_652 : memref<1x128x128xf32, #tpu.memory_space<vmem>> -> memref<128x128xf32, #tpu.memory_space<vmem>>
    tpu.wait_dma2 semaphore(%arg17 : memref<!tpu.dma_semaphore, #tpu.memory_space<semaphore_mem>>) src(%dma_wait3A_653 : memref<128x128xf32, #tpu.memory_space<vmem>>) dst(%dma_wait3A_649 : memref<128x128xf32, #tpu.memory_space<hbm>>)
    %dma_start3A_654 = arith.constant 14 : i32
    %dma_start3A_655 = arith.constant 2 : i32
    %dma_start3A_656 = arith.constant 0 : i32
    %dma_start3A_657 = arith.constant 0 : i32
    %dma_start3A_658 = tpu.memref_slice %arg8[%dma_start3A_655, %dma_start3A_656, %dma_start3A_657] : memref<6x128x128xf32, #tpu.memory_space<vmem>> -> memref<1x128x128xf32, #tpu.memory_space<vmem>>
    %dma_start3A_659 = tpu.memref_squeeze %dma_start3A_658 : memref<1x128x128xf32, #tpu.memory_space<vmem>> -> memref<128x128xf32, #tpu.memory_space<vmem>>
    %dma_start3A_660 = arith.constant 0 : i32
    %dma_start3A_661 = tpu.memref_slice %arg6[%dma_start3A_654, %dma_start3A_660] : memref<16x128xi32, #tpu.memory_space<vmem>> -> memref<1x128xi32, #tpu.memory_space<vmem>>
    %dma_start3A_662 = tpu.memref_squeeze %dma_start3A_661 : memref<1x128xi32, #tpu.memory_space<vmem>> -> memref<128xi32, #tpu.memory_space<vmem>>
    %dma_start3A_663 = arith.constant 0 : i32
    %dma_start3A_664 = arith.constant 0 : i32
    %dma_start3A_665 = tpu.memref_slice %arg3[%dma_start3A_663, %dma_start3A_664] : memref<100000x128xf32, #tpu.memory_space<hbm>> -> memref<100000x128xf32, #tpu.memory_space<hbm>>
    tpu.enqueue_indirect_dma source(%dma_start3A_665 : memref<100000x128xf32, #tpu.memory_space<hbm>>) target(%dma_start3A_659 : memref<128x128xf32, #tpu.memory_space<vmem>>) offsets(%dma_start3A_662 : memref<128xi32, #tpu.memory_space<vmem>>) semaphore(%arg11 : memref<!tpu.dma_semaphore, #tpu.memory_space<semaphore_mem>>)
    %dma_wait3A_666 = arith.constant 10 : i32
    %dma_wait3A_667 = arith.constant 4 : i32
    %dma_wait3A_668 = arith.constant 0 : i32
    %dma_wait3A_669 = arith.constant 0 : i32
    %dma_wait3A_670 = tpu.memref_slice %arg8[%dma_wait3A_667, %dma_wait3A_668, %dma_wait3A_669] : memref<6x128x128xf32, #tpu.memory_space<vmem>> -> memref<1x128x128xf32, #tpu.memory_space<vmem>>
    %dma_wait3A_671 = tpu.memref_squeeze %dma_wait3A_670 : memref<1x128x128xf32, #tpu.memory_space<vmem>> -> memref<128x128xf32, #tpu.memory_space<vmem>>
    %dma_wait3A_672 = arith.constant 0 : i32
    %dma_wait3A_673 = tpu.memref_slice %arg6[%dma_wait3A_666, %dma_wait3A_672] : memref<16x128xi32, #tpu.memory_space<vmem>> -> memref<1x128xi32, #tpu.memory_space<vmem>>
    %dma_wait3A_674 = tpu.memref_squeeze %dma_wait3A_673 : memref<1x128xi32, #tpu.memory_space<vmem>> -> memref<128xi32, #tpu.memory_space<vmem>>
    %dma_wait3A_675 = arith.constant 0 : i32
    %dma_wait3A_676 = arith.constant 0 : i32
    %dma_wait3A_677 = tpu.memref_slice %arg3[%dma_wait3A_675, %dma_wait3A_676] : memref<100000x128xf32, #tpu.memory_space<hbm>> -> memref<100000x128xf32, #tpu.memory_space<hbm>>
    tpu.wait_indirect_dma semaphore(%arg13 : memref<!tpu.dma_semaphore, #tpu.memory_space<semaphore_mem>>) src(%dma_wait3A_677 : memref<100000x128xf32, #tpu.memory_space<hbm>>) dst(%dma_wait3A_671 : memref<128x128xf32, #tpu.memory_space<vmem>>)
    %scan3A_678 = arith.constant 0 : i32
    %scan3A_679 = arith.constant 128 : i32
    %scan3A_680 = arith.addi %scan3A_678, %scan3A_679 : i32
    %scan3A_681 = arith.constant 1 : i32
    scf.for %scan3A_987 = %scan3A_678 to %scan3A_680 step %scan3A_681  : i32 {
      %mul3A_988 = arith.constant 1 : i32
      %mul3A_989 = arith.muli %scan3A_987, %mul3A_988 : i32
      %add3A_990 = arith.constant 0 : i32
      %add3A_991 = arith.addi %add3A_990, %mul3A_989 : i32
      %get3A = arith.index_cast %add3A_991 : i32 to index
      %get3A_992 = arith.constant 0 : index
      %get3A_993 = tpu.vector_load %arg7[%get3A, %get3A_992] {strides = array<i32>} : memref<128x128xf32, #tpu.memory_space<vmem>>, vector<1x16xf32>,
      %get3A_994 = vector.shape_cast %get3A_993 : vector<1x16xf32> to vector<16xf32>
      %swap3A = arith.constant 4 : i32
      %swap3A_995 = arith.index_cast %swap3A : i32 to index
      %swap3A_996 = arith.index_cast %add3A_991 : i32 to index
      %swap3A_997 = arith.constant 0 : index
      %swap3A_998 = tpu.vector_load %arg8[%swap3A_995, %swap3A_996, %swap3A_997] {strides = array<i32>} : memref<6x128x128xf32, #tpu.memory_space<vmem>>, vector<1x1x16xf32>,
      %swap3A_999 = vector.shape_cast %swap3A_998 : vector<1x1x16xf32> to vector<16xf32>
      %swap3A_1000 = vector.shape_cast %get3A_994 : vector<16xf32> to vector<1x1x16xf32>
      tpu.vector_store %arg8[%swap3A_995, %swap3A_996, %swap3A_997], %swap3A_1000 {add = true, strides = array<i32>} : memref<6x128x128xf32, #tpu.memory_space<vmem>>, vector<1x1x16xf32>,
      %get3A_1001 = arith.index_cast %add3A_991 : i32 to index
      %get3A_1002 = arith.constant 16 : index
      %get3A_1003 = tpu.vector_load %arg7[%get3A_1001, %get3A_1002] {strides = array<i32>} : memref<128x128xf32, #tpu.memory_space<vmem>>, vector<1x16xf32>,
      %get3A_1004 = vector.shape_cast %get3A_1003 : vector<1x16xf32> to vector<16xf32>
      %swap3A_1005 = arith.constant 4 : i32
      %swap3A_1006 = arith.index_cast %swap3A_1005 : i32 to index
      %swap3A_1007 = arith.index_cast %add3A_991 : i32 to index
      %swap3A_1008 = arith.constant 16 : index
      %swap3A_1009 = tpu.vector_load %arg8[%swap3A_1006, %swap3A_1007, %swap3A_1008] {strides = array<i32>} : memref<6x128x128xf32, #tpu.memory_space<vmem>>, vector<1x1x16xf32>,
      %swap3A_1010 = vector.shape_cast %swap3A_1009 : vector<1x1x16xf32> to vector<16xf32>
      %swap3A_1011 = vector.shape_cast %get3A_1004 : vector<16xf32> to vector<1x1x16xf32>
      tpu.vector_store %arg8[%swap3A_1006, %swap3A_1007, %swap3A_1008], %swap3A_1011 {add = true, strides = array<i32>} : memref<6x128x128xf32, #tpu.memory_space<vmem>>, vector<1x1x16xf32>,
      %get3A_1012 = arith.index_cast %add3A_991 : i32 to index
      %get3A_1013 = arith.constant 32 : index
      %get3A_1014 = tpu.vector_load %arg7[%get3A_1012, %get3A_1013] {strides = array<i32>} : memref<128x128xf32, #tpu.memory_space<vmem>>, vector<1x16xf32>,
      %get3A_1015 = vector.shape_cast %get3A_1014 : vector<1x16xf32> to vector<16xf32>
      %swap3A_1016 = arith.constant 4 : i32
      %swap3A_1017 = arith.index_cast %swap3A_1016 : i32 to index
      %swap3A_1018 = arith.index_cast %add3A_991 : i32 to index
      %swap3A_1019 = arith.constant 32 : index
      %swap3A_1020 = tpu.vector_load %arg8[%swap3A_1017, %swap3A_1018, %swap3A_1019] {strides = array<i32>} : memref<6x128x128xf32, #tpu.memory_space<vmem>>, vector<1x1x16xf32>,
      %swap3A_1021 = vector.shape_cast %swap3A_1020 : vector<1x1x16xf32> to vector<16xf32>
      %swap3A_1022 = vector.shape_cast %get3A_1015 : vector<16xf32> to vector<1x1x16xf32>
      tpu.vector_store %arg8[%swap3A_1017, %swap3A_1018, %swap3A_1019], %swap3A_1022 {add = true, strides = array<i32>} : memref<6x128x128xf32, #tpu.memory_space<vmem>>, vector<1x1x16xf32>,
      %get3A_1023 = arith.index_cast %add3A_991 : i32 to index
      %get3A_1024 = arith.constant 48 : index
      %get3A_1025 = tpu.vector_load %arg7[%get3A_1023, %get3A_1024] {strides = array<i32>} : memref<128x128xf32, #tpu.memory_space<vmem>>, vector<1x16xf32>,
      %get3A_1026 = vector.shape_cast %get3A_1025 : vector<1x16xf32> to vector<16xf32>
      %swap3A_1027 = arith.constant 4 : i32
      %swap3A_1028 = arith.index_cast %swap3A_1027 : i32 to index
      %swap3A_1029 = arith.index_cast %add3A_991 : i32 to index
      %swap3A_1030 = arith.constant 48 : index
      %swap3A_1031 = tpu.vector_load %arg8[%swap3A_1028, %swap3A_1029, %swap3A_1030] {strides = array<i32>} : memref<6x128x128xf32, #tpu.memory_space<vmem>>, vector<1x1x16xf32>,
      %swap3A_1032 = vector.shape_cast %swap3A_1031 : vector<1x1x16xf32> to vector<16xf32>
      %swap3A_1033 = vector.shape_cast %get3A_1026 : vector<16xf32> to vector<1x1x16xf32>
      tpu.vector_store %arg8[%swap3A_1028, %swap3A_1029, %swap3A_1030], %swap3A_1033 {add = true, strides = array<i32>} : memref<6x128x128xf32, #tpu.memory_space<vmem>>, vector<1x1x16xf32>,
      %get3A_1034 = arith.index_cast %add3A_991 : i32 to index
      %get3A_1035 = arith.constant 64 : index
      %get3A_1036 = tpu.vector_load %arg7[%get3A_1034, %get3A_1035] {strides = array<i32>} : memref<128x128xf32, #tpu.memory_space<vmem>>, vector<1x16xf32>,
      %get3A_1037 = vector.shape_cast %get3A_1036 : vector<1x16xf32> to vector<16xf32>
      %swap3A_1038 = arith.constant 4 : i32
      %swap3A_1039 = arith.index_cast %swap3A_1038 : i32 to index
      %swap3A_1040 = arith.index_cast %add3A_991 : i32 to index
      %swap3A_1041 = arith.constant 64 : index
      %swap3A_1042 = tpu.vector_load %arg8[%swap3A_1039, %swap3A_1040, %swap3A_1041] {strides = array<i32>} : memref<6x128x128xf32, #tpu.memory_space<vmem>>, vector<1x1x16xf32>,
      %swap3A_1043 = vector.shape_cast %swap3A_1042 : vector<1x1x16xf32> to vector<16xf32>
      %swap3A_1044 = vector.shape_cast %get3A_1037 : vector<16xf32> to vector<1x1x16xf32>
      tpu.vector_store %arg8[%swap3A_1039, %swap3A_1040, %swap3A_1041], %swap3A_1044 {add = true, strides = array<i32>} : memref<6x128x128xf32, #tpu.memory_space<vmem>>, vector<1x1x16xf32>,
      %get3A_1045 = arith.index_cast %add3A_991 : i32 to index
      %get3A_1046 = arith.constant 80 : index
      %get3A_1047 = tpu.vector_load %arg7[%get3A_1045, %get3A_1046] {strides = array<i32>} : memref<128x128xf32, #tpu.memory_space<vmem>>, vector<1x16xf32>,
      %get3A_1048 = vector.shape_cast %get3A_1047 : vector<1x16xf32> to vector<16xf32>
      %swap3A_1049 = arith.constant 4 : i32
      %swap3A_1050 = arith.index_cast %swap3A_1049 : i32 to index
      %swap3A_1051 = arith.index_cast %add3A_991 : i32 to index
      %swap3A_1052 = arith.constant 80 : index
      %swap3A_1053 = tpu.vector_load %arg8[%swap3A_1050, %swap3A_1051, %swap3A_1052] {strides = array<i32>} : memref<6x128x128xf32, #tpu.memory_space<vmem>>, vector<1x1x16xf32>,
      %swap3A_1054 = vector.shape_cast %swap3A_1053 : vector<1x1x16xf32> to vector<16xf32>
      %swap3A_1055 = vector.shape_cast %get3A_1048 : vector<16xf32> to vector<1x1x16xf32>
      tpu.vector_store %arg8[%swap3A_1050, %swap3A_1051, %swap3A_1052], %swap3A_1055 {add = true, strides = array<i32>} : memref<6x128x128xf32, #tpu.memory_space<vmem>>, vector<1x1x16xf32>,
      %get3A_1056 = arith.index_cast %add3A_991 : i32 to index
      %get3A_1057 = arith.constant 96 : index
      %get3A_1058 = tpu.vector_load %arg7[%get3A_1056, %get3A_1057] {strides = array<i32>} : memref<128x128xf32, #tpu.memory_space<vmem>>, vector<1x16xf32>,
      %get3A_1059 = vector.shape_cast %get3A_1058 : vector<1x16xf32> to vector<16xf32>
      %swap3A_1060 = arith.constant 4 : i32
      %swap3A_1061 = arith.index_cast %swap3A_1060 : i32 to index
      %swap3A_1062 = arith.index_cast %add3A_991 : i32 to index
      %swap3A_1063 = arith.constant 96 : index
      %swap3A_1064 = tpu.vector_load %arg8[%swap3A_1061, %swap3A_1062, %swap3A_1063] {strides = array<i32>} : memref<6x128x128xf32, #tpu.memory_space<vmem>>, vector<1x1x16xf32>,
      %swap3A_1065 = vector.shape_cast %swap3A_1064 : vector<1x1x16xf32> to vector<16xf32>
      %swap3A_1066 = vector.shape_cast %get3A_1059 : vector<16xf32> to vector<1x1x16xf32>
      tpu.vector_store %arg8[%swap3A_1061, %swap3A_1062, %swap3A_1063], %swap3A_1066 {add = true, strides = array<i32>} : memref<6x128x128xf32, #tpu.memory_space<vmem>>, vector<1x1x16xf32>,
      %get3A_1067 = arith.index_cast %add3A_991 : i32 to index
      %get3A_1068 = arith.constant 112 : index
      %get3A_1069 = tpu.vector_load %arg7[%get3A_1067, %get3A_1068] {strides = array<i32>} : memref<128x128xf32, #tpu.memory_space<vmem>>, vector<1x16xf32>,
      %get3A_1070 = vector.shape_cast %get3A_1069 : vector<1x16xf32> to vector<16xf32>
      %swap3A_1071 = arith.constant 4 : i32
      %swap3A_1072 = arith.index_cast %swap3A_1071 : i32 to index
      %swap3A_1073 = arith.index_cast %add3A_991 : i32 to index
      %swap3A_1074 = arith.constant 112 : index
      %swap3A_1075 = tpu.vector_load %arg8[%swap3A_1072, %swap3A_1073, %swap3A_1074] {strides = array<i32>} : memref<6x128x128xf32, #tpu.memory_space<vmem>>, vector<1x1x16xf32>,
      %swap3A_1076 = vector.shape_cast %swap3A_1075 : vector<1x1x16xf32> to vector<16xf32>
      %swap3A_1077 = vector.shape_cast %get3A_1070 : vector<16xf32> to vector<1x1x16xf32>
      tpu.vector_store %arg8[%swap3A_1072, %swap3A_1073, %swap3A_1074], %swap3A_1077 {add = true, strides = array<i32>} : memref<6x128x128xf32, #tpu.memory_space<vmem>>, vector<1x1x16xf32>,
    }
    %scan3A_682 = arith.constant 128 : i32
    %add3A_683 = arith.constant 10 : i32
    %add3A_684 = arith.addi %mul3A_2, %add3A_683 : i32
    %dma_start3A_685 = arith.constant 4 : i32
    %dma_start3A_686 = arith.constant 0 : i32
    %dma_start3A_687 = arith.constant 0 : i32
    %dma_start3A_688 = tpu.memref_slice %arg8[%dma_start3A_685, %dma_start3A_686, %dma_start3A_687] : memref<6x128x128xf32, #tpu.memory_space<vmem>> -> memref<1x128x128xf32, #tpu.memory_space<vmem>>
    %dma_start3A_689 = tpu.memref_squeeze %dma_start3A_688 : memref<1x128x128xf32, #tpu.memory_space<vmem>> -> memref<128x128xf32, #tpu.memory_space<vmem>>
    %dma_start3A_690 = arith.constant 0 : i32
    %dma_start3A_691 = tpu.memref_slice %arg5[%add3A_684, %mul3A_0, %dma_start3A_690] : memref<32x2048x128xf32, #tpu.memory_space<hbm>> -> memref<1x128x128xf32, #tpu.memory_space<hbm>>
    %dma_start3A_692 = tpu.memref_squeeze %dma_start3A_691 : memref<1x128x128xf32, #tpu.memory_space<hbm>> -> memref<128x128xf32, #tpu.memory_space<hbm>>
    %dma_start3A_693 = arith.constant 0 : i32
    %dma_start3A_694 = tpu.memref_slice %arg5[%add3A_684, %mul3A_0, %dma_start3A_693] : memref<32x2048x128xf32, #tpu.memory_space<hbm>> -> memref<1x128x128xf32, #tpu.memory_space<hbm>>
    %dma_start3A_695 = tpu.memref_squeeze %dma_start3A_694 : memref<1x128x128xf32, #tpu.memory_space<hbm>> -> memref<128x128xf32, #tpu.memory_space<hbm>>
    %dma_start3A_696 = arith.constant 0 : i32
    %dma_start3A_697 = arith.constant 0 : i32
    %dma_start3A_698 = tpu.memref_slice %arg8[%dma_start3A_685, %dma_start3A_696, %dma_start3A_697] : memref<6x128x128xf32, #tpu.memory_space<vmem>> -> memref<1x128x128xf32, #tpu.memory_space<vmem>>
    %dma_start3A_699 = tpu.memref_squeeze %dma_start3A_698 : memref<1x128x128xf32, #tpu.memory_space<vmem>> -> memref<128x128xf32, #tpu.memory_space<vmem>>
    tpu.enqueue_dma source(%dma_start3A_699 : memref<128x128xf32, #tpu.memory_space<vmem>>) target(%dma_start3A_695 : memref<128x128xf32, #tpu.memory_space<hbm>>) target_semaphore(%arg19 : memref<!tpu.dma_semaphore, #tpu.memory_space<semaphore_mem>>)
    %dma_wait3A_700 = arith.constant 3 : i32
    %dma_wait3A_701 = arith.constant 0 : i32
    %dma_wait3A_702 = arith.constant 0 : i32
    %dma_wait3A_703 = tpu.memref_slice %arg8[%dma_wait3A_700, %dma_wait3A_701, %dma_wait3A_702] : memref<6x128x128xf32, #tpu.memory_space<vmem>> -> memref<1x128x128xf32, #tpu.memory_space<vmem>>
    %dma_wait3A_704 = tpu.memref_squeeze %dma_wait3A_703 : memref<1x128x128xf32, #tpu.memory_space<vmem>> -> memref<128x128xf32, #tpu.memory_space<vmem>>
    %dma_wait3A_705 = arith.constant 0 : i32
    %dma_wait3A_706 = tpu.memref_slice %arg5[%add3A_623, %mul3A_0, %dma_wait3A_705] : memref<32x2048x128xf32, #tpu.memory_space<hbm>> -> memref<1x128x128xf32, #tpu.memory_space<hbm>>
    %dma_wait3A_707 = tpu.memref_squeeze %dma_wait3A_706 : memref<1x128x128xf32, #tpu.memory_space<hbm>> -> memref<128x128xf32, #tpu.memory_space<hbm>>
    %dma_wait3A_708 = arith.constant 0 : i32
    %dma_wait3A_709 = tpu.memref_slice %arg5[%add3A_623, %mul3A_0, %dma_wait3A_708] : memref<32x2048x128xf32, #tpu.memory_space<hbm>> -> memref<1x128x128xf32, #tpu.memory_space<hbm>>
    %dma_wait3A_710 = tpu.memref_squeeze %dma_wait3A_709 : memref<1x128x128xf32, #tpu.memory_space<hbm>> -> memref<128x128xf32, #tpu.memory_space<hbm>>
    %dma_wait3A_711 = arith.constant 0 : i32
    %dma_wait3A_712 = arith.constant 0 : i32
    %dma_wait3A_713 = tpu.memref_slice %arg8[%dma_wait3A_700, %dma_wait3A_711, %dma_wait3A_712] : memref<6x128x128xf32, #tpu.memory_space<vmem>> -> memref<1x128x128xf32, #tpu.memory_space<vmem>>
    %dma_wait3A_714 = tpu.memref_squeeze %dma_wait3A_713 : memref<1x128x128xf32, #tpu.memory_space<vmem>> -> memref<128x128xf32, #tpu.memory_space<vmem>>
    tpu.wait_dma2 semaphore(%arg18 : memref<!tpu.dma_semaphore, #tpu.memory_space<semaphore_mem>>) src(%dma_wait3A_714 : memref<128x128xf32, #tpu.memory_space<vmem>>) dst(%dma_wait3A_710 : memref<128x128xf32, #tpu.memory_space<hbm>>)
    %dma_start3A_715 = arith.constant 15 : i32
    %dma_start3A_716 = arith.constant 3 : i32
    %dma_start3A_717 = arith.constant 0 : i32
    %dma_start3A_718 = arith.constant 0 : i32
    %dma_start3A_719 = tpu.memref_slice %arg8[%dma_start3A_716, %dma_start3A_717, %dma_start3A_718] : memref<6x128x128xf32, #tpu.memory_space<vmem>> -> memref<1x128x128xf32, #tpu.memory_space<vmem>>
    %dma_start3A_720 = tpu.memref_squeeze %dma_start3A_719 : memref<1x128x128xf32, #tpu.memory_space<vmem>> -> memref<128x128xf32, #tpu.memory_space<vmem>>
    %dma_start3A_721 = arith.constant 0 : i32
    %dma_start3A_722 = tpu.memref_slice %arg6[%dma_start3A_715, %dma_start3A_721] : memref<16x128xi32, #tpu.memory_space<vmem>> -> memref<1x128xi32, #tpu.memory_space<vmem>>
    %dma_start3A_723 = tpu.memref_squeeze %dma_start3A_722 : memref<1x128xi32, #tpu.memory_space<vmem>> -> memref<128xi32, #tpu.memory_space<vmem>>
    %dma_start3A_724 = arith.constant 0 : i32
    %dma_start3A_725 = arith.constant 0 : i32
    %dma_start3A_726 = tpu.memref_slice %arg3[%dma_start3A_724, %dma_start3A_725] : memref<100000x128xf32, #tpu.memory_space<hbm>> -> memref<100000x128xf32, #tpu.memory_space<hbm>>
    tpu.enqueue_indirect_dma source(%dma_start3A_726 : memref<100000x128xf32, #tpu.memory_space<hbm>>) target(%dma_start3A_720 : memref<128x128xf32, #tpu.memory_space<vmem>>) offsets(%dma_start3A_723 : memref<128xi32, #tpu.memory_space<vmem>>) semaphore(%arg12 : memref<!tpu.dma_semaphore, #tpu.memory_space<semaphore_mem>>)
    %dma_wait3A_727 = arith.constant 11 : i32
    %dma_wait3A_728 = arith.constant 5 : i32
    %dma_wait3A_729 = arith.constant 0 : i32
    %dma_wait3A_730 = arith.constant 0 : i32
    %dma_wait3A_731 = tpu.memref_slice %arg8[%dma_wait3A_728, %dma_wait3A_729, %dma_wait3A_730] : memref<6x128x128xf32, #tpu.memory_space<vmem>> -> memref<1x128x128xf32, #tpu.memory_space<vmem>>
    %dma_wait3A_732 = tpu.memref_squeeze %dma_wait3A_731 : memref<1x128x128xf32, #tpu.memory_space<vmem>> -> memref<128x128xf32, #tpu.memory_space<vmem>>
    %dma_wait3A_733 = arith.constant 0 : i32
    %dma_wait3A_734 = tpu.memref_slice %arg6[%dma_wait3A_727, %dma_wait3A_733] : memref<16x128xi32, #tpu.memory_space<vmem>> -> memref<1x128xi32, #tpu.memory_space<vmem>>
    %dma_wait3A_735 = tpu.memref_squeeze %dma_wait3A_734 : memref<1x128xi32, #tpu.memory_space<vmem>> -> memref<128xi32, #tpu.memory_space<vmem>>
    %dma_wait3A_736 = arith.constant 0 : i32
    %dma_wait3A_737 = arith.constant 0 : i32
    %dma_wait3A_738 = tpu.memref_slice %arg3[%dma_wait3A_736, %dma_wait3A_737] : memref<100000x128xf32, #tpu.memory_space<hbm>> -> memref<100000x128xf32, #tpu.memory_space<hbm>>
    tpu.wait_indirect_dma semaphore(%arg14 : memref<!tpu.dma_semaphore, #tpu.memory_space<semaphore_mem>>) src(%dma_wait3A_738 : memref<100000x128xf32, #tpu.memory_space<hbm>>) dst(%dma_wait3A_732 : memref<128x128xf32, #tpu.memory_space<vmem>>)
    %scan3A_739 = arith.constant 0 : i32
    %scan3A_740 = arith.constant 128 : i32
    %scan3A_741 = arith.addi %scan3A_739, %scan3A_740 : i32
    %scan3A_742 = arith.constant 1 : i32
    scf.for %scan3A_987 = %scan3A_739 to %scan3A_741 step %scan3A_742  : i32 {
      %mul3A_988 = arith.constant 1 : i32
      %mul3A_989 = arith.muli %scan3A_987, %mul3A_988 : i32
      %add3A_990 = arith.constant 0 : i32
      %add3A_991 = arith.addi %add3A_990, %mul3A_989 : i32
      %get3A = arith.index_cast %add3A_991 : i32 to index
      %get3A_992 = arith.constant 0 : index
      %get3A_993 = tpu.vector_load %arg7[%get3A, %get3A_992] {strides = array<i32>} : memref<128x128xf32, #tpu.memory_space<vmem>>, vector<1x16xf32>,
      %get3A_994 = vector.shape_cast %get3A_993 : vector<1x16xf32> to vector<16xf32>
      %swap3A = arith.constant 5 : i32
      %swap3A_995 = arith.index_cast %swap3A : i32 to index
      %swap3A_996 = arith.index_cast %add3A_991 : i32 to index
      %swap3A_997 = arith.constant 0 : index
      %swap3A_998 = tpu.vector_load %arg8[%swap3A_995, %swap3A_996, %swap3A_997] {strides = array<i32>} : memref<6x128x128xf32, #tpu.memory_space<vmem>>, vector<1x1x16xf32>,
      %swap3A_999 = vector.shape_cast %swap3A_998 : vector<1x1x16xf32> to vector<16xf32>
      %swap3A_1000 = vector.shape_cast %get3A_994 : vector<16xf32> to vector<1x1x16xf32>
      tpu.vector_store %arg8[%swap3A_995, %swap3A_996, %swap3A_997], %swap3A_1000 {add = true, strides = array<i32>} : memref<6x128x128xf32, #tpu.memory_space<vmem>>, vector<1x1x16xf32>,
      %get3A_1001 = arith.index_cast %add3A_991 : i32 to index
      %get3A_1002 = arith.constant 16 : index
      %get3A_1003 = tpu.vector_load %arg7[%get3A_1001, %get3A_1002] {strides = array<i32>} : memref<128x128xf32, #tpu.memory_space<vmem>>, vector<1x16xf32>,
      %get3A_1004 = vector.shape_cast %get3A_1003 : vector<1x16xf32> to vector<16xf32>
      %swap3A_1005 = arith.constant 5 : i32
      %swap3A_1006 = arith.index_cast %swap3A_1005 : i32 to index
      %swap3A_1007 = arith.index_cast %add3A_991 : i32 to index
      %swap3A_1008 = arith.constant 16 : index
      %swap3A_1009 = tpu.vector_load %arg8[%swap3A_1006, %swap3A_1007, %swap3A_1008] {strides = array<i32>} : memref<6x128x128xf32, #tpu.memory_space<vmem>>, vector<1x1x16xf32>,
      %swap3A_1010 = vector.shape_cast %swap3A_1009 : vector<1x1x16xf32> to vector<16xf32>
      %swap3A_1011 = vector.shape_cast %get3A_1004 : vector<16xf32> to vector<1x1x16xf32>
      tpu.vector_store %arg8[%swap3A_1006, %swap3A_1007, %swap3A_1008], %swap3A_1011 {add = true, strides = array<i32>} : memref<6x128x128xf32, #tpu.memory_space<vmem>>, vector<1x1x16xf32>,
      %get3A_1012 = arith.index_cast %add3A_991 : i32 to index
      %get3A_1013 = arith.constant 32 : index
      %get3A_1014 = tpu.vector_load %arg7[%get3A_1012, %get3A_1013] {strides = array<i32>} : memref<128x128xf32, #tpu.memory_space<vmem>>, vector<1x16xf32>,
      %get3A_1015 = vector.shape_cast %get3A_1014 : vector<1x16xf32> to vector<16xf32>
      %swap3A_1016 = arith.constant 5 : i32
      %swap3A_1017 = arith.index_cast %swap3A_1016 : i32 to index
      %swap3A_1018 = arith.index_cast %add3A_991 : i32 to index
      %swap3A_1019 = arith.constant 32 : index
      %swap3A_1020 = tpu.vector_load %arg8[%swap3A_1017, %swap3A_1018, %swap3A_1019] {strides = array<i32>} : memref<6x128x128xf32, #tpu.memory_space<vmem>>, vector<1x1x16xf32>,
      %swap3A_1021 = vector.shape_cast %swap3A_1020 : vector<1x1x16xf32> to vector<16xf32>
      %swap3A_1022 = vector.shape_cast %get3A_1015 : vector<16xf32> to vector<1x1x16xf32>
      tpu.vector_store %arg8[%swap3A_1017, %swap3A_1018, %swap3A_1019], %swap3A_1022 {add = true, strides = array<i32>} : memref<6x128x128xf32, #tpu.memory_space<vmem>>, vector<1x1x16xf32>,
      %get3A_1023 = arith.index_cast %add3A_991 : i32 to index
      %get3A_1024 = arith.constant 48 : index
      %get3A_1025 = tpu.vector_load %arg7[%get3A_1023, %get3A_1024] {strides = array<i32>} : memref<128x128xf32, #tpu.memory_space<vmem>>, vector<1x16xf32>,
      %get3A_1026 = vector.shape_cast %get3A_1025 : vector<1x16xf32> to vector<16xf32>
      %swap3A_1027 = arith.constant 5 : i32
      %swap3A_1028 = arith.index_cast %swap3A_1027 : i32 to index
      %swap3A_1029 = arith.index_cast %add3A_991 : i32 to index
      %swap3A_1030 = arith.constant 48 : index
      %swap3A_1031 = tpu.vector_load %arg8[%swap3A_1028, %swap3A_1029, %swap3A_1030] {strides = array<i32>} : memref<6x128x128xf32, #tpu.memory_space<vmem>>, vector<1x1x16xf32>,
      %swap3A_1032 = vector.shape_cast %swap3A_1031 : vector<1x1x16xf32> to vector<16xf32>
      %swap3A_1033 = vector.shape_cast %get3A_1026 : vector<16xf32> to vector<1x1x16xf32>
      tpu.vector_store %arg8[%swap3A_1028, %swap3A_1029, %swap3A_1030], %swap3A_1033 {add = true, strides = array<i32>} : memref<6x128x128xf32, #tpu.memory_space<vmem>>, vector<1x1x16xf32>,
      %get3A_1034 = arith.index_cast %add3A_991 : i32 to index
      %get3A_1035 = arith.constant 64 : index
      %get3A_1036 = tpu.vector_load %arg7[%get3A_1034, %get3A_1035] {strides = array<i32>} : memref<128x128xf32, #tpu.memory_space<vmem>>, vector<1x16xf32>,
      %get3A_1037 = vector.shape_cast %get3A_1036 : vector<1x16xf32> to vector<16xf32>
      %swap3A_1038 = arith.constant 5 : i32
      %swap3A_1039 = arith.index_cast %swap3A_1038 : i32 to index
      %swap3A_1040 = arith.index_cast %add3A_991 : i32 to index
      %swap3A_1041 = arith.constant 64 : index
      %swap3A_1042 = tpu.vector_load %arg8[%swap3A_1039, %swap3A_1040, %swap3A_1041] {strides = array<i32>} : memref<6x128x128xf32, #tpu.memory_space<vmem>>, vector<1x1x16xf32>,
      %swap3A_1043 = vector.shape_cast %swap3A_1042 : vector<1x1x16xf32> to vector<16xf32>
      %swap3A_1044 = vector.shape_cast %get3A_1037 : vector<16xf32> to vector<1x1x16xf32>
      tpu.vector_store %arg8[%swap3A_1039, %swap3A_1040, %swap3A_1041], %swap3A_1044 {add = true, strides = array<i32>} : memref<6x128x128xf32, #tpu.memory_space<vmem>>, vector<1x1x16xf32>,
      %get3A_1045 = arith.index_cast %add3A_991 : i32 to index
      %get3A_1046 = arith.constant 80 : index
      %get3A_1047 = tpu.vector_load %arg7[%get3A_1045, %get3A_1046] {strides = array<i32>} : memref<128x128xf32, #tpu.memory_space<vmem>>, vector<1x16xf32>,
      %get3A_1048 = vector.shape_cast %get3A_1047 : vector<1x16xf32> to vector<16xf32>
      %swap3A_1049 = arith.constant 5 : i32
      %swap3A_1050 = arith.index_cast %swap3A_1049 : i32 to index
      %swap3A_1051 = arith.index_cast %add3A_991 : i32 to index
      %swap3A_1052 = arith.constant 80 : index
      %swap3A_1053 = tpu.vector_load %arg8[%swap3A_1050, %swap3A_1051, %swap3A_1052] {strides = array<i32>} : memref<6x128x128xf32, #tpu.memory_space<vmem>>, vector<1x1x16xf32>,
      %swap3A_1054 = vector.shape_cast %swap3A_1053 : vector<1x1x16xf32> to vector<16xf32>
      %swap3A_1055 = vector.shape_cast %get3A_1048 : vector<16xf32> to vector<1x1x16xf32>
      tpu.vector_store %arg8[%swap3A_1050, %swap3A_1051, %swap3A_1052], %swap3A_1055 {add = true, strides = array<i32>} : memref<6x128x128xf32, #tpu.memory_space<vmem>>, vector<1x1x16xf32>,
      %get3A_1056 = arith.index_cast %add3A_991 : i32 to index
      %get3A_1057 = arith.constant 96 : index
      %get3A_1058 = tpu.vector_load %arg7[%get3A_1056, %get3A_1057] {strides = array<i32>} : memref<128x128xf32, #tpu.memory_space<vmem>>, vector<1x16xf32>,
      %get3A_1059 = vector.shape_cast %get3A_1058 : vector<1x16xf32> to vector<16xf32>
      %swap3A_1060 = arith.constant 5 : i32
      %swap3A_1061 = arith.index_cast %swap3A_1060 : i32 to index
      %swap3A_1062 = arith.index_cast %add3A_991 : i32 to index
      %swap3A_1063 = arith.constant 96 : index
      %swap3A_1064 = tpu.vector_load %arg8[%swap3A_1061, %swap3A_1062, %swap3A_1063] {strides = array<i32>} : memref<6x128x128xf32, #tpu.memory_space<vmem>>, vector<1x1x16xf32>,
      %swap3A_1065 = vector.shape_cast %swap3A_1064 : vector<1x1x16xf32> to vector<16xf32>
      %swap3A_1066 = vector.shape_cast %get3A_1059 : vector<16xf32> to vector<1x1x16xf32>
      tpu.vector_store %arg8[%swap3A_1061, %swap3A_1062, %swap3A_1063], %swap3A_1066 {add = true, strides = array<i32>} : memref<6x128x128xf32, #tpu.memory_space<vmem>>, vector<1x1x16xf32>,
      %get3A_1067 = arith.index_cast %add3A_991 : i32 to index
      %get3A_1068 = arith.constant 112 : index
      %get3A_1069 = tpu.vector_load %arg7[%get3A_1067, %get3A_1068] {strides = array<i32>} : memref<128x128xf32, #tpu.memory_space<vmem>>, vector<1x16xf32>,
      %get3A_1070 = vector.shape_cast %get3A_1069 : vector<1x16xf32> to vector<16xf32>
      %swap3A_1071 = arith.constant 5 : i32
      %swap3A_1072 = arith.index_cast %swap3A_1071 : i32 to index
      %swap3A_1073 = arith.index_cast %add3A_991 : i32 to index
      %swap3A_1074 = arith.constant 112 : index
      %swap3A_1075 = tpu.vector_load %arg8[%swap3A_1072, %swap3A_1073, %swap3A_1074] {strides = array<i32>} : memref<6x128x128xf32, #tpu.memory_space<vmem>>, vector<1x1x16xf32>,
      %swap3A_1076 = vector.shape_cast %swap3A_1075 : vector<1x1x16xf32> to vector<16xf32>
      %swap3A_1077 = vector.shape_cast %get3A_1070 : vector<16xf32> to vector<1x1x16xf32>
      tpu.vector_store %arg8[%swap3A_1072, %swap3A_1073, %swap3A_1074], %swap3A_1077 {add = true, strides = array<i32>} : memref<6x128x128xf32, #tpu.memory_space<vmem>>, vector<1x1x16xf32>,
    }
    %scan3A_743 = arith.constant 128 : i32
    %add3A_744 = arith.constant 11 : i32
    %add3A_745 = arith.addi %mul3A_2, %add3A_744 : i32
    %dma_start3A_746 = arith.constant 5 : i32
    %dma_start3A_747 = arith.constant 0 : i32
    %dma_start3A_748 = arith.constant 0 : i32
    %dma_start3A_749 = tpu.memref_slice %arg8[%dma_start3A_746, %dma_start3A_747, %dma_start3A_748] : memref<6x128x128xf32, #tpu.memory_space<vmem>> -> memref<1x128x128xf32, #tpu.memory_space<vmem>>
    %dma_start3A_750 = tpu.memref_squeeze %dma_start3A_749 : memref<1x128x128xf32, #tpu.memory_space<vmem>> -> memref<128x128xf32, #tpu.memory_space<vmem>>
    %dma_start3A_751 = arith.constant 0 : i32
    %dma_start3A_752 = tpu.memref_slice %arg5[%add3A_745, %mul3A_0, %dma_start3A_751] : memref<32x2048x128xf32, #tpu.memory_space<hbm>> -> memref<1x128x128xf32, #tpu.memory_space<hbm>>
    %dma_start3A_753 = tpu.memref_squeeze %dma_start3A_752 : memref<1x128x128xf32, #tpu.memory_space<hbm>> -> memref<128x128xf32, #tpu.memory_space<hbm>>
    %dma_start3A_754 = arith.constant 0 : i32
    %dma_start3A_755 = tpu.memref_slice %arg5[%add3A_745, %mul3A_0, %dma_start3A_754] : memref<32x2048x128xf32, #tpu.memory_space<hbm>> -> memref<1x128x128xf32, #tpu.memory_space<hbm>>
    %dma_start3A_756 = tpu.memref_squeeze %dma_start3A_755 : memref<1x128x128xf32, #tpu.memory_space<hbm>> -> memref<128x128xf32, #tpu.memory_space<hbm>>
    %dma_start3A_757 = arith.constant 0 : i32
    %dma_start3A_758 = arith.constant 0 : i32
    %dma_start3A_759 = tpu.memref_slice %arg8[%dma_start3A_746, %dma_start3A_757, %dma_start3A_758] : memref<6x128x128xf32, #tpu.memory_space<vmem>> -> memref<1x128x128xf32, #tpu.memory_space<vmem>>
    %dma_start3A_760 = tpu.memref_squeeze %dma_start3A_759 : memref<1x128x128xf32, #tpu.memory_space<vmem>> -> memref<128x128xf32, #tpu.memory_space<vmem>>
    tpu.enqueue_dma source(%dma_start3A_760 : memref<128x128xf32, #tpu.memory_space<vmem>>) target(%dma_start3A_756 : memref<128x128xf32, #tpu.memory_space<hbm>>) target_semaphore(%arg20 : memref<!tpu.dma_semaphore, #tpu.memory_space<semaphore_mem>>)
    %dma_wait3A_761 = arith.constant 12 : i32
    %dma_wait3A_762 = arith.constant 0 : i32
    %dma_wait3A_763 = arith.constant 0 : i32
    %dma_wait3A_764 = arith.constant 0 : i32
    %dma_wait3A_765 = tpu.memref_slice %arg8[%dma_wait3A_762, %dma_wait3A_763, %dma_wait3A_764] : memref<6x128x128xf32, #tpu.memory_space<vmem>> -> memref<1x128x128xf32, #tpu.memory_space<vmem>>
    %dma_wait3A_766 = tpu.memref_squeeze %dma_wait3A_765 : memref<1x128x128xf32, #tpu.memory_space<vmem>> -> memref<128x128xf32, #tpu.memory_space<vmem>>
    %dma_wait3A_767 = arith.constant 0 : i32
    %dma_wait3A_768 = tpu.memref_slice %arg6[%dma_wait3A_761, %dma_wait3A_767] : memref<16x128xi32, #tpu.memory_space<vmem>> -> memref<1x128xi32, #tpu.memory_space<vmem>>
    %dma_wait3A_769 = tpu.memref_squeeze %dma_wait3A_768 : memref<1x128xi32, #tpu.memory_space<vmem>> -> memref<128xi32, #tpu.memory_space<vmem>>
    %dma_wait3A_770 = arith.constant 0 : i32
    %dma_wait3A_771 = arith.constant 0 : i32
    %dma_wait3A_772 = tpu.memref_slice %arg3[%dma_wait3A_770, %dma_wait3A_771] : memref<100000x128xf32, #tpu.memory_space<hbm>> -> memref<100000x128xf32, #tpu.memory_space<hbm>>
    tpu.wait_indirect_dma semaphore(%arg9 : memref<!tpu.dma_semaphore, #tpu.memory_space<semaphore_mem>>) src(%dma_wait3A_772 : memref<100000x128xf32, #tpu.memory_space<hbm>>) dst(%dma_wait3A_766 : memref<128x128xf32, #tpu.memory_space<vmem>>)
    %scan3A_773 = arith.constant 0 : i32
    %scan3A_774 = arith.constant 128 : i32
    %scan3A_775 = arith.addi %scan3A_773, %scan3A_774 : i32
    %scan3A_776 = arith.constant 1 : i32
    scf.for %scan3A_987 = %scan3A_773 to %scan3A_775 step %scan3A_776  : i32 {
      %mul3A_988 = arith.constant 1 : i32
      %mul3A_989 = arith.muli %scan3A_987, %mul3A_988 : i32
      %add3A_990 = arith.constant 0 : i32
      %add3A_991 = arith.addi %add3A_990, %mul3A_989 : i32
      %get3A = arith.index_cast %add3A_991 : i32 to index
      %get3A_992 = arith.constant 0 : index
      %get3A_993 = tpu.vector_load %arg7[%get3A, %get3A_992] {strides = array<i32>} : memref<128x128xf32, #tpu.memory_space<vmem>>, vector<1x16xf32>,
      %get3A_994 = vector.shape_cast %get3A_993 : vector<1x16xf32> to vector<16xf32>
      %swap3A = arith.constant 0 : i32
      %swap3A_995 = arith.index_cast %swap3A : i32 to index
      %swap3A_996 = arith.index_cast %add3A_991 : i32 to index
      %swap3A_997 = arith.constant 0 : index
      %swap3A_998 = tpu.vector_load %arg8[%swap3A_995, %swap3A_996, %swap3A_997] {strides = array<i32>} : memref<6x128x128xf32, #tpu.memory_space<vmem>>, vector<1x1x16xf32>,
      %swap3A_999 = vector.shape_cast %swap3A_998 : vector<1x1x16xf32> to vector<16xf32>
      %swap3A_1000 = vector.shape_cast %get3A_994 : vector<16xf32> to vector<1x1x16xf32>
      tpu.vector_store %arg8[%swap3A_995, %swap3A_996, %swap3A_997], %swap3A_1000 {add = true, strides = array<i32>} : memref<6x128x128xf32, #tpu.memory_space<vmem>>, vector<1x1x16xf32>,
      %get3A_1001 = arith.index_cast %add3A_991 : i32 to index
      %get3A_1002 = arith.constant 16 : index
      %get3A_1003 = tpu.vector_load %arg7[%get3A_1001, %get3A_1002] {strides = array<i32>} : memref<128x128xf32, #tpu.memory_space<vmem>>, vector<1x16xf32>,
      %get3A_1004 = vector.shape_cast %get3A_1003 : vector<1x16xf32> to vector<16xf32>
      %swap3A_1005 = arith.constant 0 : i32
      %swap3A_1006 = arith.index_cast %swap3A_1005 : i32 to index
      %swap3A_1007 = arith.index_cast %add3A_991 : i32 to index
      %swap3A_1008 = arith.constant 16 : index
      %swap3A_1009 = tpu.vector_load %arg8[%swap3A_1006, %swap3A_1007, %swap3A_1008] {strides = array<i32>} : memref<6x128x128xf32, #tpu.memory_space<vmem>>, vector<1x1x16xf32>,
      %swap3A_1010 = vector.shape_cast %swap3A_1009 : vector<1x1x16xf32> to vector<16xf32>
      %swap3A_1011 = vector.shape_cast %get3A_1004 : vector<16xf32> to vector<1x1x16xf32>
      tpu.vector_store %arg8[%swap3A_1006, %swap3A_1007, %swap3A_1008], %swap3A_1011 {add = true, strides = array<i32>} : memref<6x128x128xf32, #tpu.memory_space<vmem>>, vector<1x1x16xf32>,
      %get3A_1012 = arith.index_cast %add3A_991 : i32 to index
      %get3A_1013 = arith.constant 32 : index
      %get3A_1014 = tpu.vector_load %arg7[%get3A_1012, %get3A_1013] {strides = array<i32>} : memref<128x128xf32, #tpu.memory_space<vmem>>, vector<1x16xf32>,
      %get3A_1015 = vector.shape_cast %get3A_1014 : vector<1x16xf32> to vector<16xf32>
      %swap3A_1016 = arith.constant 0 : i32
      %swap3A_1017 = arith.index_cast %swap3A_1016 : i32 to index
      %swap3A_1018 = arith.index_cast %add3A_991 : i32 to index
      %swap3A_1019 = arith.constant 32 : index
      %swap3A_1020 = tpu.vector_load %arg8[%swap3A_1017, %swap3A_1018, %swap3A_1019] {strides = array<i32>} : memref<6x128x128xf32, #tpu.memory_space<vmem>>, vector<1x1x16xf32>,
      %swap3A_1021 = vector.shape_cast %swap3A_1020 : vector<1x1x16xf32> to vector<16xf32>
      %swap3A_1022 = vector.shape_cast %get3A_1015 : vector<16xf32> to vector<1x1x16xf32>
      tpu.vector_store %arg8[%swap3A_1017, %swap3A_1018, %swap3A_1019], %swap3A_1022 {add = true, strides = array<i32>} : memref<6x128x128xf32, #tpu.memory_space<vmem>>, vector<1x1x16xf32>,
      %get3A_1023 = arith.index_cast %add3A_991 : i32 to index
      %get3A_1024 = arith.constant 48 : index
      %get3A_1025 = tpu.vector_load %arg7[%get3A_1023, %get3A_1024] {strides = array<i32>} : memref<128x128xf32, #tpu.memory_space<vmem>>, vector<1x16xf32>,
      %get3A_1026 = vector.shape_cast %get3A_1025 : vector<1x16xf32> to vector<16xf32>
      %swap3A_1027 = arith.constant 0 : i32
      %swap3A_1028 = arith.index_cast %swap3A_1027 : i32 to index
      %swap3A_1029 = arith.index_cast %add3A_991 : i32 to index
      %swap3A_1030 = arith.constant 48 : index
      %swap3A_1031 = tpu.vector_load %arg8[%swap3A_1028, %swap3A_1029, %swap3A_1030] {strides = array<i32>} : memref<6x128x128xf32, #tpu.memory_space<vmem>>, vector<1x1x16xf32>,
      %swap3A_1032 = vector.shape_cast %swap3A_1031 : vector<1x1x16xf32> to vector<16xf32>
      %swap3A_1033 = vector.shape_cast %get3A_1026 : vector<16xf32> to vector<1x1x16xf32>
      tpu.vector_store %arg8[%swap3A_1028, %swap3A_1029, %swap3A_1030], %swap3A_1033 {add = true, strides = array<i32>} : memref<6x128x128xf32, #tpu.memory_space<vmem>>, vector<1x1x16xf32>,
      %get3A_1034 = arith.index_cast %add3A_991 : i32 to index
      %get3A_1035 = arith.constant 64 : index
      %get3A_1036 = tpu.vector_load %arg7[%get3A_1034, %get3A_1035] {strides = array<i32>} : memref<128x128xf32, #tpu.memory_space<vmem>>, vector<1x16xf32>,
      %get3A_1037 = vector.shape_cast %get3A_1036 : vector<1x16xf32> to vector<16xf32>
      %swap3A_1038 = arith.constant 0 : i32
      %swap3A_1039 = arith.index_cast %swap3A_1038 : i32 to index
      %swap3A_1040 = arith.index_cast %add3A_991 : i32 to index
      %swap3A_1041 = arith.constant 64 : index
      %swap3A_1042 = tpu.vector_load %arg8[%swap3A_1039, %swap3A_1040, %swap3A_1041] {strides = array<i32>} : memref<6x128x128xf32, #tpu.memory_space<vmem>>, vector<1x1x16xf32>,
      %swap3A_1043 = vector.shape_cast %swap3A_1042 : vector<1x1x16xf32> to vector<16xf32>
      %swap3A_1044 = vector.shape_cast %get3A_1037 : vector<16xf32> to vector<1x1x16xf32>
      tpu.vector_store %arg8[%swap3A_1039, %swap3A_1040, %swap3A_1041], %swap3A_1044 {add = true, strides = array<i32>} : memref<6x128x128xf32, #tpu.memory_space<vmem>>, vector<1x1x16xf32>,
      %get3A_1045 = arith.index_cast %add3A_991 : i32 to index
      %get3A_1046 = arith.constant 80 : index
      %get3A_1047 = tpu.vector_load %arg7[%get3A_1045, %get3A_1046] {strides = array<i32>} : memref<128x128xf32, #tpu.memory_space<vmem>>, vector<1x16xf32>,
      %get3A_1048 = vector.shape_cast %get3A_1047 : vector<1x16xf32> to vector<16xf32>
      %swap3A_1049 = arith.constant 0 : i32
      %swap3A_1050 = arith.index_cast %swap3A_1049 : i32 to index
      %swap3A_1051 = arith.index_cast %add3A_991 : i32 to index
      %swap3A_1052 = arith.constant 80 : index
      %swap3A_1053 = tpu.vector_load %arg8[%swap3A_1050, %swap3A_1051, %swap3A_1052] {strides = array<i32>} : memref<6x128x128xf32, #tpu.memory_space<vmem>>, vector<1x1x16xf32>,
      %swap3A_1054 = vector.shape_cast %swap3A_1053 : vector<1x1x16xf32> to vector<16xf32>
      %swap3A_1055 = vector.shape_cast %get3A_1048 : vector<16xf32> to vector<1x1x16xf32>
      tpu.vector_store %arg8[%swap3A_1050, %swap3A_1051, %swap3A_1052], %swap3A_1055 {add = true, strides = array<i32>} : memref<6x128x128xf32, #tpu.memory_space<vmem>>, vector<1x1x16xf32>,
      %get3A_1056 = arith.index_cast %add3A_991 : i32 to index
      %get3A_1057 = arith.constant 96 : index
      %get3A_1058 = tpu.vector_load %arg7[%get3A_1056, %get3A_1057] {strides = array<i32>} : memref<128x128xf32, #tpu.memory_space<vmem>>, vector<1x16xf32>,
      %get3A_1059 = vector.shape_cast %get3A_1058 : vector<1x16xf32> to vector<16xf32>
      %swap3A_1060 = arith.constant 0 : i32
      %swap3A_1061 = arith.index_cast %swap3A_1060 : i32 to index
      %swap3A_1062 = arith.index_cast %add3A_991 : i32 to index
      %swap3A_1063 = arith.constant 96 : index
      %swap3A_1064 = tpu.vector_load %arg8[%swap3A_1061, %swap3A_1062, %swap3A_1063] {strides = array<i32>} : memref<6x128x128xf32, #tpu.memory_space<vmem>>, vector<1x1x16xf32>,
      %swap3A_1065 = vector.shape_cast %swap3A_1064 : vector<1x1x16xf32> to vector<16xf32>
      %swap3A_1066 = vector.shape_cast %get3A_1059 : vector<16xf32> to vector<1x1x16xf32>
      tpu.vector_store %arg8[%swap3A_1061, %swap3A_1062, %swap3A_1063], %swap3A_1066 {add = true, strides = array<i32>} : memref<6x128x128xf32, #tpu.memory_space<vmem>>, vector<1x1x16xf32>,
      %get3A_1067 = arith.index_cast %add3A_991 : i32 to index
      %get3A_1068 = arith.constant 112 : index
      %get3A_1069 = tpu.vector_load %arg7[%get3A_1067, %get3A_1068] {strides = array<i32>} : memref<128x128xf32, #tpu.memory_space<vmem>>, vector<1x16xf32>,
      %get3A_1070 = vector.shape_cast %get3A_1069 : vector<1x16xf32> to vector<16xf32>
      %swap3A_1071 = arith.constant 0 : i32
      %swap3A_1072 = arith.index_cast %swap3A_1071 : i32 to index
      %swap3A_1073 = arith.index_cast %add3A_991 : i32 to index
      %swap3A_1074 = arith.constant 112 : index
      %swap3A_1075 = tpu.vector_load %arg8[%swap3A_1072, %swap3A_1073, %swap3A_1074] {strides = array<i32>} : memref<6x128x128xf32, #tpu.memory_space<vmem>>, vector<1x1x16xf32>,
      %swap3A_1076 = vector.shape_cast %swap3A_1075 : vector<1x1x16xf32> to vector<16xf32>
      %swap3A_1077 = vector.shape_cast %get3A_1070 : vector<16xf32> to vector<1x1x16xf32>
      tpu.vector_store %arg8[%swap3A_1072, %swap3A_1073, %swap3A_1074], %swap3A_1077 {add = true, strides = array<i32>} : memref<6x128x128xf32, #tpu.memory_space<vmem>>, vector<1x1x16xf32>,
    }
    %scan3A_777 = arith.constant 128 : i32
    %add3A_778 = arith.constant 12 : i32
    %add3A_779 = arith.addi %mul3A_2, %add3A_778 : i32
    %dma_start3A_780 = arith.constant 0 : i32
    %dma_start3A_781 = arith.constant 0 : i32
    %dma_start3A_782 = arith.constant 0 : i32
    %dma_start3A_783 = tpu.memref_slice %arg8[%dma_start3A_780, %dma_start3A_781, %dma_start3A_782] : memref<6x128x128xf32, #tpu.memory_space<vmem>> -> memref<1x128x128xf32, #tpu.memory_space<vmem>>
    %dma_start3A_784 = tpu.memref_squeeze %dma_start3A_783 : memref<1x128x128xf32, #tpu.memory_space<vmem>> -> memref<128x128xf32, #tpu.memory_space<vmem>>
    %dma_start3A_785 = arith.constant 0 : i32
    %dma_start3A_786 = tpu.memref_slice %arg5[%add3A_779, %mul3A_0, %dma_start3A_785] : memref<32x2048x128xf32, #tpu.memory_space<hbm>> -> memref<1x128x128xf32, #tpu.memory_space<hbm>>
    %dma_start3A_787 = tpu.memref_squeeze %dma_start3A_786 : memref<1x128x128xf32, #tpu.memory_space<hbm>> -> memref<128x128xf32, #tpu.memory_space<hbm>>
    %dma_start3A_788 = arith.constant 0 : i32
    %dma_start3A_789 = tpu.memref_slice %arg5[%add3A_779, %mul3A_0, %dma_start3A_788] : memref<32x2048x128xf32, #tpu.memory_space<hbm>> -> memref<1x128x128xf32, #tpu.memory_space<hbm>>
    %dma_start3A_790 = tpu.memref_squeeze %dma_start3A_789 : memref<1x128x128xf32, #tpu.memory_space<hbm>> -> memref<128x128xf32, #tpu.memory_space<hbm>>
    %dma_start3A_791 = arith.constant 0 : i32
    %dma_start3A_792 = arith.constant 0 : i32
    %dma_start3A_793 = tpu.memref_slice %arg8[%dma_start3A_780, %dma_start3A_791, %dma_start3A_792] : memref<6x128x128xf32, #tpu.memory_space<vmem>> -> memref<1x128x128xf32, #tpu.memory_space<vmem>>
    %dma_start3A_794 = tpu.memref_squeeze %dma_start3A_793 : memref<1x128x128xf32, #tpu.memory_space<vmem>> -> memref<128x128xf32, #tpu.memory_space<vmem>>
    tpu.enqueue_dma source(%dma_start3A_794 : memref<128x128xf32, #tpu.memory_space<vmem>>) target(%dma_start3A_790 : memref<128x128xf32, #tpu.memory_space<hbm>>) target_semaphore(%arg15 : memref<!tpu.dma_semaphore, #tpu.memory_space<semaphore_mem>>)
    %dma_wait3A_795 = arith.constant 13 : i32
    %dma_wait3A_796 = arith.constant 1 : i32
    %dma_wait3A_797 = arith.constant 0 : i32
    %dma_wait3A_798 = arith.constant 0 : i32
    %dma_wait3A_799 = tpu.memref_slice %arg8[%dma_wait3A_796, %dma_wait3A_797, %dma_wait3A_798] : memref<6x128x128xf32, #tpu.memory_space<vmem>> -> memref<1x128x128xf32, #tpu.memory_space<vmem>>
    %dma_wait3A_800 = tpu.memref_squeeze %dma_wait3A_799 : memref<1x128x128xf32, #tpu.memory_space<vmem>> -> memref<128x128xf32, #tpu.memory_space<vmem>>
    %dma_wait3A_801 = arith.constant 0 : i32
    %dma_wait3A_802 = tpu.memref_slice %arg6[%dma_wait3A_795, %dma_wait3A_801] : memref<16x128xi32, #tpu.memory_space<vmem>> -> memref<1x128xi32, #tpu.memory_space<vmem>>
    %dma_wait3A_803 = tpu.memref_squeeze %dma_wait3A_802 : memref<1x128xi32, #tpu.memory_space<vmem>> -> memref<128xi32, #tpu.memory_space<vmem>>
    %dma_wait3A_804 = arith.constant 0 : i32
    %dma_wait3A_805 = arith.constant 0 : i32
    %dma_wait3A_806 = tpu.memref_slice %arg3[%dma_wait3A_804, %dma_wait3A_805] : memref<100000x128xf32, #tpu.memory_space<hbm>> -> memref<100000x128xf32, #tpu.memory_space<hbm>>
    tpu.wait_indirect_dma semaphore(%arg10 : memref<!tpu.dma_semaphore, #tpu.memory_space<semaphore_mem>>) src(%dma_wait3A_806 : memref<100000x128xf32, #tpu.memory_space<hbm>>) dst(%dma_wait3A_800 : memref<128x128xf32, #tpu.memory_space<vmem>>)
    %scan3A_807 = arith.constant 0 : i32
    %scan3A_808 = arith.constant 128 : i32
    %scan3A_809 = arith.addi %scan3A_807, %scan3A_808 : i32
    %scan3A_810 = arith.constant 1 : i32
    scf.for %scan3A_987 = %scan3A_807 to %scan3A_809 step %scan3A_810  : i32 {
      %mul3A_988 = arith.constant 1 : i32
      %mul3A_989 = arith.muli %scan3A_987, %mul3A_988 : i32
      %add3A_990 = arith.constant 0 : i32
      %add3A_991 = arith.addi %add3A_990, %mul3A_989 : i32
      %get3A = arith.index_cast %add3A_991 : i32 to index
      %get3A_992 = arith.constant 0 : index
      %get3A_993 = tpu.vector_load %arg7[%get3A, %get3A_992] {strides = array<i32>} : memref<128x128xf32, #tpu.memory_space<vmem>>, vector<1x16xf32>,
      %get3A_994 = vector.shape_cast %get3A_993 : vector<1x16xf32> to vector<16xf32>
      %swap3A = arith.constant 1 : i32
      %swap3A_995 = arith.index_cast %swap3A : i32 to index
      %swap3A_996 = arith.index_cast %add3A_991 : i32 to index
      %swap3A_997 = arith.constant 0 : index
      %swap3A_998 = tpu.vector_load %arg8[%swap3A_995, %swap3A_996, %swap3A_997] {strides = array<i32>} : memref<6x128x128xf32, #tpu.memory_space<vmem>>, vector<1x1x16xf32>,
      %swap3A_999 = vector.shape_cast %swap3A_998 : vector<1x1x16xf32> to vector<16xf32>
      %swap3A_1000 = vector.shape_cast %get3A_994 : vector<16xf32> to vector<1x1x16xf32>
      tpu.vector_store %arg8[%swap3A_995, %swap3A_996, %swap3A_997], %swap3A_1000 {add = true, strides = array<i32>} : memref<6x128x128xf32, #tpu.memory_space<vmem>>, vector<1x1x16xf32>,
      %get3A_1001 = arith.index_cast %add3A_991 : i32 to index
      %get3A_1002 = arith.constant 16 : index
      %get3A_1003 = tpu.vector_load %arg7[%get3A_1001, %get3A_1002] {strides = array<i32>} : memref<128x128xf32, #tpu.memory_space<vmem>>, vector<1x16xf32>,
      %get3A_1004 = vector.shape_cast %get3A_1003 : vector<1x16xf32> to vector<16xf32>
      %swap3A_1005 = arith.constant 1 : i32
      %swap3A_1006 = arith.index_cast %swap3A_1005 : i32 to index
      %swap3A_1007 = arith.index_cast %add3A_991 : i32 to index
      %swap3A_1008 = arith.constant 16 : index
      %swap3A_1009 = tpu.vector_load %arg8[%swap3A_1006, %swap3A_1007, %swap3A_1008] {strides = array<i32>} : memref<6x128x128xf32, #tpu.memory_space<vmem>>, vector<1x1x16xf32>,
      %swap3A_1010 = vector.shape_cast %swap3A_1009 : vector<1x1x16xf32> to vector<16xf32>
      %swap3A_1011 = vector.shape_cast %get3A_1004 : vector<16xf32> to vector<1x1x16xf32>
      tpu.vector_store %arg8[%swap3A_1006, %swap3A_1007, %swap3A_1008], %swap3A_1011 {add = true, strides = array<i32>} : memref<6x128x128xf32, #tpu.memory_space<vmem>>, vector<1x1x16xf32>,
      %get3A_1012 = arith.index_cast %add3A_991 : i32 to index
      %get3A_1013 = arith.constant 32 : index
      %get3A_1014 = tpu.vector_load %arg7[%get3A_1012, %get3A_1013] {strides = array<i32>} : memref<128x128xf32, #tpu.memory_space<vmem>>, vector<1x16xf32>,
      %get3A_1015 = vector.shape_cast %get3A_1014 : vector<1x16xf32> to vector<16xf32>
      %swap3A_1016 = arith.constant 1 : i32
      %swap3A_1017 = arith.index_cast %swap3A_1016 : i32 to index
      %swap3A_1018 = arith.index_cast %add3A_991 : i32 to index
      %swap3A_1019 = arith.constant 32 : index
      %swap3A_1020 = tpu.vector_load %arg8[%swap3A_1017, %swap3A_1018, %swap3A_1019] {strides = array<i32>} : memref<6x128x128xf32, #tpu.memory_space<vmem>>, vector<1x1x16xf32>,
      %swap3A_1021 = vector.shape_cast %swap3A_1020 : vector<1x1x16xf32> to vector<16xf32>
      %swap3A_1022 = vector.shape_cast %get3A_1015 : vector<16xf32> to vector<1x1x16xf32>
      tpu.vector_store %arg8[%swap3A_1017, %swap3A_1018, %swap3A_1019], %swap3A_1022 {add = true, strides = array<i32>} : memref<6x128x128xf32, #tpu.memory_space<vmem>>, vector<1x1x16xf32>,
      %get3A_1023 = arith.index_cast %add3A_991 : i32 to index
      %get3A_1024 = arith.constant 48 : index
      %get3A_1025 = tpu.vector_load %arg7[%get3A_1023, %get3A_1024] {strides = array<i32>} : memref<128x128xf32, #tpu.memory_space<vmem>>, vector<1x16xf32>,
      %get3A_1026 = vector.shape_cast %get3A_1025 : vector<1x16xf32> to vector<16xf32>
      %swap3A_1027 = arith.constant 1 : i32
      %swap3A_1028 = arith.index_cast %swap3A_1027 : i32 to index
      %swap3A_1029 = arith.index_cast %add3A_991 : i32 to index
      %swap3A_1030 = arith.constant 48 : index
      %swap3A_1031 = tpu.vector_load %arg8[%swap3A_1028, %swap3A_1029, %swap3A_1030] {strides = array<i32>} : memref<6x128x128xf32, #tpu.memory_space<vmem>>, vector<1x1x16xf32>,
      %swap3A_1032 = vector.shape_cast %swap3A_1031 : vector<1x1x16xf32> to vector<16xf32>
      %swap3A_1033 = vector.shape_cast %get3A_1026 : vector<16xf32> to vector<1x1x16xf32>
      tpu.vector_store %arg8[%swap3A_1028, %swap3A_1029, %swap3A_1030], %swap3A_1033 {add = true, strides = array<i32>} : memref<6x128x128xf32, #tpu.memory_space<vmem>>, vector<1x1x16xf32>,
      %get3A_1034 = arith.index_cast %add3A_991 : i32 to index
      %get3A_1035 = arith.constant 64 : index
      %get3A_1036 = tpu.vector_load %arg7[%get3A_1034, %get3A_1035] {strides = array<i32>} : memref<128x128xf32, #tpu.memory_space<vmem>>, vector<1x16xf32>,
      %get3A_1037 = vector.shape_cast %get3A_1036 : vector<1x16xf32> to vector<16xf32>
      %swap3A_1038 = arith.constant 1 : i32
      %swap3A_1039 = arith.index_cast %swap3A_1038 : i32 to index
      %swap3A_1040 = arith.index_cast %add3A_991 : i32 to index
      %swap3A_1041 = arith.constant 64 : index
      %swap3A_1042 = tpu.vector_load %arg8[%swap3A_1039, %swap3A_1040, %swap3A_1041] {strides = array<i32>} : memref<6x128x128xf32, #tpu.memory_space<vmem>>, vector<1x1x16xf32>,
      %swap3A_1043 = vector.shape_cast %swap3A_1042 : vector<1x1x16xf32> to vector<16xf32>
      %swap3A_1044 = vector.shape_cast %get3A_1037 : vector<16xf32> to vector<1x1x16xf32>
      tpu.vector_store %arg8[%swap3A_1039, %swap3A_1040, %swap3A_1041], %swap3A_1044 {add = true, strides = array<i32>} : memref<6x128x128xf32, #tpu.memory_space<vmem>>, vector<1x1x16xf32>,
      %get3A_1045 = arith.index_cast %add3A_991 : i32 to index
      %get3A_1046 = arith.constant 80 : index
      %get3A_1047 = tpu.vector_load %arg7[%get3A_1045, %get3A_1046] {strides = array<i32>} : memref<128x128xf32, #tpu.memory_space<vmem>>, vector<1x16xf32>,
      %get3A_1048 = vector.shape_cast %get3A_1047 : vector<1x16xf32> to vector<16xf32>
      %swap3A_1049 = arith.constant 1 : i32
      %swap3A_1050 = arith.index_cast %swap3A_1049 : i32 to index
      %swap3A_1051 = arith.index_cast %add3A_991 : i32 to index
      %swap3A_1052 = arith.constant 80 : index
      %swap3A_1053 = tpu.vector_load %arg8[%swap3A_1050, %swap3A_1051, %swap3A_1052] {strides = array<i32>} : memref<6x128x128xf32, #tpu.memory_space<vmem>>, vector<1x1x16xf32>,
      %swap3A_1054 = vector.shape_cast %swap3A_1053 : vector<1x1x16xf32> to vector<16xf32>
      %swap3A_1055 = vector.shape_cast %get3A_1048 : vector<16xf32> to vector<1x1x16xf32>
      tpu.vector_store %arg8[%swap3A_1050, %swap3A_1051, %swap3A_1052], %swap3A_1055 {add = true, strides = array<i32>} : memref<6x128x128xf32, #tpu.memory_space<vmem>>, vector<1x1x16xf32>,
      %get3A_1056 = arith.index_cast %add3A_991 : i32 to index
      %get3A_1057 = arith.constant 96 : index
      %get3A_1058 = tpu.vector_load %arg7[%get3A_1056, %get3A_1057] {strides = array<i32>} : memref<128x128xf32, #tpu.memory_space<vmem>>, vector<1x16xf32>,
      %get3A_1059 = vector.shape_cast %get3A_1058 : vector<1x16xf32> to vector<16xf32>
      %swap3A_1060 = arith.constant 1 : i32
      %swap3A_1061 = arith.index_cast %swap3A_1060 : i32 to index
      %swap3A_1062 = arith.index_cast %add3A_991 : i32 to index
      %swap3A_1063 = arith.constant 96 : index
      %swap3A_1064 = tpu.vector_load %arg8[%swap3A_1061, %swap3A_1062, %swap3A_1063] {strides = array<i32>} : memref<6x128x128xf32, #tpu.memory_space<vmem>>, vector<1x1x16xf32>,
      %swap3A_1065 = vector.shape_cast %swap3A_1064 : vector<1x1x16xf32> to vector<16xf32>
      %swap3A_1066 = vector.shape_cast %get3A_1059 : vector<16xf32> to vector<1x1x16xf32>
      tpu.vector_store %arg8[%swap3A_1061, %swap3A_1062, %swap3A_1063], %swap3A_1066 {add = true, strides = array<i32>} : memref<6x128x128xf32, #tpu.memory_space<vmem>>, vector<1x1x16xf32>,
      %get3A_1067 = arith.index_cast %add3A_991 : i32 to index
      %get3A_1068 = arith.constant 112 : index
      %get3A_1069 = tpu.vector_load %arg7[%get3A_1067, %get3A_1068] {strides = array<i32>} : memref<128x128xf32, #tpu.memory_space<vmem>>, vector<1x16xf32>,
      %get3A_1070 = vector.shape_cast %get3A_1069 : vector<1x16xf32> to vector<16xf32>
      %swap3A_1071 = arith.constant 1 : i32
      %swap3A_1072 = arith.index_cast %swap3A_1071 : i32 to index
      %swap3A_1073 = arith.index_cast %add3A_991 : i32 to index
      %swap3A_1074 = arith.constant 112 : index
      %swap3A_1075 = tpu.vector_load %arg8[%swap3A_1072, %swap3A_1073, %swap3A_1074] {strides = array<i32>} : memref<6x128x128xf32, #tpu.memory_space<vmem>>, vector<1x1x16xf32>,
      %swap3A_1076 = vector.shape_cast %swap3A_1075 : vector<1x1x16xf32> to vector<16xf32>
      %swap3A_1077 = vector.shape_cast %get3A_1070 : vector<16xf32> to vector<1x1x16xf32>
      tpu.vector_store %arg8[%swap3A_1072, %swap3A_1073, %swap3A_1074], %swap3A_1077 {add = true, strides = array<i32>} : memref<6x128x128xf32, #tpu.memory_space<vmem>>, vector<1x1x16xf32>,
    }
    %scan3A_811 = arith.constant 128 : i32
    %add3A_812 = arith.constant 13 : i32
    %add3A_813 = arith.addi %mul3A_2, %add3A_812 : i32
    %dma_start3A_814 = arith.constant 1 : i32
    %dma_start3A_815 = arith.constant 0 : i32
    %dma_start3A_816 = arith.constant 0 : i32
    %dma_start3A_817 = tpu.memref_slice %arg8[%dma_start3A_814, %dma_start3A_815, %dma_start3A_816] : memref<6x128x128xf32, #tpu.memory_space<vmem>> -> memref<1x128x128xf32, #tpu.memory_space<vmem>>
    %dma_start3A_818 = tpu.memref_squeeze %dma_start3A_817 : memref<1x128x128xf32, #tpu.memory_space<vmem>> -> memref<128x128xf32, #tpu.memory_space<vmem>>
    %dma_start3A_819 = arith.constant 0 : i32
    %dma_start3A_820 = tpu.memref_slice %arg5[%add3A_813, %mul3A_0, %dma_start3A_819] : memref<32x2048x128xf32, #tpu.memory_space<hbm>> -> memref<1x128x128xf32, #tpu.memory_space<hbm>>
    %dma_start3A_821 = tpu.memref_squeeze %dma_start3A_820 : memref<1x128x128xf32, #tpu.memory_space<hbm>> -> memref<128x128xf32, #tpu.memory_space<hbm>>
    %dma_start3A_822 = arith.constant 0 : i32
    %dma_start3A_823 = tpu.memref_slice %arg5[%add3A_813, %mul3A_0, %dma_start3A_822] : memref<32x2048x128xf32, #tpu.memory_space<hbm>> -> memref<1x128x128xf32, #tpu.memory_space<hbm>>
    %dma_start3A_824 = tpu.memref_squeeze %dma_start3A_823 : memref<1x128x128xf32, #tpu.memory_space<hbm>> -> memref<128x128xf32, #tpu.memory_space<hbm>>
    %dma_start3A_825 = arith.constant 0 : i32
    %dma_start3A_826 = arith.constant 0 : i32
    %dma_start3A_827 = tpu.memref_slice %arg8[%dma_start3A_814, %dma_start3A_825, %dma_start3A_826] : memref<6x128x128xf32, #tpu.memory_space<vmem>> -> memref<1x128x128xf32, #tpu.memory_space<vmem>>
    %dma_start3A_828 = tpu.memref_squeeze %dma_start3A_827 : memref<1x128x128xf32, #tpu.memory_space<vmem>> -> memref<128x128xf32, #tpu.memory_space<vmem>>
    tpu.enqueue_dma source(%dma_start3A_828 : memref<128x128xf32, #tpu.memory_space<vmem>>) target(%dma_start3A_824 : memref<128x128xf32, #tpu.memory_space<hbm>>) target_semaphore(%arg16 : memref<!tpu.dma_semaphore, #tpu.memory_space<semaphore_mem>>)
    %dma_wait3A_829 = arith.constant 14 : i32
    %dma_wait3A_830 = arith.constant 2 : i32
    %dma_wait3A_831 = arith.constant 0 : i32
    %dma_wait3A_832 = arith.constant 0 : i32
    %dma_wait3A_833 = tpu.memref_slice %arg8[%dma_wait3A_830, %dma_wait3A_831, %dma_wait3A_832] : memref<6x128x128xf32, #tpu.memory_space<vmem>> -> memref<1x128x128xf32, #tpu.memory_space<vmem>>
    %dma_wait3A_834 = tpu.memref_squeeze %dma_wait3A_833 : memref<1x128x128xf32, #tpu.memory_space<vmem>> -> memref<128x128xf32, #tpu.memory_space<vmem>>
    %dma_wait3A_835 = arith.constant 0 : i32
    %dma_wait3A_836 = tpu.memref_slice %arg6[%dma_wait3A_829, %dma_wait3A_835] : memref<16x128xi32, #tpu.memory_space<vmem>> -> memref<1x128xi32, #tpu.memory_space<vmem>>
    %dma_wait3A_837 = tpu.memref_squeeze %dma_wait3A_836 : memref<1x128xi32, #tpu.memory_space<vmem>> -> memref<128xi32, #tpu.memory_space<vmem>>
    %dma_wait3A_838 = arith.constant 0 : i32
    %dma_wait3A_839 = arith.constant 0 : i32
    %dma_wait3A_840 = tpu.memref_slice %arg3[%dma_wait3A_838, %dma_wait3A_839] : memref<100000x128xf32, #tpu.memory_space<hbm>> -> memref<100000x128xf32, #tpu.memory_space<hbm>>
    tpu.wait_indirect_dma semaphore(%arg11 : memref<!tpu.dma_semaphore, #tpu.memory_space<semaphore_mem>>) src(%dma_wait3A_840 : memref<100000x128xf32, #tpu.memory_space<hbm>>) dst(%dma_wait3A_834 : memref<128x128xf32, #tpu.memory_space<vmem>>)
    %scan3A_841 = arith.constant 0 : i32
    %scan3A_842 = arith.constant 128 : i32
    %scan3A_843 = arith.addi %scan3A_841, %scan3A_842 : i32
    %scan3A_844 = arith.constant 1 : i32
    scf.for %scan3A_987 = %scan3A_841 to %scan3A_843 step %scan3A_844  : i32 {
      %mul3A_988 = arith.constant 1 : i32
      %mul3A_989 = arith.muli %scan3A_987, %mul3A_988 : i32
      %add3A_990 = arith.constant 0 : i32
      %add3A_991 = arith.addi %add3A_990, %mul3A_989 : i32
      %get3A = arith.index_cast %add3A_991 : i32 to index
      %get3A_992 = arith.constant 0 : index
      %get3A_993 = tpu.vector_load %arg7[%get3A, %get3A_992] {strides = array<i32>} : memref<128x128xf32, #tpu.memory_space<vmem>>, vector<1x16xf32>,
      %get3A_994 = vector.shape_cast %get3A_993 : vector<1x16xf32> to vector<16xf32>
      %swap3A = arith.constant 2 : i32
      %swap3A_995 = arith.index_cast %swap3A : i32 to index
      %swap3A_996 = arith.index_cast %add3A_991 : i32 to index
      %swap3A_997 = arith.constant 0 : index
      %swap3A_998 = tpu.vector_load %arg8[%swap3A_995, %swap3A_996, %swap3A_997] {strides = array<i32>} : memref<6x128x128xf32, #tpu.memory_space<vmem>>, vector<1x1x16xf32>,
      %swap3A_999 = vector.shape_cast %swap3A_998 : vector<1x1x16xf32> to vector<16xf32>
      %swap3A_1000 = vector.shape_cast %get3A_994 : vector<16xf32> to vector<1x1x16xf32>
      tpu.vector_store %arg8[%swap3A_995, %swap3A_996, %swap3A_997], %swap3A_1000 {add = true, strides = array<i32>} : memref<6x128x128xf32, #tpu.memory_space<vmem>>, vector<1x1x16xf32>,
      %get3A_1001 = arith.index_cast %add3A_991 : i32 to index
      %get3A_1002 = arith.constant 16 : index
      %get3A_1003 = tpu.vector_load %arg7[%get3A_1001, %get3A_1002] {strides = array<i32>} : memref<128x128xf32, #tpu.memory_space<vmem>>, vector<1x16xf32>,
      %get3A_1004 = vector.shape_cast %get3A_1003 : vector<1x16xf32> to vector<16xf32>
      %swap3A_1005 = arith.constant 2 : i32
      %swap3A_1006 = arith.index_cast %swap3A_1005 : i32 to index
      %swap3A_1007 = arith.index_cast %add3A_991 : i32 to index
      %swap3A_1008 = arith.constant 16 : index
      %swap3A_1009 = tpu.vector_load %arg8[%swap3A_1006, %swap3A_1007, %swap3A_1008] {strides = array<i32>} : memref<6x128x128xf32, #tpu.memory_space<vmem>>, vector<1x1x16xf32>,
      %swap3A_1010 = vector.shape_cast %swap3A_1009 : vector<1x1x16xf32> to vector<16xf32>
      %swap3A_1011 = vector.shape_cast %get3A_1004 : vector<16xf32> to vector<1x1x16xf32>
      tpu.vector_store %arg8[%swap3A_1006, %swap3A_1007, %swap3A_1008], %swap3A_1011 {add = true, strides = array<i32>} : memref<6x128x128xf32, #tpu.memory_space<vmem>>, vector<1x1x16xf32>,
      %get3A_1012 = arith.index_cast %add3A_991 : i32 to index
      %get3A_1013 = arith.constant 32 : index
      %get3A_1014 = tpu.vector_load %arg7[%get3A_1012, %get3A_1013] {strides = array<i32>} : memref<128x128xf32, #tpu.memory_space<vmem>>, vector<1x16xf32>,
      %get3A_1015 = vector.shape_cast %get3A_1014 : vector<1x16xf32> to vector<16xf32>
      %swap3A_1016 = arith.constant 2 : i32
      %swap3A_1017 = arith.index_cast %swap3A_1016 : i32 to index
      %swap3A_1018 = arith.index_cast %add3A_991 : i32 to index
      %swap3A_1019 = arith.constant 32 : index
      %swap3A_1020 = tpu.vector_load %arg8[%swap3A_1017, %swap3A_1018, %swap3A_1019] {strides = array<i32>} : memref<6x128x128xf32, #tpu.memory_space<vmem>>, vector<1x1x16xf32>,
      %swap3A_1021 = vector.shape_cast %swap3A_1020 : vector<1x1x16xf32> to vector<16xf32>
      %swap3A_1022 = vector.shape_cast %get3A_1015 : vector<16xf32> to vector<1x1x16xf32>
      tpu.vector_store %arg8[%swap3A_1017, %swap3A_1018, %swap3A_1019], %swap3A_1022 {add = true, strides = array<i32>} : memref<6x128x128xf32, #tpu.memory_space<vmem>>, vector<1x1x16xf32>,
      %get3A_1023 = arith.index_cast %add3A_991 : i32 to index
      %get3A_1024 = arith.constant 48 : index
      %get3A_1025 = tpu.vector_load %arg7[%get3A_1023, %get3A_1024] {strides = array<i32>} : memref<128x128xf32, #tpu.memory_space<vmem>>, vector<1x16xf32>,
      %get3A_1026 = vector.shape_cast %get3A_1025 : vector<1x16xf32> to vector<16xf32>
      %swap3A_1027 = arith.constant 2 : i32
      %swap3A_1028 = arith.index_cast %swap3A_1027 : i32 to index
      %swap3A_1029 = arith.index_cast %add3A_991 : i32 to index
      %swap3A_1030 = arith.constant 48 : index
      %swap3A_1031 = tpu.vector_load %arg8[%swap3A_1028, %swap3A_1029, %swap3A_1030] {strides = array<i32>} : memref<6x128x128xf32, #tpu.memory_space<vmem>>, vector<1x1x16xf32>,
      %swap3A_1032 = vector.shape_cast %swap3A_1031 : vector<1x1x16xf32> to vector<16xf32>
      %swap3A_1033 = vector.shape_cast %get3A_1026 : vector<16xf32> to vector<1x1x16xf32>
      tpu.vector_store %arg8[%swap3A_1028, %swap3A_1029, %swap3A_1030], %swap3A_1033 {add = true, strides = array<i32>} : memref<6x128x128xf32, #tpu.memory_space<vmem>>, vector<1x1x16xf32>,
      %get3A_1034 = arith.index_cast %add3A_991 : i32 to index
      %get3A_1035 = arith.constant 64 : index
      %get3A_1036 = tpu.vector_load %arg7[%get3A_1034, %get3A_1035] {strides = array<i32>} : memref<128x128xf32, #tpu.memory_space<vmem>>, vector<1x16xf32>,
      %get3A_1037 = vector.shape_cast %get3A_1036 : vector<1x16xf32> to vector<16xf32>
      %swap3A_1038 = arith.constant 2 : i32
      %swap3A_1039 = arith.index_cast %swap3A_1038 : i32 to index
      %swap3A_1040 = arith.index_cast %add3A_991 : i32 to index
      %swap3A_1041 = arith.constant 64 : index
      %swap3A_1042 = tpu.vector_load %arg8[%swap3A_1039, %swap3A_1040, %swap3A_1041] {strides = array<i32>} : memref<6x128x128xf32, #tpu.memory_space<vmem>>, vector<1x1x16xf32>,
      %swap3A_1043 = vector.shape_cast %swap3A_1042 : vector<1x1x16xf32> to vector<16xf32>
      %swap3A_1044 = vector.shape_cast %get3A_1037 : vector<16xf32> to vector<1x1x16xf32>
      tpu.vector_store %arg8[%swap3A_1039, %swap3A_1040, %swap3A_1041], %swap3A_1044 {add = true, strides = array<i32>} : memref<6x128x128xf32, #tpu.memory_space<vmem>>, vector<1x1x16xf32>,
      %get3A_1045 = arith.index_cast %add3A_991 : i32 to index
      %get3A_1046 = arith.constant 80 : index
      %get3A_1047 = tpu.vector_load %arg7[%get3A_1045, %get3A_1046] {strides = array<i32>} : memref<128x128xf32, #tpu.memory_space<vmem>>, vector<1x16xf32>,
      %get3A_1048 = vector.shape_cast %get3A_1047 : vector<1x16xf32> to vector<16xf32>
      %swap3A_1049 = arith.constant 2 : i32
      %swap3A_1050 = arith.index_cast %swap3A_1049 : i32 to index
      %swap3A_1051 = arith.index_cast %add3A_991 : i32 to index
      %swap3A_1052 = arith.constant 80 : index
      %swap3A_1053 = tpu.vector_load %arg8[%swap3A_1050, %swap3A_1051, %swap3A_1052] {strides = array<i32>} : memref<6x128x128xf32, #tpu.memory_space<vmem>>, vector<1x1x16xf32>,
      %swap3A_1054 = vector.shape_cast %swap3A_1053 : vector<1x1x16xf32> to vector<16xf32>
      %swap3A_1055 = vector.shape_cast %get3A_1048 : vector<16xf32> to vector<1x1x16xf32>
      tpu.vector_store %arg8[%swap3A_1050, %swap3A_1051, %swap3A_1052], %swap3A_1055 {add = true, strides = array<i32>} : memref<6x128x128xf32, #tpu.memory_space<vmem>>, vector<1x1x16xf32>,
      %get3A_1056 = arith.index_cast %add3A_991 : i32 to index
      %get3A_1057 = arith.constant 96 : index
      %get3A_1058 = tpu.vector_load %arg7[%get3A_1056, %get3A_1057] {strides = array<i32>} : memref<128x128xf32, #tpu.memory_space<vmem>>, vector<1x16xf32>,
      %get3A_1059 = vector.shape_cast %get3A_1058 : vector<1x16xf32> to vector<16xf32>
      %swap3A_1060 = arith.constant 2 : i32
      %swap3A_1061 = arith.index_cast %swap3A_1060 : i32 to index
      %swap3A_1062 = arith.index_cast %add3A_991 : i32 to index
      %swap3A_1063 = arith.constant 96 : index
      %swap3A_1064 = tpu.vector_load %arg8[%swap3A_1061, %swap3A_1062, %swap3A_1063] {strides = array<i32>} : memref<6x128x128xf32, #tpu.memory_space<vmem>>, vector<1x1x16xf32>,
      %swap3A_1065 = vector.shape_cast %swap3A_1064 : vector<1x1x16xf32> to vector<16xf32>
      %swap3A_1066 = vector.shape_cast %get3A_1059 : vector<16xf32> to vector<1x1x16xf32>
      tpu.vector_store %arg8[%swap3A_1061, %swap3A_1062, %swap3A_1063], %swap3A_1066 {add = true, strides = array<i32>} : memref<6x128x128xf32, #tpu.memory_space<vmem>>, vector<1x1x16xf32>,
      %get3A_1067 = arith.index_cast %add3A_991 : i32 to index
      %get3A_1068 = arith.constant 112 : index
      %get3A_1069 = tpu.vector_load %arg7[%get3A_1067, %get3A_1068] {strides = array<i32>} : memref<128x128xf32, #tpu.memory_space<vmem>>, vector<1x16xf32>,
      %get3A_1070 = vector.shape_cast %get3A_1069 : vector<1x16xf32> to vector<16xf32>
      %swap3A_1071 = arith.constant 2 : i32
      %swap3A_1072 = arith.index_cast %swap3A_1071 : i32 to index
      %swap3A_1073 = arith.index_cast %add3A_991 : i32 to index
      %swap3A_1074 = arith.constant 112 : index
      %swap3A_1075 = tpu.vector_load %arg8[%swap3A_1072, %swap3A_1073, %swap3A_1074] {strides = array<i32>} : memref<6x128x128xf32, #tpu.memory_space<vmem>>, vector<1x1x16xf32>,
      %swap3A_1076 = vector.shape_cast %swap3A_1075 : vector<1x1x16xf32> to vector<16xf32>
      %swap3A_1077 = vector.shape_cast %get3A_1070 : vector<16xf32> to vector<1x1x16xf32>
      tpu.vector_store %arg8[%swap3A_1072, %swap3A_1073, %swap3A_1074], %swap3A_1077 {add = true, strides = array<i32>} : memref<6x128x128xf32, #tpu.memory_space<vmem>>, vector<1x1x16xf32>,
    }
    %scan3A_845 = arith.constant 128 : i32
    %add3A_846 = arith.constant 14 : i32
    %add3A_847 = arith.addi %mul3A_2, %add3A_846 : i32
    %dma_start3A_848 = arith.constant 2 : i32
    %dma_start3A_849 = arith.constant 0 : i32
    %dma_start3A_850 = arith.constant 0 : i32
    %dma_start3A_851 = tpu.memref_slice %arg8[%dma_start3A_848, %dma_start3A_849, %dma_start3A_850] : memref<6x128x128xf32, #tpu.memory_space<vmem>> -> memref<1x128x128xf32, #tpu.memory_space<vmem>>
    %dma_start3A_852 = tpu.memref_squeeze %dma_start3A_851 : memref<1x128x128xf32, #tpu.memory_space<vmem>> -> memref<128x128xf32, #tpu.memory_space<vmem>>
    %dma_start3A_853 = arith.constant 0 : i32
    %dma_start3A_854 = tpu.memref_slice %arg5[%add3A_847, %mul3A_0, %dma_start3A_853] : memref<32x2048x128xf32, #tpu.memory_space<hbm>> -> memref<1x128x128xf32, #tpu.memory_space<hbm>>
    %dma_start3A_855 = tpu.memref_squeeze %dma_start3A_854 : memref<1x128x128xf32, #tpu.memory_space<hbm>> -> memref<128x128xf32, #tpu.memory_space<hbm>>
    %dma_start3A_856 = arith.constant 0 : i32
    %dma_start3A_857 = tpu.memref_slice %arg5[%add3A_847, %mul3A_0, %dma_start3A_856] : memref<32x2048x128xf32, #tpu.memory_space<hbm>> -> memref<1x128x128xf32, #tpu.memory_space<hbm>>
    %dma_start3A_858 = tpu.memref_squeeze %dma_start3A_857 : memref<1x128x128xf32, #tpu.memory_space<hbm>> -> memref<128x128xf32, #tpu.memory_space<hbm>>
    %dma_start3A_859 = arith.constant 0 : i32
    %dma_start3A_860 = arith.constant 0 : i32
    %dma_start3A_861 = tpu.memref_slice %arg8[%dma_start3A_848, %dma_start3A_859, %dma_start3A_860] : memref<6x128x128xf32, #tpu.memory_space<vmem>> -> memref<1x128x128xf32, #tpu.memory_space<vmem>>
    %dma_start3A_862 = tpu.memref_squeeze %dma_start3A_861 : memref<1x128x128xf32, #tpu.memory_space<vmem>> -> memref<128x128xf32, #tpu.memory_space<vmem>>
    tpu.enqueue_dma source(%dma_start3A_862 : memref<128x128xf32, #tpu.memory_space<vmem>>) target(%dma_start3A_858 : memref<128x128xf32, #tpu.memory_space<hbm>>) target_semaphore(%arg17 : memref<!tpu.dma_semaphore, #tpu.memory_space<semaphore_mem>>)
    %dma_wait3A_863 = arith.constant 15 : i32
    %dma_wait3A_864 = arith.constant 3 : i32
    %dma_wait3A_865 = arith.constant 0 : i32
    %dma_wait3A_866 = arith.constant 0 : i32
    %dma_wait3A_867 = tpu.memref_slice %arg8[%dma_wait3A_864, %dma_wait3A_865, %dma_wait3A_866] : memref<6x128x128xf32, #tpu.memory_space<vmem>> -> memref<1x128x128xf32, #tpu.memory_space<vmem>>
    %dma_wait3A_868 = tpu.memref_squeeze %dma_wait3A_867 : memref<1x128x128xf32, #tpu.memory_space<vmem>> -> memref<128x128xf32, #tpu.memory_space<vmem>>
    %dma_wait3A_869 = arith.constant 0 : i32
    %dma_wait3A_870 = tpu.memref_slice %arg6[%dma_wait3A_863, %dma_wait3A_869] : memref<16x128xi32, #tpu.memory_space<vmem>> -> memref<1x128xi32, #tpu.memory_space<vmem>>
    %dma_wait3A_871 = tpu.memref_squeeze %dma_wait3A_870 : memref<1x128xi32, #tpu.memory_space<vmem>> -> memref<128xi32, #tpu.memory_space<vmem>>
    %dma_wait3A_872 = arith.constant 0 : i32
    %dma_wait3A_873 = arith.constant 0 : i32
    %dma_wait3A_874 = tpu.memref_slice %arg3[%dma_wait3A_872, %dma_wait3A_873] : memref<100000x128xf32, #tpu.memory_space<hbm>> -> memref<100000x128xf32, #tpu.memory_space<hbm>>
    tpu.wait_indirect_dma semaphore(%arg12 : memref<!tpu.dma_semaphore, #tpu.memory_space<semaphore_mem>>) src(%dma_wait3A_874 : memref<100000x128xf32, #tpu.memory_space<hbm>>) dst(%dma_wait3A_868 : memref<128x128xf32, #tpu.memory_space<vmem>>)
    %scan3A_875 = arith.constant 0 : i32
    %scan3A_876 = arith.constant 128 : i32
    %scan3A_877 = arith.addi %scan3A_875, %scan3A_876 : i32
    %scan3A_878 = arith.constant 1 : i32
    scf.for %scan3A_987 = %scan3A_875 to %scan3A_877 step %scan3A_878  : i32 {
      %mul3A_988 = arith.constant 1 : i32
      %mul3A_989 = arith.muli %scan3A_987, %mul3A_988 : i32
      %add3A_990 = arith.constant 0 : i32
      %add3A_991 = arith.addi %add3A_990, %mul3A_989 : i32
      %get3A = arith.index_cast %add3A_991 : i32 to index
      %get3A_992 = arith.constant 0 : index
      %get3A_993 = tpu.vector_load %arg7[%get3A, %get3A_992] {strides = array<i32>} : memref<128x128xf32, #tpu.memory_space<vmem>>, vector<1x16xf32>,
      %get3A_994 = vector.shape_cast %get3A_993 : vector<1x16xf32> to vector<16xf32>
      %swap3A = arith.constant 3 : i32
      %swap3A_995 = arith.index_cast %swap3A : i32 to index
      %swap3A_996 = arith.index_cast %add3A_991 : i32 to index
      %swap3A_997 = arith.constant 0 : index
      %swap3A_998 = tpu.vector_load %arg8[%swap3A_995, %swap3A_996, %swap3A_997] {strides = array<i32>} : memref<6x128x128xf32, #tpu.memory_space<vmem>>, vector<1x1x16xf32>,
      %swap3A_999 = vector.shape_cast %swap3A_998 : vector<1x1x16xf32> to vector<16xf32>
      %swap3A_1000 = vector.shape_cast %get3A_994 : vector<16xf32> to vector<1x1x16xf32>
      tpu.vector_store %arg8[%swap3A_995, %swap3A_996, %swap3A_997], %swap3A_1000 {add = true, strides = array<i32>} : memref<6x128x128xf32, #tpu.memory_space<vmem>>, vector<1x1x16xf32>,
      %get3A_1001 = arith.index_cast %add3A_991 : i32 to index
      %get3A_1002 = arith.constant 16 : index
      %get3A_1003 = tpu.vector_load %arg7[%get3A_1001, %get3A_1002] {strides = array<i32>} : memref<128x128xf32, #tpu.memory_space<vmem>>, vector<1x16xf32>,
      %get3A_1004 = vector.shape_cast %get3A_1003 : vector<1x16xf32> to vector<16xf32>
      %swap3A_1005 = arith.constant 3 : i32
      %swap3A_1006 = arith.index_cast %swap3A_1005 : i32 to index
      %swap3A_1007 = arith.index_cast %add3A_991 : i32 to index
      %swap3A_1008 = arith.constant 16 : index
      %swap3A_1009 = tpu.vector_load %arg8[%swap3A_1006, %swap3A_1007, %swap3A_1008] {strides = array<i32>} : memref<6x128x128xf32, #tpu.memory_space<vmem>>, vector<1x1x16xf32>,
      %swap3A_1010 = vector.shape_cast %swap3A_1009 : vector<1x1x16xf32> to vector<16xf32>
      %swap3A_1011 = vector.shape_cast %get3A_1004 : vector<16xf32> to vector<1x1x16xf32>
      tpu.vector_store %arg8[%swap3A_1006, %swap3A_1007, %swap3A_1008], %swap3A_1011 {add = true, strides = array<i32>} : memref<6x128x128xf32, #tpu.memory_space<vmem>>, vector<1x1x16xf32>,
      %get3A_1012 = arith.index_cast %add3A_991 : i32 to index
      %get3A_1013 = arith.constant 32 : index
      %get3A_1014 = tpu.vector_load %arg7[%get3A_1012, %get3A_1013] {strides = array<i32>} : memref<128x128xf32, #tpu.memory_space<vmem>>, vector<1x16xf32>,
      %get3A_1015 = vector.shape_cast %get3A_1014 : vector<1x16xf32> to vector<16xf32>
      %swap3A_1016 = arith.constant 3 : i32
      %swap3A_1017 = arith.index_cast %swap3A_1016 : i32 to index
      %swap3A_1018 = arith.index_cast %add3A_991 : i32 to index
      %swap3A_1019 = arith.constant 32 : index
      %swap3A_1020 = tpu.vector_load %arg8[%swap3A_1017, %swap3A_1018, %swap3A_1019] {strides = array<i32>} : memref<6x128x128xf32, #tpu.memory_space<vmem>>, vector<1x1x16xf32>,
      %swap3A_1021 = vector.shape_cast %swap3A_1020 : vector<1x1x16xf32> to vector<16xf32>
      %swap3A_1022 = vector.shape_cast %get3A_1015 : vector<16xf32> to vector<1x1x16xf32>
      tpu.vector_store %arg8[%swap3A_1017, %swap3A_1018, %swap3A_1019], %swap3A_1022 {add = true, strides = array<i32>} : memref<6x128x128xf32, #tpu.memory_space<vmem>>, vector<1x1x16xf32>,
      %get3A_1023 = arith.index_cast %add3A_991 : i32 to index
      %get3A_1024 = arith.constant 48 : index
      %get3A_1025 = tpu.vector_load %arg7[%get3A_1023, %get3A_1024] {strides = array<i32>} : memref<128x128xf32, #tpu.memory_space<vmem>>, vector<1x16xf32>,
      %get3A_1026 = vector.shape_cast %get3A_1025 : vector<1x16xf32> to vector<16xf32>
      %swap3A_1027 = arith.constant 3 : i32
      %swap3A_1028 = arith.index_cast %swap3A_1027 : i32 to index
      %swap3A_1029 = arith.index_cast %add3A_991 : i32 to index
      %swap3A_1030 = arith.constant 48 : index
      %swap3A_1031 = tpu.vector_load %arg8[%swap3A_1028, %swap3A_1029, %swap3A_1030] {strides = array<i32>} : memref<6x128x128xf32, #tpu.memory_space<vmem>>, vector<1x1x16xf32>,
      %swap3A_1032 = vector.shape_cast %swap3A_1031 : vector<1x1x16xf32> to vector<16xf32>
      %swap3A_1033 = vector.shape_cast %get3A_1026 : vector<16xf32> to vector<1x1x16xf32>
      tpu.vector_store %arg8[%swap3A_1028, %swap3A_1029, %swap3A_1030], %swap3A_1033 {add = true, strides = array<i32>} : memref<6x128x128xf32, #tpu.memory_space<vmem>>, vector<1x1x16xf32>,
      %get3A_1034 = arith.index_cast %add3A_991 : i32 to index
      %get3A_1035 = arith.constant 64 : index
      %get3A_1036 = tpu.vector_load %arg7[%get3A_1034, %get3A_1035] {strides = array<i32>} : memref<128x128xf32, #tpu.memory_space<vmem>>, vector<1x16xf32>,
      %get3A_1037 = vector.shape_cast %get3A_1036 : vector<1x16xf32> to vector<16xf32>
      %swap3A_1038 = arith.constant 3 : i32
      %swap3A_1039 = arith.index_cast %swap3A_1038 : i32 to index
      %swap3A_1040 = arith.index_cast %add3A_991 : i32 to index
      %swap3A_1041 = arith.constant 64 : index
      %swap3A_1042 = tpu.vector_load %arg8[%swap3A_1039, %swap3A_1040, %swap3A_1041] {strides = array<i32>} : memref<6x128x128xf32, #tpu.memory_space<vmem>>, vector<1x1x16xf32>,
      %swap3A_1043 = vector.shape_cast %swap3A_1042 : vector<1x1x16xf32> to vector<16xf32>
      %swap3A_1044 = vector.shape_cast %get3A_1037 : vector<16xf32> to vector<1x1x16xf32>
      tpu.vector_store %arg8[%swap3A_1039, %swap3A_1040, %swap3A_1041], %swap3A_1044 {add = true, strides = array<i32>} : memref<6x128x128xf32, #tpu.memory_space<vmem>>, vector<1x1x16xf32>,
      %get3A_1045 = arith.index_cast %add3A_991 : i32 to index
      %get3A_1046 = arith.constant 80 : index
      %get3A_1047 = tpu.vector_load %arg7[%get3A_1045, %get3A_1046] {strides = array<i32>} : memref<128x128xf32, #tpu.memory_space<vmem>>, vector<1x16xf32>,
      %get3A_1048 = vector.shape_cast %get3A_1047 : vector<1x16xf32> to vector<16xf32>
      %swap3A_1049 = arith.constant 3 : i32
      %swap3A_1050 = arith.index_cast %swap3A_1049 : i32 to index
      %swap3A_1051 = arith.index_cast %add3A_991 : i32 to index
      %swap3A_1052 = arith.constant 80 : index
      %swap3A_1053 = tpu.vector_load %arg8[%swap3A_1050, %swap3A_1051, %swap3A_1052] {strides = array<i32>} : memref<6x128x128xf32, #tpu.memory_space<vmem>>, vector<1x1x16xf32>,
      %swap3A_1054 = vector.shape_cast %swap3A_1053 : vector<1x1x16xf32> to vector<16xf32>
      %swap3A_1055 = vector.shape_cast %get3A_1048 : vector<16xf32> to vector<1x1x16xf32>
      tpu.vector_store %arg8[%swap3A_1050, %swap3A_1051, %swap3A_1052], %swap3A_1055 {add = true, strides = array<i32>} : memref<6x128x128xf32, #tpu.memory_space<vmem>>, vector<1x1x16xf32>,
      %get3A_1056 = arith.index_cast %add3A_991 : i32 to index
      %get3A_1057 = arith.constant 96 : index
      %get3A_1058 = tpu.vector_load %arg7[%get3A_1056, %get3A_1057] {strides = array<i32>} : memref<128x128xf32, #tpu.memory_space<vmem>>, vector<1x16xf32>,
      %get3A_1059 = vector.shape_cast %get3A_1058 : vector<1x16xf32> to vector<16xf32>
      %swap3A_1060 = arith.constant 3 : i32
      %swap3A_1061 = arith.index_cast %swap3A_1060 : i32 to index
      %swap3A_1062 = arith.index_cast %add3A_991 : i32 to index
      %swap3A_1063 = arith.constant 96 : index
      %swap3A_1064 = tpu.vector_load %arg8[%swap3A_1061, %swap3A_1062, %swap3A_1063] {strides = array<i32>} : memref<6x128x128xf32, #tpu.memory_space<vmem>>, vector<1x1x16xf32>,
      %swap3A_1065 = vector.shape_cast %swap3A_1064 : vector<1x1x16xf32> to vector<16xf32>
      %swap3A_1066 = vector.shape_cast %get3A_1059 : vector<16xf32> to vector<1x1x16xf32>
      tpu.vector_store %arg8[%swap3A_1061, %swap3A_1062, %swap3A_1063], %swap3A_1066 {add = true, strides = array<i32>} : memref<6x128x128xf32, #tpu.memory_space<vmem>>, vector<1x1x16xf32>,
      %get3A_1067 = arith.index_cast %add3A_991 : i32 to index
      %get3A_1068 = arith.constant 112 : index
      %get3A_1069 = tpu.vector_load %arg7[%get3A_1067, %get3A_1068] {strides = array<i32>} : memref<128x128xf32, #tpu.memory_space<vmem>>, vector<1x16xf32>,
      %get3A_1070 = vector.shape_cast %get3A_1069 : vector<1x16xf32> to vector<16xf32>
      %swap3A_1071 = arith.constant 3 : i32
      %swap3A_1072 = arith.index_cast %swap3A_1071 : i32 to index
      %swap3A_1073 = arith.index_cast %add3A_991 : i32 to index
      %swap3A_1074 = arith.constant 112 : index
      %swap3A_1075 = tpu.vector_load %arg8[%swap3A_1072, %swap3A_1073, %swap3A_1074] {strides = array<i32>} : memref<6x128x128xf32, #tpu.memory_space<vmem>>, vector<1x1x16xf32>,
      %swap3A_1076 = vector.shape_cast %swap3A_1075 : vector<1x1x16xf32> to vector<16xf32>
      %swap3A_1077 = vector.shape_cast %get3A_1070 : vector<16xf32> to vector<1x1x16xf32>
      tpu.vector_store %arg8[%swap3A_1072, %swap3A_1073, %swap3A_1074], %swap3A_1077 {add = true, strides = array<i32>} : memref<6x128x128xf32, #tpu.memory_space<vmem>>, vector<1x1x16xf32>,
    }
    %scan3A_879 = arith.constant 128 : i32
    %add3A_880 = arith.constant 15 : i32
    %add3A_881 = arith.addi %mul3A_2, %add3A_880 : i32
    %dma_start3A_882 = arith.constant 3 : i32
    %dma_start3A_883 = arith.constant 0 : i32
    %dma_start3A_884 = arith.constant 0 : i32
    %dma_start3A_885 = tpu.memref_slice %arg8[%dma_start3A_882, %dma_start3A_883, %dma_start3A_884] : memref<6x128x128xf32, #tpu.memory_space<vmem>> -> memref<1x128x128xf32, #tpu.memory_space<vmem>>
    %dma_start3A_886 = tpu.memref_squeeze %dma_start3A_885 : memref<1x128x128xf32, #tpu.memory_space<vmem>> -> memref<128x128xf32, #tpu.memory_space<vmem>>
    %dma_start3A_887 = arith.constant 0 : i32
    %dma_start3A_888 = tpu.memref_slice %arg5[%add3A_881, %mul3A_0, %dma_start3A_887] : memref<32x2048x128xf32, #tpu.memory_space<hbm>> -> memref<1x128x128xf32, #tpu.memory_space<hbm>>
    %dma_start3A_889 = tpu.memref_squeeze %dma_start3A_888 : memref<1x128x128xf32, #tpu.memory_space<hbm>> -> memref<128x128xf32, #tpu.memory_space<hbm>>
    %dma_start3A_890 = arith.constant 0 : i32
    %dma_start3A_891 = tpu.memref_slice %arg5[%add3A_881, %mul3A_0, %dma_start3A_890] : memref<32x2048x128xf32, #tpu.memory_space<hbm>> -> memref<1x128x128xf32, #tpu.memory_space<hbm>>
    %dma_start3A_892 = tpu.memref_squeeze %dma_start3A_891 : memref<1x128x128xf32, #tpu.memory_space<hbm>> -> memref<128x128xf32, #tpu.memory_space<hbm>>
    %dma_start3A_893 = arith.constant 0 : i32
    %dma_start3A_894 = arith.constant 0 : i32
    %dma_start3A_895 = tpu.memref_slice %arg8[%dma_start3A_882, %dma_start3A_893, %dma_start3A_894] : memref<6x128x128xf32, #tpu.memory_space<vmem>> -> memref<1x128x128xf32, #tpu.memory_space<vmem>>
    %dma_start3A_896 = tpu.memref_squeeze %dma_start3A_895 : memref<1x128x128xf32, #tpu.memory_space<vmem>> -> memref<128x128xf32, #tpu.memory_space<vmem>>
    tpu.enqueue_dma source(%dma_start3A_896 : memref<128x128xf32, #tpu.memory_space<vmem>>) target(%dma_start3A_892 : memref<128x128xf32, #tpu.memory_space<hbm>>) target_semaphore(%arg18 : memref<!tpu.dma_semaphore, #tpu.memory_space<semaphore_mem>>)
    %dma_wait3A_897 = arith.constant 4 : i32
    %dma_wait3A_898 = arith.constant 0 : i32
    %dma_wait3A_899 = arith.constant 0 : i32
    %dma_wait3A_900 = tpu.memref_slice %arg8[%dma_wait3A_897, %dma_wait3A_898, %dma_wait3A_899] : memref<6x128x128xf32, #tpu.memory_space<vmem>> -> memref<1x128x128xf32, #tpu.memory_space<vmem>>
    %dma_wait3A_901 = tpu.memref_squeeze %dma_wait3A_900 : memref<1x128x128xf32, #tpu.memory_space<vmem>> -> memref<128x128xf32, #tpu.memory_space<vmem>>
    %dma_wait3A_902 = arith.constant 0 : i32
    %dma_wait3A_903 = tpu.memref_slice %arg5[%add3A_684, %mul3A_0, %dma_wait3A_902] : memref<32x2048x128xf32, #tpu.memory_space<hbm>> -> memref<1x128x128xf32, #tpu.memory_space<hbm>>
    %dma_wait3A_904 = tpu.memref_squeeze %dma_wait3A_903 : memref<1x128x128xf32, #tpu.memory_space<hbm>> -> memref<128x128xf32, #tpu.memory_space<hbm>>
    %dma_wait3A_905 = arith.constant 0 : i32
    %dma_wait3A_906 = tpu.memref_slice %arg5[%add3A_684, %mul3A_0, %dma_wait3A_905] : memref<32x2048x128xf32, #tpu.memory_space<hbm>> -> memref<1x128x128xf32, #tpu.memory_space<hbm>>
    %dma_wait3A_907 = tpu.memref_squeeze %dma_wait3A_906 : memref<1x128x128xf32, #tpu.memory_space<hbm>> -> memref<128x128xf32, #tpu.memory_space<hbm>>
    %dma_wait3A_908 = arith.constant 0 : i32
    %dma_wait3A_909 = arith.constant 0 : i32
    %dma_wait3A_910 = tpu.memref_slice %arg8[%dma_wait3A_897, %dma_wait3A_908, %dma_wait3A_909] : memref<6x128x128xf32, #tpu.memory_space<vmem>> -> memref<1x128x128xf32, #tpu.memory_space<vmem>>
    %dma_wait3A_911 = tpu.memref_squeeze %dma_wait3A_910 : memref<1x128x128xf32, #tpu.memory_space<vmem>> -> memref<128x128xf32, #tpu.memory_space<vmem>>
    tpu.wait_dma2 semaphore(%arg19 : memref<!tpu.dma_semaphore, #tpu.memory_space<semaphore_mem>>) src(%dma_wait3A_911 : memref<128x128xf32, #tpu.memory_space<vmem>>) dst(%dma_wait3A_907 : memref<128x128xf32, #tpu.memory_space<hbm>>)
    %dma_wait3A_912 = arith.constant 5 : i32
    %dma_wait3A_913 = arith.constant 0 : i32
    %dma_wait3A_914 = arith.constant 0 : i32
    %dma_wait3A_915 = tpu.memref_slice %arg8[%dma_wait3A_912, %dma_wait3A_913, %dma_wait3A_914] : memref<6x128x128xf32, #tpu.memory_space<vmem>> -> memref<1x128x128xf32, #tpu.memory_space<vmem>>
    %dma_wait3A_916 = tpu.memref_squeeze %dma_wait3A_915 : memref<1x128x128xf32, #tpu.memory_space<vmem>> -> memref<128x128xf32, #tpu.memory_space<vmem>>
    %dma_wait3A_917 = arith.constant 0 : i32
    %dma_wait3A_918 = tpu.memref_slice %arg5[%add3A_745, %mul3A_0, %dma_wait3A_917] : memref<32x2048x128xf32, #tpu.memory_space<hbm>> -> memref<1x128x128xf32, #tpu.memory_space<hbm>>
    %dma_wait3A_919 = tpu.memref_squeeze %dma_wait3A_918 : memref<1x128x128xf32, #tpu.memory_space<hbm>> -> memref<128x128xf32, #tpu.memory_space<hbm>>
    %dma_wait3A_920 = arith.constant 0 : i32
    %dma_wait3A_921 = tpu.memref_slice %arg5[%add3A_745, %mul3A_0, %dma_wait3A_920] : memref<32x2048x128xf32, #tpu.memory_space<hbm>> -> memref<1x128x128xf32, #tpu.memory_space<hbm>>
    %dma_wait3A_922 = tpu.memref_squeeze %dma_wait3A_921 : memref<1x128x128xf32, #tpu.memory_space<hbm>> -> memref<128x128xf32, #tpu.memory_space<hbm>>
    %dma_wait3A_923 = arith.constant 0 : i32
    %dma_wait3A_924 = arith.constant 0 : i32
    %dma_wait3A_925 = tpu.memref_slice %arg8[%dma_wait3A_912, %dma_wait3A_923, %dma_wait3A_924] : memref<6x128x128xf32, #tpu.memory_space<vmem>> -> memref<1x128x128xf32, #tpu.memory_space<vmem>>
    %dma_wait3A_926 = tpu.memref_squeeze %dma_wait3A_925 : memref<1x128x128xf32, #tpu.memory_space<vmem>> -> memref<128x128xf32, #tpu.memory_space<vmem>>
    tpu.wait_dma2 semaphore(%arg20 : memref<!tpu.dma_semaphore, #tpu.memory_space<semaphore_mem>>) src(%dma_wait3A_926 : memref<128x128xf32, #tpu.memory_space<vmem>>) dst(%dma_wait3A_922 : memref<128x128xf32, #tpu.memory_space<hbm>>)
    %dma_wait3A_927 = arith.constant 0 : i32
    %dma_wait3A_928 = arith.constant 0 : i32
    %dma_wait3A_929 = arith.constant 0 : i32
    %dma_wait3A_930 = tpu.memref_slice %arg8[%dma_wait3A_927, %dma_wait3A_928, %dma_wait3A_929] : memref<6x128x128xf32, #tpu.memory_space<vmem>> -> memref<1x128x128xf32, #tpu.memory_space<vmem>>
    %dma_wait3A_931 = tpu.memref_squeeze %dma_wait3A_930 : memref<1x128x128xf32, #tpu.memory_space<vmem>> -> memref<128x128xf32, #tpu.memory_space<vmem>>
    %dma_wait3A_932 = arith.constant 0 : i32
    %dma_wait3A_933 = tpu.memref_slice %arg5[%add3A_779, %mul3A_0, %dma_wait3A_932] : memref<32x2048x128xf32, #tpu.memory_space<hbm>> -> memref<1x128x128xf32, #tpu.memory_space<hbm>>
    %dma_wait3A_934 = tpu.memref_squeeze %dma_wait3A_933 : memref<1x128x128xf32, #tpu.memory_space<hbm>> -> memref<128x128xf32, #tpu.memory_space<hbm>>
    %dma_wait3A_935 = arith.constant 0 : i32
    %dma_wait3A_936 = tpu.memref_slice %arg5[%add3A_779, %mul3A_0, %dma_wait3A_935] : memref<32x2048x128xf32, #tpu.memory_space<hbm>> -> memref<1x128x128xf32, #tpu.memory_space<hbm>>
    %dma_wait3A_937 = tpu.memref_squeeze %dma_wait3A_936 : memref<1x128x128xf32, #tpu.memory_space<hbm>> -> memref<128x128xf32, #tpu.memory_space<hbm>>
    %dma_wait3A_938 = arith.constant 0 : i32
    %dma_wait3A_939 = arith.constant 0 : i32
    %dma_wait3A_940 = tpu.memref_slice %arg8[%dma_wait3A_927, %dma_wait3A_938, %dma_wait3A_939] : memref<6x128x128xf32, #tpu.memory_space<vmem>> -> memref<1x128x128xf32, #tpu.memory_space<vmem>>
    %dma_wait3A_941 = tpu.memref_squeeze %dma_wait3A_940 : memref<1x128x128xf32, #tpu.memory_space<vmem>> -> memref<128x128xf32, #tpu.memory_space<vmem>>
    tpu.wait_dma2 semaphore(%arg15 : memref<!tpu.dma_semaphore, #tpu.memory_space<semaphore_mem>>) src(%dma_wait3A_941 : memref<128x128xf32, #tpu.memory_space<vmem>>) dst(%dma_wait3A_937 : memref<128x128xf32, #tpu.memory_space<hbm>>)
    %dma_wait3A_942 = arith.constant 1 : i32
    %dma_wait3A_943 = arith.constant 0 : i32
    %dma_wait3A_944 = arith.constant 0 : i32
    %dma_wait3A_945 = tpu.memref_slice %arg8[%dma_wait3A_942, %dma_wait3A_943, %dma_wait3A_944] : memref<6x128x128xf32, #tpu.memory_space<vmem>> -> memref<1x128x128xf32, #tpu.memory_space<vmem>>
    %dma_wait3A_946 = tpu.memref_squeeze %dma_wait3A_945 : memref<1x128x128xf32, #tpu.memory_space<vmem>> -> memref<128x128xf32, #tpu.memory_space<vmem>>
    %dma_wait3A_947 = arith.constant 0 : i32
    %dma_wait3A_948 = tpu.memref_slice %arg5[%add3A_813, %mul3A_0, %dma_wait3A_947] : memref<32x2048x128xf32, #tpu.memory_space<hbm>> -> memref<1x128x128xf32, #tpu.memory_space<hbm>>
    %dma_wait3A_949 = tpu.memref_squeeze %dma_wait3A_948 : memref<1x128x128xf32, #tpu.memory_space<hbm>> -> memref<128x128xf32, #tpu.memory_space<hbm>>
    %dma_wait3A_950 = arith.constant 0 : i32
    %dma_wait3A_951 = tpu.memref_slice %arg5[%add3A_813, %mul3A_0, %dma_wait3A_950] : memref<32x2048x128xf32, #tpu.memory_space<hbm>> -> memref<1x128x128xf32, #tpu.memory_space<hbm>>
    %dma_wait3A_952 = tpu.memref_squeeze %dma_wait3A_951 : memref<1x128x128xf32, #tpu.memory_space<hbm>> -> memref<128x128xf32, #tpu.memory_space<hbm>>
    %dma_wait3A_953 = arith.constant 0 : i32
    %dma_wait3A_954 = arith.constant 0 : i32
    %dma_wait3A_955 = tpu.memref_slice %arg8[%dma_wait3A_942, %dma_wait3A_953, %dma_wait3A_954] : memref<6x128x128xf32, #tpu.memory_space<vmem>> -> memref<1x128x128xf32, #tpu.memory_space<vmem>>
    %dma_wait3A_956 = tpu.memref_squeeze %dma_wait3A_955 : memref<1x128x128xf32, #tpu.memory_space<vmem>> -> memref<128x128xf32, #tpu.memory_space<vmem>>
    tpu.wait_dma2 semaphore(%arg16 : memref<!tpu.dma_semaphore, #tpu.memory_space<semaphore_mem>>) src(%dma_wait3A_956 : memref<128x128xf32, #tpu.memory_space<vmem>>) dst(%dma_wait3A_952 : memref<128x128xf32, #tpu.memory_space<hbm>>)
    %dma_wait3A_957 = arith.constant 2 : i32
    %dma_wait3A_958 = arith.constant 0 : i32
    %dma_wait3A_959 = arith.constant 0 : i32
    %dma_wait3A_960 = tpu.memref_slice %arg8[%dma_wait3A_957, %dma_wait3A_958, %dma_wait3A_959] : memref<6x128x128xf32, #tpu.memory_space<vmem>> -> memref<1x128x128xf32, #tpu.memory_space<vmem>>
    %dma_wait3A_961 = tpu.memref_squeeze %dma_wait3A_960 : memref<1x128x128xf32, #tpu.memory_space<vmem>> -> memref<128x128xf32, #tpu.memory_space<vmem>>
    %dma_wait3A_962 = arith.constant 0 : i32
    %dma_wait3A_963 = tpu.memref_slice %arg5[%add3A_847, %mul3A_0, %dma_wait3A_962] : memref<32x2048x128xf32, #tpu.memory_space<hbm>> -> memref<1x128x128xf32, #tpu.memory_space<hbm>>
    %dma_wait3A_964 = tpu.memref_squeeze %dma_wait3A_963 : memref<1x128x128xf32, #tpu.memory_space<hbm>> -> memref<128x128xf32, #tpu.memory_space<hbm>>
    %dma_wait3A_965 = arith.constant 0 : i32
    %dma_wait3A_966 = tpu.memref_slice %arg5[%add3A_847, %mul3A_0, %dma_wait3A_965] : memref<32x2048x128xf32, #tpu.memory_space<hbm>> -> memref<1x128x128xf32, #tpu.memory_space<hbm>>
    %dma_wait3A_967 = tpu.memref_squeeze %dma_wait3A_966 : memref<1x128x128xf32, #tpu.memory_space<hbm>> -> memref<128x128xf32, #tpu.memory_space<hbm>>
    %dma_wait3A_968 = arith.constant 0 : i32
    %dma_wait3A_969 = arith.constant 0 : i32
    %dma_wait3A_970 = tpu.memref_slice %arg8[%dma_wait3A_957, %dma_wait3A_968, %dma_wait3A_969] : memref<6x128x128xf32, #tpu.memory_space<vmem>> -> memref<1x128x128xf32, #tpu.memory_space<vmem>>
    %dma_wait3A_971 = tpu.memref_squeeze %dma_wait3A_970 : memref<1x128x128xf32, #tpu.memory_space<vmem>> -> memref<128x128xf32, #tpu.memory_space<vmem>>
    tpu.wait_dma2 semaphore(%arg17 : memref<!tpu.dma_semaphore, #tpu.memory_space<semaphore_mem>>) src(%dma_wait3A_971 : memref<128x128xf32, #tpu.memory_space<vmem>>) dst(%dma_wait3A_967 : memref<128x128xf32, #tpu.memory_space<hbm>>)
    %dma_wait3A_972 = arith.constant 3 : i32
    %dma_wait3A_973 = arith.constant 0 : i32
    %dma_wait3A_974 = arith.constant 0 : i32
    %dma_wait3A_975 = tpu.memref_slice %arg8[%dma_wait3A_972, %dma_wait3A_973, %dma_wait3A_974] : memref<6x128x128xf32, #tpu.memory_space<vmem>> -> memref<1x128x128xf32, #tpu.memory_space<vmem>>
    %dma_wait3A_976 = tpu.memref_squeeze %dma_wait3A_975 : memref<1x128x128xf32, #tpu.memory_space<vmem>> -> memref<128x128xf32, #tpu.memory_space<vmem>>
    %dma_wait3A_977 = arith.constant 0 : i32
    %dma_wait3A_978 = tpu.memref_slice %arg5[%add3A_881, %mul3A_0, %dma_wait3A_977] : memref<32x2048x128xf32, #tpu.memory_space<hbm>> -> memref<1x128x128xf32, #tpu.memory_space<hbm>>
    %dma_wait3A_979 = tpu.memref_squeeze %dma_wait3A_978 : memref<1x128x128xf32, #tpu.memory_space<hbm>> -> memref<128x128xf32, #tpu.memory_space<hbm>>
    %dma_wait3A_980 = arith.constant 0 : i32
    %dma_wait3A_981 = tpu.memref_slice %arg5[%add3A_881, %mul3A_0, %dma_wait3A_980] : memref<32x2048x128xf32, #tpu.memory_space<hbm>> -> memref<1x128x128xf32, #tpu.memory_space<hbm>>
    %dma_wait3A_982 = tpu.memref_squeeze %dma_wait3A_981 : memref<1x128x128xf32, #tpu.memory_space<hbm>> -> memref<128x128xf32, #tpu.memory_space<hbm>>
    %dma_wait3A_983 = arith.constant 0 : i32
    %dma_wait3A_984 = arith.constant 0 : i32
    %dma_wait3A_985 = tpu.memref_slice %arg8[%dma_wait3A_972, %dma_wait3A_983, %dma_wait3A_984] : memref<6x128x128xf32, #tpu.memory_space<vmem>> -> memref<1x128x128xf32, #tpu.memory_space<vmem>>
    %dma_wait3A_986 = tpu.memref_squeeze %dma_wait3A_985 : memref<1x128x128xf32, #tpu.memory_space<vmem>> -> memref<128x128xf32, #tpu.memory_space<vmem>>
    tpu.wait_dma2 semaphore(%arg18 : memref<!tpu.dma_semaphore, #tpu.memory_space<semaphore_mem>>) src(%dma_wait3A_986 : memref<128x128xf32, #tpu.memory_space<vmem>>) dst(%dma_wait3A_982 : memref<128x128xf32, #tpu.memory_space<hbm>>)
    return
  }
}

</mosaic_0001>

<sc_bundles>
// kernel: kernel.3.cloned.1.call-start
scs
__scs_entry_jumppad:
0x0: {  	(pc) =	sbr.rel $0x88, $3  }
0x1: {  	(tag) =	ssettag $0x0;
	lr =	simm.s32 $0x1  }
0x2: {  	[smem:$0x3F9E] =	sst lr;
	_ =	strace $0xD0000000  }
0x3: {  	_ = 	snop  }
0x4: {  	_ = 	snop  }
0x5: {  	_ = 	snop  }
0x6: {  	_ = 	snop  }
0x7: {  	_ = 	snop  }
__scs_overlays_trampoline_lowered:
0x8: {  	[smem:$0x3FAD] =	sst s0  }
0x9: {  	[smem:$0x3FAE] =	sst s1  }
0xa: {  	[smem:$0x3FAF] =	sst s2  }
0xb: {  	[smem:$0x3FB0] =	sst s3  }
0xc: {  	[smem:$0x3FB1] =	sst s4  }
0xd: {  	[smem:$0x3FB2] =	sst s5  }
0xe: {  	[smem:$0x3FB3] =	sst s6  }
0xf: {  	[smem:$0x3FB4] =	sst s7  }
0x10: {  	[smem:$0x3FB5] =	sst s8  }
0x11: {  	[smem:$0x3FB6] =	sst s9;
	s0 =	simm.s32 @!p0 $0x0  }
0x12: {  	s1 =	sld [smem:$0x3F9C];
	s0 =	simm.s32 @p0 $0x1  }
0x13: {  	[smem:$0x3FB7] =	sst s0;
	s0 =	simm.s32 @!p1 $0x0  }
0x14: {  	s2 =	sld [smem:$0x3F9B];
	s0 =	simm.s32 @p1 $0x1  }
0x15: {  	[smem:$0x3FB8] =	sst s0;
	s0 =	simm.s32 @!p2 $0x0  }
0x16: {  	s3 =	sld [smem:$0x3FDB];
	s0 =	simm.s32 @p2 $0x1  }
0x17: {  	s4 =	simm.s32 $0x1BF5;
	[smem:$0x3FBA] =	sst s0  }
0x18: {  	s0 =	sld [smem:$0x3F9D];
	_ =	swait.ge [sflag:s4], $0x0  }
0x19: {  	s7 =	sld [smem:$0x3F9E]  }
0x1a: {  	s8 =	sadd.s32 $0xFFFFE003, lr  }
0x1b: {  	s9 =	sadd.s32 $0xFFFFFEF7, lr;
	s5 =	simm.s32 $0xFFFFFFFF;
	p2 =	slt.u32 s8, $0xFFFFF086  }
0x1c: {  	p1 =	slt.u32 s9, $0xF7A;
	s5 =	simm.s32 @!p2 $0x0  }
0x1d: {  	s5 =	simm.s32 @p1 $0x1;
	p0 =	seq.s32 s7, s2  }
0x1e: {  	s7 =	smul.u32 @!p0 $0xF7A, s2;
	p2 =	seq.s32 @!p0 s5, $0x0  }
0x1f: {  	s9 =	smul.u32 $0xF7A, s1;
	s8 =	simm.s32 @!p0 $0x1BF5;
	p2 =	por !p2, p0  }
0x20: {  	[sflag:s8] =	ssyncset.s32 @!p0 $0xFFFFF086;
	s6 =	sadd.s32 @!p0 s3, s7;
	s7 =	simm.s32 @!p0 $0x108  }
0x21: {  	s3 =	sadd.s32 s3, s9;
	s6 =	sadd.s32 @!p0 $0x88, s6;
	s7 =	simm.s32 @p2 $0x1082  }
0x22: {  	[simem:s7], [sflag:s8] =	dma.local @!p0 [hbm:s6], $0xF7A  }
0x23: {  	s9 =	sor.u32 $0xD0000000, s2;
	s6 =	simm.s32 $0x108;
	_ =	swait.ge @!p0 [sflag:s8], $0x0  }
0x24: {  	s3 =	sadd.s32 $0x88, s3;
	s6 =	simm.s32 @!p1 $0x1082;
	[sflag:s4] =	ssyncset.s32 $0xFFFFF086  }
0x25: {  	[simem:s6], [sflag:s4] =	dma.local [hbm:s3], $0xF7A  }
0x26: {  	[smem:$0x3F9E] =	sst s1;
	(tag) =	ssettag s2;
	_ =	strace s9  }
0x27: {  	s1 =	sld [smem:$0x3FAE]  }
0x28: {  	s2 =	sld [smem:$0x3FAF]  }
0x29: {  	s4 =	sld [smem:$0x3FB1]  }
0x2a: {  	p0 =	seq.s32 s5, $0x0;
	s5 =	sld [smem:$0x3FB2]  }
0x2b: {  	s6 =	sld [smem:$0x3FB3]  }
0x2c: {  	s7 =	sld [smem:$0x3FB4]  }
0x2d: {  	s3 =	simm.s32 $0x108;
	s8 =	sld [smem:$0x3FB5]  }
0x2e: {  	s3 =	simm.s32 @!p0 $0x1082;
	s9 =	sld [smem:$0x3FB6]  }
0x2f: {  	lr =	sadd.s32 s0, s3;
	s0 =	sld [smem:$0x3FAD]  }
0x30: {  	s3 =	sld [smem:$0x3FB0]  }
0x31: {  	[smem:$0x3FB9] =	sst s10  }
0x32: {  	s10 =	sld [smem:$0x3FB7];
	_ =	sdelay $0x3  }
0x33: {  	p0 =	seq.s32 s10, $0x1;
	s10 =	sld [smem:$0x3FB9];
	_ =	sdelay $0x3  }
0x34: {  	[smem:$0x3FB9] =	sst s10  }
0x35: {  	s10 =	sld [smem:$0x3FB8];
	_ =	sdelay $0x3  }
0x36: {  	p1 =	seq.s32 s10, $0x1;
	s10 =	sld [smem:$0x3FB9];
	_ =	sdelay $0x3  }
0x37: {  	[smem:$0x3FB9] =	sst s10  }
0x38: {  	s10 =	sld [smem:$0x3FBA]  }
0x39: {  	_ = 	snop;
	(pc) =	sbr.ind lr, $3  }
0x3a: {  	_ = 	snop  }
0x3b: {  	_ = 	snop  }
0x3c: {  	p2 =	seq.s32 s10, $0x1;
	s10 =	sld [smem:$0x3FB9]  }
0x3d: {  	_ =	shalt  }
0x3e: {  	_ =	shalt  }
0x3f: {  	_ =	shalt  }
0x40: {  	_ =	shalt  }
0x41: {  	_ =	shalt  }
0x42: {  	_ =	shalt  }
0x43: {  	_ =	shalt  }
0x44: {  	_ =	shalt  }
0x45: {  	_ =	shalt  }
0x46: {  	_ =	shalt  }
0x47: {  	_ =	shalt  }
0x48: {  	_ =	shalt  }
0x49: {  	_ =	shalt  }
0x4a: {  	_ =	shalt  }
0x4b: {  	_ =	shalt  }
0x4c: {  	_ =	shalt  }
0x4d: {  	_ =	shalt  }
0x4e: {  	_ =	shalt  }
0x4f: {  	_ =	shalt  }
0x50: {  	_ =	shalt  }
0x51: {  	_ =	shalt  }
0x52: {  	_ =	shalt  }
0x53: {  	_ =	shalt  }
0x54: {  	_ =	shalt  }
0x55: {  	_ =	shalt  }
0x56: {  	_ =	shalt  }
0x57: {  	_ =	shalt  }
0x58: {  	_ =	shalt  }
0x59: {  	_ =	shalt  }
0x5a: {  	_ =	shalt  }
0x5b: {  	_ =	shalt  }
0x5c: {  	_ =	shalt  }
0x5d: {  	_ =	shalt  }
0x5e: {  	_ =	shalt  }
0x5f: {  	_ =	shalt  }
0x60: {  	_ =	shalt  }
0x61: {  	_ =	shalt  }
0x62: {  	_ =	shalt  }
0x63: {  	_ =	shalt  }
0x64: {  	_ =	shalt  }
0x65: {  	_ =	shalt  }
0x66: {  	_ =	shalt  }
0x67: {  	_ =	shalt  }
0x68: {  	_ =	shalt  }
0x69: {  	_ =	shalt  }
0x6a: {  	_ =	shalt  }
0x6b: {  	_ =	shalt  }
0x6c: {  	_ =	shalt  }
0x6d: {  	_ =	shalt  }
0x6e: {  	_ =	shalt  }
0x6f: {  	_ =	shalt  }
0x70: {  	_ =	shalt  }
0x71: {  	_ =	shalt  }
0x72: {  	_ =	shalt  }
0x73: {  	_ =	shalt  }
0x74: {  	_ =	shalt  }
0x75: {  	_ =	shalt  }
0x76: {  	_ =	shalt  }
0x77: {  	_ =	shalt  }
0x78: {  	_ =	shalt  }
0x79: {  	_ =	shalt  }
0x7a: {  	_ =	shalt  }
0x7b: {  	_ =	shalt  }
0x7c: {  	_ =	shalt  }
0x7d: {  	_ =	shalt  }
0x7e: {  	_ =	shalt  }
0x7f: {  	_ =	shalt  }
0x80: {  	_ =	shalt  }
0x81: {  	_ =	shalt  }
0x82: {  	_ =	shalt  }
0x83: {  	_ =	shalt  }
0x84: {  	_ =	shalt  }
0x85: {  	_ =	shalt  }
0x86: {  	_ =	shalt  }
0x87: {  	_ =	shalt  }
.Lfunc_end0:
.L_simem_size_0:
called_computation_lowered:
.L_overlay_start_0:
0x88: {  	s2 =	sld [smem:$0x3FD9]  }
0x89: {  	s3 =	sld [smem:$0x3FFE];
	_ =	sdelay $0x1  }
0x8a: {  	s1 =	srdreg.scid  }
0x8b: {  	s0 =	sand.u32 $0x1, s1  }
0x8c: {  	s18 =	sshll.u32 s0, $0xA;
	s2 =	sadd.s32 s3, s2  }
0x8d: {  	s2 =	sadd.s32 s2, s18  }
0x8e: {  	[smem:$0x3FC5] =	sst s2  }
0x8f: {  	_ = 	snop  }
0x90: {  	s2 =	sld [smem:$0x3FC9]  }
0x91: {  	s19 =	sld [smem:$0x3FC8]  }
0x92: {  	s4 =	sld [smem:$0x3FC7]  }
0x93: {  	s5 =	sld [smem:$0x3FD0];
	(tm) =	ssettm $0x1  }
0x94: {  	s6 =	sld [smem:$0x3FFB];
	_ =	sdelay $0x3  }
0x95: {  	_ =	strace s6  }
0x96: {  	s6 =	sld [smem:$0x3FFC];
	_ =	sdelay $0x3  }
0x97: {  	_ =	strace s6  }
0x98: {  	s6 =	sld [smem:$0x3FFD];
	_ =	sdelay $0x3  }
0x99: {  	_ =	strace s6  }
0x9a: {  	_ =	strace $0x8FFFFFFF  }
0x9b: {  	s20 =	sld [smem:$0x3FDB];
	_ =	sdelay $0x1  }
0x9c: {  	s7 =	simm.s32 $_scs_section_size  }
0x9d: {  	s8 =	simm.s32 $_size__tile_overlayer_lowered;
	s9 =	simm.s32 $_tile_overlayer_lowered  }
0x9e: {  	s23 =	simm.s32 $0x1BFF;
	s22 =	sshll.u32 s9, $0x1;
	s6 =	sadd.s32 s7, s20  }
0x9f: {  	s10 =	simm.s32 $0x0;
	s21 =	sshll.u32 s8, $0x1;
	s8 =	sadd.s32 s22, s6  }
0xa0: {  	[timem:s10], [sflag:s23] =	dma.local [hbm:s8], s21  }
0xa1: {  	_ =	swait.ge [sflag:s23], s21  }
0xa2: {  	s7 =	ssub.s32 $0x0, s21;
	[sflag:s23] =	ssyncset.done $0x0  }
0xa3: {  	[sflag:s23] =	ssyncadd.s32 s7;
	_ =	sdelay $0x1  }
0xa4: {  	s24 =	simm.s32 $0x1B8B  }
0xa5: {  	_ =	swait.ge [sflag:s24], $0x1  }
0xa6: {  	[sflag:s24] =	ssyncset.done $0x0  }
0xa7: {  	s25 =	simm.s32 $0x1B8E;
	[sflag:s24] =	ssyncadd.s32 $0xFFFFFFFF  }
0xa8: {  	s26 =	simm.s32 $execute0_lowered;
	[smem:$0x3FD2] =	sst s25  }
0xa9: {  	s7 =	sshll.u32 s26, $0x1;
	_ =	strace $0x80000046;
	[dreg:$0x1] =	wrdreg $0xFFFFFFFF  }
0xaa: {  	s28 =	simm.s32 $_size_execute0_lowered;
	s6 =	sadd.s32 s6, s7;
	[dreg:$0x0] =	wrdreg $0x0  }
0xab: {  	s7 =	sshll.u32 s28, $0x1;
	[dreg:$0x2] =	wrdreg s6  }
0xac: {  	[dreg:$0x3] =	wrdreg s7  }
0xad: {  	[dreg:$0x4] =	wrdreg $0xC0  }
0xae: {  	_ =	task [dreg:s10], $0x5FFFF  }
0xaf: {  	[dreg:$0x1] =	wrdreg $0xFFFFFFFF  }
0xb0: {  	[dreg:$0x0] =	wrdreg $0x60  }
0xb1: {  	[dreg:$0x2] =	wrdreg s2  }
0xb2: {  	[dreg:$0x3] =	wrdreg s19  }
0xb3: {  	[dreg:$0x4] =	wrdreg s4  }
0xb4: {  	[dreg:$0x5] =	wrdreg s5  }
0xb5: {  	[dreg:$0x6] =	wrdreg $0x9  }
0xb6: {  	_ =	task.clear_ibuf [dreg:s10], $0x7FFFF;
	_ =	strace $0x90000046  }
0xb7: {  	s29 =	simm.s32 $0x9;
	_ =	strace $0x80000048  }
0xb8: {  	_ =	swait.ge [sflag:s29], $0x1  }
0xb9: {  	[sflag:s29] =	ssyncadd.s32 $0xFFFFFFFF  }
0xba: {  	_ =	strace $0x90000048  }
0xbb: {  	_ =	sfence  }
0xbc: {  	s30 =	sld [smem:$0x0];
	_ =	sdelay $0x2  }
0xbd: {  	s31 =	sshll.u32 s1, $0xD;
	s1 =	sshrl.u32 s1, $0x2  }
0xbe: {  	s3 =	sand.u32 $0x4000, s31;
	s1 =	sadd.s32 s1, s30  }
0xbf: {  	s0 =	sor.u32 s3, s0;
	s1 =	sshll.u32 s1, $0x11  }
0xc0: {  	s0 =	sor.u32 s1, s0  }
0xc1: {  	s0 =	sadd.s32 $0x8F2B, s0  }
0xc2: {  	[sflag:s0] =	ssyncadd.remote.s32 $0x1  }
0xc3: {  	_ =	sfence.sel $0xFFFF  }
0xc4: {  	[dreg:$0x0] =	wrdreg $0xFFFFFFFF;
	(pc) =	sbr.abs _section_cstart, $3  }
0xc5: {  	[dreg:$0x1] =	wrdreg $0xFFFFFFFF  }
0xc6: {  	_ =	task.clear_ibuf [dreg:s10], $0x2FFFF;
	_ =	strace $0x9FFFFFFF  }
0xc7: {  	(tm) =	ssettm $0x7FFFFFFF  }
tec
execute0_lowered:
.L_overlay_start_1:
0x0: {  	(tag) =	ssettag $0x1  }
0x1: {  	s0 =	rddreg [dreg:$0x0]  }
0x2: {  	s1 =	rddreg [dreg:$0x1]  }
0x3: {  	s3 =	rddreg [dreg:$0x2]  }
0x4: {  	s2 =	srdreg.scid;
	s4 =	rddreg [dreg:$0x3]  }
0x5: {  	s9 =	stileid.u32;
	s5 =	sand.u32 $0x1, s2;
	s2 =	simm.s32 $0x0  }
0x6: {  	s8 =	sshll.u32 s9, $0x7;
	s9 =	sshll.u32 s9, $0xB;
	s6 =	ssub.s32 $0x2, s5  }
0x7: {  	[smem:$0x7FF] =	sst s2;
	s12 =	sshll.u32 s5, $0x13;
	s5 =	sshll.u32 s5, $0xC  }
0x8: {  	s0 =	sadd.s32 s0, s8;
	s13 =	sadd.s32 s3, s9;
	s7 =	sshrl.u32 s6, $0x1  }
0x9: {  	_ =	strace $0x80000047;
	s7 =	ssub.s32 s6, s7;
	s6 =	sor.u32 s9, s12  }
0xa: {  	s0 =	sadd.s32 s5, s0;
	[dreg:$0x6] =	wrdreg s13;
	s6 =	sadd.s32 s4, s6  }
0xb: {  	[dreg:$0x5] =	wrdreg s0;
	s14 =	sadd.s32 $0x8000, s6  }
0xc: {  	s28 =	simm.s32 $0x80;
	s15 =	sadd.s32 $0x10000, s6;
	[dreg:$0x7] =	wrdreg s14  }
0xd: {  	s29 =	simm.s32 $0x4800;
	s16 =	sadd.s32 $0x18000, s6;
	[dreg:$0x8] =	wrdreg s15  }
0xe: {  	s30 =	simm.s32 $0x8800;
	s17 =	sadd.s32 $0x20000, s6;
	[dreg:$0x9] =	wrdreg s16  }
0xf: {  	s31 =	simm.s32 $0x14800;
	s18 =	sadd.s32 $0x28000, s6;
	[dreg:$0xa] =	wrdreg s17  }
0x10: {  	s10 =	simm.s32 $0x9;
	s19 =	sadd.s32 $0x30000, s6;
	[dreg:$0xb] =	wrdreg s18  }
0x11: {  	s11 =	simm.s32 $0x5;
	s20 =	sadd.s32 $0x38000, s6;
	[dreg:$0xc] =	wrdreg s19  }
0x12: {  	s3 =	simm.s32 $0xE;
	s21 =	sadd.s32 $0x40000, s6;
	[dreg:$0xd] =	wrdreg s20  }
0x13: {  	s8 =	simm.s32 $0x8;
	s22 =	sadd.s32 $0x48000, s6;
	[dreg:$0xe] =	wrdreg s21  }
0x14: {  	s5 =	simm.s32 $0x2;
	s23 =	sadd.s32 $0x50000, s6;
	[dreg:$0xf] =	wrdreg s22  }
0x15: {  	s13 =	simm.s32 $0x6;
	s24 =	sadd.s32 $0x58000, s6;
	[dreg:$0x10] =	wrdreg s23  }
0x16: {  	s0 =	simm.s32 $0xC800;
	s25 =	sadd.s32 $0x60000, s6;
	[dreg:$0x11] =	wrdreg s24  }
0x17: {  	s9 =	simm.s32 $0x4;
	s26 =	sadd.s32 $0x68000, s6;
	[dreg:$0x12] =	wrdreg s25  }
0x18: {  	s12 =	simm.s32 $0xA;
	s4 =	simm.s32 $0x18800;
	[dreg:$0x13] =	wrdreg s26  }
0x19: {  	s20 =	sadd.s32 $0x70000, s6;
	s21 =	sadd.s32 $0x78000, s6;
	s22 =	smax.u32 s7, $0x1  }
0x1a: {  	s26 =	simm.s32 $0xD;
	s24 =	simm.s32 $0x10800;
	s25 =	simm.s32 $0x1  }
0x1b: {  	s23 =	simm.s32 $0x7;
	s7 =	simm.s32 $0x3;
	s14 =	simm.s32 $0xB  }
0x1c: {  	s15 =	simm.s32 $0xC;
	s16 =	simm.s32 $0x0;
	s19 =	simm.s32 $0x4000  }
.LBB2_1:
0x1d: {  	s17 =	rddreg [dreg:$0x5];
	s18 =	simm.s32 $0x400  }
0x1e: {  	[tilespmem:s2], [sflag:$0xD] =	stream.strided.gather [hbm4b:s17+s18], $0x800, s19, s18, $0x38;
	[tilespmem:$0x1C800] =	vst v63  }
0x1f: {  	s17 =	rddreg [dreg:$0x6];
	s18 =	simm.s32 $0x800  }
0x20: {  	[tilespmem:s18], [sflag:$0xE] =	stream.linear.gather [hbm4b:s17+s2], $0x4000, $0x38;
	[tilespmem:$0x1C800] =	vst v63  }
0x21: {  	_ =	swait.ge [sflag:s26], $0x800  }
0x22: {  	[sflag:s26] =	ssyncset.done $0x0  }
0x23: {  	[sflag:s26] =	ssyncadd.s32 $0xFFFFF800  }
0x24: {  	[tilespmem:s29], [sflag:$0x1] =	stream.indirect.gather [hbm4b:s1+s28], $0x80, s2, s28, $0xb8;
	[tilespmem:$0x1C800] =	vst v63  }
0x25: {  	_ = 	snop  }
0x26: {  	[tilespmem:s30], [sflag:$0x2] =	stream.indirect.gather [hbm4b:s1+s28], $0x80, s28, s28, $0xb8;
	[tilespmem:$0x1C800] =	vst v63  }
0x27: {  	s18 =	simm.s32 $0x100  }
0x28: {  	[tilespmem:s0], [sflag:$0x3] =	stream.indirect.gather [hbm4b:s1+s28], $0x80, s18, s28, $0xb8;
	[tilespmem:$0x1C800] =	vst v63  }
0x29: {  	s18 =	simm.s32 $0x180  }
0x2a: {  	[tilespmem:s24], [sflag:$0x4] =	stream.indirect.gather [hbm4b:s1+s28], $0x80, s18, s28, $0xb8;
	[tilespmem:$0x1C800] =	vst v63  }
0x2b: {  	s18 =	simm.s32 $0x200  }
0x2c: {  	[tilespmem:s31], [sflag:$0x5] =	stream.indirect.gather [hbm4b:s1+s28], $0x80, s18, s28, $0xb8;
	[tilespmem:$0x1C800] =	vst v63  }
0x2d: {  	_ =	swait.ge [sflag:s3], $0x4000  }
0x2e: {  	[sflag:s3] =	ssyncset.done $0x0  }
0x2f: {  	[sflag:s3] =	ssyncadd.s32 $0xFFFFC000  }
0x30: {  	_ =	swait.ge [sflag:s25], $0x4000  }
0x31: {  	[sflag:s25] =	ssyncset.done $0x0  }
0x32: {  	s17 =	simm.s32 $0x0;
	s18 =	simm.s32 $0x200;
	[sflag:s25] =	ssyncadd.s32 $0xFFFFC000  }
.LBB2_2:
0x33: {  	p0 =	sne.s32 s18, $0xFE00;
	v0 =	vld [tilespmem:s17+$0x870]  }
0x34: {  	v1 =	vld [tilespmem:s17+$0x800]  }
0x35: {  	v2 =	vld [tilespmem:s17+$0x810]  }
0x36: {  	v3 =	vld [tilespmem:s17+$0x820]  }
0x37: {  	v4 =	vld [tilespmem:s17+$0x830]  }
0x38: {  	[tilespmem:s17+$0x4870] =	vst.add.f32.msk $0xffff, v0  }
0x39: {  	v0 =	vld [tilespmem:s17+$0x840]  }
0x3a: {  	v5 =	vld [tilespmem:s17+$0x850]  }
0x3b: {  	v6 =	vld [tilespmem:s17+$0x860]  }
0x3c: {  	[tilespmem:s17+$0x4800] =	vst.add.f32.msk $0xffff, v1  }
0x3d: {  	[tilespmem:s17+$0x4810] =	vst.add.f32.msk $0xffff, v2  }
.Ltmp0:
0x3e: {  	[tilespmem:s17+$0x4820] =	vst.add.f32.msk $0xffff, v3;
	(pc) =	sbr.rel @p0 .LBB2_2-.Ltmp0, $4  }
0x3f: {  	[tilespmem:s17+$0x4830] =	vst.add.f32.msk $0xffff, v4  }
0x40: {  	[tilespmem:s17+$0x4840] =	vst.add.f32.msk $0xffff, v0  }
0x41: {  	[tilespmem:s17+$0x4850] =	vst.add.f32.msk $0xffff, v5  }
0x42: {  	[tilespmem:s17+$0x4860] =	vst.add.f32.msk $0xffff, v6;
	s17 =	sshra.s32 s18, $0x2;
	s18 =	sadd.s32 $0x200, s18  }
0x43: {  	v0 =	vld [tilespmem:s17+$0x870]  }
0x44: {  	v1 =	vld [tilespmem:s17+$0x800]  }
0x45: {  	v2 =	vld [tilespmem:s17+$0x810]  }
0x46: {  	v3 =	vld [tilespmem:s17+$0x820]  }
0x47: {  	v4 =	vld [tilespmem:s17+$0x830]  }
0x48: {  	v63 =	vld [tilespmem:s17+$0x840]  }
0x49: {  	v5 =	vld [tilespmem:s17+$0x850]  }
0x4a: {  	v6 =	vld [tilespmem:s17+$0x860]  }
0x4b: {  	[tilespmem:s17+$0x4870] =	vst.add.f32.msk $0xffff, v0  }
0x4c: {  	[tilespmem:s17+$0x4800] =	vst.add.f32.msk $0xffff, v1  }
0x4d: {  	[tilespmem:s17+$0x4810] =	vst.add.f32.msk $0xffff, v2  }
0x4e: {  	[tilespmem:s17+$0x4820] =	vst.add.f32.msk $0xffff, v3  }
0x4f: {  	[tilespmem:s17+$0x4830] =	vst.add.f32.msk $0xffff, v4  }
0x50: {  	[tilespmem:s17+$0x4840] =	vst.add.f32.msk $0xffff, v63  }
0x51: {  	[tilespmem:s17+$0x4850] =	vst.add.f32.msk $0xffff, v5  }
0x52: {  	s18 =	simm.s32 $0x0;
	[tilespmem:s17+$0x4860] =	vst.add.f32.msk $0xffff, v6  }
0x53: {  	[hbm4b:s6+s18] =	stream.linear.scatter [tilespmem:s29], [sflag:$0x7], $0x4000, $0x38;
	[tilespmem:$0x1C800] =	vst v63  }
0x54: {  	s18 =	simm.s32 $0x280  }
0x55: {  	[tilespmem:s4], [sflag:$0x6] =	stream.indirect.gather [hbm4b:s1+s28], $0x80, s18, s28, $0xb8;
	[tilespmem:$0x1C800] =	vst v63  }
0x56: {  	_ =	swait.ge [sflag:s5], $0x4000  }
0x57: {  	[sflag:s5] =	ssyncset.done $0x0  }
0x58: {  	s17 =	simm.s32 $0x0;
	s18 =	simm.s32 $0x200;
	[sflag:s5] =	ssyncadd.s32 $0xFFFFC000  }
.LBB2_4:
0x59: {  	p0 =	sne.s32 s18, $0xFE00;
	v0 =	vld [tilespmem:s17+$0x870]  }
0x5a: {  	v1 =	vld [tilespmem:s17+$0x800]  }
0x5b: {  	v2 =	vld [tilespmem:s17+$0x810]  }
0x5c: {  	v3 =	vld [tilespmem:s17+$0x820]  }
0x5d: {  	v4 =	vld [tilespmem:s17+$0x830]  }
0x5e: {  	[tilespmem:s17+$0x8870] =	vst.add.f32.msk $0xffff, v0  }
0x5f: {  	v0 =	vld [tilespmem:s17+$0x840]  }
0x60: {  	v5 =	vld [tilespmem:s17+$0x850]  }
0x61: {  	v6 =	vld [tilespmem:s17+$0x860]  }
0x62: {  	[tilespmem:s17+$0x8800] =	vst.add.f32.msk $0xffff, v1  }
0x63: {  	[tilespmem:s17+$0x8810] =	vst.add.f32.msk $0xffff, v2  }
.Ltmp1:
0x64: {  	[tilespmem:s17+$0x8820] =	vst.add.f32.msk $0xffff, v3;
	(pc) =	sbr.rel @p0 .LBB2_4-.Ltmp1, $4  }
0x65: {  	[tilespmem:s17+$0x8830] =	vst.add.f32.msk $0xffff, v4  }
0x66: {  	[tilespmem:s17+$0x8840] =	vst.add.f32.msk $0xffff, v0  }
0x67: {  	[tilespmem:s17+$0x8850] =	vst.add.f32.msk $0xffff, v5  }
0x68: {  	[tilespmem:s17+$0x8860] =	vst.add.f32.msk $0xffff, v6;
	s17 =	sshra.s32 s18, $0x2;
	s18 =	sadd.s32 $0x200, s18  }
0x69: {  	v0 =	vld [tilespmem:s17+$0x870]  }
0x6a: {  	v1 =	vld [tilespmem:s17+$0x800]  }
0x6b: {  	v2 =	vld [tilespmem:s17+$0x810]  }
0x6c: {  	v3 =	vld [tilespmem:s17+$0x820]  }
0x6d: {  	v4 =	vld [tilespmem:s17+$0x830]  }
0x6e: {  	v63 =	vld [tilespmem:s17+$0x840]  }
0x6f: {  	v5 =	vld [tilespmem:s17+$0x850]  }
0x70: {  	v6 =	vld [tilespmem:s17+$0x860]  }
0x71: {  	[tilespmem:s17+$0x8870] =	vst.add.f32.msk $0xffff, v0  }
0x72: {  	[tilespmem:s17+$0x8800] =	vst.add.f32.msk $0xffff, v1  }
0x73: {  	[tilespmem:s17+$0x8810] =	vst.add.f32.msk $0xffff, v2  }
0x74: {  	[tilespmem:s17+$0x8820] =	vst.add.f32.msk $0xffff, v3  }
0x75: {  	[tilespmem:s17+$0x8830] =	vst.add.f32.msk $0xffff, v4  }
0x76: {  	[tilespmem:s17+$0x8840] =	vst.add.f32.msk $0xffff, v63  }
0x77: {  	[tilespmem:s17+$0x8850] =	vst.add.f32.msk $0xffff, v5  }
0x78: {  	s18 =	rddreg [dreg:$0x7];
	[tilespmem:s17+$0x8860] =	vst.add.f32.msk $0xffff, v6;
	s17 =	simm.s32 $0x0  }
0x79: {  	[hbm4b:s18+s17] =	stream.linear.scatter [tilespmem:s30], [sflag:$0x8], $0x4000, $0x38;
	[tilespmem:$0x1C800] =	vst v63  }
0x7a: {  	_ =	swait.ge [sflag:s23], $0x4000  }
0x7b: {  	[sflag:s23] =	ssyncset.done $0x0  }
0x7c: {  	s18 =	simm.s32 $0x300;
	[sflag:s23] =	ssyncadd.s32 $0xFFFFC000  }
0x7d: {  	[tilespmem:s29], [sflag:$0x1] =	stream.indirect.gather [hbm4b:s1+s28], $0x80, s18, s28, $0xb8;
	[tilespmem:$0x1C800] =	vst v63  }
0x7e: {  	_ =	swait.ge [sflag:s7], $0x4000  }
0x7f: {  	[sflag:s7] =	ssyncset.done $0x0  }
0x80: {  	s17 =	simm.s32 $0x0;
	s18 =	simm.s32 $0x200;
	[sflag:s7] =	ssyncadd.s32 $0xFFFFC000  }
.LBB2_6:
0x81: {  	p0 =	sne.s32 s18, $0xFE00;
	v0 =	vld [tilespmem:s17+$0x870]  }
0x82: {  	v1 =	vld [tilespmem:s17+$0x800]  }
0x83: {  	v2 =	vld [tilespmem:s17+$0x810]  }
0x84: {  	v3 =	vld [tilespmem:s17+$0x820]  }
0x85: {  	v4 =	vld [tilespmem:s17+$0x830]  }
0x86: {  	[tilespmem:s17+$0xC870] =	vst.add.f32.msk $0xffff, v0  }
0x87: {  	v0 =	vld [tilespmem:s17+$0x840]  }
0x88: {  	v5 =	vld [tilespmem:s17+$0x850]  }
0x89: {  	v6 =	vld [tilespmem:s17+$0x860]  }
0x8a: {  	[tilespmem:s17+$0xC800] =	vst.add.f32.msk $0xffff, v1  }
0x8b: {  	[tilespmem:s17+$0xC810] =	vst.add.f32.msk $0xffff, v2  }
.Ltmp2:
0x8c: {  	[tilespmem:s17+$0xC820] =	vst.add.f32.msk $0xffff, v3;
	(pc) =	sbr.rel @p0 .LBB2_6-.Ltmp2, $4  }
0x8d: {  	[tilespmem:s17+$0xC830] =	vst.add.f32.msk $0xffff, v4  }
0x8e: {  	[tilespmem:s17+$0xC840] =	vst.add.f32.msk $0xffff, v0  }
0x8f: {  	[tilespmem:s17+$0xC850] =	vst.add.f32.msk $0xffff, v5  }
0x90: {  	[tilespmem:s17+$0xC860] =	vst.add.f32.msk $0xffff, v6;
	s17 =	sshra.s32 s18, $0x2;
	s18 =	sadd.s32 $0x200, s18  }
0x91: {  	v0 =	vld [tilespmem:s17+$0x870]  }
0x92: {  	v1 =	vld [tilespmem:s17+$0x800]  }
0x93: {  	v2 =	vld [tilespmem:s17+$0x810]  }
0x94: {  	v3 =	vld [tilespmem:s17+$0x820]  }
0x95: {  	v4 =	vld [tilespmem:s17+$0x830]  }
0x96: {  	v63 =	vld [tilespmem:s17+$0x840]  }
0x97: {  	v5 =	vld [tilespmem:s17+$0x850]  }
0x98: {  	v6 =	vld [tilespmem:s17+$0x860]  }
0x99: {  	[tilespmem:s17+$0xC870] =	vst.add.f32.msk $0xffff, v0  }
0x9a: {  	[tilespmem:s17+$0xC800] =	vst.add.f32.msk $0xffff, v1  }
0x9b: {  	[tilespmem:s17+$0xC810] =	vst.add.f32.msk $0xffff, v2  }
0x9c: {  	[tilespmem:s17+$0xC820] =	vst.add.f32.msk $0xffff, v3  }
0x9d: {  	[tilespmem:s17+$0xC830] =	vst.add.f32.msk $0xffff, v4  }
0x9e: {  	[tilespmem:s17+$0xC840] =	vst.add.f32.msk $0xffff, v63  }
0x9f: {  	[tilespmem:s17+$0xC850] =	vst.add.f32.msk $0xffff, v5  }
0xa0: {  	s18 =	rddreg [dreg:$0x8];
	[tilespmem:s17+$0xC860] =	vst.add.f32.msk $0xffff, v6;
	s17 =	simm.s32 $0x0  }
0xa1: {  	[hbm4b:s18+s17] =	stream.linear.scatter [tilespmem:s0], [sflag:$0x9], $0x4000, $0x38;
	[tilespmem:$0x1C800] =	vst v63  }
0xa2: {  	_ =	swait.ge [sflag:s8], $0x4000  }
0xa3: {  	[sflag:s8] =	ssyncset.done $0x0  }
0xa4: {  	s18 =	simm.s32 $0x380;
	[sflag:s8] =	ssyncadd.s32 $0xFFFFC000  }
0xa5: {  	[tilespmem:s30], [sflag:$0x2] =	stream.indirect.gather [hbm4b:s1+s28], $0x80, s18, s28, $0xb8;
	[tilespmem:$0x1C800] =	vst v63  }
0xa6: {  	_ =	swait.ge [sflag:s9], $0x4000  }
0xa7: {  	[sflag:s9] =	ssyncset.done $0x0  }
0xa8: {  	s17 =	simm.s32 $0x0;
	s18 =	simm.s32 $0x200;
	[sflag:s9] =	ssyncadd.s32 $0xFFFFC000  }
.LBB2_8:
0xa9: {  	p0 =	sne.s32 s18, $0xFE00;
	v0 =	vld [tilespmem:s17+$0x870]  }
0xaa: {  	v1 =	vld [tilespmem:s17+$0x800]  }
0xab: {  	v2 =	vld [tilespmem:s17+$0x810]  }
0xac: {  	v3 =	vld [tilespmem:s17+$0x820]  }
0xad: {  	v4 =	vld [tilespmem:s17+$0x830]  }
0xae: {  	[tilespmem:s17+$0x10870] =	vst.add.f32.msk $0xffff, v0  }
0xaf: {  	v0 =	vld [tilespmem:s17+$0x840]  }
0xb0: {  	v5 =	vld [tilespmem:s17+$0x850]  }
0xb1: {  	v6 =	vld [tilespmem:s17+$0x860]  }
0xb2: {  	[tilespmem:s17+$0x10800] =	vst.add.f32.msk $0xffff, v1  }
0xb3: {  	[tilespmem:s17+$0x10810] =	vst.add.f32.msk $0xffff, v2  }
.Ltmp3:
0xb4: {  	[tilespmem:s17+$0x10820] =	vst.add.f32.msk $0xffff, v3;
	(pc) =	sbr.rel @p0 .LBB2_8-.Ltmp3, $4  }
0xb5: {  	[tilespmem:s17+$0x10830] =	vst.add.f32.msk $0xffff, v4  }
0xb6: {  	[tilespmem:s17+$0x10840] =	vst.add.f32.msk $0xffff, v0  }
0xb7: {  	[tilespmem:s17+$0x10850] =	vst.add.f32.msk $0xffff, v5  }
0xb8: {  	[tilespmem:s17+$0x10860] =	vst.add.f32.msk $0xffff, v6;
	s17 =	sshra.s32 s18, $0x2;
	s18 =	sadd.s32 $0x200, s18  }
0xb9: {  	v0 =	vld [tilespmem:s17+$0x870]  }
0xba: {  	v1 =	vld [tilespmem:s17+$0x800]  }
0xbb: {  	v2 =	vld [tilespmem:s17+$0x810]  }
0xbc: {  	v3 =	vld [tilespmem:s17+$0x820]  }
0xbd: {  	v4 =	vld [tilespmem:s17+$0x830]  }
0xbe: {  	v63 =	vld [tilespmem:s17+$0x840]  }
0xbf: {  	v5 =	vld [tilespmem:s17+$0x850]  }
0xc0: {  	v6 =	vld [tilespmem:s17+$0x860]  }
0xc1: {  	[tilespmem:s17+$0x10870] =	vst.add.f32.msk $0xffff, v0  }
0xc2: {  	[tilespmem:s17+$0x10800] =	vst.add.f32.msk $0xffff, v1  }
0xc3: {  	[tilespmem:s17+$0x10810] =	vst.add.f32.msk $0xffff, v2  }
0xc4: {  	[tilespmem:s17+$0x10820] =	vst.add.f32.msk $0xffff, v3  }
0xc5: {  	[tilespmem:s17+$0x10830] =	vst.add.f32.msk $0xffff, v4  }
0xc6: {  	[tilespmem:s17+$0x10840] =	vst.add.f32.msk $0xffff, v63  }
0xc7: {  	[tilespmem:s17+$0x10850] =	vst.add.f32.msk $0xffff, v5  }
0xc8: {  	s18 =	rddreg [dreg:$0x9];
	[tilespmem:s17+$0x10860] =	vst.add.f32.msk $0xffff, v6;
	s17 =	simm.s32 $0x0  }
0xc9: {  	[hbm4b:s18+s17] =	stream.linear.scatter [tilespmem:s24], [sflag:$0xA], $0x4000, $0x38;
	[tilespmem:$0x1C800] =	vst v63  }
0xca: {  	_ =	swait.ge [sflag:s10], $0x4000  }
0xcb: {  	[sflag:s10] =	ssyncset.done $0x0  }
0xcc: {  	s18 =	simm.s32 $0x400;
	[sflag:s10] =	ssyncadd.s32 $0xFFFFC000  }
0xcd: {  	[tilespmem:s0], [sflag:$0x3] =	stream.indirect.gather [hbm4b:s1+s28], $0x80, s18, s28, $0xb8;
	[tilespmem:$0x1C800] =	vst v63  }
0xce: {  	_ =	swait.ge [sflag:s11], $0x4000  }
0xcf: {  	[sflag:s11] =	ssyncset.done $0x0  }
0xd0: {  	s17 =	simm.s32 $0x0;
	s18 =	simm.s32 $0x200;
	[sflag:s11] =	ssyncadd.s32 $0xFFFFC000  }
.LBB2_10:
0xd1: {  	p0 =	sne.s32 s18, $0xFE00;
	v0 =	vld [tilespmem:s17+$0x870]  }
0xd2: {  	v1 =	vld [tilespmem:s17+$0x800]  }
0xd3: {  	v2 =	vld [tilespmem:s17+$0x810]  }
0xd4: {  	v3 =	vld [tilespmem:s17+$0x820]  }
0xd5: {  	v4 =	vld [tilespmem:s17+$0x830]  }
0xd6: {  	[tilespmem:s17+$0x14870] =	vst.add.f32.msk $0xffff, v0  }
0xd7: {  	v0 =	vld [tilespmem:s17+$0x840]  }
0xd8: {  	v5 =	vld [tilespmem:s17+$0x850]  }
0xd9: {  	v6 =	vld [tilespmem:s17+$0x860]  }
0xda: {  	[tilespmem:s17+$0x14800] =	vst.add.f32.msk $0xffff, v1  }
0xdb: {  	[tilespmem:s17+$0x14810] =	vst.add.f32.msk $0xffff, v2  }
.Ltmp4:
0xdc: {  	[tilespmem:s17+$0x14820] =	vst.add.f32.msk $0xffff, v3;
	(pc) =	sbr.rel @p0 .LBB2_10-.Ltmp4, $4  }
0xdd: {  	[tilespmem:s17+$0x14830] =	vst.add.f32.msk $0xffff, v4  }
0xde: {  	[tilespmem:s17+$0x14840] =	vst.add.f32.msk $0xffff, v0  }
0xdf: {  	[tilespmem:s17+$0x14850] =	vst.add.f32.msk $0xffff, v5  }
0xe0: {  	[tilespmem:s17+$0x14860] =	vst.add.f32.msk $0xffff, v6;
	s17 =	sshra.s32 s18, $0x2;
	s18 =	sadd.s32 $0x200, s18  }
0xe1: {  	v0 =	vld [tilespmem:s17+$0x870]  }
0xe2: {  	v1 =	vld [tilespmem:s17+$0x800]  }
0xe3: {  	v2 =	vld [tilespmem:s17+$0x810]  }
0xe4: {  	v3 =	vld [tilespmem:s17+$0x820]  }
0xe5: {  	v4 =	vld [tilespmem:s17+$0x830]  }
0xe6: {  	v63 =	vld [tilespmem:s17+$0x840]  }
0xe7: {  	v5 =	vld [tilespmem:s17+$0x850]  }
0xe8: {  	v6 =	vld [tilespmem:s17+$0x860]  }
0xe9: {  	[tilespmem:s17+$0x14870] =	vst.add.f32.msk $0xffff, v0  }
0xea: {  	[tilespmem:s17+$0x14800] =	vst.add.f32.msk $0xffff, v1  }
0xeb: {  	[tilespmem:s17+$0x14810] =	vst.add.f32.msk $0xffff, v2  }
0xec: {  	[tilespmem:s17+$0x14820] =	vst.add.f32.msk $0xffff, v3  }
0xed: {  	[tilespmem:s17+$0x14830] =	vst.add.f32.msk $0xffff, v4  }
0xee: {  	[tilespmem:s17+$0x14840] =	vst.add.f32.msk $0xffff, v63  }
0xef: {  	[tilespmem:s17+$0x14850] =	vst.add.f32.msk $0xffff, v5  }
0xf0: {  	s18 =	rddreg [dreg:$0xa];
	[tilespmem:s17+$0x14860] =	vst.add.f32.msk $0xffff, v6;
	s17 =	simm.s32 $0x0  }
0xf1: {  	[hbm4b:s18+s17] =	stream.linear.scatter [tilespmem:s31], [sflag:$0xB], $0x4000, $0x38;
	[tilespmem:$0x1C800] =	vst v63  }
0xf2: {  	_ =	swait.ge [sflag:s12], $0x4000  }
0xf3: {  	[sflag:s12] =	ssyncset.done $0x0  }
0xf4: {  	s18 =	simm.s32 $0x480;
	[sflag:s12] =	ssyncadd.s32 $0xFFFFC000  }
0xf5: {  	[tilespmem:s24], [sflag:$0x4] =	stream.indirect.gather [hbm4b:s1+s28], $0x80, s18, s28, $0xb8;
	[tilespmem:$0x1C800] =	vst v63  }
0xf6: {  	_ =	swait.ge [sflag:s13], $0x4000  }
0xf7: {  	[sflag:s13] =	ssyncset.done $0x0  }
0xf8: {  	s17 =	simm.s32 $0x0;
	s18 =	simm.s32 $0x200;
	[sflag:s13] =	ssyncadd.s32 $0xFFFFC000  }
.LBB2_12:
0xf9: {  	p0 =	sne.s32 s18, $0xFE00;
	v0 =	vld [tilespmem:s17+$0x870]  }
0xfa: {  	v1 =	vld [tilespmem:s17+$0x800]  }
0xfb: {  	v2 =	vld [tilespmem:s17+$0x810]  }
0xfc: {  	v3 =	vld [tilespmem:s17+$0x820]  }
0xfd: {  	v4 =	vld [tilespmem:s17+$0x830]  }
0xfe: {  	[tilespmem:s17+$0x18870] =	vst.add.f32.msk $0xffff, v0  }
0xff: {  	v0 =	vld [tilespmem:s17+$0x840]  }
0x100: {  	v5 =	vld [tilespmem:s17+$0x850]  }
0x101: {  	v6 =	vld [tilespmem:s17+$0x860]  }
0x102: {  	[tilespmem:s17+$0x18800] =	vst.add.f32.msk $0xffff, v1  }
0x103: {  	[tilespmem:s17+$0x18810] =	vst.add.f32.msk $0xffff, v2  }
.Ltmp5:
0x104: {  	[tilespmem:s17+$0x18820] =	vst.add.f32.msk $0xffff, v3;
	(pc) =	sbr.rel @p0 .LBB2_12-.Ltmp5, $4  }
0x105: {  	[tilespmem:s17+$0x18830] =	vst.add.f32.msk $0xffff, v4  }
0x106: {  	[tilespmem:s17+$0x18840] =	vst.add.f32.msk $0xffff, v0  }
0x107: {  	[tilespmem:s17+$0x18850] =	vst.add.f32.msk $0xffff, v5  }
0x108: {  	[tilespmem:s17+$0x18860] =	vst.add.f32.msk $0xffff, v6;
	s17 =	sshra.s32 s18, $0x2;
	s18 =	sadd.s32 $0x200, s18  }
0x109: {  	v0 =	vld [tilespmem:s17+$0x870]  }
0x10a: {  	v1 =	vld [tilespmem:s17+$0x800]  }
0x10b: {  	v2 =	vld [tilespmem:s17+$0x810]  }
0x10c: {  	v3 =	vld [tilespmem:s17+$0x820]  }
0x10d: {  	v4 =	vld [tilespmem:s17+$0x830]  }
0x10e: {  	v63 =	vld [tilespmem:s17+$0x840]  }
0x10f: {  	v5 =	vld [tilespmem:s17+$0x850]  }
0x110: {  	v6 =	vld [tilespmem:s17+$0x860]  }
0x111: {  	[tilespmem:s17+$0x18870] =	vst.add.f32.msk $0xffff, v0  }
0x112: {  	[tilespmem:s17+$0x18800] =	vst.add.f32.msk $0xffff, v1  }
0x113: {  	[tilespmem:s17+$0x18810] =	vst.add.f32.msk $0xffff, v2  }
0x114: {  	[tilespmem:s17+$0x18820] =	vst.add.f32.msk $0xffff, v3  }
0x115: {  	[tilespmem:s17+$0x18830] =	vst.add.f32.msk $0xffff, v4  }
0x116: {  	[tilespmem:s17+$0x18840] =	vst.add.f32.msk $0xffff, v63  }
0x117: {  	[tilespmem:s17+$0x18850] =	vst.add.f32.msk $0xffff, v5  }
0x118: {  	s18 =	rddreg [dreg:$0xb];
	[tilespmem:s17+$0x18860] =	vst.add.f32.msk $0xffff, v6;
	s17 =	simm.s32 $0x0  }
0x119: {  	[hbm4b:s18+s17] =	stream.linear.scatter [tilespmem:s4], [sflag:$0xC], $0x4000, $0x38;
	[tilespmem:$0x1C800] =	vst v63  }
0x11a: {  	_ =	swait.ge [sflag:s14], $0x4000  }
0x11b: {  	[sflag:s14] =	ssyncset.done $0x0  }
0x11c: {  	s18 =	simm.s32 $0x500;
	[sflag:s14] =	ssyncadd.s32 $0xFFFFC000  }
0x11d: {  	[tilespmem:s31], [sflag:$0x5] =	stream.indirect.gather [hbm4b:s1+s28], $0x80, s18, s28, $0xb8;
	[tilespmem:$0x1C800] =	vst v63  }
0x11e: {  	_ =	swait.ge [sflag:s25], $0x4000  }
0x11f: {  	[sflag:s25] =	ssyncset.done $0x0  }
0x120: {  	s17 =	simm.s32 $0x0;
	s18 =	simm.s32 $0x200;
	[sflag:s25] =	ssyncadd.s32 $0xFFFFC000  }
.LBB2_14:
0x121: {  	p0 =	sne.s32 s18, $0xFE00;
	v0 =	vld [tilespmem:s17+$0x870]  }
0x122: {  	v1 =	vld [tilespmem:s17+$0x800]  }
0x123: {  	v2 =	vld [tilespmem:s17+$0x810]  }
0x124: {  	v3 =	vld [tilespmem:s17+$0x820]  }
0x125: {  	v4 =	vld [tilespmem:s17+$0x830]  }
0x126: {  	[tilespmem:s17+$0x4870] =	vst.add.f32.msk $0xffff, v0  }
0x127: {  	v0 =	vld [tilespmem:s17+$0x840]  }
0x128: {  	v5 =	vld [tilespmem:s17+$0x850]  }
0x129: {  	v6 =	vld [tilespmem:s17+$0x860]  }
0x12a: {  	[tilespmem:s17+$0x4800] =	vst.add.f32.msk $0xffff, v1  }
0x12b: {  	[tilespmem:s17+$0x4810] =	vst.add.f32.msk $0xffff, v2  }
.Ltmp6:
0x12c: {  	[tilespmem:s17+$0x4820] =	vst.add.f32.msk $0xffff, v3;
	(pc) =	sbr.rel @p0 .LBB2_14-.Ltmp6, $4  }
0x12d: {  	[tilespmem:s17+$0x4830] =	vst.add.f32.msk $0xffff, v4  }
0x12e: {  	[tilespmem:s17+$0x4840] =	vst.add.f32.msk $0xffff, v0  }
0x12f: {  	[tilespmem:s17+$0x4850] =	vst.add.f32.msk $0xffff, v5  }
0x130: {  	[tilespmem:s17+$0x4860] =	vst.add.f32.msk $0xffff, v6;
	s17 =	sshra.s32 s18, $0x2;
	s18 =	sadd.s32 $0x200, s18  }
0x131: {  	v0 =	vld [tilespmem:s17+$0x870]  }
0x132: {  	v1 =	vld [tilespmem:s17+$0x800]  }
0x133: {  	v2 =	vld [tilespmem:s17+$0x810]  }
0x134: {  	v3 =	vld [tilespmem:s17+$0x820]  }
0x135: {  	v4 =	vld [tilespmem:s17+$0x830]  }
0x136: {  	v63 =	vld [tilespmem:s17+$0x840]  }
0x137: {  	v5 =	vld [tilespmem:s17+$0x850]  }
0x138: {  	v6 =	vld [tilespmem:s17+$0x860]  }
0x139: {  	[tilespmem:s17+$0x4870] =	vst.add.f32.msk $0xffff, v0  }
0x13a: {  	[tilespmem:s17+$0x4800] =	vst.add.f32.msk $0xffff, v1  }
0x13b: {  	[tilespmem:s17+$0x4810] =	vst.add.f32.msk $0xffff, v2  }
0x13c: {  	[tilespmem:s17+$0x4820] =	vst.add.f32.msk $0xffff, v3  }
0x13d: {  	[tilespmem:s17+$0x4830] =	vst.add.f32.msk $0xffff, v4  }
0x13e: {  	[tilespmem:s17+$0x4840] =	vst.add.f32.msk $0xffff, v63  }
0x13f: {  	[tilespmem:s17+$0x4850] =	vst.add.f32.msk $0xffff, v5  }
0x140: {  	s18 =	rddreg [dreg:$0xc];
	[tilespmem:s17+$0x4860] =	vst.add.f32.msk $0xffff, v6;
	s17 =	simm.s32 $0x0  }
0x141: {  	[hbm4b:s18+s17] =	stream.linear.scatter [tilespmem:s29], [sflag:$0x7], $0x4000, $0x38;
	[tilespmem:$0x1C800] =	vst v63  }
0x142: {  	_ =	swait.ge [sflag:s15], $0x4000  }
0x143: {  	[sflag:s15] =	ssyncset.done $0x0  }
0x144: {  	s18 =	simm.s32 $0x580;
	[sflag:s15] =	ssyncadd.s32 $0xFFFFC000  }
0x145: {  	[tilespmem:s4], [sflag:$0x6] =	stream.indirect.gather [hbm4b:s1+s28], $0x80, s18, s28, $0xb8;
	[tilespmem:$0x1C800] =	vst v63  }
0x146: {  	_ =	swait.ge [sflag:s5], $0x4000  }
0x147: {  	[sflag:s5] =	ssyncset.done $0x0  }
0x148: {  	s17 =	simm.s32 $0x0;
	s18 =	simm.s32 $0x200;
	[sflag:s5] =	ssyncadd.s32 $0xFFFFC000  }
.LBB2_16:
0x149: {  	p0 =	sne.s32 s18, $0xFE00;
	v0 =	vld [tilespmem:s17+$0x870]  }
0x14a: {  	v1 =	vld [tilespmem:s17+$0x800]  }
0x14b: {  	v2 =	vld [tilespmem:s17+$0x810]  }
0x14c: {  	v3 =	vld [tilespmem:s17+$0x820]  }
0x14d: {  	v4 =	vld [tilespmem:s17+$0x830]  }
0x14e: {  	[tilespmem:s17+$0x8870] =	vst.add.f32.msk $0xffff, v0  }
0x14f: {  	v0 =	vld [tilespmem:s17+$0x840]  }
0x150: {  	v5 =	vld [tilespmem:s17+$0x850]  }
0x151: {  	v6 =	vld [tilespmem:s17+$0x860]  }
0x152: {  	[tilespmem:s17+$0x8800] =	vst.add.f32.msk $0xffff, v1  }
0x153: {  	[tilespmem:s17+$0x8810] =	vst.add.f32.msk $0xffff, v2  }
.Ltmp7:
0x154: {  	[tilespmem:s17+$0x8820] =	vst.add.f32.msk $0xffff, v3;
	(pc) =	sbr.rel @p0 .LBB2_16-.Ltmp7, $4  }
0x155: {  	[tilespmem:s17+$0x8830] =	vst.add.f32.msk $0xffff, v4  }
0x156: {  	[tilespmem:s17+$0x8840] =	vst.add.f32.msk $0xffff, v0  }
0x157: {  	[tilespmem:s17+$0x8850] =	vst.add.f32.msk $0xffff, v5  }
0x158: {  	[tilespmem:s17+$0x8860] =	vst.add.f32.msk $0xffff, v6;
	s17 =	sshra.s32 s18, $0x2;
	s18 =	sadd.s32 $0x200, s18  }
0x159: {  	v0 =	vld [tilespmem:s17+$0x870]  }
0x15a: {  	v1 =	vld [tilespmem:s17+$0x800]  }
0x15b: {  	v2 =	vld [tilespmem:s17+$0x810]  }
0x15c: {  	v3 =	vld [tilespmem:s17+$0x820]  }
0x15d: {  	v4 =	vld [tilespmem:s17+$0x830]  }
0x15e: {  	v63 =	vld [tilespmem:s17+$0x840]  }
0x15f: {  	v5 =	vld [tilespmem:s17+$0x850]  }
0x160: {  	v6 =	vld [tilespmem:s17+$0x860]  }
0x161: {  	[tilespmem:s17+$0x8870] =	vst.add.f32.msk $0xffff, v0  }
0x162: {  	[tilespmem:s17+$0x8800] =	vst.add.f32.msk $0xffff, v1  }
0x163: {  	[tilespmem:s17+$0x8810] =	vst.add.f32.msk $0xffff, v2  }
0x164: {  	[tilespmem:s17+$0x8820] =	vst.add.f32.msk $0xffff, v3  }
0x165: {  	[tilespmem:s17+$0x8830] =	vst.add.f32.msk $0xffff, v4  }
0x166: {  	[tilespmem:s17+$0x8840] =	vst.add.f32.msk $0xffff, v63  }
0x167: {  	[tilespmem:s17+$0x8850] =	vst.add.f32.msk $0xffff, v5  }
0x168: {  	s18 =	rddreg [dreg:$0xd];
	[tilespmem:s17+$0x8860] =	vst.add.f32.msk $0xffff, v6;
	s17 =	simm.s32 $0x0  }
0x169: {  	[hbm4b:s18+s17] =	stream.linear.scatter [tilespmem:s30], [sflag:$0x8], $0x4000, $0x38;
	[tilespmem:$0x1C800] =	vst v63  }
0x16a: {  	_ =	swait.ge [sflag:s23], $0x4000  }
0x16b: {  	[sflag:s23] =	ssyncset.done $0x0  }
0x16c: {  	s18 =	simm.s32 $0x600;
	[sflag:s23] =	ssyncadd.s32 $0xFFFFC000  }
0x16d: {  	[tilespmem:s29], [sflag:$0x1] =	stream.indirect.gather [hbm4b:s1+s28], $0x80, s18, s28, $0xb8;
	[tilespmem:$0x1C800] =	vst v63  }
0x16e: {  	_ =	swait.ge [sflag:s7], $0x4000  }
0x16f: {  	[sflag:s7] =	ssyncset.done $0x0  }
0x170: {  	s17 =	simm.s32 $0x0;
	s18 =	simm.s32 $0x200;
	[sflag:s7] =	ssyncadd.s32 $0xFFFFC000  }
.LBB2_18:
0x171: {  	p0 =	sne.s32 s18, $0xFE00;
	v0 =	vld [tilespmem:s17+$0x870]  }
0x172: {  	v1 =	vld [tilespmem:s17+$0x800]  }
0x173: {  	v2 =	vld [tilespmem:s17+$0x810]  }
0x174: {  	v3 =	vld [tilespmem:s17+$0x820]  }
0x175: {  	v4 =	vld [tilespmem:s17+$0x830]  }
0x176: {  	[tilespmem:s17+$0xC870] =	vst.add.f32.msk $0xffff, v0  }
0x177: {  	v0 =	vld [tilespmem:s17+$0x840]  }
0x178: {  	v5 =	vld [tilespmem:s17+$0x850]  }
0x179: {  	v6 =	vld [tilespmem:s17+$0x860]  }
0x17a: {  	[tilespmem:s17+$0xC800] =	vst.add.f32.msk $0xffff, v1  }
0x17b: {  	[tilespmem:s17+$0xC810] =	vst.add.f32.msk $0xffff, v2  }
.Ltmp8:
0x17c: {  	[tilespmem:s17+$0xC820] =	vst.add.f32.msk $0xffff, v3;
	(pc) =	sbr.rel @p0 .LBB2_18-.Ltmp8, $4  }
0x17d: {  	[tilespmem:s17+$0xC830] =	vst.add.f32.msk $0xffff, v4  }
0x17e: {  	[tilespmem:s17+$0xC840] =	vst.add.f32.msk $0xffff, v0  }
0x17f: {  	[tilespmem:s17+$0xC850] =	vst.add.f32.msk $0xffff, v5  }
0x180: {  	[tilespmem:s17+$0xC860] =	vst.add.f32.msk $0xffff, v6;
	s17 =	sshra.s32 s18, $0x2;
	s18 =	sadd.s32 $0x200, s18  }
0x181: {  	v0 =	vld [tilespmem:s17+$0x870]  }
0x182: {  	v1 =	vld [tilespmem:s17+$0x800]  }
0x183: {  	v2 =	vld [tilespmem:s17+$0x810]  }
0x184: {  	v3 =	vld [tilespmem:s17+$0x820]  }
0x185: {  	v4 =	vld [tilespmem:s17+$0x830]  }
0x186: {  	v63 =	vld [tilespmem:s17+$0x840]  }
0x187: {  	v5 =	vld [tilespmem:s17+$0x850]  }
0x188: {  	v6 =	vld [tilespmem:s17+$0x860]  }
0x189: {  	[tilespmem:s17+$0xC870] =	vst.add.f32.msk $0xffff, v0  }
0x18a: {  	[tilespmem:s17+$0xC800] =	vst.add.f32.msk $0xffff, v1  }
0x18b: {  	[tilespmem:s17+$0xC810] =	vst.add.f32.msk $0xffff, v2  }
0x18c: {  	[tilespmem:s17+$0xC820] =	vst.add.f32.msk $0xffff, v3  }
0x18d: {  	[tilespmem:s17+$0xC830] =	vst.add.f32.msk $0xffff, v4  }
0x18e: {  	[tilespmem:s17+$0xC840] =	vst.add.f32.msk $0xffff, v63  }
0x18f: {  	[tilespmem:s17+$0xC850] =	vst.add.f32.msk $0xffff, v5  }
0x190: {  	s18 =	rddreg [dreg:$0xe];
	[tilespmem:s17+$0xC860] =	vst.add.f32.msk $0xffff, v6;
	s17 =	simm.s32 $0x0  }
0x191: {  	[hbm4b:s18+s17] =	stream.linear.scatter [tilespmem:s0], [sflag:$0x9], $0x4000, $0x38;
	[tilespmem:$0x1C800] =	vst v63  }
0x192: {  	_ =	swait.ge [sflag:s8], $0x4000  }
0x193: {  	[sflag:s8] =	ssyncset.done $0x0  }
0x194: {  	s18 =	simm.s32 $0x680;
	[sflag:s8] =	ssyncadd.s32 $0xFFFFC000  }
0x195: {  	[tilespmem:s30], [sflag:$0x2] =	stream.indirect.gather [hbm4b:s1+s28], $0x80, s18, s28, $0xb8;
	[tilespmem:$0x1C800] =	vst v63  }
0x196: {  	_ =	swait.ge [sflag:s9], $0x4000  }
0x197: {  	[sflag:s9] =	ssyncset.done $0x0  }
0x198: {  	s17 =	simm.s32 $0x0;
	s18 =	simm.s32 $0x200;
	[sflag:s9] =	ssyncadd.s32 $0xFFFFC000  }
.LBB2_20:
0x199: {  	p0 =	sne.s32 s18, $0xFE00;
	v0 =	vld [tilespmem:s17+$0x870]  }
0x19a: {  	v1 =	vld [tilespmem:s17+$0x800]  }
0x19b: {  	v2 =	vld [tilespmem:s17+$0x810]  }
0x19c: {  	v3 =	vld [tilespmem:s17+$0x820]  }
0x19d: {  	v4 =	vld [tilespmem:s17+$0x830]  }
0x19e: {  	[tilespmem:s17+$0x10870] =	vst.add.f32.msk $0xffff, v0  }
0x19f: {  	v0 =	vld [tilespmem:s17+$0x840]  }
0x1a0: {  	v5 =	vld [tilespmem:s17+$0x850]  }
0x1a1: {  	v6 =	vld [tilespmem:s17+$0x860]  }
0x1a2: {  	[tilespmem:s17+$0x10800] =	vst.add.f32.msk $0xffff, v1  }
0x1a3: {  	[tilespmem:s17+$0x10810] =	vst.add.f32.msk $0xffff, v2  }
.Ltmp9:
0x1a4: {  	[tilespmem:s17+$0x10820] =	vst.add.f32.msk $0xffff, v3;
	(pc) =	sbr.rel @p0 .LBB2_20-.Ltmp9, $4  }
0x1a5: {  	[tilespmem:s17+$0x10830] =	vst.add.f32.msk $0xffff, v4  }
0x1a6: {  	[tilespmem:s17+$0x10840] =	vst.add.f32.msk $0xffff, v0  }
0x1a7: {  	[tilespmem:s17+$0x10850] =	vst.add.f32.msk $0xffff, v5  }
0x1a8: {  	[tilespmem:s17+$0x10860] =	vst.add.f32.msk $0xffff, v6;
	s17 =	sshra.s32 s18, $0x2;
	s18 =	sadd.s32 $0x200, s18  }
0x1a9: {  	v0 =	vld [tilespmem:s17+$0x870]  }
0x1aa: {  	v1 =	vld [tilespmem:s17+$0x800]  }
0x1ab: {  	v2 =	vld [tilespmem:s17+$0x810]  }
0x1ac: {  	v3 =	vld [tilespmem:s17+$0x820]  }
0x1ad: {  	v4 =	vld [tilespmem:s17+$0x830]  }
0x1ae: {  	v63 =	vld [tilespmem:s17+$0x840]  }
0x1af: {  	v5 =	vld [tilespmem:s17+$0x850]  }
0x1b0: {  	v6 =	vld [tilespmem:s17+$0x860]  }
0x1b1: {  	[tilespmem:s17+$0x10870] =	vst.add.f32.msk $0xffff, v0  }
0x1b2: {  	[tilespmem:s17+$0x10800] =	vst.add.f32.msk $0xffff, v1  }
0x1b3: {  	[tilespmem:s17+$0x10810] =	vst.add.f32.msk $0xffff, v2  }
0x1b4: {  	[tilespmem:s17+$0x10820] =	vst.add.f32.msk $0xffff, v3  }
0x1b5: {  	[tilespmem:s17+$0x10830] =	vst.add.f32.msk $0xffff, v4  }
0x1b6: {  	[tilespmem:s17+$0x10840] =	vst.add.f32.msk $0xffff, v63  }
0x1b7: {  	[tilespmem:s17+$0x10850] =	vst.add.f32.msk $0xffff, v5  }
0x1b8: {  	s18 =	rddreg [dreg:$0xf];
	[tilespmem:s17+$0x10860] =	vst.add.f32.msk $0xffff, v6;
	s17 =	simm.s32 $0x0  }
0x1b9: {  	[hbm4b:s18+s17] =	stream.linear.scatter [tilespmem:s24], [sflag:$0xA], $0x4000, $0x38;
	[tilespmem:$0x1C800] =	vst v63  }
0x1ba: {  	_ =	swait.ge [sflag:s10], $0x4000  }
0x1bb: {  	[sflag:s10] =	ssyncset.done $0x0  }
0x1bc: {  	s18 =	simm.s32 $0x700;
	[sflag:s10] =	ssyncadd.s32 $0xFFFFC000  }
0x1bd: {  	[tilespmem:s0], [sflag:$0x3] =	stream.indirect.gather [hbm4b:s1+s28], $0x80, s18, s28, $0xb8;
	[tilespmem:$0x1C800] =	vst v63  }
0x1be: {  	_ =	swait.ge [sflag:s11], $0x4000  }
0x1bf: {  	[sflag:s11] =	ssyncset.done $0x0  }
0x1c0: {  	s17 =	simm.s32 $0x0;
	s18 =	simm.s32 $0x200;
	[sflag:s11] =	ssyncadd.s32 $0xFFFFC000  }
.LBB2_22:
0x1c1: {  	p0 =	sne.s32 s18, $0xFE00;
	v0 =	vld [tilespmem:s17+$0x870]  }
0x1c2: {  	v1 =	vld [tilespmem:s17+$0x800]  }
0x1c3: {  	v2 =	vld [tilespmem:s17+$0x810]  }
0x1c4: {  	v3 =	vld [tilespmem:s17+$0x820]  }
0x1c5: {  	v4 =	vld [tilespmem:s17+$0x830]  }
0x1c6: {  	[tilespmem:s17+$0x14870] =	vst.add.f32.msk $0xffff, v0  }
0x1c7: {  	v0 =	vld [tilespmem:s17+$0x840]  }
0x1c8: {  	v5 =	vld [tilespmem:s17+$0x850]  }
0x1c9: {  	v6 =	vld [tilespmem:s17+$0x860]  }
0x1ca: {  	[tilespmem:s17+$0x14800] =	vst.add.f32.msk $0xffff, v1  }
0x1cb: {  	[tilespmem:s17+$0x14810] =	vst.add.f32.msk $0xffff, v2  }
.Ltmp10:
0x1cc: {  	[tilespmem:s17+$0x14820] =	vst.add.f32.msk $0xffff, v3;
	(pc) =	sbr.rel @p0 .LBB2_22-.Ltmp10, $4  }
0x1cd: {  	[tilespmem:s17+$0x14830] =	vst.add.f32.msk $0xffff, v4  }
0x1ce: {  	[tilespmem:s17+$0x14840] =	vst.add.f32.msk $0xffff, v0  }
0x1cf: {  	[tilespmem:s17+$0x14850] =	vst.add.f32.msk $0xffff, v5  }
0x1d0: {  	[tilespmem:s17+$0x14860] =	vst.add.f32.msk $0xffff, v6;
	s17 =	sshra.s32 s18, $0x2;
	s18 =	sadd.s32 $0x200, s18  }
0x1d1: {  	v0 =	vld [tilespmem:s17+$0x870]  }
0x1d2: {  	v1 =	vld [tilespmem:s17+$0x800]  }
0x1d3: {  	v2 =	vld [tilespmem:s17+$0x810]  }
0x1d4: {  	v3 =	vld [tilespmem:s17+$0x820]  }
0x1d5: {  	v4 =	vld [tilespmem:s17+$0x830]  }
0x1d6: {  	v63 =	vld [tilespmem:s17+$0x840]  }
0x1d7: {  	v5 =	vld [tilespmem:s17+$0x850]  }
0x1d8: {  	v6 =	vld [tilespmem:s17+$0x860]  }
0x1d9: {  	[tilespmem:s17+$0x14870] =	vst.add.f32.msk $0xffff, v0  }
0x1da: {  	[tilespmem:s17+$0x14800] =	vst.add.f32.msk $0xffff, v1  }
0x1db: {  	[tilespmem:s17+$0x14810] =	vst.add.f32.msk $0xffff, v2  }
0x1dc: {  	[tilespmem:s17+$0x14820] =	vst.add.f32.msk $0xffff, v3  }
0x1dd: {  	[tilespmem:s17+$0x14830] =	vst.add.f32.msk $0xffff, v4  }
0x1de: {  	[tilespmem:s17+$0x14840] =	vst.add.f32.msk $0xffff, v63  }
0x1df: {  	[tilespmem:s17+$0x14850] =	vst.add.f32.msk $0xffff, v5  }
0x1e0: {  	s18 =	rddreg [dreg:$0x10];
	[tilespmem:s17+$0x14860] =	vst.add.f32.msk $0xffff, v6;
	s17 =	simm.s32 $0x0  }
0x1e1: {  	[hbm4b:s18+s17] =	stream.linear.scatter [tilespmem:s31], [sflag:$0xB], $0x4000, $0x38;
	[tilespmem:$0x1C800] =	vst v63  }
0x1e2: {  	_ =	swait.ge [sflag:s12], $0x4000  }
0x1e3: {  	[sflag:s12] =	ssyncset.done $0x0  }
0x1e4: {  	s18 =	simm.s32 $0x780;
	[sflag:s12] =	ssyncadd.s32 $0xFFFFC000  }
0x1e5: {  	[tilespmem:s24], [sflag:$0x4] =	stream.indirect.gather [hbm4b:s1+s28], $0x80, s18, s28, $0xb8;
	[tilespmem:$0x1C800] =	vst v63  }
0x1e6: {  	_ =	swait.ge [sflag:s13], $0x4000  }
0x1e7: {  	[sflag:s13] =	ssyncset.done $0x0  }
0x1e8: {  	s17 =	simm.s32 $0x0;
	s18 =	simm.s32 $0x200;
	[sflag:s13] =	ssyncadd.s32 $0xFFFFC000  }
.LBB2_24:
0x1e9: {  	p0 =	sne.s32 s18, $0xFE00;
	v0 =	vld [tilespmem:s17+$0x870]  }
0x1ea: {  	v1 =	vld [tilespmem:s17+$0x800]  }
0x1eb: {  	v2 =	vld [tilespmem:s17+$0x810]  }
0x1ec: {  	v3 =	vld [tilespmem:s17+$0x820]  }
0x1ed: {  	v4 =	vld [tilespmem:s17+$0x830]  }
0x1ee: {  	[tilespmem:s17+$0x18870] =	vst.add.f32.msk $0xffff, v0  }
0x1ef: {  	v0 =	vld [tilespmem:s17+$0x840]  }
0x1f0: {  	v5 =	vld [tilespmem:s17+$0x850]  }
0x1f1: {  	v6 =	vld [tilespmem:s17+$0x860]  }
0x1f2: {  	[tilespmem:s17+$0x18800] =	vst.add.f32.msk $0xffff, v1  }
0x1f3: {  	[tilespmem:s17+$0x18810] =	vst.add.f32.msk $0xffff, v2  }
.Ltmp11:
0x1f4: {  	[tilespmem:s17+$0x18820] =	vst.add.f32.msk $0xffff, v3;
	(pc) =	sbr.rel @p0 .LBB2_24-.Ltmp11, $4  }
0x1f5: {  	[tilespmem:s17+$0x18830] =	vst.add.f32.msk $0xffff, v4  }
0x1f6: {  	[tilespmem:s17+$0x18840] =	vst.add.f32.msk $0xffff, v0  }
0x1f7: {  	[tilespmem:s17+$0x18850] =	vst.add.f32.msk $0xffff, v5  }
0x1f8: {  	[tilespmem:s17+$0x18860] =	vst.add.f32.msk $0xffff, v6;
	s17 =	sshra.s32 s18, $0x2;
	s18 =	sadd.s32 $0x200, s18  }
0x1f9: {  	v0 =	vld [tilespmem:s17+$0x870]  }
0x1fa: {  	v1 =	vld [tilespmem:s17+$0x800]  }
0x1fb: {  	v2 =	vld [tilespmem:s17+$0x810]  }
0x1fc: {  	v3 =	vld [tilespmem:s17+$0x820]  }
0x1fd: {  	v4 =	vld [tilespmem:s17+$0x830]  }
0x1fe: {  	v63 =	vld [tilespmem:s17+$0x840]  }
0x1ff: {  	v5 =	vld [tilespmem:s17+$0x850]  }
0x200: {  	v6 =	vld [tilespmem:s17+$0x860]  }
0x201: {  	[tilespmem:s17+$0x18870] =	vst.add.f32.msk $0xffff, v0  }
0x202: {  	[tilespmem:s17+$0x18800] =	vst.add.f32.msk $0xffff, v1  }
0x203: {  	[tilespmem:s17+$0x18810] =	vst.add.f32.msk $0xffff, v2  }
0x204: {  	[tilespmem:s17+$0x18820] =	vst.add.f32.msk $0xffff, v3  }
0x205: {  	[tilespmem:s17+$0x18830] =	vst.add.f32.msk $0xffff, v4  }
0x206: {  	[tilespmem:s17+$0x18840] =	vst.add.f32.msk $0xffff, v63  }
0x207: {  	[tilespmem:s17+$0x18850] =	vst.add.f32.msk $0xffff, v5  }
0x208: {  	s18 =	rddreg [dreg:$0x11];
	[tilespmem:s17+$0x18860] =	vst.add.f32.msk $0xffff, v6;
	s17 =	simm.s32 $0x0  }
0x209: {  	[hbm4b:s18+s17] =	stream.linear.scatter [tilespmem:s4], [sflag:$0xC], $0x4000, $0x38;
	[tilespmem:$0x1C800] =	vst v63  }
0x20a: {  	_ =	swait.ge [sflag:s25], $0x4000  }
0x20b: {  	[sflag:s25] =	ssyncset.done $0x0  }
0x20c: {  	s17 =	simm.s32 $0x0;
	s18 =	simm.s32 $0x200;
	[sflag:s25] =	ssyncadd.s32 $0xFFFFC000  }
.LBB2_26:
0x20d: {  	p0 =	sne.s32 s18, $0xFE00;
	v0 =	vld [tilespmem:s17+$0x870]  }
0x20e: {  	v1 =	vld [tilespmem:s17+$0x800]  }
0x20f: {  	v2 =	vld [tilespmem:s17+$0x810]  }
0x210: {  	v3 =	vld [tilespmem:s17+$0x820]  }
0x211: {  	v4 =	vld [tilespmem:s17+$0x830]  }
0x212: {  	[tilespmem:s17+$0x4870] =	vst.add.f32.msk $0xffff, v0  }
0x213: {  	v0 =	vld [tilespmem:s17+$0x840]  }
0x214: {  	v5 =	vld [tilespmem:s17+$0x850]  }
0x215: {  	v6 =	vld [tilespmem:s17+$0x860]  }
0x216: {  	[tilespmem:s17+$0x4800] =	vst.add.f32.msk $0xffff, v1  }
0x217: {  	[tilespmem:s17+$0x4810] =	vst.add.f32.msk $0xffff, v2  }
.Ltmp12:
0x218: {  	[tilespmem:s17+$0x4820] =	vst.add.f32.msk $0xffff, v3;
	(pc) =	sbr.rel @p0 .LBB2_26-.Ltmp12, $4  }
0x219: {  	[tilespmem:s17+$0x4830] =	vst.add.f32.msk $0xffff, v4  }
0x21a: {  	[tilespmem:s17+$0x4840] =	vst.add.f32.msk $0xffff, v0  }
0x21b: {  	[tilespmem:s17+$0x4850] =	vst.add.f32.msk $0xffff, v5  }
0x21c: {  	[tilespmem:s17+$0x4860] =	vst.add.f32.msk $0xffff, v6;
	s17 =	sshra.s32 s18, $0x2;
	s18 =	sadd.s32 $0x200, s18  }
0x21d: {  	v0 =	vld [tilespmem:s17+$0x870]  }
0x21e: {  	v1 =	vld [tilespmem:s17+$0x800]  }
0x21f: {  	v2 =	vld [tilespmem:s17+$0x810]  }
0x220: {  	v3 =	vld [tilespmem:s17+$0x820]  }
0x221: {  	v4 =	vld [tilespmem:s17+$0x830]  }
0x222: {  	v63 =	vld [tilespmem:s17+$0x840]  }
0x223: {  	v5 =	vld [tilespmem:s17+$0x850]  }
0x224: {  	v6 =	vld [tilespmem:s17+$0x860]  }
0x225: {  	[tilespmem:s17+$0x4870] =	vst.add.f32.msk $0xffff, v0  }
0x226: {  	[tilespmem:s17+$0x4800] =	vst.add.f32.msk $0xffff, v1  }
0x227: {  	[tilespmem:s17+$0x4810] =	vst.add.f32.msk $0xffff, v2  }
0x228: {  	[tilespmem:s17+$0x4820] =	vst.add.f32.msk $0xffff, v3  }
0x229: {  	[tilespmem:s17+$0x4830] =	vst.add.f32.msk $0xffff, v4  }
0x22a: {  	[tilespmem:s17+$0x4840] =	vst.add.f32.msk $0xffff, v63  }
0x22b: {  	[tilespmem:s17+$0x4850] =	vst.add.f32.msk $0xffff, v5  }
0x22c: {  	s18 =	rddreg [dreg:$0x12];
	[tilespmem:s17+$0x4860] =	vst.add.f32.msk $0xffff, v6;
	s17 =	simm.s32 $0x0  }
0x22d: {  	[hbm4b:s18+s17] =	stream.linear.scatter [tilespmem:s29], [sflag:$0x7], $0x4000, $0x38;
	[tilespmem:$0x1C800] =	vst v63  }
0x22e: {  	_ =	swait.ge [sflag:s5], $0x4000  }
0x22f: {  	[sflag:s5] =	ssyncset.done $0x0  }
0x230: {  	s17 =	simm.s32 $0x0;
	s18 =	simm.s32 $0x200;
	[sflag:s5] =	ssyncadd.s32 $0xFFFFC000  }
.LBB2_28:
0x231: {  	p0 =	sne.s32 s18, $0xFE00;
	v0 =	vld [tilespmem:s17+$0x870]  }
0x232: {  	v1 =	vld [tilespmem:s17+$0x800]  }
0x233: {  	v2 =	vld [tilespmem:s17+$0x810]  }
0x234: {  	v3 =	vld [tilespmem:s17+$0x820]  }
0x235: {  	v4 =	vld [tilespmem:s17+$0x830]  }
0x236: {  	[tilespmem:s17+$0x8870] =	vst.add.f32.msk $0xffff, v0  }
0x237: {  	v0 =	vld [tilespmem:s17+$0x840]  }
0x238: {  	v5 =	vld [tilespmem:s17+$0x850]  }
0x239: {  	v6 =	vld [tilespmem:s17+$0x860]  }
0x23a: {  	[tilespmem:s17+$0x8800] =	vst.add.f32.msk $0xffff, v1  }
0x23b: {  	[tilespmem:s17+$0x8810] =	vst.add.f32.msk $0xffff, v2  }
.Ltmp13:
0x23c: {  	[tilespmem:s17+$0x8820] =	vst.add.f32.msk $0xffff, v3;
	(pc) =	sbr.rel @p0 .LBB2_28-.Ltmp13, $4  }
0x23d: {  	[tilespmem:s17+$0x8830] =	vst.add.f32.msk $0xffff, v4  }
0x23e: {  	[tilespmem:s17+$0x8840] =	vst.add.f32.msk $0xffff, v0  }
0x23f: {  	[tilespmem:s17+$0x8850] =	vst.add.f32.msk $0xffff, v5  }
0x240: {  	[tilespmem:s17+$0x8860] =	vst.add.f32.msk $0xffff, v6;
	s17 =	sshra.s32 s18, $0x2;
	s18 =	sadd.s32 $0x200, s18  }
0x241: {  	v0 =	vld [tilespmem:s17+$0x870]  }
0x242: {  	v1 =	vld [tilespmem:s17+$0x800]  }
0x243: {  	v2 =	vld [tilespmem:s17+$0x810]  }
0x244: {  	v3 =	vld [tilespmem:s17+$0x820]  }
0x245: {  	v4 =	vld [tilespmem:s17+$0x830]  }
0x246: {  	v63 =	vld [tilespmem:s17+$0x840]  }
0x247: {  	v5 =	vld [tilespmem:s17+$0x850]  }
0x248: {  	v6 =	vld [tilespmem:s17+$0x860]  }
0x249: {  	[tilespmem:s17+$0x8870] =	vst.add.f32.msk $0xffff, v0  }
0x24a: {  	[tilespmem:s17+$0x8800] =	vst.add.f32.msk $0xffff, v1  }
0x24b: {  	[tilespmem:s17+$0x8810] =	vst.add.f32.msk $0xffff, v2  }
0x24c: {  	[tilespmem:s17+$0x8820] =	vst.add.f32.msk $0xffff, v3  }
0x24d: {  	[tilespmem:s17+$0x8830] =	vst.add.f32.msk $0xffff, v4  }
0x24e: {  	[tilespmem:s17+$0x8840] =	vst.add.f32.msk $0xffff, v63  }
0x24f: {  	[tilespmem:s17+$0x8850] =	vst.add.f32.msk $0xffff, v5  }
0x250: {  	s18 =	rddreg [dreg:$0x13];
	[tilespmem:s17+$0x8860] =	vst.add.f32.msk $0xffff, v6;
	s17 =	simm.s32 $0x0  }
0x251: {  	[hbm4b:s18+s17] =	stream.linear.scatter [tilespmem:s30], [sflag:$0x8], $0x4000, $0x38;
	[tilespmem:$0x1C800] =	vst v63  }
0x252: {  	_ =	swait.ge [sflag:s7], $0x4000  }
0x253: {  	[sflag:s7] =	ssyncset.done $0x0  }
0x254: {  	s17 =	simm.s32 $0x0;
	s18 =	simm.s32 $0x200;
	[sflag:s7] =	ssyncadd.s32 $0xFFFFC000  }
.LBB2_30:
0x255: {  	p0 =	sne.s32 s18, $0xFE00;
	v0 =	vld [tilespmem:s17+$0x870]  }
0x256: {  	v1 =	vld [tilespmem:s17+$0x800]  }
0x257: {  	v2 =	vld [tilespmem:s17+$0x810]  }
0x258: {  	v3 =	vld [tilespmem:s17+$0x820]  }
0x259: {  	v4 =	vld [tilespmem:s17+$0x830]  }
0x25a: {  	[tilespmem:s17+$0xC870] =	vst.add.f32.msk $0xffff, v0  }
0x25b: {  	v0 =	vld [tilespmem:s17+$0x840]  }
0x25c: {  	v5 =	vld [tilespmem:s17+$0x850]  }
0x25d: {  	v6 =	vld [tilespmem:s17+$0x860]  }
0x25e: {  	[tilespmem:s17+$0xC800] =	vst.add.f32.msk $0xffff, v1  }
0x25f: {  	[tilespmem:s17+$0xC810] =	vst.add.f32.msk $0xffff, v2  }
.Ltmp14:
0x260: {  	[tilespmem:s17+$0xC820] =	vst.add.f32.msk $0xffff, v3;
	(pc) =	sbr.rel @p0 .LBB2_30-.Ltmp14, $4  }
0x261: {  	[tilespmem:s17+$0xC830] =	vst.add.f32.msk $0xffff, v4  }
0x262: {  	[tilespmem:s17+$0xC840] =	vst.add.f32.msk $0xffff, v0  }
0x263: {  	[tilespmem:s17+$0xC850] =	vst.add.f32.msk $0xffff, v5  }
0x264: {  	[tilespmem:s17+$0xC860] =	vst.add.f32.msk $0xffff, v6;
	s17 =	sshra.s32 s18, $0x2;
	s18 =	sadd.s32 $0x200, s18  }
0x265: {  	v0 =	vld [tilespmem:s17+$0x870]  }
0x266: {  	v1 =	vld [tilespmem:s17+$0x800]  }
0x267: {  	v2 =	vld [tilespmem:s17+$0x810]  }
0x268: {  	v3 =	vld [tilespmem:s17+$0x820]  }
0x269: {  	v4 =	vld [tilespmem:s17+$0x830]  }
0x26a: {  	v63 =	vld [tilespmem:s17+$0x840]  }
0x26b: {  	v5 =	vld [tilespmem:s17+$0x850]  }
0x26c: {  	v6 =	vld [tilespmem:s17+$0x860]  }
0x26d: {  	[tilespmem:s17+$0xC870] =	vst.add.f32.msk $0xffff, v0  }
0x26e: {  	[tilespmem:s17+$0xC800] =	vst.add.f32.msk $0xffff, v1  }
0x26f: {  	[tilespmem:s17+$0xC810] =	vst.add.f32.msk $0xffff, v2  }
0x270: {  	[tilespmem:s17+$0xC820] =	vst.add.f32.msk $0xffff, v3  }
0x271: {  	[tilespmem:s17+$0xC830] =	vst.add.f32.msk $0xffff, v4  }
0x272: {  	[tilespmem:s17+$0xC840] =	vst.add.f32.msk $0xffff, v63  }
0x273: {  	[tilespmem:s17+$0xC850] =	vst.add.f32.msk $0xffff, v5  }
0x274: {  	s18 =	simm.s32 $0x0;
	[tilespmem:s17+$0xC860] =	vst.add.f32.msk $0xffff, v6  }
0x275: {  	[hbm4b:s20+s18] =	stream.linear.scatter [tilespmem:s0], [sflag:$0x9], $0x4000, $0x38;
	[tilespmem:$0x1C800] =	vst v63  }
0x276: {  	_ =	swait.ge [sflag:s9], $0x4000  }
0x277: {  	[sflag:s9] =	ssyncset.done $0x0  }
0x278: {  	s17 =	simm.s32 $0x0;
	s18 =	simm.s32 $0x200;
	[sflag:s9] =	ssyncadd.s32 $0xFFFFC000  }
.LBB2_32:
0x279: {  	p0 =	sne.s32 s18, $0xFE00;
	v0 =	vld [tilespmem:s17+$0x870]  }
0x27a: {  	v1 =	vld [tilespmem:s17+$0x800]  }
0x27b: {  	v2 =	vld [tilespmem:s17+$0x810]  }
0x27c: {  	v3 =	vld [tilespmem:s17+$0x820]  }
0x27d: {  	v4 =	vld [tilespmem:s17+$0x830]  }
0x27e: {  	[tilespmem:s17+$0x10870] =	vst.add.f32.msk $0xffff, v0  }
0x27f: {  	v0 =	vld [tilespmem:s17+$0x840]  }
0x280: {  	v5 =	vld [tilespmem:s17+$0x850]  }
0x281: {  	v6 =	vld [tilespmem:s17+$0x860]  }
0x282: {  	[tilespmem:s17+$0x10800] =	vst.add.f32.msk $0xffff, v1  }
0x283: {  	[tilespmem:s17+$0x10810] =	vst.add.f32.msk $0xffff, v2  }
.Ltmp15:
0x284: {  	[tilespmem:s17+$0x10820] =	vst.add.f32.msk $0xffff, v3;
	(pc) =	sbr.rel @p0 .LBB2_32-.Ltmp15, $4  }
0x285: {  	[tilespmem:s17+$0x10830] =	vst.add.f32.msk $0xffff, v4  }
0x286: {  	[tilespmem:s17+$0x10840] =	vst.add.f32.msk $0xffff, v0  }
0x287: {  	[tilespmem:s17+$0x10850] =	vst.add.f32.msk $0xffff, v5  }
0x288: {  	[tilespmem:s17+$0x10860] =	vst.add.f32.msk $0xffff, v6;
	s17 =	sshra.s32 s18, $0x2;
	s18 =	sadd.s32 $0x200, s18  }
0x289: {  	v0 =	vld [tilespmem:s17+$0x870]  }
0x28a: {  	v1 =	vld [tilespmem:s17+$0x800]  }
0x28b: {  	v2 =	vld [tilespmem:s17+$0x810]  }
0x28c: {  	v3 =	vld [tilespmem:s17+$0x820]  }
0x28d: {  	v4 =	vld [tilespmem:s17+$0x830]  }
0x28e: {  	v63 =	vld [tilespmem:s17+$0x840]  }
0x28f: {  	v5 =	vld [tilespmem:s17+$0x850]  }
0x290: {  	v6 =	vld [tilespmem:s17+$0x860]  }
0x291: {  	[tilespmem:s17+$0x10870] =	vst.add.f32.msk $0xffff, v0  }
0x292: {  	[tilespmem:s17+$0x10800] =	vst.add.f32.msk $0xffff, v1  }
0x293: {  	[tilespmem:s17+$0x10810] =	vst.add.f32.msk $0xffff, v2  }
0x294: {  	[tilespmem:s17+$0x10820] =	vst.add.f32.msk $0xffff, v3  }
0x295: {  	[tilespmem:s17+$0x10830] =	vst.add.f32.msk $0xffff, v4  }
0x296: {  	[tilespmem:s17+$0x10840] =	vst.add.f32.msk $0xffff, v63  }
0x297: {  	[tilespmem:s17+$0x10850] =	vst.add.f32.msk $0xffff, v5  }
0x298: {  	[tilespmem:s17+$0x10860] =	vst.add.f32.msk $0xffff, v6  }
0x299: {  	[hbm4b:s21+s2] =	stream.linear.scatter [tilespmem:s24], [sflag:$0xA], $0x4000, $0x38;
	[tilespmem:$0x1C800] =	vst v63  }
0x29a: {  	_ =	swait.ge [sflag:s14], $0x4000  }
0x29b: {  	[sflag:s14] =	ssyncset.done $0x0  }
0x29c: {  	[sflag:s14] =	ssyncadd.s32 $0xFFFFC000  }
0x29d: {  	_ =	swait.ge [sflag:s15], $0x4000  }
0x29e: {  	[sflag:s15] =	ssyncset.done $0x0  }
0x29f: {  	[sflag:s15] =	ssyncadd.s32 $0xFFFFC000  }
0x2a0: {  	_ =	swait.ge [sflag:s23], $0x4000  }
0x2a1: {  	[sflag:s23] =	ssyncset.done $0x0  }
0x2a2: {  	[sflag:s23] =	ssyncadd.s32 $0xFFFFC000  }
0x2a3: {  	_ =	swait.ge [sflag:s8], $0x4000  }
0x2a4: {  	[sflag:s8] =	ssyncset.done $0x0  }
0x2a5: {  	s16 =	sadd.s32 $0x1, s16;
	[sflag:s8] =	ssyncadd.s32 $0xFFFFC000  }
0x2a6: {  	p0 =	sne.s32 s16, s22;
	_ =	swait.ge [sflag:s10], $0x4000  }
.Ltmp16:
0x2a7: {  	[sflag:s10] =	ssyncset.done $0x0;
	(pc) =	sbr.rel @p0 .LBB2_1-.Ltmp16, $4  }
0x2a8: {  	[sflag:s10] =	ssyncadd.s32 $0xFFFFC000  }
0x2a9: {  	_ =	swait.ge [sflag:s12], $0x4000  }
0x2aa: {  	[sflag:s12] =	ssyncset.done $0x0  }
0x2ab: {  	[sflag:s12] =	ssyncadd.s32 $0xFFFFC000  }
0x2ac: {  	_ =	sfence.sel $0x180000  }
0x2ad: {  	[bflag:$0x0] =	sbarrier.arrive $0xFFFF  }
0x2ae: {  	_ =	strace $0x90000047  }
0x2af: {  	s0 =	stileid.u32;
	[bflag:$0x2] =	sbarrier.arrive $0xFFFF  }
0x2b0: {  	p0 =	sne.s32 s0, $0x0;
	s0 =	rddreg [dreg:$0x4]  }
0x2b1: {  	s0 =	sadd.s32 @!p0 $0x100000, s0  }
0x2b2: {  	[sflag:s0] =	ssyncadd.tile.s32 @!p0 $0x1;
	_ =	shalt  }
.Lfunc_end2:
_tile_overlayer_lowered:
.L_overlay_start_2:
0x2b3: {  	(tag) =	ssettag $0x2  }
0x2b4: {  	s0 =	rddreg [dreg:$0x0];
	s2 =	stileid.u32  }
0x2b5: {  	s1 =	rddreg [dreg:$0x1];
	p0 =	sne.s32 s2, $0x0  }
0x2b6: {  	s3 =	rddreg [dreg:$0x2];
	[bflag:$0x3] =	sbarrier.arrive $0xFFFF;
	s2 =	simm.s32 @!p0 $0x1C0F  }
0x2b7: {  	[timem:s3], [sflag:s2] =	dma.local @!p0 [hbm:s0], s1  }
0x2b8: {  	s0 =	simm.s32 @!p0 $0xF  }
0x2b9: {  	_ =	swait.ge @!p0 [sflag:s0], s1  }
0x2ba: {  	s1 =	ssub.s32 @!p0 $0x0, s1;
	[sflag:s0] =	ssyncset.done @!p0 $0x0  }
0x2bb: {  	[sflag:s0] =	ssyncadd.s32 @!p0 s1  }
0x2bc: {  	[bflag:$0x3] =	sbarrier.arrive $0xFFFF  }
0x2bd: {  	_ =	shalt  }

</sc_bundles>
